<compile_context>
chip_gen: v7x
topology: tpu7x:2x2x1
jax: 0.10.2.dev20260603
libtpu: 0.0.44.dev20260713+nightly
codegen_flags: <defaults>
</compile_context>

<pallas_src>
import functools

import jax
import jax.numpy as jnp
from jax import lax
from jax.experimental import pallas as pl
from jax.experimental.pallas import tpu as pltpu
from jax.experimental.pallas import tpu_sc as plsc

N_NODES = 10000
N_EDGES = 320000
D_HID = 128
N_GRAPHS = 128
D_OUT = 10

NC = 2
NS = 16
NW = NC * NS
ECHUNK = 128
E_PAD = 327680
EROWS = E_PAD // ECHUNK
ROWS_PER_W = EROWS // NW
N_PAD = 10240
ROWS_PER_TILE = N_PAD // NS
ROW_COPY = 128

_sc_mesh = plsc.VectorSubcoreMesh(core_axis_name="c", subcore_axis_name="s",
                                  num_cores=NC, num_subcores=NS)


def _fill(ref, val):
    r, c = ref.shape

    def body(i, _):
        for j in range(c // 16):
            ref[i, pl.ds(j * 16, 16)] = jnp.full((16,), val, jnp.float32)
        return 0

    lax.fori_loop(0, r, body, 0)


DEG_WIN = 8


@functools.partial(
    pl.kernel,
    out_type=jax.ShapeDtypeStruct((NC, N_PAD, D_HID), jnp.float32),
    mesh=_sc_mesh,
    scratch_types=[
        pltpu.VMEM((ROWS_PER_W, ECHUNK), jnp.int32),
        pltpu.VMEM((ECHUNK, D_HID), jnp.float32),
        pltpu.VMEM_SHARED((N_PAD, D_HID), jnp.float32),
        pltpu.SemaphoreType.DMA,
    ],
)
def _sc_degree(dst_hbm, out_hbm, dsts_v, ones_v, acc_sh, sem):
    c = lax.axis_index("c")
    s = lax.axis_index("s")
    wid = s * NC + c
    erow0 = wid * ROWS_PER_W

    _fill(ones_v, 0.0)
    base = s * ROWS_PER_TILE
    for k in range(ROWS_PER_TILE // ROW_COPY):
        pltpu.async_copy(ones_v, acc_sh.at[pl.ds(base + k * ROW_COPY, ROW_COPY)], sem)
    pltpu.sync_copy(dst_hbm.at[pl.ds(erow0, ROWS_PER_W)], dsts_v)
    for k in range(ROWS_PER_TILE // ROW_COPY):
        pltpu.make_async_copy(ones_v, acc_sh.at[pl.ds(base, ROW_COPY)], sem).wait()
    _fill(ones_v, 1.0)
    plsc.subcore_barrier()

    def body(k, _):
        pltpu.async_copy(ones_v, acc_sh.at[dsts_v.at[k]], sem, add=True)

        @pl.when(k >= DEG_WIN)
        def _():
            pltpu.make_async_copy(ones_v, acc_sh.at[dsts_v.at[0]], sem).wait()

        return 0

    lax.fori_loop(0, ROWS_PER_W, body, 0)
    for _ in range(DEG_WIN):
        pltpu.make_async_copy(ones_v, acc_sh.at[dsts_v.at[0]], sem).wait()
    plsc.subcore_barrier()

    pltpu.sync_copy(acc_sh.at[pl.ds(base, ROWS_PER_TILE)],
                    out_hbm.at[c, pl.ds(base, ROWS_PER_TILE)])


@functools.partial(
    pl.kernel,
    out_type=jax.ShapeDtypeStruct((NC, N_PAD, D_HID), jnp.float32),
    mesh=_sc_mesh,
    scratch_types=[
        pltpu.VMEM((ROWS_PER_W // 2, ECHUNK), jnp.int32),
        pltpu.VMEM((ROWS_PER_W // 2, ECHUNK), jnp.int32),
        pltpu.VMEM((2, ECHUNK, D_HID), jnp.float32),
        pltpu.VMEM_SHARED((N_PAD, D_HID), jnp.float32),
        pltpu.SemaphoreType.DMA,
        pltpu.SemaphoreType.DMA,
    ],
)
def _sc_message(y_hbm, src_hbm, dst_hbm, out_hbm, srcs_v, dsts_v, rows_v,
                acc_sh, gsem0, gsem1):
    c = lax.axis_index("c")
    s = lax.axis_index("s")
    wid = s * NC + c
    erow0 = wid * ROWS_PER_W

    _fill(rows_v.at[0], 0.0)
    base = s * ROWS_PER_TILE
    for k in range(ROWS_PER_TILE // ROW_COPY):
        pltpu.async_copy(rows_v.at[0], acc_sh.at[pl.ds(base + k * ROW_COPY, ROW_COPY)],
                         gsem0)
    for k in range(ROWS_PER_TILE // ROW_COPY):
        pltpu.make_async_copy(rows_v.at[0], acc_sh.at[pl.ds(base, ROW_COPY)],
                              gsem0).wait()
    plsc.subcore_barrier()

    half = ROWS_PER_W // 2
    for h in range(2):
        pltpu.sync_copy(src_hbm.at[pl.ds(erow0 + h * half, half)], srcs_v)
        pltpu.sync_copy(dst_hbm.at[pl.ds(erow0 + h * half, half)], dsts_v)
        pltpu.async_copy(y_hbm.at[srcs_v.at[0]], rows_v.at[0], gsem0)

        def body(i, _):
            k0 = 2 * i
            k1 = k0 + 1
            pltpu.make_async_copy(y_hbm.at[srcs_v.at[k0]], rows_v.at[0], gsem0).wait()
            pltpu.async_copy(y_hbm.at[srcs_v.at[k1]], rows_v.at[1], gsem1)
            pltpu.sync_copy(rows_v.at[0], acc_sh.at[dsts_v.at[k0]], add=True)
            pltpu.make_async_copy(y_hbm.at[srcs_v.at[k1]], rows_v.at[1], gsem1).wait()

            @pl.when(i < half // 2 - 1)
            def _():
                pltpu.async_copy(y_hbm.at[srcs_v.at[k0 + 2]], rows_v.at[0], gsem0)

            pltpu.sync_copy(rows_v.at[1], acc_sh.at[dsts_v.at[k1]], add=True)
            return 0

        lax.fori_loop(0, half // 2, body, 0)
    plsc.subcore_barrier()

    pltpu.sync_copy(acc_sh.at[pl.ds(base, ROWS_PER_TILE)],
                    out_hbm.at[c, pl.ds(base, ROWS_PER_TILE)])


BN = 2048


def _dinv_block(d0_ref, d1_ref):
    deg = d0_ref[:, 0:1] + d1_ref[:, 0:1] + 1.0
    return lax.rsqrt(deg)


def _tc_layer1_body(x_ref, w_ref, d0_ref, d1_ref, y_ref):
    dinv = _dinv_block(d0_ref, d1_ref)
    y_ref[...] = dinv * jnp.dot(x_ref[...], w_ref[...], preferred_element_type=jnp.float32)


def _tc_layer_body(a0_ref, a1_ref, y_ref, d0_ref, d1_ref, b_ref, w_ref, out_ref):
    dinv = _dinv_block(d0_ref, d1_ref)
    h = dinv * (a0_ref[...] + a1_ref[...] + y_ref[...]) + b_ref[...]
    h = jnp.maximum(h, 0.0)
    out_ref[...] = dinv * jnp.dot(h, w_ref[...], preferred_element_type=jnp.float32)


def _tc_final_body(a0_ref, a1_ref, y_ref, d0_ref, d1_ref, b_ref, batch_ref,
                   lw_ref, lb_ref, out_ref, pool_acc, cnt_acc):
    j = pl.program_id(0)
    dinv = _dinv_block(d0_ref, d1_ref)
    h = dinv * (a0_ref[...] + a1_ref[...] + y_ref[...]) + b_ref[...]

    bblk = batch_ref[0, :]
    onehot = (lax.broadcasted_iota(jnp.int32, (N_GRAPHS, BN), 0)
              == bblk[None, :]).astype(jnp.float32)

    @pl.when(j == 0)
    def _():
        pool_acc[...] = jnp.zeros_like(pool_acc)
        cnt_acc[...] = jnp.zeros_like(cnt_acc)

    pool_acc[...] += jnp.dot(onehot, h, preferred_element_type=jnp.float32)
    cnt_acc[...] += jnp.sum(onehot, axis=1, keepdims=True)

    @pl.when(j == pl.num_programs(0) - 1)
    def _():
        pooled = pool_acc[...] / jnp.maximum(cnt_acc[...], 1.0)
        out_ref[...] = (jnp.dot(pooled, lw_ref[...], preferred_element_type=jnp.float32)
                        + lb_ref[...])


_GRID = N_PAD // BN

_node_spec = pl.BlockSpec((BN, D_HID), lambda j: (j, 0))
_deg_spec = pl.BlockSpec((BN, D_HID), lambda j: (j, 0))
_full_spec = pl.BlockSpec((D_HID, D_HID), lambda j: (0, 0))
_bias_spec = pl.BlockSpec((1, D_HID), lambda j: (0, 0))


def _tc_layer1(x, W, d0, d1):
    return pl.pallas_call(
        _tc_layer1_body,
        grid=(_GRID,),
        in_specs=[_node_spec, _full_spec, _deg_spec, _deg_spec],
        out_specs=_node_spec,
        out_shape=jax.ShapeDtypeStruct((N_PAD, D_HID), jnp.float32),
    )(x, W, d0, d1)


def _tc_layer(a0, a1, y, d0, d1, b, W):
    return pl.pallas_call(
        _tc_layer_body,
        grid=(_GRID,),
        in_specs=[_node_spec, _node_spec, _node_spec, _deg_spec, _deg_spec,
                  _bias_spec, _full_spec],
        out_specs=_node_spec,
        out_shape=jax.ShapeDtypeStruct((N_PAD, D_HID), jnp.float32),
    )(a0, a1, y, d0, d1, b, W)


def _tc_final(a0, a1, y, d0, d1, b, batch2, lin_W, lin_b):
    return pl.pallas_call(
        _tc_final_body,
        grid=(_GRID,),
        in_specs=[_node_spec, _node_spec, _node_spec, _deg_spec, _deg_spec,
                  _bias_spec,
                  pl.BlockSpec((1, BN), lambda j: (0, j)),
                  pl.BlockSpec((D_HID, D_OUT), lambda j: (0, 0)),
                  pl.BlockSpec((1, D_OUT), lambda j: (0, 0))],
        out_specs=pl.BlockSpec((N_GRAPHS, D_OUT), lambda j: (0, 0)),
        out_shape=jax.ShapeDtypeStruct((N_GRAPHS, D_OUT), jnp.float32),
        scratch_shapes=[pltpu.VMEM((N_GRAPHS, D_HID), jnp.float32),
                        pltpu.VMEM((N_GRAPHS, 1), jnp.float32)],
    )(a0, a1, y, d0, d1, b, batch2, lin_W, lin_b)


def kernel(x, edge_index, batch, W1, b1, W2, b2, W3, b3, lin_W, lin_b):
    x = jnp.pad(x.astype(jnp.float32), ((0, N_PAD - N_NODES), (0, 0)))
    src = edge_index[0].astype(jnp.int32)
    dst = edge_index[1].astype(jnp.int32)
    npad_e = E_PAD - N_EDGES
    pad_iota = jnp.arange(npad_e, dtype=jnp.int32)
    src2 = jnp.concatenate([src, pad_iota % N_NODES]).reshape(EROWS, ECHUNK)
    dst2 = jnp.concatenate([dst, N_NODES + pad_iota % (N_PAD - N_NODES)]
                           ).reshape(EROWS, ECHUNK)
    batch2 = jnp.pad(batch.astype(jnp.int32), (0, N_PAD - N_NODES),
                     constant_values=N_GRAPHS).reshape(1, N_PAD)
    b1 = b1.reshape(1, D_HID)
    b2 = b2.reshape(1, D_HID)
    b3 = b3.reshape(1, D_HID)
    lin_b2 = lin_b.reshape(1, D_OUT)

    degp = _sc_degree(dst2)
    d0, d1 = degp[0], degp[1]

    y1 = _tc_layer1(x, W1, d0, d1)
    a = _sc_message(y1, src2, dst2)
    y2 = _tc_layer(a[0], a[1], y1, d0, d1, b1, W2)
    a = _sc_message(y2, src2, dst2)
    y3 = _tc_layer(a[0], a[1], y2, d0, d1, b2, W3)
    a = _sc_message(y3, src2, dst2)
    return _tc_final(a[0], a[1], y3, d0, d1, b3, batch2, lin_W, lin_b2)

# --- scband reference (transcript-rebuilt; emitter-appended) ---
"""Pipeline reference for scband-gcn-7172595384347 (READ-ONLY COPY).

The authoritative reference and input builder live on the scoring server;
editing this copy changes nothing except your own understanding.
"""

import jax, jax.numpy as jnp
import numpy as np

N_NODES = 10000
N_EDGES = 320000
D_IN = 128
D_HID = 128
D_OUT = 10
N_GRAPHS = 128


def setup_inputs(seed: int = 0) -> dict:
    key = jax.random.key(seed)
    ks = jax.random.split(key, 12)
    x = jax.random.normal(ks[0], (N_NODES, D_IN), dtype=jnp.float32)
    edge_index = jax.random.randint(ks[1], (2, N_EDGES), 0, N_NODES, dtype=jnp.int64)
    batch = jnp.sort(jax.random.randint(ks[2], (N_NODES,), 0, N_GRAPHS, dtype=jnp.int64))
    def glorot(k, fan_in, fan_out):
        lim = jnp.sqrt(6.0 / (fan_in + fan_out))
        return jax.random.uniform(k, (fan_in, fan_out), dtype=jnp.float32, minval=-lim, maxval=lim)
    W1 = glorot(ks[3], D_IN, D_HID)
    b1 = jnp.zeros((D_HID,), dtype=jnp.float32)
    W2 = glorot(ks[4], D_HID, D_HID)
    b2 = jnp.zeros((D_HID,), dtype=jnp.float32)
    W3 = glorot(ks[5], D_HID, D_HID)
    b3 = jnp.zeros((D_HID,), dtype=jnp.float32)
    lin_W = glorot(ks[6], D_HID, D_OUT)
    lin_b = jnp.zeros((D_OUT,), dtype=jnp.float32)
    return {"x": x, "edge_index": edge_index, "batch": batch,
            "W1": W1, "b1": b1, "W2": W2, "b2": b2, "W3": W3, "b3": b3,
            "lin_W": lin_W, "lin_b": lin_b}


def gcn_conv(x, edge_index, W, b):
    # PyG GCNConv: x' = D^{-1/2} (A + I) D^{-1/2} X W + b
    n = x.shape[0]
    loop = jnp.arange(n, dtype=edge_index.dtype)
    src = jnp.concatenate([edge_index[0], loop])
    dst = jnp.concatenate([edge_index[1], loop])
    deg = jnp.zeros((n,), dtype=jnp.float32).at[dst].add(1.0)
    dinv = jnp.where(deg > 0, jax.lax.rsqrt(deg), 0.0)
    norm = dinv[src] * dinv[dst]
    xw = x @ W
    msg = jnp.take(xw, src, axis=0) * norm[:, None]
    out = jnp.zeros((n, W.shape[1]), dtype=jnp.float32).at[dst].add(msg)
    return out + b


def global_mean_pool(x, batch, num_graphs):
    sums = jax.ops.segment_sum(x, batch, num_segments=num_graphs)
    cnts = jax.ops.segment_sum(jnp.ones((x.shape[0],), dtype=jnp.float32), batch, num_segments=num_graphs)
    return sums / jnp.clip(cnts, 1.0, None)[:, None]


def reference(x, edge_index, batch, W1, b1, W2, b2, W3, b3, lin_W, lin_b):
    x = x.astype(jnp.float32)
    x = gcn_conv(x, edge_index, W1, b1)
    x = jax.nn.relu(x)
    x = gcn_conv(x, edge_index, W2, b2)
    x = jax.nn.relu(x)
    x = gcn_conv(x, edge_index, W3, b3)
    x = global_mean_pool(x, batch, N_GRAPHS)
    # dropout p=0.5 is identity in eval mode
    x = x @ lin_W + lin_b
    return x

if __name__ == "__main__":
    import jax
    _d = setup_inputs()
    print(jax.jit(kernel)(*tuple(_d.values())))

</pallas_src>

<mosaic_0001>
#map = affine_map<(d0, d1) -> (0, 0)>
#map1 = affine_map<(d0, d1) -> (0, 0, 0)>
module attributes {stable_mosaic.version = 14 : i64} {
  func.func @_sc_degree(%arg0: i32, %arg1: i32, %arg2: memref<2560x128xi32, #tpu.memory_space<hbm>>, %arg3: memref<2x10240x128xf32, #tpu.memory_space<hbm>>, %arg4: memref<80x128xi32, #tpu.memory_space<vmem>>, %arg5: memref<128x128xf32, #tpu.memory_space<vmem>>, %arg6: memref<10240x128xf32, #tpu.memory_space<vmem_shared>>, %arg7: memref<!tpu.dma_semaphore, #tpu.memory_space<semaphore_mem>>) attributes {dimension_semantics = [#tpu.dimension_semantics<core_parallel>, #tpu.dimension_semantics<subcore_parallel>], iteration_bounds = array<i64: 2, 16>, scalar_prefetch = 0 : i64, scratch_operands = 4 : i64, tpu.core_type = #tpu.core_type<sc_vector_subcore>, window_params = [{transform_indices = #map}, {transform_indices = #map1}]} {
    %mul3A = arith.constant 2 : i32
    %mul3A_0 = arith.muli %arg1, %mul3A : i32
    %add3A = arith.addi %mul3A_0, %arg0 : i32
    %mul3A_1 = arith.constant 80 : i32
    %mul3A_2 = arith.muli %add3A, %mul3A_1 : i32
    %scan3A = arith.constant 0 : i32
    %scan3A_3 = arith.constant 0 : i32
    %scan3A_4 = arith.constant 128 : i32
    %scan3A_5 = arith.addi %scan3A_3, %scan3A_4 : i32
    %scan3A_6 = arith.constant 1 : i32
    %scan3A_7 = scf.for %scan3A_130 = %scan3A_3 to %scan3A_5 step %scan3A_6 iter_args(%scan3A_131 = %scan3A) -> (i32)  : i32 {
      %broadcast_in_dim3A = arith.constant 0.000000e+00 : f32
      %broadcast_in_dim3A_132 = vector.broadcast %broadcast_in_dim3A : f32 to vector<16xf32>
      %swap3A = arith.index_cast %scan3A_130 : i32 to index
      %swap3A_133 = arith.constant 0 : index
      %swap3A_134 = tpu.vector_load %arg5[%swap3A, %swap3A_133] {strides = array<i32>} : memref<128x128xf32, #tpu.memory_space<vmem>>, vector<1x16xf32>,
      %swap3A_135 = vector.shape_cast %swap3A_134 : vector<1x16xf32> to vector<16xf32>
      %swap3A_136 = vector.shape_cast %broadcast_in_dim3A_132 : vector<16xf32> to vector<1x16xf32>
      tpu.vector_store %arg5[%swap3A, %swap3A_133], %swap3A_136 {strides = array<i32>} : memref<128x128xf32, #tpu.memory_space<vmem>>, vector<1x16xf32>,
      %broadcast_in_dim3A_137 = arith.constant 0.000000e+00 : f32
      %broadcast_in_dim3A_138 = vector.broadcast %broadcast_in_dim3A_137 : f32 to vector<16xf32>
      %swap3A_139 = arith.index_cast %scan3A_130 : i32 to index
      %swap3A_140 = arith.constant 16 : index
      %swap3A_141 = tpu.vector_load %arg5[%swap3A_139, %swap3A_140] {strides = array<i32>} : memref<128x128xf32, #tpu.memory_space<vmem>>, vector<1x16xf32>,
      %swap3A_142 = vector.shape_cast %swap3A_141 : vector<1x16xf32> to vector<16xf32>
      %swap3A_143 = vector.shape_cast %broadcast_in_dim3A_138 : vector<16xf32> to vector<1x16xf32>
      tpu.vector_store %arg5[%swap3A_139, %swap3A_140], %swap3A_143 {strides = array<i32>} : memref<128x128xf32, #tpu.memory_space<vmem>>, vector<1x16xf32>,
      %broadcast_in_dim3A_144 = arith.constant 0.000000e+00 : f32
      %broadcast_in_dim3A_145 = vector.broadcast %broadcast_in_dim3A_144 : f32 to vector<16xf32>
      %swap3A_146 = arith.index_cast %scan3A_130 : i32 to index
      %swap3A_147 = arith.constant 32 : index
      %swap3A_148 = tpu.vector_load %arg5[%swap3A_146, %swap3A_147] {strides = array<i32>} : memref<128x128xf32, #tpu.memory_space<vmem>>, vector<1x16xf32>,
      %swap3A_149 = vector.shape_cast %swap3A_148 : vector<1x16xf32> to vector<16xf32>
      %swap3A_150 = vector.shape_cast %broadcast_in_dim3A_145 : vector<16xf32> to vector<1x16xf32>
      tpu.vector_store %arg5[%swap3A_146, %swap3A_147], %swap3A_150 {strides = array<i32>} : memref<128x128xf32, #tpu.memory_space<vmem>>, vector<1x16xf32>,
      %broadcast_in_dim3A_151 = arith.constant 0.000000e+00 : f32
      %broadcast_in_dim3A_152 = vector.broadcast %broadcast_in_dim3A_151 : f32 to vector<16xf32>
      %swap3A_153 = arith.index_cast %scan3A_130 : i32 to index
      %swap3A_154 = arith.constant 48 : index
      %swap3A_155 = tpu.vector_load %arg5[%swap3A_153, %swap3A_154] {strides = array<i32>} : memref<128x128xf32, #tpu.memory_space<vmem>>, vector<1x16xf32>,
      %swap3A_156 = vector.shape_cast %swap3A_155 : vector<1x16xf32> to vector<16xf32>
      %swap3A_157 = vector.shape_cast %broadcast_in_dim3A_152 : vector<16xf32> to vector<1x16xf32>
      tpu.vector_store %arg5[%swap3A_153, %swap3A_154], %swap3A_157 {strides = array<i32>} : memref<128x128xf32, #tpu.memory_space<vmem>>, vector<1x16xf32>,
      %broadcast_in_dim3A_158 = arith.constant 0.000000e+00 : f32
      %broadcast_in_dim3A_159 = vector.broadcast %broadcast_in_dim3A_158 : f32 to vector<16xf32>
      %swap3A_160 = arith.index_cast %scan3A_130 : i32 to index
      %swap3A_161 = arith.constant 64 : index
      %swap3A_162 = tpu.vector_load %arg5[%swap3A_160, %swap3A_161] {strides = array<i32>} : memref<128x128xf32, #tpu.memory_space<vmem>>, vector<1x16xf32>,
      %swap3A_163 = vector.shape_cast %swap3A_162 : vector<1x16xf32> to vector<16xf32>
      %swap3A_164 = vector.shape_cast %broadcast_in_dim3A_159 : vector<16xf32> to vector<1x16xf32>
      tpu.vector_store %arg5[%swap3A_160, %swap3A_161], %swap3A_164 {strides = array<i32>} : memref<128x128xf32, #tpu.memory_space<vmem>>, vector<1x16xf32>,
      %broadcast_in_dim3A_165 = arith.constant 0.000000e+00 : f32
      %broadcast_in_dim3A_166 = vector.broadcast %broadcast_in_dim3A_165 : f32 to vector<16xf32>
      %swap3A_167 = arith.index_cast %scan3A_130 : i32 to index
      %swap3A_168 = arith.constant 80 : index
      %swap3A_169 = tpu.vector_load %arg5[%swap3A_167, %swap3A_168] {strides = array<i32>} : memref<128x128xf32, #tpu.memory_space<vmem>>, vector<1x16xf32>,
      %swap3A_170 = vector.shape_cast %swap3A_169 : vector<1x16xf32> to vector<16xf32>
      %swap3A_171 = vector.shape_cast %broadcast_in_dim3A_166 : vector<16xf32> to vector<1x16xf32>
      tpu.vector_store %arg5[%swap3A_167, %swap3A_168], %swap3A_171 {strides = array<i32>} : memref<128x128xf32, #tpu.memory_space<vmem>>, vector<1x16xf32>,
      %broadcast_in_dim3A_172 = arith.constant 0.000000e+00 : f32
      %broadcast_in_dim3A_173 = vector.broadcast %broadcast_in_dim3A_172 : f32 to vector<16xf32>
      %swap3A_174 = arith.index_cast %scan3A_130 : i32 to index
      %swap3A_175 = arith.constant 96 : index
      %swap3A_176 = tpu.vector_load %arg5[%swap3A_174, %swap3A_175] {strides = array<i32>} : memref<128x128xf32, #tpu.memory_space<vmem>>, vector<1x16xf32>,
      %swap3A_177 = vector.shape_cast %swap3A_176 : vector<1x16xf32> to vector<16xf32>
      %swap3A_178 = vector.shape_cast %broadcast_in_dim3A_173 : vector<16xf32> to vector<1x16xf32>
      tpu.vector_store %arg5[%swap3A_174, %swap3A_175], %swap3A_178 {strides = array<i32>} : memref<128x128xf32, #tpu.memory_space<vmem>>, vector<1x16xf32>,
      %broadcast_in_dim3A_179 = arith.constant 0.000000e+00 : f32
      %broadcast_in_dim3A_180 = vector.broadcast %broadcast_in_dim3A_179 : f32 to vector<16xf32>
      %swap3A_181 = arith.index_cast %scan3A_130 : i32 to index
      %swap3A_182 = arith.constant 112 : index
      %swap3A_183 = tpu.vector_load %arg5[%swap3A_181, %swap3A_182] {strides = array<i32>} : memref<128x128xf32, #tpu.memory_space<vmem>>, vector<1x16xf32>,
      %swap3A_184 = vector.shape_cast %swap3A_183 : vector<1x16xf32> to vector<16xf32>
      %swap3A_185 = vector.shape_cast %broadcast_in_dim3A_180 : vector<16xf32> to vector<1x16xf32>
      tpu.vector_store %arg5[%swap3A_181, %swap3A_182], %swap3A_185 {strides = array<i32>} : memref<128x128xf32, #tpu.memory_space<vmem>>, vector<1x16xf32>,
      %scan3A_186 = arith.constant 0 : i32
      scf.yield %scan3A_186 : i32
    }
    %scan3A_8 = arith.constant 128 : i32
    %mul3A_9 = arith.constant 640 : i32
    %mul3A_10 = arith.muli %arg1, %mul3A_9 : i32
    %add3A_11 = arith.constant 0 : i32
    %add3A_12 = arith.addi %mul3A_10, %add3A_11 : i32
    %dma_start3A = arith.constant 0 : i32
    %dma_start3A_13 = tpu.memref_slice %arg6[%add3A_12, %dma_start3A] : memref<10240x128xf32, #tpu.memory_space<vmem_shared>> -> memref<128x128xf32, #tpu.memory_space<vmem_shared>>
    %dma_start3A_14 = arith.constant 0 : i32
    %dma_start3A_15 = tpu.memref_slice %arg6[%add3A_12, %dma_start3A_14] : memref<10240x128xf32, #tpu.memory_space<vmem_shared>> -> memref<128x128xf32, #tpu.memory_space<vmem_shared>>
    tpu.enqueue_dma source(%arg5 : memref<128x128xf32, #tpu.memory_space<vmem>>) target(%dma_start3A_15 : memref<128x128xf32, #tpu.memory_space<vmem_shared>>) target_semaphore(%arg7 : memref<!tpu.dma_semaphore, #tpu.memory_space<semaphore_mem>>)
    %add3A_16 = arith.constant 128 : i32
    %add3A_17 = arith.addi %mul3A_10, %add3A_16 : i32
    %dma_start3A_18 = arith.constant 0 : i32
    %dma_start3A_19 = tpu.memref_slice %arg6[%add3A_17, %dma_start3A_18] : memref<10240x128xf32, #tpu.memory_space<vmem_shared>> -> memref<128x128xf32, #tpu.memory_space<vmem_shared>>
    %dma_start3A_20 = arith.constant 0 : i32
    %dma_start3A_21 = tpu.memref_slice %arg6[%add3A_17, %dma_start3A_20] : memref<10240x128xf32, #tpu.memory_space<vmem_shared>> -> memref<128x128xf32, #tpu.memory_space<vmem_shared>>
    tpu.enqueue_dma source(%arg5 : memref<128x128xf32, #tpu.memory_space<vmem>>) target(%dma_start3A_21 : memref<128x128xf32, #tpu.memory_space<vmem_shared>>) target_semaphore(%arg7 : memref<!tpu.dma_semaphore, #tpu.memory_space<semaphore_mem>>)
    %add3A_22 = arith.constant 256 : i32
    %add3A_23 = arith.addi %mul3A_10, %add3A_22 : i32
    %dma_start3A_24 = arith.constant 0 : i32
    %dma_start3A_25 = tpu.memref_slice %arg6[%add3A_23, %dma_start3A_24] : memref<10240x128xf32, #tpu.memory_space<vmem_shared>> -> memref<128x128xf32, #tpu.memory_space<vmem_shared>>
    %dma_start3A_26 = arith.constant 0 : i32
    %dma_start3A_27 = tpu.memref_slice %arg6[%add3A_23, %dma_start3A_26] : memref<10240x128xf32, #tpu.memory_space<vmem_shared>> -> memref<128x128xf32, #tpu.memory_space<vmem_shared>>
    tpu.enqueue_dma source(%arg5 : memref<128x128xf32, #tpu.memory_space<vmem>>) target(%dma_start3A_27 : memref<128x128xf32, #tpu.memory_space<vmem_shared>>) target_semaphore(%arg7 : memref<!tpu.dma_semaphore, #tpu.memory_space<semaphore_mem>>)
    %add3A_28 = arith.constant 384 : i32
    %add3A_29 = arith.addi %mul3A_10, %add3A_28 : i32
    %dma_start3A_30 = arith.constant 0 : i32
    %dma_start3A_31 = tpu.memref_slice %arg6[%add3A_29, %dma_start3A_30] : memref<10240x128xf32, #tpu.memory_space<vmem_shared>> -> memref<128x128xf32, #tpu.memory_space<vmem_shared>>
    %dma_start3A_32 = arith.constant 0 : i32
    %dma_start3A_33 = tpu.memref_slice %arg6[%add3A_29, %dma_start3A_32] : memref<10240x128xf32, #tpu.memory_space<vmem_shared>> -> memref<128x128xf32, #tpu.memory_space<vmem_shared>>
    tpu.enqueue_dma source(%arg5 : memref<128x128xf32, #tpu.memory_space<vmem>>) target(%dma_start3A_33 : memref<128x128xf32, #tpu.memory_space<vmem_shared>>) target_semaphore(%arg7 : memref<!tpu.dma_semaphore, #tpu.memory_space<semaphore_mem>>)
    %add3A_34 = arith.constant 512 : i32
    %add3A_35 = arith.addi %mul3A_10, %add3A_34 : i32
    %dma_start3A_36 = arith.constant 0 : i32
    %dma_start3A_37 = tpu.memref_slice %arg6[%add3A_35, %dma_start3A_36] : memref<10240x128xf32, #tpu.memory_space<vmem_shared>> -> memref<128x128xf32, #tpu.memory_space<vmem_shared>>
    %dma_start3A_38 = arith.constant 0 : i32
    %dma_start3A_39 = tpu.memref_slice %arg6[%add3A_35, %dma_start3A_38] : memref<10240x128xf32, #tpu.memory_space<vmem_shared>> -> memref<128x128xf32, #tpu.memory_space<vmem_shared>>
    tpu.enqueue_dma source(%arg5 : memref<128x128xf32, #tpu.memory_space<vmem>>) target(%dma_start3A_39 : memref<128x128xf32, #tpu.memory_space<vmem_shared>>) target_semaphore(%arg7 : memref<!tpu.dma_semaphore, #tpu.memory_space<semaphore_mem>>)
    "tpu.region"() ({
      %run_scoped3A = tpu.sem_alloc : memref<!tpu.dma_semaphore, #tpu.memory_space<semaphore_mem>>
      %dma_start3A_130 = arith.constant 0 : i32
      %dma_start3A_131 = tpu.memref_slice %arg2[%mul3A_2, %dma_start3A_130] : memref<2560x128xi32, #tpu.memory_space<hbm>> -> memref<80x128xi32, #tpu.memory_space<hbm>>
      %dma_start3A_132 = arith.constant 0 : i32
      %dma_start3A_133 = tpu.memref_slice %arg2[%mul3A_2, %dma_start3A_132] : memref<2560x128xi32, #tpu.memory_space<hbm>> -> memref<80x128xi32, #tpu.memory_space<hbm>>
      tpu.enqueue_dma source(%dma_start3A_133 : memref<80x128xi32, #tpu.memory_space<hbm>>) target(%arg4 : memref<80x128xi32, #tpu.memory_space<vmem>>) target_semaphore(%run_scoped3A : memref<!tpu.dma_semaphore, #tpu.memory_space<semaphore_mem>>)
      %dma_wait3A_134 = arith.constant 0 : i32
      %dma_wait3A_135 = tpu.memref_slice %arg2[%mul3A_2, %dma_wait3A_134] : memref<2560x128xi32, #tpu.memory_space<hbm>> -> memref<80x128xi32, #tpu.memory_space<hbm>>
      %dma_wait3A_136 = arith.constant 0 : i32
      %dma_wait3A_137 = tpu.memref_slice %arg2[%mul3A_2, %dma_wait3A_136] : memref<2560x128xi32, #tpu.memory_space<hbm>> -> memref<80x128xi32, #tpu.memory_space<hbm>>
      tpu.wait_dma2 semaphore(%run_scoped3A : memref<!tpu.dma_semaphore, #tpu.memory_space<semaphore_mem>>) src(%dma_wait3A_137 : memref<80x128xi32, #tpu.memory_space<hbm>>) dst(%arg4 : memref<80x128xi32, #tpu.memory_space<vmem>>)
      tpu.yield
    }) : () -> ()
    %dma_wait3A = arith.constant 0 : i32
    %dma_wait3A_40 = tpu.memref_slice %arg6[%mul3A_10, %dma_wait3A] : memref<10240x128xf32, #tpu.memory_space<vmem_shared>> -> memref<128x128xf32, #tpu.memory_space<vmem_shared>>
    %dma_wait3A_41 = arith.constant 0 : i32
    %dma_wait3A_42 = tpu.memref_slice %arg6[%mul3A_10, %dma_wait3A_41] : memref<10240x128xf32, #tpu.memory_space<vmem_shared>> -> memref<128x128xf32, #tpu.memory_space<vmem_shared>>
    tpu.wait_dma2 semaphore(%arg7 : memref<!tpu.dma_semaphore, #tpu.memory_space<semaphore_mem>>) src(%arg5 : memref<128x128xf32, #tpu.memory_space<vmem>>) dst(%dma_wait3A_42 : memref<128x128xf32, #tpu.memory_space<vmem_shared>>)
    %dma_wait3A_43 = arith.constant 0 : i32
    %dma_wait3A_44 = tpu.memref_slice %arg6[%mul3A_10, %dma_wait3A_43] : memref<10240x128xf32, #tpu.memory_space<vmem_shared>> -> memref<128x128xf32, #tpu.memory_space<vmem_shared>>
    %dma_wait3A_45 = arith.constant 0 : i32
    %dma_wait3A_46 = tpu.memref_slice %arg6[%mul3A_10, %dma_wait3A_45] : memref<10240x128xf32, #tpu.memory_space<vmem_shared>> -> memref<128x128xf32, #tpu.memory_space<vmem_shared>>
    tpu.wait_dma2 semaphore(%arg7 : memref<!tpu.dma_semaphore, #tpu.memory_space<semaphore_mem>>) src(%arg5 : memref<128x128xf32, #tpu.memory_space<vmem>>) dst(%dma_wait3A_46 : memref<128x128xf32, #tpu.memory_space<vmem_shared>>)
    %dma_wait3A_47 = arith.constant 0 : i32
    %dma_wait3A_48 = tpu.memref_slice %arg6[%mul3A_10, %dma_wait3A_47] : memref<10240x128xf32, #tpu.memory_space<vmem_shared>> -> memref<128x128xf32, #tpu.memory_space<vmem_shared>>
    %dma_wait3A_49 = arith.constant 0 : i32
    %dma_wait3A_50 = tpu.memref_slice %arg6[%mul3A_10, %dma_wait3A_49] : memref<10240x128xf32, #tpu.memory_space<vmem_shared>> -> memref<128x128xf32, #tpu.memory_space<vmem_shared>>
    tpu.wait_dma2 semaphore(%arg7 : memref<!tpu.dma_semaphore, #tpu.memory_space<semaphore_mem>>) src(%arg5 : memref<128x128xf32, #tpu.memory_space<vmem>>) dst(%dma_wait3A_50 : memref<128x128xf32, #tpu.memory_space<vmem_shared>>)
    %dma_wait3A_51 = arith.constant 0 : i32
    %dma_wait3A_52 = tpu.memref_slice %arg6[%mul3A_10, %dma_wait3A_51] : memref<10240x128xf32, #tpu.memory_space<vmem_shared>> -> memref<128x128xf32, #tpu.memory_space<vmem_shared>>
    %dma_wait3A_53 = arith.constant 0 : i32
    %dma_wait3A_54 = tpu.memref_slice %arg6[%mul3A_10, %dma_wait3A_53] : memref<10240x128xf32, #tpu.memory_space<vmem_shared>> -> memref<128x128xf32, #tpu.memory_space<vmem_shared>>
    tpu.wait_dma2 semaphore(%arg7 : memref<!tpu.dma_semaphore, #tpu.memory_space<semaphore_mem>>) src(%arg5 : memref<128x128xf32, #tpu.memory_space<vmem>>) dst(%dma_wait3A_54 : memref<128x128xf32, #tpu.memory_space<vmem_shared>>)
    %dma_wait3A_55 = arith.constant 0 : i32
    %dma_wait3A_56 = tpu.memref_slice %arg6[%mul3A_10, %dma_wait3A_55] : memref<10240x128xf32, #tpu.memory_space<vmem_shared>> -> memref<128x128xf32, #tpu.memory_space<vmem_shared>>
    %dma_wait3A_57 = arith.constant 0 : i32
    %dma_wait3A_58 = tpu.memref_slice %arg6[%mul3A_10, %dma_wait3A_57] : memref<10240x128xf32, #tpu.memory_space<vmem_shared>> -> memref<128x128xf32, #tpu.memory_space<vmem_shared>>
    tpu.wait_dma2 semaphore(%arg7 : memref<!tpu.dma_semaphore, #tpu.memory_space<semaphore_mem>>) src(%arg5 : memref<128x128xf32, #tpu.memory_space<vmem>>) dst(%dma_wait3A_58 : memref<128x128xf32, #tpu.memory_space<vmem_shared>>)
    %scan3A_59 = arith.constant 0 : i32
    %scan3A_60 = arith.constant 0 : i32
    %scan3A_61 = arith.constant 128 : i32
    %scan3A_62 = arith.addi %scan3A_60, %scan3A_61 : i32
    %scan3A_63 = arith.constant 1 : i32
    %scan3A_64 = scf.for %scan3A_130 = %scan3A_60 to %scan3A_62 step %scan3A_63 iter_args(%scan3A_131 = %scan3A_59) -> (i32)  : i32 {
      %broadcast_in_dim3A = arith.constant 1.000000e+00 : f32
      %broadcast_in_dim3A_132 = vector.broadcast %broadcast_in_dim3A : f32 to vector<16xf32>
      %swap3A = arith.index_cast %scan3A_130 : i32 to index
      %swap3A_133 = arith.constant 0 : index
      %swap3A_134 = tpu.vector_load %arg5[%swap3A, %swap3A_133] {strides = array<i32>} : memref<128x128xf32, #tpu.memory_space<vmem>>, vector<1x16xf32>,
      %swap3A_135 = vector.shape_cast %swap3A_134 : vector<1x16xf32> to vector<16xf32>
      %swap3A_136 = vector.shape_cast %broadcast_in_dim3A_132 : vector<16xf32> to vector<1x16xf32>
      tpu.vector_store %arg5[%swap3A, %swap3A_133], %swap3A_136 {strides = array<i32>} : memref<128x128xf32, #tpu.memory_space<vmem>>, vector<1x16xf32>,
      %broadcast_in_dim3A_137 = arith.constant 1.000000e+00 : f32
      %broadcast_in_dim3A_138 = vector.broadcast %broadcast_in_dim3A_137 : f32 to vector<16xf32>
      %swap3A_139 = arith.index_cast %scan3A_130 : i32 to index
      %swap3A_140 = arith.constant 16 : index
      %swap3A_141 = tpu.vector_load %arg5[%swap3A_139, %swap3A_140] {strides = array<i32>} : memref<128x128xf32, #tpu.memory_space<vmem>>, vector<1x16xf32>,
      %swap3A_142 = vector.shape_cast %swap3A_141 : vector<1x16xf32> to vector<16xf32>
      %swap3A_143 = vector.shape_cast %broadcast_in_dim3A_138 : vector<16xf32> to vector<1x16xf32>
      tpu.vector_store %arg5[%swap3A_139, %swap3A_140], %swap3A_143 {strides = array<i32>} : memref<128x128xf32, #tpu.memory_space<vmem>>, vector<1x16xf32>,
      %broadcast_in_dim3A_144 = arith.constant 1.000000e+00 : f32
      %broadcast_in_dim3A_145 = vector.broadcast %broadcast_in_dim3A_144 : f32 to vector<16xf32>
      %swap3A_146 = arith.index_cast %scan3A_130 : i32 to index
      %swap3A_147 = arith.constant 32 : index
      %swap3A_148 = tpu.vector_load %arg5[%swap3A_146, %swap3A_147] {strides = array<i32>} : memref<128x128xf32, #tpu.memory_space<vmem>>, vector<1x16xf32>,
      %swap3A_149 = vector.shape_cast %swap3A_148 : vector<1x16xf32> to vector<16xf32>
      %swap3A_150 = vector.shape_cast %broadcast_in_dim3A_145 : vector<16xf32> to vector<1x16xf32>
      tpu.vector_store %arg5[%swap3A_146, %swap3A_147], %swap3A_150 {strides = array<i32>} : memref<128x128xf32, #tpu.memory_space<vmem>>, vector<1x16xf32>,
      %broadcast_in_dim3A_151 = arith.constant 1.000000e+00 : f32
      %broadcast_in_dim3A_152 = vector.broadcast %broadcast_in_dim3A_151 : f32 to vector<16xf32>
      %swap3A_153 = arith.index_cast %scan3A_130 : i32 to index
      %swap3A_154 = arith.constant 48 : index
      %swap3A_155 = tpu.vector_load %arg5[%swap3A_153, %swap3A_154] {strides = array<i32>} : memref<128x128xf32, #tpu.memory_space<vmem>>, vector<1x16xf32>,
      %swap3A_156 = vector.shape_cast %swap3A_155 : vector<1x16xf32> to vector<16xf32>
      %swap3A_157 = vector.shape_cast %broadcast_in_dim3A_152 : vector<16xf32> to vector<1x16xf32>
      tpu.vector_store %arg5[%swap3A_153, %swap3A_154], %swap3A_157 {strides = array<i32>} : memref<128x128xf32, #tpu.memory_space<vmem>>, vector<1x16xf32>,
      %broadcast_in_dim3A_158 = arith.constant 1.000000e+00 : f32
      %broadcast_in_dim3A_159 = vector.broadcast %broadcast_in_dim3A_158 : f32 to vector<16xf32>
      %swap3A_160 = arith.index_cast %scan3A_130 : i32 to index
      %swap3A_161 = arith.constant 64 : index
      %swap3A_162 = tpu.vector_load %arg5[%swap3A_160, %swap3A_161] {strides = array<i32>} : memref<128x128xf32, #tpu.memory_space<vmem>>, vector<1x16xf32>,
      %swap3A_163 = vector.shape_cast %swap3A_162 : vector<1x16xf32> to vector<16xf32>
      %swap3A_164 = vector.shape_cast %broadcast_in_dim3A_159 : vector<16xf32> to vector<1x16xf32>
      tpu.vector_store %arg5[%swap3A_160, %swap3A_161], %swap3A_164 {strides = array<i32>} : memref<128x128xf32, #tpu.memory_space<vmem>>, vector<1x16xf32>,
      %broadcast_in_dim3A_165 = arith.constant 1.000000e+00 : f32
      %broadcast_in_dim3A_166 = vector.broadcast %broadcast_in_dim3A_165 : f32 to vector<16xf32>
      %swap3A_167 = arith.index_cast %scan3A_130 : i32 to index
      %swap3A_168 = arith.constant 80 : index
      %swap3A_169 = tpu.vector_load %arg5[%swap3A_167, %swap3A_168] {strides = array<i32>} : memref<128x128xf32, #tpu.memory_space<vmem>>, vector<1x16xf32>,
      %swap3A_170 = vector.shape_cast %swap3A_169 : vector<1x16xf32> to vector<16xf32>
      %swap3A_171 = vector.shape_cast %broadcast_in_dim3A_166 : vector<16xf32> to vector<1x16xf32>
      tpu.vector_store %arg5[%swap3A_167, %swap3A_168], %swap3A_171 {strides = array<i32>} : memref<128x128xf32, #tpu.memory_space<vmem>>, vector<1x16xf32>,
      %broadcast_in_dim3A_172 = arith.constant 1.000000e+00 : f32
      %broadcast_in_dim3A_173 = vector.broadcast %broadcast_in_dim3A_172 : f32 to vector<16xf32>
      %swap3A_174 = arith.index_cast %scan3A_130 : i32 to index
      %swap3A_175 = arith.constant 96 : index
      %swap3A_176 = tpu.vector_load %arg5[%swap3A_174, %swap3A_175] {strides = array<i32>} : memref<128x128xf32, #tpu.memory_space<vmem>>, vector<1x16xf32>,
      %swap3A_177 = vector.shape_cast %swap3A_176 : vector<1x16xf32> to vector<16xf32>
      %swap3A_178 = vector.shape_cast %broadcast_in_dim3A_173 : vector<16xf32> to vector<1x16xf32>
      tpu.vector_store %arg5[%swap3A_174, %swap3A_175], %swap3A_178 {strides = array<i32>} : memref<128x128xf32, #tpu.memory_space<vmem>>, vector<1x16xf32>,
      %broadcast_in_dim3A_179 = arith.constant 1.000000e+00 : f32
      %broadcast_in_dim3A_180 = vector.broadcast %broadcast_in_dim3A_179 : f32 to vector<16xf32>
      %swap3A_181 = arith.index_cast %scan3A_130 : i32 to index
      %swap3A_182 = arith.constant 112 : index
      %swap3A_183 = tpu.vector_load %arg5[%swap3A_181, %swap3A_182] {strides = array<i32>} : memref<128x128xf32, #tpu.memory_space<vmem>>, vector<1x16xf32>,
      %swap3A_184 = vector.shape_cast %swap3A_183 : vector<1x16xf32> to vector<16xf32>
      %swap3A_185 = vector.shape_cast %broadcast_in_dim3A_180 : vector<16xf32> to vector<1x16xf32>
      tpu.vector_store %arg5[%swap3A_181, %swap3A_182], %swap3A_185 {strides = array<i32>} : memref<128x128xf32, #tpu.memory_space<vmem>>, vector<1x16xf32>,
      %scan3A_186 = arith.constant 0 : i32
      scf.yield %scan3A_186 : i32
    }
    %scan3A_65 = arith.constant 128 : i32
    %barrier3A = arith.constant 0 : index
    tpu.barrier barrier_id(%barrier3A)
    %scan3A_66 = arith.constant 0 : i32
    %scan3A_67 = arith.constant 0 : i32
    %scan3A_68 = arith.constant 80 : i32
    %scan3A_69 = arith.addi %scan3A_67, %scan3A_68 : i32
    %scan3A_70 = arith.constant 1 : i32
    %scan3A_71 = scf.for %scan3A_130 = %scan3A_67 to %scan3A_69 step %scan3A_70 iter_args(%scan3A_131 = %scan3A_66) -> (i32)  : i32 {
      %dma_start3A_132 = arith.constant 0 : i32
      %dma_start3A_133 = tpu.memref_slice %arg4[%scan3A_130, %dma_start3A_132] : memref<80x128xi32, #tpu.memory_space<vmem>> -> memref<1x128xi32, #tpu.memory_space<vmem>>
      %dma_start3A_134 = tpu.memref_squeeze %dma_start3A_133 : memref<1x128xi32, #tpu.memory_space<vmem>> -> memref<128xi32, #tpu.memory_space<vmem>>
      %dma_start3A_135 = arith.constant 0 : i32
      %dma_start3A_136 = arith.constant 0 : i32
      %dma_start3A_137 = tpu.memref_slice %arg6[%dma_start3A_135, %dma_start3A_136] : memref<10240x128xf32, #tpu.memory_space<vmem_shared>> -> memref<10240x128xf32, #tpu.memory_space<vmem_shared>>
      tpu.enqueue_indirect_dma source(%arg5 : memref<128x128xf32, #tpu.memory_space<vmem>>) target(%dma_start3A_137 : memref<10240x128xf32, #tpu.memory_space<vmem_shared>>) offsets(%dma_start3A_134 : memref<128xi32, #tpu.memory_space<vmem>>) semaphore(%arg7 : memref<!tpu.dma_semaphore, #tpu.memory_space<semaphore_mem>>) {add = true}
      %ge3A = arith.constant 8 : i32
      %ge3A_138 = arith.cmpi sge, %scan3A_130, %ge3A : i32
      %convert_element_type3A = arith.extui %ge3A_138 : i1 to i32
      %cond3A = arith.constant 0 : i32
      %cond3A_139 = arith.cmpi ne, %convert_element_type3A, %cond3A : i32
      scf.if %cond3A_139 {
        %dma_wait3A_141 = arith.constant 0 : i32
        %dma_wait3A_142 = arith.constant 0 : i32
        %dma_wait3A_143 = tpu.memref_slice %arg4[%dma_wait3A_141, %dma_wait3A_142] : memref<80x128xi32, #tpu.memory_space<vmem>> -> memref<1x128xi32, #tpu.memory_space<vmem>>
        %dma_wait3A_144 = tpu.memref_squeeze %dma_wait3A_143 : memref<1x128xi32, #tpu.memory_space<vmem>> -> memref<128xi32, #tpu.memory_space<vmem>>
        %dma_wait3A_145 = arith.constant 0 : i32
        %dma_wait3A_146 = arith.constant 0 : i32
        %dma_wait3A_147 = tpu.memref_slice %arg6[%dma_wait3A_145, %dma_wait3A_146] : memref<10240x128xf32, #tpu.memory_space<vmem_shared>> -> memref<10240x128xf32, #tpu.memory_space<vmem_shared>>
        tpu.wait_indirect_dma semaphore(%arg7 : memref<!tpu.dma_semaphore, #tpu.memory_space<semaphore_mem>>) src(%arg5 : memref<128x128xf32, #tpu.memory_space<vmem>>) dst(%dma_wait3A_147 : memref<10240x128xf32, #tpu.memory_space<vmem_shared>>)
      } else {
      }
      %scan3A_140 = arith.constant 0 : i32
      scf.yield %scan3A_140 : i32
    }
    %scan3A_72 = arith.constant 80 : i32
    %dma_wait3A_73 = arith.constant 0 : i32
    %dma_wait3A_74 = arith.constant 0 : i32
    %dma_wait3A_75 = tpu.memref_slice %arg4[%dma_wait3A_73, %dma_wait3A_74] : memref<80x128xi32, #tpu.memory_space<vmem>> -> memref<1x128xi32, #tpu.memory_space<vmem>>
    %dma_wait3A_76 = tpu.memref_squeeze %dma_wait3A_75 : memref<1x128xi32, #tpu.memory_space<vmem>> -> memref<128xi32, #tpu.memory_space<vmem>>
    %dma_wait3A_77 = arith.constant 0 : i32
    %dma_wait3A_78 = arith.constant 0 : i32
    %dma_wait3A_79 = tpu.memref_slice %arg6[%dma_wait3A_77, %dma_wait3A_78] : memref<10240x128xf32, #tpu.memory_space<vmem_shared>> -> memref<10240x128xf32, #tpu.memory_space<vmem_shared>>
    tpu.wait_indirect_dma semaphore(%arg7 : memref<!tpu.dma_semaphore, #tpu.memory_space<semaphore_mem>>) src(%arg5 : memref<128x128xf32, #tpu.memory_space<vmem>>) dst(%dma_wait3A_79 : memref<10240x128xf32, #tpu.memory_space<vmem_shared>>)
    %dma_wait3A_80 = arith.constant 0 : i32
    %dma_wait3A_81 = arith.constant 0 : i32
    %dma_wait3A_82 = tpu.memref_slice %arg4[%dma_wait3A_80, %dma_wait3A_81] : memref<80x128xi32, #tpu.memory_space<vmem>> -> memref<1x128xi32, #tpu.memory_space<vmem>>
    %dma_wait3A_83 = tpu.memref_squeeze %dma_wait3A_82 : memref<1x128xi32, #tpu.memory_space<vmem>> -> memref<128xi32, #tpu.memory_space<vmem>>
    %dma_wait3A_84 = arith.constant 0 : i32
    %dma_wait3A_85 = arith.constant 0 : i32
    %dma_wait3A_86 = tpu.memref_slice %arg6[%dma_wait3A_84, %dma_wait3A_85] : memref<10240x128xf32, #tpu.memory_space<vmem_shared>> -> memref<10240x128xf32, #tpu.memory_space<vmem_shared>>
    tpu.wait_indirect_dma semaphore(%arg7 : memref<!tpu.dma_semaphore, #tpu.memory_space<semaphore_mem>>) src(%arg5 : memref<128x128xf32, #tpu.memory_space<vmem>>) dst(%dma_wait3A_86 : memref<10240x128xf32, #tpu.memory_space<vmem_shared>>)
    %dma_wait3A_87 = arith.constant 0 : i32
    %dma_wait3A_88 = arith.constant 0 : i32
    %dma_wait3A_89 = tpu.memref_slice %arg4[%dma_wait3A_87, %dma_wait3A_88] : memref<80x128xi32, #tpu.memory_space<vmem>> -> memref<1x128xi32, #tpu.memory_space<vmem>>
    %dma_wait3A_90 = tpu.memref_squeeze %dma_wait3A_89 : memref<1x128xi32, #tpu.memory_space<vmem>> -> memref<128xi32, #tpu.memory_space<vmem>>
    %dma_wait3A_91 = arith.constant 0 : i32
    %dma_wait3A_92 = arith.constant 0 : i32
    %dma_wait3A_93 = tpu.memref_slice %arg6[%dma_wait3A_91, %dma_wait3A_92] : memref<10240x128xf32, #tpu.memory_space<vmem_shared>> -> memref<10240x128xf32, #tpu.memory_space<vmem_shared>>
    tpu.wait_indirect_dma semaphore(%arg7 : memref<!tpu.dma_semaphore, #tpu.memory_space<semaphore_mem>>) src(%arg5 : memref<128x128xf32, #tpu.memory_space<vmem>>) dst(%dma_wait3A_93 : memref<10240x128xf32, #tpu.memory_space<vmem_shared>>)
    %dma_wait3A_94 = arith.constant 0 : i32
    %dma_wait3A_95 = arith.constant 0 : i32
    %dma_wait3A_96 = tpu.memref_slice %arg4[%dma_wait3A_94, %dma_wait3A_95] : memref<80x128xi32, #tpu.memory_space<vmem>> -> memref<1x128xi32, #tpu.memory_space<vmem>>
    %dma_wait3A_97 = tpu.memref_squeeze %dma_wait3A_96 : memref<1x128xi32, #tpu.memory_space<vmem>> -> memref<128xi32, #tpu.memory_space<vmem>>
    %dma_wait3A_98 = arith.constant 0 : i32
    %dma_wait3A_99 = arith.constant 0 : i32
    %dma_wait3A_100 = tpu.memref_slice %arg6[%dma_wait3A_98, %dma_wait3A_99] : memref<10240x128xf32, #tpu.memory_space<vmem_shared>> -> memref<10240x128xf32, #tpu.memory_space<vmem_shared>>
    tpu.wait_indirect_dma semaphore(%arg7 : memref<!tpu.dma_semaphore, #tpu.memory_space<semaphore_mem>>) src(%arg5 : memref<128x128xf32, #tpu.memory_space<vmem>>) dst(%dma_wait3A_100 : memref<10240x128xf32, #tpu.memory_space<vmem_shared>>)
    %dma_wait3A_101 = arith.constant 0 : i32
    %dma_wait3A_102 = arith.constant 0 : i32
    %dma_wait3A_103 = tpu.memref_slice %arg4[%dma_wait3A_101, %dma_wait3A_102] : memref<80x128xi32, #tpu.memory_space<vmem>> -> memref<1x128xi32, #tpu.memory_space<vmem>>
    %dma_wait3A_104 = tpu.memref_squeeze %dma_wait3A_103 : memref<1x128xi32, #tpu.memory_space<vmem>> -> memref<128xi32, #tpu.memory_space<vmem>>
    %dma_wait3A_105 = arith.constant 0 : i32
    %dma_wait3A_106 = arith.constant 0 : i32
    %dma_wait3A_107 = tpu.memref_slice %arg6[%dma_wait3A_105, %dma_wait3A_106] : memref<10240x128xf32, #tpu.memory_space<vmem_shared>> -> memref<10240x128xf32, #tpu.memory_space<vmem_shared>>
    tpu.wait_indirect_dma semaphore(%arg7 : memref<!tpu.dma_semaphore, #tpu.memory_space<semaphore_mem>>) src(%arg5 : memref<128x128xf32, #tpu.memory_space<vmem>>) dst(%dma_wait3A_107 : memref<10240x128xf32, #tpu.memory_space<vmem_shared>>)
    %dma_wait3A_108 = arith.constant 0 : i32
    %dma_wait3A_109 = arith.constant 0 : i32
    %dma_wait3A_110 = tpu.memref_slice %arg4[%dma_wait3A_108, %dma_wait3A_109] : memref<80x128xi32, #tpu.memory_space<vmem>> -> memref<1x128xi32, #tpu.memory_space<vmem>>
    %dma_wait3A_111 = tpu.memref_squeeze %dma_wait3A_110 : memref<1x128xi32, #tpu.memory_space<vmem>> -> memref<128xi32, #tpu.memory_space<vmem>>
    %dma_wait3A_112 = arith.constant 0 : i32
    %dma_wait3A_113 = arith.constant 0 : i32
    %dma_wait3A_114 = tpu.memref_slice %arg6[%dma_wait3A_112, %dma_wait3A_113] : memref<10240x128xf32, #tpu.memory_space<vmem_shared>> -> memref<10240x128xf32, #tpu.memory_space<vmem_shared>>
    tpu.wait_indirect_dma semaphore(%arg7 : memref<!tpu.dma_semaphore, #tpu.memory_space<semaphore_mem>>) src(%arg5 : memref<128x128xf32, #tpu.memory_space<vmem>>) dst(%dma_wait3A_114 : memref<10240x128xf32, #tpu.memory_space<vmem_shared>>)
    %dma_wait3A_115 = arith.constant 0 : i32
    %dma_wait3A_116 = arith.constant 0 : i32
    %dma_wait3A_117 = tpu.memref_slice %arg4[%dma_wait3A_115, %dma_wait3A_116] : memref<80x128xi32, #tpu.memory_space<vmem>> -> memref<1x128xi32, #tpu.memory_space<vmem>>
    %dma_wait3A_118 = tpu.memref_squeeze %dma_wait3A_117 : memref<1x128xi32, #tpu.memory_space<vmem>> -> memref<128xi32, #tpu.memory_space<vmem>>
    %dma_wait3A_119 = arith.constant 0 : i32
    %dma_wait3A_120 = arith.constant 0 : i32
    %dma_wait3A_121 = tpu.memref_slice %arg6[%dma_wait3A_119, %dma_wait3A_120] : memref<10240x128xf32, #tpu.memory_space<vmem_shared>> -> memref<10240x128xf32, #tpu.memory_space<vmem_shared>>
    tpu.wait_indirect_dma semaphore(%arg7 : memref<!tpu.dma_semaphore, #tpu.memory_space<semaphore_mem>>) src(%arg5 : memref<128x128xf32, #tpu.memory_space<vmem>>) dst(%dma_wait3A_121 : memref<10240x128xf32, #tpu.memory_space<vmem_shared>>)
    %dma_wait3A_122 = arith.constant 0 : i32
    %dma_wait3A_123 = arith.constant 0 : i32
    %dma_wait3A_124 = tpu.memref_slice %arg4[%dma_wait3A_122, %dma_wait3A_123] : memref<80x128xi32, #tpu.memory_space<vmem>> -> memref<1x128xi32, #tpu.memory_space<vmem>>
    %dma_wait3A_125 = tpu.memref_squeeze %dma_wait3A_124 : memref<1x128xi32, #tpu.memory_space<vmem>> -> memref<128xi32, #tpu.memory_space<vmem>>
    %dma_wait3A_126 = arith.constant 0 : i32
    %dma_wait3A_127 = arith.constant 0 : i32
    %dma_wait3A_128 = tpu.memref_slice %arg6[%dma_wait3A_126, %dma_wait3A_127] : memref<10240x128xf32, #tpu.memory_space<vmem_shared>> -> memref<10240x128xf32, #tpu.memory_space<vmem_shared>>
    tpu.wait_indirect_dma semaphore(%arg7 : memref<!tpu.dma_semaphore, #tpu.memory_space<semaphore_mem>>) src(%arg5 : memref<128x128xf32, #tpu.memory_space<vmem>>) dst(%dma_wait3A_128 : memref<10240x128xf32, #tpu.memory_space<vmem_shared>>)
    %barrier3A_129 = arith.constant 0 : index
    tpu.barrier barrier_id(%barrier3A_129)
    "tpu.region"() ({
      %run_scoped3A = tpu.sem_alloc : memref<!tpu.dma_semaphore, #tpu.memory_space<semaphore_mem>>
      %dma_start3A_130 = arith.constant 0 : i32
      %dma_start3A_131 = tpu.memref_slice %arg3[%arg0, %mul3A_10, %dma_start3A_130] : memref<2x10240x128xf32, #tpu.memory_space<hbm>> -> memref<1x640x128xf32, #tpu.memory_space<hbm>>
      %dma_start3A_132 = tpu.memref_squeeze %dma_start3A_131 : memref<1x640x128xf32, #tpu.memory_space<hbm>> -> memref<640x128xf32, #tpu.memory_space<hbm>>
      %dma_start3A_133 = arith.constant 0 : i32
      %dma_start3A_134 = tpu.memref_slice %arg6[%mul3A_10, %dma_start3A_133] : memref<10240x128xf32, #tpu.memory_space<vmem_shared>> -> memref<640x128xf32, #tpu.memory_space<vmem_shared>>
      tpu.enqueue_dma source(%dma_start3A_134 : memref<640x128xf32, #tpu.memory_space<vmem_shared>>) target(%dma_start3A_132 : memref<640x128xf32, #tpu.memory_space<hbm>>) target_semaphore(%run_scoped3A : memref<!tpu.dma_semaphore, #tpu.memory_space<semaphore_mem>>)
      %dma_wait3A_135 = arith.constant 0 : i32
      %dma_wait3A_136 = tpu.memref_slice %arg3[%arg0, %mul3A_10, %dma_wait3A_135] : memref<2x10240x128xf32, #tpu.memory_space<hbm>> -> memref<1x640x128xf32, #tpu.memory_space<hbm>>
      %dma_wait3A_137 = tpu.memref_squeeze %dma_wait3A_136 : memref<1x640x128xf32, #tpu.memory_space<hbm>> -> memref<640x128xf32, #tpu.memory_space<hbm>>
      %dma_wait3A_138 = arith.constant 0 : i32
      %dma_wait3A_139 = tpu.memref_slice %arg6[%mul3A_10, %dma_wait3A_138] : memref<10240x128xf32, #tpu.memory_space<vmem_shared>> -> memref<640x128xf32, #tpu.memory_space<vmem_shared>>
      tpu.wait_dma2 semaphore(%run_scoped3A : memref<!tpu.dma_semaphore, #tpu.memory_space<semaphore_mem>>) src(%dma_wait3A_139 : memref<640x128xf32, #tpu.memory_space<vmem_shared>>) dst(%dma_wait3A_137 : memref<640x128xf32, #tpu.memory_space<hbm>>)
      tpu.yield
    }) : () -> ()
    return
  }
}

#map = affine_map<(d0, d1) -> (0, 0)>
#map1 = affine_map<(d0, d1) -> (0, 0, 0)>
module attributes {stable_mosaic.version = 14 : i64} {
  func.func @_sc_message(%arg0: i32, %arg1: i32, %arg2: memref<10240x128xf32, #tpu.memory_space<hbm>>, %arg3: memref<2560x128xi32, #tpu.memory_space<hbm>>, %arg4: memref<2560x128xi32, #tpu.memory_space<hbm>>, %arg5: memref<2x10240x128xf32, #tpu.memory_space<hbm>>, %arg6: memref<40x128xi32, #tpu.memory_space<vmem>>, %arg7: memref<40x128xi32, #tpu.memory_space<vmem>>, %arg8: memref<2x128x128xf32, #tpu.memory_space<vmem>>, %arg9: memref<10240x128xf32, #tpu.memory_space<vmem_shared>>, %arg10: memref<!tpu.dma_semaphore, #tpu.memory_space<semaphore_mem>>, %arg11: memref<!tpu.dma_semaphore, #tpu.memory_space<semaphore_mem>>) attributes {dimension_semantics = [#tpu.dimension_semantics<core_parallel>, #tpu.dimension_semantics<subcore_parallel>], iteration_bounds = array<i64: 2, 16>, scalar_prefetch = 0 : i64, scratch_operands = 6 : i64, tpu.core_type = #tpu.core_type<sc_vector_subcore>, window_params = [{transform_indices = #map}, {transform_indices = #map}, {transform_indices = #map}, {transform_indices = #map1}]} {
    %mul3A = arith.constant 2 : i32
    %mul3A_0 = arith.muli %arg1, %mul3A : i32
    %add3A = arith.addi %mul3A_0, %arg0 : i32
    %mul3A_1 = arith.constant 80 : i32
    %mul3A_2 = arith.muli %add3A, %mul3A_1 : i32
    %scan3A = arith.constant 0 : i32
    %scan3A_3 = arith.constant 0 : i32
    %scan3A_4 = arith.constant 0 : i32
    %scan3A_5 = arith.constant 128 : i32
    %scan3A_6 = arith.addi %scan3A_4, %scan3A_5 : i32
    %scan3A_7 = arith.constant 1 : i32
    %scan3A_8 = scf.for %scan3A_197 = %scan3A_4 to %scan3A_6 step %scan3A_7 iter_args(%scan3A_198 = %scan3A_3) -> (i32)  : i32 {
      %broadcast_in_dim3A = arith.constant 0.000000e+00 : f32
      %broadcast_in_dim3A_199 = vector.broadcast %broadcast_in_dim3A : f32 to vector<16xf32>
      %swap3A = arith.constant 0 : i32
      %swap3A_200 = arith.constant 0 : i32
      %swap3A_201 = tpu.memref_slice %arg8[%scan3A, %swap3A, %swap3A_200] : memref<2x128x128xf32, #tpu.memory_space<vmem>> -> memref<1x128x128xf32, #tpu.memory_space<vmem>>
      %swap3A_202 = tpu.memref_squeeze %swap3A_201 : memref<1x128x128xf32, #tpu.memory_space<vmem>> -> memref<128x128xf32, #tpu.memory_space<vmem>>
      %swap3A_203 = arith.index_cast %scan3A_197 : i32 to index
      %swap3A_204 = arith.constant 0 : index
      %swap3A_205 = tpu.vector_load %swap3A_202[%swap3A_203, %swap3A_204] {strides = array<i32>} : memref<128x128xf32, #tpu.memory_space<vmem>>, vector<1x16xf32>,
      %swap3A_206 = vector.shape_cast %swap3A_205 : vector<1x16xf32> to vector<16xf32>
      %swap3A_207 = vector.shape_cast %broadcast_in_dim3A_199 : vector<16xf32> to vector<1x16xf32>
      tpu.vector_store %swap3A_202[%swap3A_203, %swap3A_204], %swap3A_207 {strides = array<i32>} : memref<128x128xf32, #tpu.memory_space<vmem>>, vector<1x16xf32>,
      %broadcast_in_dim3A_208 = arith.constant 0.000000e+00 : f32
      %broadcast_in_dim3A_209 = vector.broadcast %broadcast_in_dim3A_208 : f32 to vector<16xf32>
      %swap3A_210 = arith.constant 0 : i32
      %swap3A_211 = arith.constant 0 : i32
      %swap3A_212 = tpu.memref_slice %arg8[%scan3A, %swap3A_210, %swap3A_211] : memref<2x128x128xf32, #tpu.memory_space<vmem>> -> memref<1x128x128xf32, #tpu.memory_space<vmem>>
      %swap3A_213 = tpu.memref_squeeze %swap3A_212 : memref<1x128x128xf32, #tpu.memory_space<vmem>> -> memref<128x128xf32, #tpu.memory_space<vmem>>
      %swap3A_214 = arith.index_cast %scan3A_197 : i32 to index
      %swap3A_215 = arith.constant 16 : index
      %swap3A_216 = tpu.vector_load %swap3A_213[%swap3A_214, %swap3A_215] {strides = array<i32>} : memref<128x128xf32, #tpu.memory_space<vmem>>, vector<1x16xf32>,
      %swap3A_217 = vector.shape_cast %swap3A_216 : vector<1x16xf32> to vector<16xf32>
      %swap3A_218 = vector.shape_cast %broadcast_in_dim3A_209 : vector<16xf32> to vector<1x16xf32>
      tpu.vector_store %swap3A_213[%swap3A_214, %swap3A_215], %swap3A_218 {strides = array<i32>} : memref<128x128xf32, #tpu.memory_space<vmem>>, vector<1x16xf32>,
      %broadcast_in_dim3A_219 = arith.constant 0.000000e+00 : f32
      %broadcast_in_dim3A_220 = vector.broadcast %broadcast_in_dim3A_219 : f32 to vector<16xf32>
      %swap3A_221 = arith.constant 0 : i32
      %swap3A_222 = arith.constant 0 : i32
      %swap3A_223 = tpu.memref_slice %arg8[%scan3A, %swap3A_221, %swap3A_222] : memref<2x128x128xf32, #tpu.memory_space<vmem>> -> memref<1x128x128xf32, #tpu.memory_space<vmem>>
      %swap3A_224 = tpu.memref_squeeze %swap3A_223 : memref<1x128x128xf32, #tpu.memory_space<vmem>> -> memref<128x128xf32, #tpu.memory_space<vmem>>
      %swap3A_225 = arith.index_cast %scan3A_197 : i32 to index
      %swap3A_226 = arith.constant 32 : index
      %swap3A_227 = tpu.vector_load %swap3A_224[%swap3A_225, %swap3A_226] {strides = array<i32>} : memref<128x128xf32, #tpu.memory_space<vmem>>, vector<1x16xf32>,
      %swap3A_228 = vector.shape_cast %swap3A_227 : vector<1x16xf32> to vector<16xf32>
      %swap3A_229 = vector.shape_cast %broadcast_in_dim3A_220 : vector<16xf32> to vector<1x16xf32>
      tpu.vector_store %swap3A_224[%swap3A_225, %swap3A_226], %swap3A_229 {strides = array<i32>} : memref<128x128xf32, #tpu.memory_space<vmem>>, vector<1x16xf32>,
      %broadcast_in_dim3A_230 = arith.constant 0.000000e+00 : f32
      %broadcast_in_dim3A_231 = vector.broadcast %broadcast_in_dim3A_230 : f32 to vector<16xf32>
      %swap3A_232 = arith.constant 0 : i32
      %swap3A_233 = arith.constant 0 : i32
      %swap3A_234 = tpu.memref_slice %arg8[%scan3A, %swap3A_232, %swap3A_233] : memref<2x128x128xf32, #tpu.memory_space<vmem>> -> memref<1x128x128xf32, #tpu.memory_space<vmem>>
      %swap3A_235 = tpu.memref_squeeze %swap3A_234 : memref<1x128x128xf32, #tpu.memory_space<vmem>> -> memref<128x128xf32, #tpu.memory_space<vmem>>
      %swap3A_236 = arith.index_cast %scan3A_197 : i32 to index
      %swap3A_237 = arith.constant 48 : index
      %swap3A_238 = tpu.vector_load %swap3A_235[%swap3A_236, %swap3A_237] {strides = array<i32>} : memref<128x128xf32, #tpu.memory_space<vmem>>, vector<1x16xf32>,
      %swap3A_239 = vector.shape_cast %swap3A_238 : vector<1x16xf32> to vector<16xf32>
      %swap3A_240 = vector.shape_cast %broadcast_in_dim3A_231 : vector<16xf32> to vector<1x16xf32>
      tpu.vector_store %swap3A_235[%swap3A_236, %swap3A_237], %swap3A_240 {strides = array<i32>} : memref<128x128xf32, #tpu.memory_space<vmem>>, vector<1x16xf32>,
      %broadcast_in_dim3A_241 = arith.constant 0.000000e+00 : f32
      %broadcast_in_dim3A_242 = vector.broadcast %broadcast_in_dim3A_241 : f32 to vector<16xf32>
      %swap3A_243 = arith.constant 0 : i32
      %swap3A_244 = arith.constant 0 : i32
      %swap3A_245 = tpu.memref_slice %arg8[%scan3A, %swap3A_243, %swap3A_244] : memref<2x128x128xf32, #tpu.memory_space<vmem>> -> memref<1x128x128xf32, #tpu.memory_space<vmem>>
      %swap3A_246 = tpu.memref_squeeze %swap3A_245 : memref<1x128x128xf32, #tpu.memory_space<vmem>> -> memref<128x128xf32, #tpu.memory_space<vmem>>
      %swap3A_247 = arith.index_cast %scan3A_197 : i32 to index
      %swap3A_248 = arith.constant 64 : index
      %swap3A_249 = tpu.vector_load %swap3A_246[%swap3A_247, %swap3A_248] {strides = array<i32>} : memref<128x128xf32, #tpu.memory_space<vmem>>, vector<1x16xf32>,
      %swap3A_250 = vector.shape_cast %swap3A_249 : vector<1x16xf32> to vector<16xf32>
      %swap3A_251 = vector.shape_cast %broadcast_in_dim3A_242 : vector<16xf32> to vector<1x16xf32>
      tpu.vector_store %swap3A_246[%swap3A_247, %swap3A_248], %swap3A_251 {strides = array<i32>} : memref<128x128xf32, #tpu.memory_space<vmem>>, vector<1x16xf32>,
      %broadcast_in_dim3A_252 = arith.constant 0.000000e+00 : f32
      %broadcast_in_dim3A_253 = vector.broadcast %broadcast_in_dim3A_252 : f32 to vector<16xf32>
      %swap3A_254 = arith.constant 0 : i32
      %swap3A_255 = arith.constant 0 : i32
      %swap3A_256 = tpu.memref_slice %arg8[%scan3A, %swap3A_254, %swap3A_255] : memref<2x128x128xf32, #tpu.memory_space<vmem>> -> memref<1x128x128xf32, #tpu.memory_space<vmem>>
      %swap3A_257 = tpu.memref_squeeze %swap3A_256 : memref<1x128x128xf32, #tpu.memory_space<vmem>> -> memref<128x128xf32, #tpu.memory_space<vmem>>
      %swap3A_258 = arith.index_cast %scan3A_197 : i32 to index
      %swap3A_259 = arith.constant 80 : index
      %swap3A_260 = tpu.vector_load %swap3A_257[%swap3A_258, %swap3A_259] {strides = array<i32>} : memref<128x128xf32, #tpu.memory_space<vmem>>, vector<1x16xf32>,
      %swap3A_261 = vector.shape_cast %swap3A_260 : vector<1x16xf32> to vector<16xf32>
      %swap3A_262 = vector.shape_cast %broadcast_in_dim3A_253 : vector<16xf32> to vector<1x16xf32>
      tpu.vector_store %swap3A_257[%swap3A_258, %swap3A_259], %swap3A_262 {strides = array<i32>} : memref<128x128xf32, #tpu.memory_space<vmem>>, vector<1x16xf32>,
      %broadcast_in_dim3A_263 = arith.constant 0.000000e+00 : f32
      %broadcast_in_dim3A_264 = vector.broadcast %broadcast_in_dim3A_263 : f32 to vector<16xf32>
      %swap3A_265 = arith.constant 0 : i32
      %swap3A_266 = arith.constant 0 : i32
      %swap3A_267 = tpu.memref_slice %arg8[%scan3A, %swap3A_265, %swap3A_266] : memref<2x128x128xf32, #tpu.memory_space<vmem>> -> memref<1x128x128xf32, #tpu.memory_space<vmem>>
      %swap3A_268 = tpu.memref_squeeze %swap3A_267 : memref<1x128x128xf32, #tpu.memory_space<vmem>> -> memref<128x128xf32, #tpu.memory_space<vmem>>
      %swap3A_269 = arith.index_cast %scan3A_197 : i32 to index
      %swap3A_270 = arith.constant 96 : index
      %swap3A_271 = tpu.vector_load %swap3A_268[%swap3A_269, %swap3A_270] {strides = array<i32>} : memref<128x128xf32, #tpu.memory_space<vmem>>, vector<1x16xf32>,
      %swap3A_272 = vector.shape_cast %swap3A_271 : vector<1x16xf32> to vector<16xf32>
      %swap3A_273 = vector.shape_cast %broadcast_in_dim3A_264 : vector<16xf32> to vector<1x16xf32>
      tpu.vector_store %swap3A_268[%swap3A_269, %swap3A_270], %swap3A_273 {strides = array<i32>} : memref<128x128xf32, #tpu.memory_space<vmem>>, vector<1x16xf32>,
      %broadcast_in_dim3A_274 = arith.constant 0.000000e+00 : f32
      %broadcast_in_dim3A_275 = vector.broadcast %broadcast_in_dim3A_274 : f32 to vector<16xf32>
      %swap3A_276 = arith.constant 0 : i32
      %swap3A_277 = arith.constant 0 : i32
      %swap3A_278 = tpu.memref_slice %arg8[%scan3A, %swap3A_276, %swap3A_277] : memref<2x128x128xf32, #tpu.memory_space<vmem>> -> memref<1x128x128xf32, #tpu.memory_space<vmem>>
      %swap3A_279 = tpu.memref_squeeze %swap3A_278 : memref<1x128x128xf32, #tpu.memory_space<vmem>> -> memref<128x128xf32, #tpu.memory_space<vmem>>
      %swap3A_280 = arith.index_cast %scan3A_197 : i32 to index
      %swap3A_281 = arith.constant 112 : index
      %swap3A_282 = tpu.vector_load %swap3A_279[%swap3A_280, %swap3A_281] {strides = array<i32>} : memref<128x128xf32, #tpu.memory_space<vmem>>, vector<1x16xf32>,
      %swap3A_283 = vector.shape_cast %swap3A_282 : vector<1x16xf32> to vector<16xf32>
      %swap3A_284 = vector.shape_cast %broadcast_in_dim3A_275 : vector<16xf32> to vector<1x16xf32>
      tpu.vector_store %swap3A_279[%swap3A_280, %swap3A_281], %swap3A_284 {strides = array<i32>} : memref<128x128xf32, #tpu.memory_space<vmem>>, vector<1x16xf32>,
      %scan3A_285 = arith.constant 0 : i32
      scf.yield %scan3A_285 : i32
    }
    %scan3A_9 = arith.constant 128 : i32
    %mul3A_10 = arith.constant 640 : i32
    %mul3A_11 = arith.muli %arg1, %mul3A_10 : i32
    %add3A_12 = arith.constant 0 : i32
    %add3A_13 = arith.addi %mul3A_11, %add3A_12 : i32
    %dma_start3A = arith.constant 0 : i32
    %dma_start3A_14 = arith.constant 0 : i32
    %dma_start3A_15 = arith.constant 0 : i32
    %dma_start3A_16 = tpu.memref_slice %arg8[%dma_start3A, %dma_start3A_14, %dma_start3A_15] : memref<2x128x128xf32, #tpu.memory_space<vmem>> -> memref<1x128x128xf32, #tpu.memory_space<vmem>>
    %dma_start3A_17 = tpu.memref_squeeze %dma_start3A_16 : memref<1x128x128xf32, #tpu.memory_space<vmem>> -> memref<128x128xf32, #tpu.memory_space<vmem>>
    %dma_start3A_18 = arith.constant 0 : i32
    %dma_start3A_19 = tpu.memref_slice %arg9[%add3A_13, %dma_start3A_18] : memref<10240x128xf32, #tpu.memory_space<vmem_shared>> -> memref<128x128xf32, #tpu.memory_space<vmem_shared>>
    %dma_start3A_20 = arith.constant 0 : i32
    %dma_start3A_21 = tpu.memref_slice %arg9[%add3A_13, %dma_start3A_20] : memref<10240x128xf32, #tpu.memory_space<vmem_shared>> -> memref<128x128xf32, #tpu.memory_space<vmem_shared>>
    %dma_start3A_22 = arith.constant 0 : i32
    %dma_start3A_23 = arith.constant 0 : i32
    %dma_start3A_24 = tpu.memref_slice %arg8[%dma_start3A, %dma_start3A_22, %dma_start3A_23] : memref<2x128x128xf32, #tpu.memory_space<vmem>> -> memref<1x128x128xf32, #tpu.memory_space<vmem>>
    %dma_start3A_25 = tpu.memref_squeeze %dma_start3A_24 : memref<1x128x128xf32, #tpu.memory_space<vmem>> -> memref<128x128xf32, #tpu.memory_space<vmem>>
    tpu.enqueue_dma source(%dma_start3A_25 : memref<128x128xf32, #tpu.memory_space<vmem>>) target(%dma_start3A_21 : memref<128x128xf32, #tpu.memory_space<vmem_shared>>) target_semaphore(%arg10 : memref<!tpu.dma_semaphore, #tpu.memory_space<semaphore_mem>>)
    %add3A_26 = arith.constant 128 : i32
    %add3A_27 = arith.addi %mul3A_11, %add3A_26 : i32
    %dma_start3A_28 = arith.constant 0 : i32
    %dma_start3A_29 = arith.constant 0 : i32
    %dma_start3A_30 = arith.constant 0 : i32
    %dma_start3A_31 = tpu.memref_slice %arg8[%dma_start3A_28, %dma_start3A_29, %dma_start3A_30] : memref<2x128x128xf32, #tpu.memory_space<vmem>> -> memref<1x128x128xf32, #tpu.memory_space<vmem>>
    %dma_start3A_32 = tpu.memref_squeeze %dma_start3A_31 : memref<1x128x128xf32, #tpu.memory_space<vmem>> -> memref<128x128xf32, #tpu.memory_space<vmem>>
    %dma_start3A_33 = arith.constant 0 : i32
    %dma_start3A_34 = tpu.memref_slice %arg9[%add3A_27, %dma_start3A_33] : memref<10240x128xf32, #tpu.memory_space<vmem_shared>> -> memref<128x128xf32, #tpu.memory_space<vmem_shared>>
    %dma_start3A_35 = arith.constant 0 : i32
    %dma_start3A_36 = tpu.memref_slice %arg9[%add3A_27, %dma_start3A_35] : memref<10240x128xf32, #tpu.memory_space<vmem_shared>> -> memref<128x128xf32, #tpu.memory_space<vmem_shared>>
    %dma_start3A_37 = arith.constant 0 : i32
    %dma_start3A_38 = arith.constant 0 : i32
    %dma_start3A_39 = tpu.memref_slice %arg8[%dma_start3A_28, %dma_start3A_37, %dma_start3A_38] : memref<2x128x128xf32, #tpu.memory_space<vmem>> -> memref<1x128x128xf32, #tpu.memory_space<vmem>>
    %dma_start3A_40 = tpu.memref_squeeze %dma_start3A_39 : memref<1x128x128xf32, #tpu.memory_space<vmem>> -> memref<128x128xf32, #tpu.memory_space<vmem>>
    tpu.enqueue_dma source(%dma_start3A_40 : memref<128x128xf32, #tpu.memory_space<vmem>>) target(%dma_start3A_36 : memref<128x128xf32, #tpu.memory_space<vmem_shared>>) target_semaphore(%arg10 : memref<!tpu.dma_semaphore, #tpu.memory_space<semaphore_mem>>)
    %add3A_41 = arith.constant 256 : i32
    %add3A_42 = arith.addi %mul3A_11, %add3A_41 : i32
    %dma_start3A_43 = arith.constant 0 : i32
    %dma_start3A_44 = arith.constant 0 : i32
    %dma_start3A_45 = arith.constant 0 : i32
    %dma_start3A_46 = tpu.memref_slice %arg8[%dma_start3A_43, %dma_start3A_44, %dma_start3A_45] : memref<2x128x128xf32, #tpu.memory_space<vmem>> -> memref<1x128x128xf32, #tpu.memory_space<vmem>>
    %dma_start3A_47 = tpu.memref_squeeze %dma_start3A_46 : memref<1x128x128xf32, #tpu.memory_space<vmem>> -> memref<128x128xf32, #tpu.memory_space<vmem>>
    %dma_start3A_48 = arith.constant 0 : i32
    %dma_start3A_49 = tpu.memref_slice %arg9[%add3A_42, %dma_start3A_48] : memref<10240x128xf32, #tpu.memory_space<vmem_shared>> -> memref<128x128xf32, #tpu.memory_space<vmem_shared>>
    %dma_start3A_50 = arith.constant 0 : i32
    %dma_start3A_51 = tpu.memref_slice %arg9[%add3A_42, %dma_start3A_50] : memref<10240x128xf32, #tpu.memory_space<vmem_shared>> -> memref<128x128xf32, #tpu.memory_space<vmem_shared>>
    %dma_start3A_52 = arith.constant 0 : i32
    %dma_start3A_53 = arith.constant 0 : i32
    %dma_start3A_54 = tpu.memref_slice %arg8[%dma_start3A_43, %dma_start3A_52, %dma_start3A_53] : memref<2x128x128xf32, #tpu.memory_space<vmem>> -> memref<1x128x128xf32, #tpu.memory_space<vmem>>
    %dma_start3A_55 = tpu.memref_squeeze %dma_start3A_54 : memref<1x128x128xf32, #tpu.memory_space<vmem>> -> memref<128x128xf32, #tpu.memory_space<vmem>>
    tpu.enqueue_dma source(%dma_start3A_55 : memref<128x128xf32, #tpu.memory_space<vmem>>) target(%dma_start3A_51 : memref<128x128xf32, #tpu.memory_space<vmem_shared>>) target_semaphore(%arg10 : memref<!tpu.dma_semaphore, #tpu.memory_space<semaphore_mem>>)
    %add3A_56 = arith.constant 384 : i32
    %add3A_57 = arith.addi %mul3A_11, %add3A_56 : i32
    %dma_start3A_58 = arith.constant 0 : i32
    %dma_start3A_59 = arith.constant 0 : i32
    %dma_start3A_60 = arith.constant 0 : i32
    %dma_start3A_61 = tpu.memref_slice %arg8[%dma_start3A_58, %dma_start3A_59, %dma_start3A_60] : memref<2x128x128xf32, #tpu.memory_space<vmem>> -> memref<1x128x128xf32, #tpu.memory_space<vmem>>
    %dma_start3A_62 = tpu.memref_squeeze %dma_start3A_61 : memref<1x128x128xf32, #tpu.memory_space<vmem>> -> memref<128x128xf32, #tpu.memory_space<vmem>>
    %dma_start3A_63 = arith.constant 0 : i32
    %dma_start3A_64 = tpu.memref_slice %arg9[%add3A_57, %dma_start3A_63] : memref<10240x128xf32, #tpu.memory_space<vmem_shared>> -> memref<128x128xf32, #tpu.memory_space<vmem_shared>>
    %dma_start3A_65 = arith.constant 0 : i32
    %dma_start3A_66 = tpu.memref_slice %arg9[%add3A_57, %dma_start3A_65] : memref<10240x128xf32, #tpu.memory_space<vmem_shared>> -> memref<128x128xf32, #tpu.memory_space<vmem_shared>>
    %dma_start3A_67 = arith.constant 0 : i32
    %dma_start3A_68 = arith.constant 0 : i32
    %dma_start3A_69 = tpu.memref_slice %arg8[%dma_start3A_58, %dma_start3A_67, %dma_start3A_68] : memref<2x128x128xf32, #tpu.memory_space<vmem>> -> memref<1x128x128xf32, #tpu.memory_space<vmem>>
    %dma_start3A_70 = tpu.memref_squeeze %dma_start3A_69 : memref<1x128x128xf32, #tpu.memory_space<vmem>> -> memref<128x128xf32, #tpu.memory_space<vmem>>
    tpu.enqueue_dma source(%dma_start3A_70 : memref<128x128xf32, #tpu.memory_space<vmem>>) target(%dma_start3A_66 : memref<128x128xf32, #tpu.memory_space<vmem_shared>>) target_semaphore(%arg10 : memref<!tpu.dma_semaphore, #tpu.memory_space<semaphore_mem>>)
    %add3A_71 = arith.constant 512 : i32
    %add3A_72 = arith.addi %mul3A_11, %add3A_71 : i32
    %dma_start3A_73 = arith.constant 0 : i32
    %dma_start3A_74 = arith.constant 0 : i32
    %dma_start3A_75 = arith.constant 0 : i32
    %dma_start3A_76 = tpu.memref_slice %arg8[%dma_start3A_73, %dma_start3A_74, %dma_start3A_75] : memref<2x128x128xf32, #tpu.memory_space<vmem>> -> memref<1x128x128xf32, #tpu.memory_space<vmem>>
    %dma_start3A_77 = tpu.memref_squeeze %dma_start3A_76 : memref<1x128x128xf32, #tpu.memory_space<vmem>> -> memref<128x128xf32, #tpu.memory_space<vmem>>
    %dma_start3A_78 = arith.constant 0 : i32
    %dma_start3A_79 = tpu.memref_slice %arg9[%add3A_72, %dma_start3A_78] : memref<10240x128xf32, #tpu.memory_space<vmem_shared>> -> memref<128x128xf32, #tpu.memory_space<vmem_shared>>
    %dma_start3A_80 = arith.constant 0 : i32
    %dma_start3A_81 = tpu.memref_slice %arg9[%add3A_72, %dma_start3A_80] : memref<10240x128xf32, #tpu.memory_space<vmem_shared>> -> memref<128x128xf32, #tpu.memory_space<vmem_shared>>
    %dma_start3A_82 = arith.constant 0 : i32
    %dma_start3A_83 = arith.constant 0 : i32
    %dma_start3A_84 = tpu.memref_slice %arg8[%dma_start3A_73, %dma_start3A_82, %dma_start3A_83] : memref<2x128x128xf32, #tpu.memory_space<vmem>> -> memref<1x128x128xf32, #tpu.memory_space<vmem>>
    %dma_start3A_85 = tpu.memref_squeeze %dma_start3A_84 : memref<1x128x128xf32, #tpu.memory_space<vmem>> -> memref<128x128xf32, #tpu.memory_space<vmem>>
    tpu.enqueue_dma source(%dma_start3A_85 : memref<128x128xf32, #tpu.memory_space<vmem>>) target(%dma_start3A_81 : memref<128x128xf32, #tpu.memory_space<vmem_shared>>) target_semaphore(%arg10 : memref<!tpu.dma_semaphore, #tpu.memory_space<semaphore_mem>>)
    %dma_wait3A = arith.constant 0 : i32
    %dma_wait3A_86 = arith.constant 0 : i32
    %dma_wait3A_87 = arith.constant 0 : i32
    %dma_wait3A_88 = tpu.memref_slice %arg8[%dma_wait3A, %dma_wait3A_86, %dma_wait3A_87] : memref<2x128x128xf32, #tpu.memory_space<vmem>> -> memref<1x128x128xf32, #tpu.memory_space<vmem>>
    %dma_wait3A_89 = tpu.memref_squeeze %dma_wait3A_88 : memref<1x128x128xf32, #tpu.memory_space<vmem>> -> memref<128x128xf32, #tpu.memory_space<vmem>>
    %dma_wait3A_90 = arith.constant 0 : i32
    %dma_wait3A_91 = tpu.memref_slice %arg9[%mul3A_11, %dma_wait3A_90] : memref<10240x128xf32, #tpu.memory_space<vmem_shared>> -> memref<128x128xf32, #tpu.memory_space<vmem_shared>>
    %dma_wait3A_92 = arith.constant 0 : i32
    %dma_wait3A_93 = tpu.memref_slice %arg9[%mul3A_11, %dma_wait3A_92] : memref<10240x128xf32, #tpu.memory_space<vmem_shared>> -> memref<128x128xf32, #tpu.memory_space<vmem_shared>>
    %dma_wait3A_94 = arith.constant 0 : i32
    %dma_wait3A_95 = arith.constant 0 : i32
    %dma_wait3A_96 = tpu.memref_slice %arg8[%dma_wait3A, %dma_wait3A_94, %dma_wait3A_95] : memref<2x128x128xf32, #tpu.memory_space<vmem>> -> memref<1x128x128xf32, #tpu.memory_space<vmem>>
    %dma_wait3A_97 = tpu.memref_squeeze %dma_wait3A_96 : memref<1x128x128xf32, #tpu.memory_space<vmem>> -> memref<128x128xf32, #tpu.memory_space<vmem>>
    tpu.wait_dma2 semaphore(%arg10 : memref<!tpu.dma_semaphore, #tpu.memory_space<semaphore_mem>>) src(%dma_wait3A_97 : memref<128x128xf32, #tpu.memory_space<vmem>>) dst(%dma_wait3A_93 : memref<128x128xf32, #tpu.memory_space<vmem_shared>>)
    %dma_wait3A_98 = arith.constant 0 : i32
    %dma_wait3A_99 = arith.constant 0 : i32
    %dma_wait3A_100 = arith.constant 0 : i32
    %dma_wait3A_101 = tpu.memref_slice %arg8[%dma_wait3A_98, %dma_wait3A_99, %dma_wait3A_100] : memref<2x128x128xf32, #tpu.memory_space<vmem>> -> memref<1x128x128xf32, #tpu.memory_space<vmem>>
    %dma_wait3A_102 = tpu.memref_squeeze %dma_wait3A_101 : memref<1x128x128xf32, #tpu.memory_space<vmem>> -> memref<128x128xf32, #tpu.memory_space<vmem>>
    %dma_wait3A_103 = arith.constant 0 : i32
    %dma_wait3A_104 = tpu.memref_slice %arg9[%mul3A_11, %dma_wait3A_103] : memref<10240x128xf32, #tpu.memory_space<vmem_shared>> -> memref<128x128xf32, #tpu.memory_space<vmem_shared>>
    %dma_wait3A_105 = arith.constant 0 : i32
    %dma_wait3A_106 = tpu.memref_slice %arg9[%mul3A_11, %dma_wait3A_105] : memref<10240x128xf32, #tpu.memory_space<vmem_shared>> -> memref<128x128xf32, #tpu.memory_space<vmem_shared>>
    %dma_wait3A_107 = arith.constant 0 : i32
    %dma_wait3A_108 = arith.constant 0 : i32
    %dma_wait3A_109 = tpu.memref_slice %arg8[%dma_wait3A_98, %dma_wait3A_107, %dma_wait3A_108] : memref<2x128x128xf32, #tpu.memory_space<vmem>> -> memref<1x128x128xf32, #tpu.memory_space<vmem>>
    %dma_wait3A_110 = tpu.memref_squeeze %dma_wait3A_109 : memref<1x128x128xf32, #tpu.memory_space<vmem>> -> memref<128x128xf32, #tpu.memory_space<vmem>>
    tpu.wait_dma2 semaphore(%arg10 : memref<!tpu.dma_semaphore, #tpu.memory_space<semaphore_mem>>) src(%dma_wait3A_110 : memref<128x128xf32, #tpu.memory_space<vmem>>) dst(%dma_wait3A_106 : memref<128x128xf32, #tpu.memory_space<vmem_shared>>)
    %dma_wait3A_111 = arith.constant 0 : i32
    %dma_wait3A_112 = arith.constant 0 : i32
    %dma_wait3A_113 = arith.constant 0 : i32
    %dma_wait3A_114 = tpu.memref_slice %arg8[%dma_wait3A_111, %dma_wait3A_112, %dma_wait3A_113] : memref<2x128x128xf32, #tpu.memory_space<vmem>> -> memref<1x128x128xf32, #tpu.memory_space<vmem>>
    %dma_wait3A_115 = tpu.memref_squeeze %dma_wait3A_114 : memref<1x128x128xf32, #tpu.memory_space<vmem>> -> memref<128x128xf32, #tpu.memory_space<vmem>>
    %dma_wait3A_116 = arith.constant 0 : i32
    %dma_wait3A_117 = tpu.memref_slice %arg9[%mul3A_11, %dma_wait3A_116] : memref<10240x128xf32, #tpu.memory_space<vmem_shared>> -> memref<128x128xf32, #tpu.memory_space<vmem_shared>>
    %dma_wait3A_118 = arith.constant 0 : i32
    %dma_wait3A_119 = tpu.memref_slice %arg9[%mul3A_11, %dma_wait3A_118] : memref<10240x128xf32, #tpu.memory_space<vmem_shared>> -> memref<128x128xf32, #tpu.memory_space<vmem_shared>>
    %dma_wait3A_120 = arith.constant 0 : i32
    %dma_wait3A_121 = arith.constant 0 : i32
    %dma_wait3A_122 = tpu.memref_slice %arg8[%dma_wait3A_111, %dma_wait3A_120, %dma_wait3A_121] : memref<2x128x128xf32, #tpu.memory_space<vmem>> -> memref<1x128x128xf32, #tpu.memory_space<vmem>>
    %dma_wait3A_123 = tpu.memref_squeeze %dma_wait3A_122 : memref<1x128x128xf32, #tpu.memory_space<vmem>> -> memref<128x128xf32, #tpu.memory_space<vmem>>
    tpu.wait_dma2 semaphore(%arg10 : memref<!tpu.dma_semaphore, #tpu.memory_space<semaphore_mem>>) src(%dma_wait3A_123 : memref<128x128xf32, #tpu.memory_space<vmem>>) dst(%dma_wait3A_119 : memref<128x128xf32, #tpu.memory_space<vmem_shared>>)
    %dma_wait3A_124 = arith.constant 0 : i32
    %dma_wait3A_125 = arith.constant 0 : i32
    %dma_wait3A_126 = arith.constant 0 : i32
    %dma_wait3A_127 = tpu.memref_slice %arg8[%dma_wait3A_124, %dma_wait3A_125, %dma_wait3A_126] : memref<2x128x128xf32, #tpu.memory_space<vmem>> -> memref<1x128x128xf32, #tpu.memory_space<vmem>>
    %dma_wait3A_128 = tpu.memref_squeeze %dma_wait3A_127 : memref<1x128x128xf32, #tpu.memory_space<vmem>> -> memref<128x128xf32, #tpu.memory_space<vmem>>
    %dma_wait3A_129 = arith.constant 0 : i32
    %dma_wait3A_130 = tpu.memref_slice %arg9[%mul3A_11, %dma_wait3A_129] : memref<10240x128xf32, #tpu.memory_space<vmem_shared>> -> memref<128x128xf32, #tpu.memory_space<vmem_shared>>
    %dma_wait3A_131 = arith.constant 0 : i32
    %dma_wait3A_132 = tpu.memref_slice %arg9[%mul3A_11, %dma_wait3A_131] : memref<10240x128xf32, #tpu.memory_space<vmem_shared>> -> memref<128x128xf32, #tpu.memory_space<vmem_shared>>
    %dma_wait3A_133 = arith.constant 0 : i32
    %dma_wait3A_134 = arith.constant 0 : i32
    %dma_wait3A_135 = tpu.memref_slice %arg8[%dma_wait3A_124, %dma_wait3A_133, %dma_wait3A_134] : memref<2x128x128xf32, #tpu.memory_space<vmem>> -> memref<1x128x128xf32, #tpu.memory_space<vmem>>
    %dma_wait3A_136 = tpu.memref_squeeze %dma_wait3A_135 : memref<1x128x128xf32, #tpu.memory_space<vmem>> -> memref<128x128xf32, #tpu.memory_space<vmem>>
    tpu.wait_dma2 semaphore(%arg10 : memref<!tpu.dma_semaphore, #tpu.memory_space<semaphore_mem>>) src(%dma_wait3A_136 : memref<128x128xf32, #tpu.memory_space<vmem>>) dst(%dma_wait3A_132 : memref<128x128xf32, #tpu.memory_space<vmem_shared>>)
    %dma_wait3A_137 = arith.constant 0 : i32
    %dma_wait3A_138 = arith.constant 0 : i32
    %dma_wait3A_139 = arith.constant 0 : i32
    %dma_wait3A_140 = tpu.memref_slice %arg8[%dma_wait3A_137, %dma_wait3A_138, %dma_wait3A_139] : memref<2x128x128xf32, #tpu.memory_space<vmem>> -> memref<1x128x128xf32, #tpu.memory_space<vmem>>
    %dma_wait3A_141 = tpu.memref_squeeze %dma_wait3A_140 : memref<1x128x128xf32, #tpu.memory_space<vmem>> -> memref<128x128xf32, #tpu.memory_space<vmem>>
    %dma_wait3A_142 = arith.constant 0 : i32
    %dma_wait3A_143 = tpu.memref_slice %arg9[%mul3A_11, %dma_wait3A_142] : memref<10240x128xf32, #tpu.memory_space<vmem_shared>> -> memref<128x128xf32, #tpu.memory_space<vmem_shared>>
    %dma_wait3A_144 = arith.constant 0 : i32
    %dma_wait3A_145 = tpu.memref_slice %arg9[%mul3A_11, %dma_wait3A_144] : memref<10240x128xf32, #tpu.memory_space<vmem_shared>> -> memref<128x128xf32, #tpu.memory_space<vmem_shared>>
    %dma_wait3A_146 = arith.constant 0 : i32
    %dma_wait3A_147 = arith.constant 0 : i32
    %dma_wait3A_148 = tpu.memref_slice %arg8[%dma_wait3A_137, %dma_wait3A_146, %dma_wait3A_147] : memref<2x128x128xf32, #tpu.memory_space<vmem>> -> memref<1x128x128xf32, #tpu.memory_space<vmem>>
    %dma_wait3A_149 = tpu.memref_squeeze %dma_wait3A_148 : memref<1x128x128xf32, #tpu.memory_space<vmem>> -> memref<128x128xf32, #tpu.memory_space<vmem>>
    tpu.wait_dma2 semaphore(%arg10 : memref<!tpu.dma_semaphore, #tpu.memory_space<semaphore_mem>>) src(%dma_wait3A_149 : memref<128x128xf32, #tpu.memory_space<vmem>>) dst(%dma_wait3A_145 : memref<128x128xf32, #tpu.memory_space<vmem_shared>>)
    %barrier3A = arith.constant 0 : index
    tpu.barrier barrier_id(%barrier3A)
    %add3A_150 = arith.constant 0 : i32
    %add3A_151 = arith.addi %mul3A_2, %add3A_150 : i32
    "tpu.region"() ({
      %run_scoped3A = tpu.sem_alloc : memref<!tpu.dma_semaphore, #tpu.memory_space<semaphore_mem>>
      %dma_start3A_197 = arith.constant 0 : i32
      %dma_start3A_198 = tpu.memref_slice %arg3[%add3A_151, %dma_start3A_197] : memref<2560x128xi32, #tpu.memory_space<hbm>> -> memref<40x128xi32, #tpu.memory_space<hbm>>
      %dma_start3A_199 = arith.constant 0 : i32
      %dma_start3A_200 = tpu.memref_slice %arg3[%add3A_151, %dma_start3A_199] : memref<2560x128xi32, #tpu.memory_space<hbm>> -> memref<40x128xi32, #tpu.memory_space<hbm>>
      tpu.enqueue_dma source(%dma_start3A_200 : memref<40x128xi32, #tpu.memory_space<hbm>>) target(%arg6 : memref<40x128xi32, #tpu.memory_space<vmem>>) target_semaphore(%run_scoped3A : memref<!tpu.dma_semaphore, #tpu.memory_space<semaphore_mem>>)
      %dma_wait3A_201 = arith.constant 0 : i32
      %dma_wait3A_202 = tpu.memref_slice %arg3[%add3A_151, %dma_wait3A_201] : memref<2560x128xi32, #tpu.memory_space<hbm>> -> memref<40x128xi32, #tpu.memory_space<hbm>>
      %dma_wait3A_203 = arith.constant 0 : i32
      %dma_wait3A_204 = tpu.memref_slice %arg3[%add3A_151, %dma_wait3A_203] : memref<2560x128xi32, #tpu.memory_space<hbm>> -> memref<40x128xi32, #tpu.memory_space<hbm>>
      tpu.wait_dma2 semaphore(%run_scoped3A : memref<!tpu.dma_semaphore, #tpu.memory_space<semaphore_mem>>) src(%dma_wait3A_204 : memref<40x128xi32, #tpu.memory_space<hbm>>) dst(%arg6 : memref<40x128xi32, #tpu.memory_space<vmem>>)
      tpu.yield
    }) : () -> ()
    %add3A_152 = arith.constant 0 : i32
    %add3A_153 = arith.addi %mul3A_2, %add3A_152 : i32
    "tpu.region"() ({
      %run_scoped3A = tpu.sem_alloc : memref<!tpu.dma_semaphore, #tpu.memory_space<semaphore_mem>>
      %dma_start3A_197 = arith.constant 0 : i32
      %dma_start3A_198 = tpu.memref_slice %arg4[%add3A_153, %dma_start3A_197] : memref<2560x128xi32, #tpu.memory_space<hbm>> -> memref<40x128xi32, #tpu.memory_space<hbm>>
      %dma_start3A_199 = arith.constant 0 : i32
      %dma_start3A_200 = tpu.memref_slice %arg4[%add3A_153, %dma_start3A_199] : memref<2560x128xi32, #tpu.memory_space<hbm>> -> memref<40x128xi32, #tpu.memory_space<hbm>>
      tpu.enqueue_dma source(%dma_start3A_200 : memref<40x128xi32, #tpu.memory_space<hbm>>) target(%arg7 : memref<40x128xi32, #tpu.memory_space<vmem>>) target_semaphore(%run_scoped3A : memref<!tpu.dma_semaphore, #tpu.memory_space<semaphore_mem>>)
      %dma_wait3A_201 = arith.constant 0 : i32
      %dma_wait3A_202 = tpu.memref_slice %arg4[%add3A_153, %dma_wait3A_201] : memref<2560x128xi32, #tpu.memory_space<hbm>> -> memref<40x128xi32, #tpu.memory_space<hbm>>
      %dma_wait3A_203 = arith.constant 0 : i32
      %dma_wait3A_204 = tpu.memref_slice %arg4[%add3A_153, %dma_wait3A_203] : memref<2560x128xi32, #tpu.memory_space<hbm>> -> memref<40x128xi32, #tpu.memory_space<hbm>>
      tpu.wait_dma2 semaphore(%run_scoped3A : memref<!tpu.dma_semaphore, #tpu.memory_space<semaphore_mem>>) src(%dma_wait3A_204 : memref<40x128xi32, #tpu.memory_space<hbm>>) dst(%arg7 : memref<40x128xi32, #tpu.memory_space<vmem>>)
      tpu.yield
    }) : () -> ()
    %dma_start3A_154 = arith.constant 0 : i32
    %dma_start3A_155 = arith.constant 0 : i32
    %dma_start3A_156 = arith.constant 0 : i32
    %dma_start3A_157 = arith.constant 0 : i32
    %dma_start3A_158 = tpu.memref_slice %arg8[%dma_start3A_155, %dma_start3A_156, %dma_start3A_157] : memref<2x128x128xf32, #tpu.memory_space<vmem>> -> memref<1x128x128xf32, #tpu.memory_space<vmem>>
    %dma_start3A_159 = tpu.memref_squeeze %dma_start3A_158 : memref<1x128x128xf32, #tpu.memory_space<vmem>> -> memref<128x128xf32, #tpu.memory_space<vmem>>
    %dma_start3A_160 = arith.constant 0 : i32
    %dma_start3A_161 = tpu.memref_slice %arg6[%dma_start3A_154, %dma_start3A_160] : memref<40x128xi32, #tpu.memory_space<vmem>> -> memref<1x128xi32, #tpu.memory_space<vmem>>
    %dma_start3A_162 = tpu.memref_squeeze %dma_start3A_161 : memref<1x128xi32, #tpu.memory_space<vmem>> -> memref<128xi32, #tpu.memory_space<vmem>>
    %dma_start3A_163 = arith.constant 0 : i32
    %dma_start3A_164 = arith.constant 0 : i32
    %dma_start3A_165 = tpu.memref_slice %arg2[%dma_start3A_163, %dma_start3A_164] : memref<10240x128xf32, #tpu.memory_space<hbm>> -> memref<10240x128xf32, #tpu.memory_space<hbm>>
    tpu.enqueue_indirect_dma source(%dma_start3A_165 : memref<10240x128xf32, #tpu.memory_space<hbm>>) target(%dma_start3A_159 : memref<128x128xf32, #tpu.memory_space<vmem>>) offsets(%dma_start3A_162 : memref<128xi32, #tpu.memory_space<vmem>>) semaphore(%arg10 : memref<!tpu.dma_semaphore, #tpu.memory_space<semaphore_mem>>)
    %scan3A_166 = arith.constant 0 : i32
    %scan3A_167 = arith.constant 0 : i32
    %scan3A_168 = arith.constant 20 : i32
    %scan3A_169 = arith.addi %scan3A_167, %scan3A_168 : i32
    %scan3A_170 = arith.constant 1 : i32
    %scan3A_171 = scf.for %scan3A_197 = %scan3A_167 to %scan3A_169 step %scan3A_170 iter_args(%scan3A_198 = %scan3A_166) -> (i32)  : i32 {
      %mul3A_199 = arith.constant 2 : i32
      %mul3A_200 = arith.muli %mul3A_199, %scan3A_197 : i32
      %add3A_201 = arith.constant 1 : i32
      %add3A_202 = arith.addi %mul3A_200, %add3A_201 : i32
      %dma_wait3A_203 = arith.constant 0 : i32
      %dma_wait3A_204 = arith.constant 0 : i32
      %dma_wait3A_205 = arith.constant 0 : i32
      %dma_wait3A_206 = tpu.memref_slice %arg8[%dma_wait3A_203, %dma_wait3A_204, %dma_wait3A_205] : memref<2x128x128xf32, #tpu.memory_space<vmem>> -> memref<1x128x128xf32, #tpu.memory_space<vmem>>
      %dma_wait3A_207 = tpu.memref_squeeze %dma_wait3A_206 : memref<1x128x128xf32, #tpu.memory_space<vmem>> -> memref<128x128xf32, #tpu.memory_space<vmem>>
      %dma_wait3A_208 = arith.constant 0 : i32
      %dma_wait3A_209 = tpu.memref_slice %arg6[%mul3A_200, %dma_wait3A_208] : memref<40x128xi32, #tpu.memory_space<vmem>> -> memref<1x128xi32, #tpu.memory_space<vmem>>
      %dma_wait3A_210 = tpu.memref_squeeze %dma_wait3A_209 : memref<1x128xi32, #tpu.memory_space<vmem>> -> memref<128xi32, #tpu.memory_space<vmem>>
      %dma_wait3A_211 = arith.constant 0 : i32
      %dma_wait3A_212 = arith.constant 0 : i32
      %dma_wait3A_213 = tpu.memref_slice %arg2[%dma_wait3A_211, %dma_wait3A_212] : memref<10240x128xf32, #tpu.memory_space<hbm>> -> memref<10240x128xf32, #tpu.memory_space<hbm>>
      tpu.wait_indirect_dma semaphore(%arg10 : memref<!tpu.dma_semaphore, #tpu.memory_space<semaphore_mem>>) src(%dma_wait3A_213 : memref<10240x128xf32, #tpu.memory_space<hbm>>) dst(%dma_wait3A_207 : memref<128x128xf32, #tpu.memory_space<vmem>>)
      %dma_start3A_214 = arith.constant 1 : i32
      %dma_start3A_215 = arith.constant 0 : i32
      %dma_start3A_216 = arith.constant 0 : i32
      %dma_start3A_217 = tpu.memref_slice %arg8[%dma_start3A_214, %dma_start3A_215, %dma_start3A_216] : memref<2x128x128xf32, #tpu.memory_space<vmem>> -> memref<1x128x128xf32, #tpu.memory_space<vmem>>
      %dma_start3A_218 = tpu.memref_squeeze %dma_start3A_217 : memref<1x128x128xf32, #tpu.memory_space<vmem>> -> memref<128x128xf32, #tpu.memory_space<vmem>>
      %dma_start3A_219 = arith.constant 0 : i32
      %dma_start3A_220 = tpu.memref_slice %arg6[%add3A_202, %dma_start3A_219] : memref<40x128xi32, #tpu.memory_space<vmem>> -> memref<1x128xi32, #tpu.memory_space<vmem>>
      %dma_start3A_221 = tpu.memref_squeeze %dma_start3A_220 : memref<1x128xi32, #tpu.memory_space<vmem>> -> memref<128xi32, #tpu.memory_space<vmem>>
      %dma_start3A_222 = arith.constant 0 : i32
      %dma_start3A_223 = arith.constant 0 : i32
      %dma_start3A_224 = tpu.memref_slice %arg2[%dma_start3A_222, %dma_start3A_223] : memref<10240x128xf32, #tpu.memory_space<hbm>> -> memref<10240x128xf32, #tpu.memory_space<hbm>>
      tpu.enqueue_indirect_dma source(%dma_start3A_224 : memref<10240x128xf32, #tpu.memory_space<hbm>>) target(%dma_start3A_218 : memref<128x128xf32, #tpu.memory_space<vmem>>) offsets(%dma_start3A_221 : memref<128xi32, #tpu.memory_space<vmem>>) semaphore(%arg11 : memref<!tpu.dma_semaphore, #tpu.memory_space<semaphore_mem>>)
      %run_scoped3A = arith.constant 0 : i32
      "tpu.region"() ({
        %run_scoped3A_240 = tpu.sem_alloc : memref<!tpu.dma_semaphore, #tpu.memory_space<semaphore_mem>>
        %dma_start3A_241 = arith.constant 0 : i32
        %dma_start3A_242 = arith.constant 0 : i32
        %dma_start3A_243 = tpu.memref_slice %arg8[%run_scoped3A, %dma_start3A_241, %dma_start3A_242] : memref<2x128x128xf32, #tpu.memory_space<vmem>> -> memref<1x128x128xf32, #tpu.memory_space<vmem>>
        %dma_start3A_244 = tpu.memref_squeeze %dma_start3A_243 : memref<1x128x128xf32, #tpu.memory_space<vmem>> -> memref<128x128xf32, #tpu.memory_space<vmem>>
        %dma_start3A_245 = arith.constant 0 : i32
        %dma_start3A_246 = tpu.memref_slice %arg7[%mul3A_200, %dma_start3A_245] : memref<40x128xi32, #tpu.memory_space<vmem>> -> memref<1x128xi32, #tpu.memory_space<vmem>>
        %dma_start3A_247 = tpu.memref_squeeze %dma_start3A_246 : memref<1x128xi32, #tpu.memory_space<vmem>> -> memref<128xi32, #tpu.memory_space<vmem>>
        %dma_start3A_248 = arith.constant 0 : i32
        %dma_start3A_249 = arith.constant 0 : i32
        %dma_start3A_250 = tpu.memref_slice %arg9[%dma_start3A_248, %dma_start3A_249] : memref<10240x128xf32, #tpu.memory_space<vmem_shared>> -> memref<10240x128xf32, #tpu.memory_space<vmem_shared>>
        tpu.enqueue_indirect_dma source(%dma_start3A_244 : memref<128x128xf32, #tpu.memory_space<vmem>>) target(%dma_start3A_250 : memref<10240x128xf32, #tpu.memory_space<vmem_shared>>) offsets(%dma_start3A_247 : memref<128xi32, #tpu.memory_space<vmem>>) semaphore(%run_scoped3A_240 : memref<!tpu.dma_semaphore, #tpu.memory_space<semaphore_mem>>) {add = true}
        %dma_wait3A_251 = arith.constant 0 : i32
        %dma_wait3A_252 = arith.constant 0 : i32
        %dma_wait3A_253 = tpu.memref_slice %arg8[%run_scoped3A, %dma_wait3A_251, %dma_wait3A_252] : memref<2x128x128xf32, #tpu.memory_space<vmem>> -> memref<1x128x128xf32, #tpu.memory_space<vmem>>
        %dma_wait3A_254 = tpu.memref_squeeze %dma_wait3A_253 : memref<1x128x128xf32, #tpu.memory_space<vmem>> -> memref<128x128xf32, #tpu.memory_space<vmem>>
        %dma_wait3A_255 = arith.constant 0 : i32
        %dma_wait3A_256 = tpu.memref_slice %arg7[%mul3A_200, %dma_wait3A_255] : memref<40x128xi32, #tpu.memory_space<vmem>> -> memref<1x128xi32, #tpu.memory_space<vmem>>
        %dma_wait3A_257 = tpu.memref_squeeze %dma_wait3A_256 : memref<1x128xi32, #tpu.memory_space<vmem>> -> memref<128xi32, #tpu.memory_space<vmem>>
        %dma_wait3A_258 = arith.constant 0 : i32
        %dma_wait3A_259 = arith.constant 0 : i32
        %dma_wait3A_260 = tpu.memref_slice %arg9[%dma_wait3A_258, %dma_wait3A_259] : memref<10240x128xf32, #tpu.memory_space<vmem_shared>> -> memref<10240x128xf32, #tpu.memory_space<vmem_shared>>
        tpu.wait_indirect_dma semaphore(%run_scoped3A_240 : memref<!tpu.dma_semaphore, #tpu.memory_space<semaphore_mem>>) src(%dma_wait3A_254 : memref<128x128xf32, #tpu.memory_space<vmem>>) dst(%dma_wait3A_260 : memref<10240x128xf32, #tpu.memory_space<vmem_shared>>)
        tpu.yield
      }) : () -> ()
      %dma_wait3A_225 = arith.constant 1 : i32
      %dma_wait3A_226 = arith.constant 0 : i32
      %dma_wait3A_227 = arith.constant 0 : i32
      %dma_wait3A_228 = tpu.memref_slice %arg8[%dma_wait3A_225, %dma_wait3A_226, %dma_wait3A_227] : memref<2x128x128xf32, #tpu.memory_space<vmem>> -> memref<1x128x128xf32, #tpu.memory_space<vmem>>
      %dma_wait3A_229 = tpu.memref_squeeze %dma_wait3A_228 : memref<1x128x128xf32, #tpu.memory_space<vmem>> -> memref<128x128xf32, #tpu.memory_space<vmem>>
      %dma_wait3A_230 = arith.constant 0 : i32
      %dma_wait3A_231 = tpu.memref_slice %arg6[%add3A_202, %dma_wait3A_230] : memref<40x128xi32, #tpu.memory_space<vmem>> -> memref<1x128xi32, #tpu.memory_space<vmem>>
      %dma_wait3A_232 = tpu.memref_squeeze %dma_wait3A_231 : memref<1x128xi32, #tpu.memory_space<vmem>> -> memref<128xi32, #tpu.memory_space<vmem>>
      %dma_wait3A_233 = arith.constant 0 : i32
      %dma_wait3A_234 = arith.constant 0 : i32
      %dma_wait3A_235 = tpu.memref_slice %arg2[%dma_wait3A_233, %dma_wait3A_234] : memref<10240x128xf32, #tpu.memory_space<hbm>> -> memref<10240x128xf32, #tpu.memory_space<hbm>>
      tpu.wait_indirect_dma semaphore(%arg11 : memref<!tpu.dma_semaphore, #tpu.memory_space<semaphore_mem>>) src(%dma_wait3A_235 : memref<10240x128xf32, #tpu.memory_space<hbm>>) dst(%dma_wait3A_229 : memref<128x128xf32, #tpu.memory_space<vmem>>)
      %lt3A = arith.constant 19 : i32
      %lt3A_236 = arith.cmpi slt, %scan3A_197, %lt3A : i32
      %convert_element_type3A = arith.extui %lt3A_236 : i1 to i32
      %cond3A = arith.constant 0 : i32
      %cond3A_237 = arith.cmpi ne, %convert_element_type3A, %cond3A : i32
      scf.if %cond3A_237 {
        %add3A_240 = arith.constant 2 : i32
        %add3A_241 = arith.addi %mul3A_200, %add3A_240 : i32
        %dma_start3A_242 = arith.constant 0 : i32
        %dma_start3A_243 = arith.constant 0 : i32
        %dma_start3A_244 = arith.constant 0 : i32
        %dma_start3A_245 = tpu.memref_slice %arg8[%dma_start3A_242, %dma_start3A_243, %dma_start3A_244] : memref<2x128x128xf32, #tpu.memory_space<vmem>> -> memref<1x128x128xf32, #tpu.memory_space<vmem>>
        %dma_start3A_246 = tpu.memref_squeeze %dma_start3A_245 : memref<1x128x128xf32, #tpu.memory_space<vmem>> -> memref<128x128xf32, #tpu.memory_space<vmem>>
        %dma_start3A_247 = arith.constant 0 : i32
        %dma_start3A_248 = tpu.memref_slice %arg6[%add3A_241, %dma_start3A_247] : memref<40x128xi32, #tpu.memory_space<vmem>> -> memref<1x128xi32, #tpu.memory_space<vmem>>
        %dma_start3A_249 = tpu.memref_squeeze %dma_start3A_248 : memref<1x128xi32, #tpu.memory_space<vmem>> -> memref<128xi32, #tpu.memory_space<vmem>>
        %dma_start3A_250 = arith.constant 0 : i32
        %dma_start3A_251 = arith.constant 0 : i32
        %dma_start3A_252 = tpu.memref_slice %arg2[%dma_start3A_250, %dma_start3A_251] : memref<10240x128xf32, #tpu.memory_space<hbm>> -> memref<10240x128xf32, #tpu.memory_space<hbm>>
        tpu.enqueue_indirect_dma source(%dma_start3A_252 : memref<10240x128xf32, #tpu.memory_space<hbm>>) target(%dma_start3A_246 : memref<128x128xf32, #tpu.memory_space<vmem>>) offsets(%dma_start3A_249 : memref<128xi32, #tpu.memory_space<vmem>>) semaphore(%arg10 : memref<!tpu.dma_semaphore, #tpu.memory_space<semaphore_mem>>)
      } else {
      }
      %run_scoped3A_238 = arith.constant 1 : i32
      "tpu.region"() ({
        %run_scoped3A_240 = tpu.sem_alloc : memref<!tpu.dma_semaphore, #tpu.memory_space<semaphore_mem>>
        %dma_start3A_241 = arith.constant 0 : i32
        %dma_start3A_242 = arith.constant 0 : i32
        %dma_start3A_243 = tpu.memref_slice %arg8[%run_scoped3A_238, %dma_start3A_241, %dma_start3A_242] : memref<2x128x128xf32, #tpu.memory_space<vmem>> -> memref<1x128x128xf32, #tpu.memory_space<vmem>>
        %dma_start3A_244 = tpu.memref_squeeze %dma_start3A_243 : memref<1x128x128xf32, #tpu.memory_space<vmem>> -> memref<128x128xf32, #tpu.memory_space<vmem>>
        %dma_start3A_245 = arith.constant 0 : i32
        %dma_start3A_246 = tpu.memref_slice %arg7[%add3A_202, %dma_start3A_245] : memref<40x128xi32, #tpu.memory_space<vmem>> -> memref<1x128xi32, #tpu.memory_space<vmem>>
        %dma_start3A_247 = tpu.memref_squeeze %dma_start3A_246 : memref<1x128xi32, #tpu.memory_space<vmem>> -> memref<128xi32, #tpu.memory_space<vmem>>
        %dma_start3A_248 = arith.constant 0 : i32
        %dma_start3A_249 = arith.constant 0 : i32
        %dma_start3A_250 = tpu.memref_slice %arg9[%dma_start3A_248, %dma_start3A_249] : memref<10240x128xf32, #tpu.memory_space<vmem_shared>> -> memref<10240x128xf32, #tpu.memory_space<vmem_shared>>
        tpu.enqueue_indirect_dma source(%dma_start3A_244 : memref<128x128xf32, #tpu.memory_space<vmem>>) target(%dma_start3A_250 : memref<10240x128xf32, #tpu.memory_space<vmem_shared>>) offsets(%dma_start3A_247 : memref<128xi32, #tpu.memory_space<vmem>>) semaphore(%run_scoped3A_240 : memref<!tpu.dma_semaphore, #tpu.memory_space<semaphore_mem>>) {add = true}
        %dma_wait3A_251 = arith.constant 0 : i32
        %dma_wait3A_252 = arith.constant 0 : i32
        %dma_wait3A_253 = tpu.memref_slice %arg8[%run_scoped3A_238, %dma_wait3A_251, %dma_wait3A_252] : memref<2x128x128xf32, #tpu.memory_space<vmem>> -> memref<1x128x128xf32, #tpu.memory_space<vmem>>
        %dma_wait3A_254 = tpu.memref_squeeze %dma_wait3A_253 : memref<1x128x128xf32, #tpu.memory_space<vmem>> -> memref<128x128xf32, #tpu.memory_space<vmem>>
        %dma_wait3A_255 = arith.constant 0 : i32
        %dma_wait3A_256 = tpu.memref_slice %arg7[%add3A_202, %dma_wait3A_255] : memref<40x128xi32, #tpu.memory_space<vmem>> -> memref<1x128xi32, #tpu.memory_space<vmem>>
        %dma_wait3A_257 = tpu.memref_squeeze %dma_wait3A_256 : memref<1x128xi32, #tpu.memory_space<vmem>> -> memref<128xi32, #tpu.memory_space<vmem>>
        %dma_wait3A_258 = arith.constant 0 : i32
        %dma_wait3A_259 = arith.constant 0 : i32
        %dma_wait3A_260 = tpu.memref_slice %arg9[%dma_wait3A_258, %dma_wait3A_259] : memref<10240x128xf32, #tpu.memory_space<vmem_shared>> -> memref<10240x128xf32, #tpu.memory_space<vmem_shared>>
        tpu.wait_indirect_dma semaphore(%run_scoped3A_240 : memref<!tpu.dma_semaphore, #tpu.memory_space<semaphore_mem>>) src(%dma_wait3A_254 : memref<128x128xf32, #tpu.memory_space<vmem>>) dst(%dma_wait3A_260 : memref<10240x128xf32, #tpu.memory_space<vmem_shared>>)
        tpu.yield
      }) : () -> ()
      %scan3A_239 = arith.constant 0 : i32
      scf.yield %scan3A_239 : i32
    }
    %scan3A_172 = arith.constant 20 : i32
    %add3A_173 = arith.constant 40 : i32
    %add3A_174 = arith.addi %mul3A_2, %add3A_173 : i32
    "tpu.region"() ({
      %run_scoped3A = tpu.sem_alloc : memref<!tpu.dma_semaphore, #tpu.memory_space<semaphore_mem>>
      %dma_start3A_197 = arith.constant 0 : i32
      %dma_start3A_198 = tpu.memref_slice %arg3[%add3A_174, %dma_start3A_197] : memref<2560x128xi32, #tpu.memory_space<hbm>> -> memref<40x128xi32, #tpu.memory_space<hbm>>
      %dma_start3A_199 = arith.constant 0 : i32
      %dma_start3A_200 = tpu.memref_slice %arg3[%add3A_174, %dma_start3A_199] : memref<2560x128xi32, #tpu.memory_space<hbm>> -> memref<40x128xi32, #tpu.memory_space<hbm>>
      tpu.enqueue_dma source(%dma_start3A_200 : memref<40x128xi32, #tpu.memory_space<hbm>>) target(%arg6 : memref<40x128xi32, #tpu.memory_space<vmem>>) target_semaphore(%run_scoped3A : memref<!tpu.dma_semaphore, #tpu.memory_space<semaphore_mem>>)
      %dma_wait3A_201 = arith.constant 0 : i32
      %dma_wait3A_202 = tpu.memref_slice %arg3[%add3A_174, %dma_wait3A_201] : memref<2560x128xi32, #tpu.memory_space<hbm>> -> memref<40x128xi32, #tpu.memory_space<hbm>>
      %dma_wait3A_203 = arith.constant 0 : i32
      %dma_wait3A_204 = tpu.memref_slice %arg3[%add3A_174, %dma_wait3A_203] : memref<2560x128xi32, #tpu.memory_space<hbm>> -> memref<40x128xi32, #tpu.memory_space<hbm>>
      tpu.wait_dma2 semaphore(%run_scoped3A : memref<!tpu.dma_semaphore, #tpu.memory_space<semaphore_mem>>) src(%dma_wait3A_204 : memref<40x128xi32, #tpu.memory_space<hbm>>) dst(%arg6 : memref<40x128xi32, #tpu.memory_space<vmem>>)
      tpu.yield
    }) : () -> ()
    %add3A_175 = arith.constant 40 : i32
    %add3A_176 = arith.addi %mul3A_2, %add3A_175 : i32
    "tpu.region"() ({
      %run_scoped3A = tpu.sem_alloc : memref<!tpu.dma_semaphore, #tpu.memory_space<semaphore_mem>>
      %dma_start3A_197 = arith.constant 0 : i32
      %dma_start3A_198 = tpu.memref_slice %arg4[%add3A_176, %dma_start3A_197] : memref<2560x128xi32, #tpu.memory_space<hbm>> -> memref<40x128xi32, #tpu.memory_space<hbm>>
      %dma_start3A_199 = arith.constant 0 : i32
      %dma_start3A_200 = tpu.memref_slice %arg4[%add3A_176, %dma_start3A_199] : memref<2560x128xi32, #tpu.memory_space<hbm>> -> memref<40x128xi32, #tpu.memory_space<hbm>>
      tpu.enqueue_dma source(%dma_start3A_200 : memref<40x128xi32, #tpu.memory_space<hbm>>) target(%arg7 : memref<40x128xi32, #tpu.memory_space<vmem>>) target_semaphore(%run_scoped3A : memref<!tpu.dma_semaphore, #tpu.memory_space<semaphore_mem>>)
      %dma_wait3A_201 = arith.constant 0 : i32
      %dma_wait3A_202 = tpu.memref_slice %arg4[%add3A_176, %dma_wait3A_201] : memref<2560x128xi32, #tpu.memory_space<hbm>> -> memref<40x128xi32, #tpu.memory_space<hbm>>
      %dma_wait3A_203 = arith.constant 0 : i32
      %dma_wait3A_204 = tpu.memref_slice %arg4[%add3A_176, %dma_wait3A_203] : memref<2560x128xi32, #tpu.memory_space<hbm>> -> memref<40x128xi32, #tpu.memory_space<hbm>>
      tpu.wait_dma2 semaphore(%run_scoped3A : memref<!tpu.dma_semaphore, #tpu.memory_space<semaphore_mem>>) src(%dma_wait3A_204 : memref<40x128xi32, #tpu.memory_space<hbm>>) dst(%arg7 : memref<40x128xi32, #tpu.memory_space<vmem>>)
      tpu.yield
    }) : () -> ()
    %dma_start3A_177 = arith.constant 0 : i32
    %dma_start3A_178 = arith.constant 0 : i32
    %dma_start3A_179 = arith.constant 0 : i32
    %dma_start3A_180 = arith.constant 0 : i32
    %dma_start3A_181 = tpu.memref_slice %arg8[%dma_start3A_178, %dma_start3A_179, %dma_start3A_180] : memref<2x128x128xf32, #tpu.memory_space<vmem>> -> memref<1x128x128xf32, #tpu.memory_space<vmem>>
    %dma_start3A_182 = tpu.memref_squeeze %dma_start3A_181 : memref<1x128x128xf32, #tpu.memory_space<vmem>> -> memref<128x128xf32, #tpu.memory_space<vmem>>
    %dma_start3A_183 = arith.constant 0 : i32
    %dma_start3A_184 = tpu.memref_slice %arg6[%dma_start3A_177, %dma_start3A_183] : memref<40x128xi32, #tpu.memory_space<vmem>> -> memref<1x128xi32, #tpu.memory_space<vmem>>
    %dma_start3A_185 = tpu.memref_squeeze %dma_start3A_184 : memref<1x128xi32, #tpu.memory_space<vmem>> -> memref<128xi32, #tpu.memory_space<vmem>>
    %dma_start3A_186 = arith.constant 0 : i32
    %dma_start3A_187 = arith.constant 0 : i32
    %dma_start3A_188 = tpu.memref_slice %arg2[%dma_start3A_186, %dma_start3A_187] : memref<10240x128xf32, #tpu.memory_space<hbm>> -> memref<10240x128xf32, #tpu.memory_space<hbm>>
    tpu.enqueue_indirect_dma source(%dma_start3A_188 : memref<10240x128xf32, #tpu.memory_space<hbm>>) target(%dma_start3A_182 : memref<128x128xf32, #tpu.memory_space<vmem>>) offsets(%dma_start3A_185 : memref<128xi32, #tpu.memory_space<vmem>>) semaphore(%arg10 : memref<!tpu.dma_semaphore, #tpu.memory_space<semaphore_mem>>)
    %scan3A_189 = arith.constant 0 : i32
    %scan3A_190 = arith.constant 0 : i32
    %scan3A_191 = arith.constant 20 : i32
    %scan3A_192 = arith.addi %scan3A_190, %scan3A_191 : i32
    %scan3A_193 = arith.constant 1 : i32
    %scan3A_194 = scf.for %scan3A_197 = %scan3A_190 to %scan3A_192 step %scan3A_193 iter_args(%scan3A_198 = %scan3A_189) -> (i32)  : i32 {
      %mul3A_199 = arith.constant 2 : i32
      %mul3A_200 = arith.muli %mul3A_199, %scan3A_197 : i32
      %add3A_201 = arith.constant 1 : i32
      %add3A_202 = arith.addi %mul3A_200, %add3A_201 : i32
      %dma_wait3A_203 = arith.constant 0 : i32
      %dma_wait3A_204 = arith.constant 0 : i32
      %dma_wait3A_205 = arith.constant 0 : i32
      %dma_wait3A_206 = tpu.memref_slice %arg8[%dma_wait3A_203, %dma_wait3A_204, %dma_wait3A_205] : memref<2x128x128xf32, #tpu.memory_space<vmem>> -> memref<1x128x128xf32, #tpu.memory_space<vmem>>
      %dma_wait3A_207 = tpu.memref_squeeze %dma_wait3A_206 : memref<1x128x128xf32, #tpu.memory_space<vmem>> -> memref<128x128xf32, #tpu.memory_space<vmem>>
      %dma_wait3A_208 = arith.constant 0 : i32
      %dma_wait3A_209 = tpu.memref_slice %arg6[%mul3A_200, %dma_wait3A_208] : memref<40x128xi32, #tpu.memory_space<vmem>> -> memref<1x128xi32, #tpu.memory_space<vmem>>
      %dma_wait3A_210 = tpu.memref_squeeze %dma_wait3A_209 : memref<1x128xi32, #tpu.memory_space<vmem>> -> memref<128xi32, #tpu.memory_space<vmem>>
      %dma_wait3A_211 = arith.constant 0 : i32
      %dma_wait3A_212 = arith.constant 0 : i32
      %dma_wait3A_213 = tpu.memref_slice %arg2[%dma_wait3A_211, %dma_wait3A_212] : memref<10240x128xf32, #tpu.memory_space<hbm>> -> memref<10240x128xf32, #tpu.memory_space<hbm>>
      tpu.wait_indirect_dma semaphore(%arg10 : memref<!tpu.dma_semaphore, #tpu.memory_space<semaphore_mem>>) src(%dma_wait3A_213 : memref<10240x128xf32, #tpu.memory_space<hbm>>) dst(%dma_wait3A_207 : memref<128x128xf32, #tpu.memory_space<vmem>>)
      %dma_start3A_214 = arith.constant 1 : i32
      %dma_start3A_215 = arith.constant 0 : i32
      %dma_start3A_216 = arith.constant 0 : i32
      %dma_start3A_217 = tpu.memref_slice %arg8[%dma_start3A_214, %dma_start3A_215, %dma_start3A_216] : memref<2x128x128xf32, #tpu.memory_space<vmem>> -> memref<1x128x128xf32, #tpu.memory_space<vmem>>
      %dma_start3A_218 = tpu.memref_squeeze %dma_start3A_217 : memref<1x128x128xf32, #tpu.memory_space<vmem>> -> memref<128x128xf32, #tpu.memory_space<vmem>>
      %dma_start3A_219 = arith.constant 0 : i32
      %dma_start3A_220 = tpu.memref_slice %arg6[%add3A_202, %dma_start3A_219] : memref<40x128xi32, #tpu.memory_space<vmem>> -> memref<1x128xi32, #tpu.memory_space<vmem>>
      %dma_start3A_221 = tpu.memref_squeeze %dma_start3A_220 : memref<1x128xi32, #tpu.memory_space<vmem>> -> memref<128xi32, #tpu.memory_space<vmem>>
      %dma_start3A_222 = arith.constant 0 : i32
      %dma_start3A_223 = arith.constant 0 : i32
      %dma_start3A_224 = tpu.memref_slice %arg2[%dma_start3A_222, %dma_start3A_223] : memref<10240x128xf32, #tpu.memory_space<hbm>> -> memref<10240x128xf32, #tpu.memory_space<hbm>>
      tpu.enqueue_indirect_dma source(%dma_start3A_224 : memref<10240x128xf32, #tpu.memory_space<hbm>>) target(%dma_start3A_218 : memref<128x128xf32, #tpu.memory_space<vmem>>) offsets(%dma_start3A_221 : memref<128xi32, #tpu.memory_space<vmem>>) semaphore(%arg11 : memref<!tpu.dma_semaphore, #tpu.memory_space<semaphore_mem>>)
      %run_scoped3A = arith.constant 0 : i32
      "tpu.region"() ({
        %run_scoped3A_240 = tpu.sem_alloc : memref<!tpu.dma_semaphore, #tpu.memory_space<semaphore_mem>>
        %dma_start3A_241 = arith.constant 0 : i32
        %dma_start3A_242 = arith.constant 0 : i32
        %dma_start3A_243 = tpu.memref_slice %arg8[%run_scoped3A, %dma_start3A_241, %dma_start3A_242] : memref<2x128x128xf32, #tpu.memory_space<vmem>> -> memref<1x128x128xf32, #tpu.memory_space<vmem>>
        %dma_start3A_244 = tpu.memref_squeeze %dma_start3A_243 : memref<1x128x128xf32, #tpu.memory_space<vmem>> -> memref<128x128xf32, #tpu.memory_space<vmem>>
        %dma_start3A_245 = arith.constant 0 : i32
        %dma_start3A_246 = tpu.memref_slice %arg7[%mul3A_200, %dma_start3A_245] : memref<40x128xi32, #tpu.memory_space<vmem>> -> memref<1x128xi32, #tpu.memory_space<vmem>>
        %dma_start3A_247 = tpu.memref_squeeze %dma_start3A_246 : memref<1x128xi32, #tpu.memory_space<vmem>> -> memref<128xi32, #tpu.memory_space<vmem>>
        %dma_start3A_248 = arith.constant 0 : i32
        %dma_start3A_249 = arith.constant 0 : i32
        %dma_start3A_250 = tpu.memref_slice %arg9[%dma_start3A_248, %dma_start3A_249] : memref<10240x128xf32, #tpu.memory_space<vmem_shared>> -> memref<10240x128xf32, #tpu.memory_space<vmem_shared>>
        tpu.enqueue_indirect_dma source(%dma_start3A_244 : memref<128x128xf32, #tpu.memory_space<vmem>>) target(%dma_start3A_250 : memref<10240x128xf32, #tpu.memory_space<vmem_shared>>) offsets(%dma_start3A_247 : memref<128xi32, #tpu.memory_space<vmem>>) semaphore(%run_scoped3A_240 : memref<!tpu.dma_semaphore, #tpu.memory_space<semaphore_mem>>) {add = true}
        %dma_wait3A_251 = arith.constant 0 : i32
        %dma_wait3A_252 = arith.constant 0 : i32
        %dma_wait3A_253 = tpu.memref_slice %arg8[%run_scoped3A, %dma_wait3A_251, %dma_wait3A_252] : memref<2x128x128xf32, #tpu.memory_space<vmem>> -> memref<1x128x128xf32, #tpu.memory_space<vmem>>
        %dma_wait3A_254 = tpu.memref_squeeze %dma_wait3A_253 : memref<1x128x128xf32, #tpu.memory_space<vmem>> -> memref<128x128xf32, #tpu.memory_space<vmem>>
        %dma_wait3A_255 = arith.constant 0 : i32
        %dma_wait3A_256 = tpu.memref_slice %arg7[%mul3A_200, %dma_wait3A_255] : memref<40x128xi32, #tpu.memory_space<vmem>> -> memref<1x128xi32, #tpu.memory_space<vmem>>
        %dma_wait3A_257 = tpu.memref_squeeze %dma_wait3A_256 : memref<1x128xi32, #tpu.memory_space<vmem>> -> memref<128xi32, #tpu.memory_space<vmem>>
        %dma_wait3A_258 = arith.constant 0 : i32
        %dma_wait3A_259 = arith.constant 0 : i32
        %dma_wait3A_260 = tpu.memref_slice %arg9[%dma_wait3A_258, %dma_wait3A_259] : memref<10240x128xf32, #tpu.memory_space<vmem_shared>> -> memref<10240x128xf32, #tpu.memory_space<vmem_shared>>
        tpu.wait_indirect_dma semaphore(%run_scoped3A_240 : memref<!tpu.dma_semaphore, #tpu.memory_space<semaphore_mem>>) src(%dma_wait3A_254 : memref<128x128xf32, #tpu.memory_space<vmem>>) dst(%dma_wait3A_260 : memref<10240x128xf32, #tpu.memory_space<vmem_shared>>)
        tpu.yield
      }) : () -> ()
      %dma_wait3A_225 = arith.constant 1 : i32
      %dma_wait3A_226 = arith.constant 0 : i32
      %dma_wait3A_227 = arith.constant 0 : i32
      %dma_wait3A_228 = tpu.memref_slice %arg8[%dma_wait3A_225, %dma_wait3A_226, %dma_wait3A_227] : memref<2x128x128xf32, #tpu.memory_space<vmem>> -> memref<1x128x128xf32, #tpu.memory_space<vmem>>
      %dma_wait3A_229 = tpu.memref_squeeze %dma_wait3A_228 : memref<1x128x128xf32, #tpu.memory_space<vmem>> -> memref<128x128xf32, #tpu.memory_space<vmem>>
      %dma_wait3A_230 = arith.constant 0 : i32
      %dma_wait3A_231 = tpu.memref_slice %arg6[%add3A_202, %dma_wait3A_230] : memref<40x128xi32, #tpu.memory_space<vmem>> -> memref<1x128xi32, #tpu.memory_space<vmem>>
      %dma_wait3A_232 = tpu.memref_squeeze %dma_wait3A_231 : memref<1x128xi32, #tpu.memory_space<vmem>> -> memref<128xi32, #tpu.memory_space<vmem>>
      %dma_wait3A_233 = arith.constant 0 : i32
      %dma_wait3A_234 = arith.constant 0 : i32
      %dma_wait3A_235 = tpu.memref_slice %arg2[%dma_wait3A_233, %dma_wait3A_234] : memref<10240x128xf32, #tpu.memory_space<hbm>> -> memref<10240x128xf32, #tpu.memory_space<hbm>>
      tpu.wait_indirect_dma semaphore(%arg11 : memref<!tpu.dma_semaphore, #tpu.memory_space<semaphore_mem>>) src(%dma_wait3A_235 : memref<10240x128xf32, #tpu.memory_space<hbm>>) dst(%dma_wait3A_229 : memref<128x128xf32, #tpu.memory_space<vmem>>)
      %lt3A = arith.constant 19 : i32
      %lt3A_236 = arith.cmpi slt, %scan3A_197, %lt3A : i32
      %convert_element_type3A = arith.extui %lt3A_236 : i1 to i32
      %cond3A = arith.constant 0 : i32
      %cond3A_237 = arith.cmpi ne, %convert_element_type3A, %cond3A : i32
      scf.if %cond3A_237 {
        %add3A_240 = arith.constant 2 : i32
        %add3A_241 = arith.addi %mul3A_200, %add3A_240 : i32
        %dma_start3A_242 = arith.constant 0 : i32
        %dma_start3A_243 = arith.constant 0 : i32
        %dma_start3A_244 = arith.constant 0 : i32
        %dma_start3A_245 = tpu.memref_slice %arg8[%dma_start3A_242, %dma_start3A_243, %dma_start3A_244] : memref<2x128x128xf32, #tpu.memory_space<vmem>> -> memref<1x128x128xf32, #tpu.memory_space<vmem>>
        %dma_start3A_246 = tpu.memref_squeeze %dma_start3A_245 : memref<1x128x128xf32, #tpu.memory_space<vmem>> -> memref<128x128xf32, #tpu.memory_space<vmem>>
        %dma_start3A_247 = arith.constant 0 : i32
        %dma_start3A_248 = tpu.memref_slice %arg6[%add3A_241, %dma_start3A_247] : memref<40x128xi32, #tpu.memory_space<vmem>> -> memref<1x128xi32, #tpu.memory_space<vmem>>
        %dma_start3A_249 = tpu.memref_squeeze %dma_start3A_248 : memref<1x128xi32, #tpu.memory_space<vmem>> -> memref<128xi32, #tpu.memory_space<vmem>>
        %dma_start3A_250 = arith.constant 0 : i32
        %dma_start3A_251 = arith.constant 0 : i32
        %dma_start3A_252 = tpu.memref_slice %arg2[%dma_start3A_250, %dma_start3A_251] : memref<10240x128xf32, #tpu.memory_space<hbm>> -> memref<10240x128xf32, #tpu.memory_space<hbm>>
        tpu.enqueue_indirect_dma source(%dma_start3A_252 : memref<10240x128xf32, #tpu.memory_space<hbm>>) target(%dma_start3A_246 : memref<128x128xf32, #tpu.memory_space<vmem>>) offsets(%dma_start3A_249 : memref<128xi32, #tpu.memory_space<vmem>>) semaphore(%arg10 : memref<!tpu.dma_semaphore, #tpu.memory_space<semaphore_mem>>)
      } else {
      }
      %run_scoped3A_238 = arith.constant 1 : i32
      "tpu.region"() ({
        %run_scoped3A_240 = tpu.sem_alloc : memref<!tpu.dma_semaphore, #tpu.memory_space<semaphore_mem>>
        %dma_start3A_241 = arith.constant 0 : i32
        %dma_start3A_242 = arith.constant 0 : i32
        %dma_start3A_243 = tpu.memref_slice %arg8[%run_scoped3A_238, %dma_start3A_241, %dma_start3A_242] : memref<2x128x128xf32, #tpu.memory_space<vmem>> -> memref<1x128x128xf32, #tpu.memory_space<vmem>>
        %dma_start3A_244 = tpu.memref_squeeze %dma_start3A_243 : memref<1x128x128xf32, #tpu.memory_space<vmem>> -> memref<128x128xf32, #tpu.memory_space<vmem>>
        %dma_start3A_245 = arith.constant 0 : i32
        %dma_start3A_246 = tpu.memref_slice %arg7[%add3A_202, %dma_start3A_245] : memref<40x128xi32, #tpu.memory_space<vmem>> -> memref<1x128xi32, #tpu.memory_space<vmem>>
        %dma_start3A_247 = tpu.memref_squeeze %dma_start3A_246 : memref<1x128xi32, #tpu.memory_space<vmem>> -> memref<128xi32, #tpu.memory_space<vmem>>
        %dma_start3A_248 = arith.constant 0 : i32
        %dma_start3A_249 = arith.constant 0 : i32
        %dma_start3A_250 = tpu.memref_slice %arg9[%dma_start3A_248, %dma_start3A_249] : memref<10240x128xf32, #tpu.memory_space<vmem_shared>> -> memref<10240x128xf32, #tpu.memory_space<vmem_shared>>
        tpu.enqueue_indirect_dma source(%dma_start3A_244 : memref<128x128xf32, #tpu.memory_space<vmem>>) target(%dma_start3A_250 : memref<10240x128xf32, #tpu.memory_space<vmem_shared>>) offsets(%dma_start3A_247 : memref<128xi32, #tpu.memory_space<vmem>>) semaphore(%run_scoped3A_240 : memref<!tpu.dma_semaphore, #tpu.memory_space<semaphore_mem>>) {add = true}
        %dma_wait3A_251 = arith.constant 0 : i32
        %dma_wait3A_252 = arith.constant 0 : i32
        %dma_wait3A_253 = tpu.memref_slice %arg8[%run_scoped3A_238, %dma_wait3A_251, %dma_wait3A_252] : memref<2x128x128xf32, #tpu.memory_space<vmem>> -> memref<1x128x128xf32, #tpu.memory_space<vmem>>
        %dma_wait3A_254 = tpu.memref_squeeze %dma_wait3A_253 : memref<1x128x128xf32, #tpu.memory_space<vmem>> -> memref<128x128xf32, #tpu.memory_space<vmem>>
        %dma_wait3A_255 = arith.constant 0 : i32
        %dma_wait3A_256 = tpu.memref_slice %arg7[%add3A_202, %dma_wait3A_255] : memref<40x128xi32, #tpu.memory_space<vmem>> -> memref<1x128xi32, #tpu.memory_space<vmem>>
        %dma_wait3A_257 = tpu.memref_squeeze %dma_wait3A_256 : memref<1x128xi32, #tpu.memory_space<vmem>> -> memref<128xi32, #tpu.memory_space<vmem>>
        %dma_wait3A_258 = arith.constant 0 : i32
        %dma_wait3A_259 = arith.constant 0 : i32
        %dma_wait3A_260 = tpu.memref_slice %arg9[%dma_wait3A_258, %dma_wait3A_259] : memref<10240x128xf32, #tpu.memory_space<vmem_shared>> -> memref<10240x128xf32, #tpu.memory_space<vmem_shared>>
        tpu.wait_indirect_dma semaphore(%run_scoped3A_240 : memref<!tpu.dma_semaphore, #tpu.memory_space<semaphore_mem>>) src(%dma_wait3A_254 : memref<128x128xf32, #tpu.memory_space<vmem>>) dst(%dma_wait3A_260 : memref<10240x128xf32, #tpu.memory_space<vmem_shared>>)
        tpu.yield
      }) : () -> ()
      %scan3A_239 = arith.constant 0 : i32
      scf.yield %scan3A_239 : i32
    }
    %scan3A_195 = arith.constant 20 : i32
    %barrier3A_196 = arith.constant 0 : index
    tpu.barrier barrier_id(%barrier3A_196)
    "tpu.region"() ({
      %run_scoped3A = tpu.sem_alloc : memref<!tpu.dma_semaphore, #tpu.memory_space<semaphore_mem>>
      %dma_start3A_197 = arith.constant 0 : i32
      %dma_start3A_198 = tpu.memref_slice %arg5[%arg0, %mul3A_11, %dma_start3A_197] : memref<2x10240x128xf32, #tpu.memory_space<hbm>> -> memref<1x640x128xf32, #tpu.memory_space<hbm>>
      %dma_start3A_199 = tpu.memref_squeeze %dma_start3A_198 : memref<1x640x128xf32, #tpu.memory_space<hbm>> -> memref<640x128xf32, #tpu.memory_space<hbm>>
      %dma_start3A_200 = arith.constant 0 : i32
      %dma_start3A_201 = tpu.memref_slice %arg9[%mul3A_11, %dma_start3A_200] : memref<10240x128xf32, #tpu.memory_space<vmem_shared>> -> memref<640x128xf32, #tpu.memory_space<vmem_shared>>
      tpu.enqueue_dma source(%dma_start3A_201 : memref<640x128xf32, #tpu.memory_space<vmem_shared>>) target(%dma_start3A_199 : memref<640x128xf32, #tpu.memory_space<hbm>>) target_semaphore(%run_scoped3A : memref<!tpu.dma_semaphore, #tpu.memory_space<semaphore_mem>>)
      %dma_wait3A_202 = arith.constant 0 : i32
      %dma_wait3A_203 = tpu.memref_slice %arg5[%arg0, %mul3A_11, %dma_wait3A_202] : memref<2x10240x128xf32, #tpu.memory_space<hbm>> -> memref<1x640x128xf32, #tpu.memory_space<hbm>>
      %dma_wait3A_204 = tpu.memref_squeeze %dma_wait3A_203 : memref<1x640x128xf32, #tpu.memory_space<hbm>> -> memref<640x128xf32, #tpu.memory_space<hbm>>
      %dma_wait3A_205 = arith.constant 0 : i32
      %dma_wait3A_206 = tpu.memref_slice %arg9[%mul3A_11, %dma_wait3A_205] : memref<10240x128xf32, #tpu.memory_space<vmem_shared>> -> memref<640x128xf32, #tpu.memory_space<vmem_shared>>
      tpu.wait_dma2 semaphore(%run_scoped3A : memref<!tpu.dma_semaphore, #tpu.memory_space<semaphore_mem>>) src(%dma_wait3A_206 : memref<640x128xf32, #tpu.memory_space<vmem_shared>>) dst(%dma_wait3A_204 : memref<640x128xf32, #tpu.memory_space<hbm>>)
      tpu.yield
    }) : () -> ()
    return
  }
}

#map = affine_map<(d0, d1) -> (0, 0)>
#map1 = affine_map<(d0, d1) -> (0, 0, 0)>
module attributes {stable_mosaic.version = 14 : i64} {
  func.func @_sc_message(%arg0: i32, %arg1: i32, %arg2: memref<10240x128xf32, #tpu.memory_space<hbm>>, %arg3: memref<2560x128xi32, #tpu.memory_space<hbm>>, %arg4: memref<2560x128xi32, #tpu.memory_space<hbm>>, %arg5: memref<2x10240x128xf32, #tpu.memory_space<hbm>>, %arg6: memref<40x128xi32, #tpu.memory_space<vmem>>, %arg7: memref<40x128xi32, #tpu.memory_space<vmem>>, %arg8: memref<2x128x128xf32, #tpu.memory_space<vmem>>, %arg9: memref<10240x128xf32, #tpu.memory_space<vmem_shared>>, %arg10: memref<!tpu.dma_semaphore, #tpu.memory_space<semaphore_mem>>, %arg11: memref<!tpu.dma_semaphore, #tpu.memory_space<semaphore_mem>>) attributes {dimension_semantics = [#tpu.dimension_semantics<core_parallel>, #tpu.dimension_semantics<subcore_parallel>], iteration_bounds = array<i64: 2, 16>, scalar_prefetch = 0 : i64, scratch_operands = 6 : i64, tpu.core_type = #tpu.core_type<sc_vector_subcore>, window_params = [{transform_indices = #map}, {transform_indices = #map}, {transform_indices = #map}, {transform_indices = #map1}]} {
    %mul3A = arith.constant 2 : i32
    %mul3A_0 = arith.muli %arg1, %mul3A : i32
    %add3A = arith.addi %mul3A_0, %arg0 : i32
    %mul3A_1 = arith.constant 80 : i32
    %mul3A_2 = arith.muli %add3A, %mul3A_1 : i32
    %scan3A = arith.constant 0 : i32
    %scan3A_3 = arith.constant 0 : i32
    %scan3A_4 = arith.constant 0 : i32
    %scan3A_5 = arith.constant 128 : i32
    %scan3A_6 = arith.addi %scan3A_4, %scan3A_5 : i32
    %scan3A_7 = arith.constant 1 : i32
    %scan3A_8 = scf.for %scan3A_197 = %scan3A_4 to %scan3A_6 step %scan3A_7 iter_args(%scan3A_198 = %scan3A_3) -> (i32)  : i32 {
      %broadcast_in_dim3A = arith.constant 0.000000e+00 : f32
      %broadcast_in_dim3A_199 = vector.broadcast %broadcast_in_dim3A : f32 to vector<16xf32>
      %swap3A = arith.constant 0 : i32
      %swap3A_200 = arith.constant 0 : i32
      %swap3A_201 = tpu.memref_slice %arg8[%scan3A, %swap3A, %swap3A_200] : memref<2x128x128xf32, #tpu.memory_space<vmem>> -> memref<1x128x128xf32, #tpu.memory_space<vmem>>
      %swap3A_202 = tpu.memref_squeeze %swap3A_201 : memref<1x128x128xf32, #tpu.memory_space<vmem>> -> memref<128x128xf32, #tpu.memory_space<vmem>>
      %swap3A_203 = arith.index_cast %scan3A_197 : i32 to index
      %swap3A_204 = arith.constant 0 : index
      %swap3A_205 = tpu.vector_load %swap3A_202[%swap3A_203, %swap3A_204] {strides = array<i32>} : memref<128x128xf32, #tpu.memory_space<vmem>>, vector<1x16xf32>,
      %swap3A_206 = vector.shape_cast %swap3A_205 : vector<1x16xf32> to vector<16xf32>
      %swap3A_207 = vector.shape_cast %broadcast_in_dim3A_199 : vector<16xf32> to vector<1x16xf32>
      tpu.vector_store %swap3A_202[%swap3A_203, %swap3A_204], %swap3A_207 {strides = array<i32>} : memref<128x128xf32, #tpu.memory_space<vmem>>, vector<1x16xf32>,
      %broadcast_in_dim3A_208 = arith.constant 0.000000e+00 : f32
      %broadcast_in_dim3A_209 = vector.broadcast %broadcast_in_dim3A_208 : f32 to vector<16xf32>
      %swap3A_210 = arith.constant 0 : i32
      %swap3A_211 = arith.constant 0 : i32
      %swap3A_212 = tpu.memref_slice %arg8[%scan3A, %swap3A_210, %swap3A_211] : memref<2x128x128xf32, #tpu.memory_space<vmem>> -> memref<1x128x128xf32, #tpu.memory_space<vmem>>
      %swap3A_213 = tpu.memref_squeeze %swap3A_212 : memref<1x128x128xf32, #tpu.memory_space<vmem>> -> memref<128x128xf32, #tpu.memory_space<vmem>>
      %swap3A_214 = arith.index_cast %scan3A_197 : i32 to index
      %swap3A_215 = arith.constant 16 : index
      %swap3A_216 = tpu.vector_load %swap3A_213[%swap3A_214, %swap3A_215] {strides = array<i32>} : memref<128x128xf32, #tpu.memory_space<vmem>>, vector<1x16xf32>,
      %swap3A_217 = vector.shape_cast %swap3A_216 : vector<1x16xf32> to vector<16xf32>
      %swap3A_218 = vector.shape_cast %broadcast_in_dim3A_209 : vector<16xf32> to vector<1x16xf32>
      tpu.vector_store %swap3A_213[%swap3A_214, %swap3A_215], %swap3A_218 {strides = array<i32>} : memref<128x128xf32, #tpu.memory_space<vmem>>, vector<1x16xf32>,
      %broadcast_in_dim3A_219 = arith.constant 0.000000e+00 : f32
      %broadcast_in_dim3A_220 = vector.broadcast %broadcast_in_dim3A_219 : f32 to vector<16xf32>
      %swap3A_221 = arith.constant 0 : i32
      %swap3A_222 = arith.constant 0 : i32
      %swap3A_223 = tpu.memref_slice %arg8[%scan3A, %swap3A_221, %swap3A_222] : memref<2x128x128xf32, #tpu.memory_space<vmem>> -> memref<1x128x128xf32, #tpu.memory_space<vmem>>
      %swap3A_224 = tpu.memref_squeeze %swap3A_223 : memref<1x128x128xf32, #tpu.memory_space<vmem>> -> memref<128x128xf32, #tpu.memory_space<vmem>>
      %swap3A_225 = arith.index_cast %scan3A_197 : i32 to index
      %swap3A_226 = arith.constant 32 : index
      %swap3A_227 = tpu.vector_load %swap3A_224[%swap3A_225, %swap3A_226] {strides = array<i32>} : memref<128x128xf32, #tpu.memory_space<vmem>>, vector<1x16xf32>,
      %swap3A_228 = vector.shape_cast %swap3A_227 : vector<1x16xf32> to vector<16xf32>
      %swap3A_229 = vector.shape_cast %broadcast_in_dim3A_220 : vector<16xf32> to vector<1x16xf32>
      tpu.vector_store %swap3A_224[%swap3A_225, %swap3A_226], %swap3A_229 {strides = array<i32>} : memref<128x128xf32, #tpu.memory_space<vmem>>, vector<1x16xf32>,
      %broadcast_in_dim3A_230 = arith.constant 0.000000e+00 : f32
      %broadcast_in_dim3A_231 = vector.broadcast %broadcast_in_dim3A_230 : f32 to vector<16xf32>
      %swap3A_232 = arith.constant 0 : i32
      %swap3A_233 = arith.constant 0 : i32
      %swap3A_234 = tpu.memref_slice %arg8[%scan3A, %swap3A_232, %swap3A_233] : memref<2x128x128xf32, #tpu.memory_space<vmem>> -> memref<1x128x128xf32, #tpu.memory_space<vmem>>
      %swap3A_235 = tpu.memref_squeeze %swap3A_234 : memref<1x128x128xf32, #tpu.memory_space<vmem>> -> memref<128x128xf32, #tpu.memory_space<vmem>>
      %swap3A_236 = arith.index_cast %scan3A_197 : i32 to index
      %swap3A_237 = arith.constant 48 : index
      %swap3A_238 = tpu.vector_load %swap3A_235[%swap3A_236, %swap3A_237] {strides = array<i32>} : memref<128x128xf32, #tpu.memory_space<vmem>>, vector<1x16xf32>,
      %swap3A_239 = vector.shape_cast %swap3A_238 : vector<1x16xf32> to vector<16xf32>
      %swap3A_240 = vector.shape_cast %broadcast_in_dim3A_231 : vector<16xf32> to vector<1x16xf32>
      tpu.vector_store %swap3A_235[%swap3A_236, %swap3A_237], %swap3A_240 {strides = array<i32>} : memref<128x128xf32, #tpu.memory_space<vmem>>, vector<1x16xf32>,
      %broadcast_in_dim3A_241 = arith.constant 0.000000e+00 : f32
      %broadcast_in_dim3A_242 = vector.broadcast %broadcast_in_dim3A_241 : f32 to vector<16xf32>
      %swap3A_243 = arith.constant 0 : i32
      %swap3A_244 = arith.constant 0 : i32
      %swap3A_245 = tpu.memref_slice %arg8[%scan3A, %swap3A_243, %swap3A_244] : memref<2x128x128xf32, #tpu.memory_space<vmem>> -> memref<1x128x128xf32, #tpu.memory_space<vmem>>
      %swap3A_246 = tpu.memref_squeeze %swap3A_245 : memref<1x128x128xf32, #tpu.memory_space<vmem>> -> memref<128x128xf32, #tpu.memory_space<vmem>>
      %swap3A_247 = arith.index_cast %scan3A_197 : i32 to index
      %swap3A_248 = arith.constant 64 : index
      %swap3A_249 = tpu.vector_load %swap3A_246[%swap3A_247, %swap3A_248] {strides = array<i32>} : memref<128x128xf32, #tpu.memory_space<vmem>>, vector<1x16xf32>,
      %swap3A_250 = vector.shape_cast %swap3A_249 : vector<1x16xf32> to vector<16xf32>
      %swap3A_251 = vector.shape_cast %broadcast_in_dim3A_242 : vector<16xf32> to vector<1x16xf32>
      tpu.vector_store %swap3A_246[%swap3A_247, %swap3A_248], %swap3A_251 {strides = array<i32>} : memref<128x128xf32, #tpu.memory_space<vmem>>, vector<1x16xf32>,
      %broadcast_in_dim3A_252 = arith.constant 0.000000e+00 : f32
      %broadcast_in_dim3A_253 = vector.broadcast %broadcast_in_dim3A_252 : f32 to vector<16xf32>
      %swap3A_254 = arith.constant 0 : i32
      %swap3A_255 = arith.constant 0 : i32
      %swap3A_256 = tpu.memref_slice %arg8[%scan3A, %swap3A_254, %swap3A_255] : memref<2x128x128xf32, #tpu.memory_space<vmem>> -> memref<1x128x128xf32, #tpu.memory_space<vmem>>
      %swap3A_257 = tpu.memref_squeeze %swap3A_256 : memref<1x128x128xf32, #tpu.memory_space<vmem>> -> memref<128x128xf32, #tpu.memory_space<vmem>>
      %swap3A_258 = arith.index_cast %scan3A_197 : i32 to index
      %swap3A_259 = arith.constant 80 : index
      %swap3A_260 = tpu.vector_load %swap3A_257[%swap3A_258, %swap3A_259] {strides = array<i32>} : memref<128x128xf32, #tpu.memory_space<vmem>>, vector<1x16xf32>,
      %swap3A_261 = vector.shape_cast %swap3A_260 : vector<1x16xf32> to vector<16xf32>
      %swap3A_262 = vector.shape_cast %broadcast_in_dim3A_253 : vector<16xf32> to vector<1x16xf32>
      tpu.vector_store %swap3A_257[%swap3A_258, %swap3A_259], %swap3A_262 {strides = array<i32>} : memref<128x128xf32, #tpu.memory_space<vmem>>, vector<1x16xf32>,
      %broadcast_in_dim3A_263 = arith.constant 0.000000e+00 : f32
      %broadcast_in_dim3A_264 = vector.broadcast %broadcast_in_dim3A_263 : f32 to vector<16xf32>
      %swap3A_265 = arith.constant 0 : i32
      %swap3A_266 = arith.constant 0 : i32
      %swap3A_267 = tpu.memref_slice %arg8[%scan3A, %swap3A_265, %swap3A_266] : memref<2x128x128xf32, #tpu.memory_space<vmem>> -> memref<1x128x128xf32, #tpu.memory_space<vmem>>
      %swap3A_268 = tpu.memref_squeeze %swap3A_267 : memref<1x128x128xf32, #tpu.memory_space<vmem>> -> memref<128x128xf32, #tpu.memory_space<vmem>>
      %swap3A_269 = arith.index_cast %scan3A_197 : i32 to index
      %swap3A_270 = arith.constant 96 : index
      %swap3A_271 = tpu.vector_load %swap3A_268[%swap3A_269, %swap3A_270] {strides = array<i32>} : memref<128x128xf32, #tpu.memory_space<vmem>>, vector<1x16xf32>,
      %swap3A_272 = vector.shape_cast %swap3A_271 : vector<1x16xf32> to vector<16xf32>
      %swap3A_273 = vector.shape_cast %broadcast_in_dim3A_264 : vector<16xf32> to vector<1x16xf32>
      tpu.vector_store %swap3A_268[%swap3A_269, %swap3A_270], %swap3A_273 {strides = array<i32>} : memref<128x128xf32, #tpu.memory_space<vmem>>, vector<1x16xf32>,
      %broadcast_in_dim3A_274 = arith.constant 0.000000e+00 : f32
      %broadcast_in_dim3A_275 = vector.broadcast %broadcast_in_dim3A_274 : f32 to vector<16xf32>
      %swap3A_276 = arith.constant 0 : i32
      %swap3A_277 = arith.constant 0 : i32
      %swap3A_278 = tpu.memref_slice %arg8[%scan3A, %swap3A_276, %swap3A_277] : memref<2x128x128xf32, #tpu.memory_space<vmem>> -> memref<1x128x128xf32, #tpu.memory_space<vmem>>
      %swap3A_279 = tpu.memref_squeeze %swap3A_278 : memref<1x128x128xf32, #tpu.memory_space<vmem>> -> memref<128x128xf32, #tpu.memory_space<vmem>>
      %swap3A_280 = arith.index_cast %scan3A_197 : i32 to index
      %swap3A_281 = arith.constant 112 : index
      %swap3A_282 = tpu.vector_load %swap3A_279[%swap3A_280, %swap3A_281] {strides = array<i32>} : memref<128x128xf32, #tpu.memory_space<vmem>>, vector<1x16xf32>,
      %swap3A_283 = vector.shape_cast %swap3A_282 : vector<1x16xf32> to vector<16xf32>
      %swap3A_284 = vector.shape_cast %broadcast_in_dim3A_275 : vector<16xf32> to vector<1x16xf32>
      tpu.vector_store %swap3A_279[%swap3A_280, %swap3A_281], %swap3A_284 {strides = array<i32>} : memref<128x128xf32, #tpu.memory_space<vmem>>, vector<1x16xf32>,
      %scan3A_285 = arith.constant 0 : i32
      scf.yield %scan3A_285 : i32
    }
    %scan3A_9 = arith.constant 128 : i32
    %mul3A_10 = arith.constant 640 : i32
    %mul3A_11 = arith.muli %arg1, %mul3A_10 : i32
    %add3A_12 = arith.constant 0 : i32
    %add3A_13 = arith.addi %mul3A_11, %add3A_12 : i32
    %dma_start3A = arith.constant 0 : i32
    %dma_start3A_14 = arith.constant 0 : i32
    %dma_start3A_15 = arith.constant 0 : i32
    %dma_start3A_16 = tpu.memref_slice %arg8[%dma_start3A, %dma_start3A_14, %dma_start3A_15] : memref<2x128x128xf32, #tpu.memory_space<vmem>> -> memref<1x128x128xf32, #tpu.memory_space<vmem>>
    %dma_start3A_17 = tpu.memref_squeeze %dma_start3A_16 : memref<1x128x128xf32, #tpu.memory_space<vmem>> -> memref<128x128xf32, #tpu.memory_space<vmem>>
    %dma_start3A_18 = arith.constant 0 : i32
    %dma_start3A_19 = tpu.memref_slice %arg9[%add3A_13, %dma_start3A_18] : memref<10240x128xf32, #tpu.memory_space<vmem_shared>> -> memref<128x128xf32, #tpu.memory_space<vmem_shared>>
    %dma_start3A_20 = arith.constant 0 : i32
    %dma_start3A_21 = tpu.memref_slice %arg9[%add3A_13, %dma_start3A_20] : memref<10240x128xf32, #tpu.memory_space<vmem_shared>> -> memref<128x128xf32, #tpu.memory_space<vmem_shared>>
    %dma_start3A_22 = arith.constant 0 : i32
    %dma_start3A_23 = arith.constant 0 : i32
    %dma_start3A_24 = tpu.memref_slice %arg8[%dma_start3A, %dma_start3A_22, %dma_start3A_23] : memref<2x128x128xf32, #tpu.memory_space<vmem>> -> memref<1x128x128xf32, #tpu.memory_space<vmem>>
    %dma_start3A_25 = tpu.memref_squeeze %dma_start3A_24 : memref<1x128x128xf32, #tpu.memory_space<vmem>> -> memref<128x128xf32, #tpu.memory_space<vmem>>
    tpu.enqueue_dma source(%dma_start3A_25 : memref<128x128xf32, #tpu.memory_space<vmem>>) target(%dma_start3A_21 : memref<128x128xf32, #tpu.memory_space<vmem_shared>>) target_semaphore(%arg10 : memref<!tpu.dma_semaphore, #tpu.memory_space<semaphore_mem>>)
    %add3A_26 = arith.constant 128 : i32
    %add3A_27 = arith.addi %mul3A_11, %add3A_26 : i32
    %dma_start3A_28 = arith.constant 0 : i32
    %dma_start3A_29 = arith.constant 0 : i32
    %dma_start3A_30 = arith.constant 0 : i32
    %dma_start3A_31 = tpu.memref_slice %arg8[%dma_start3A_28, %dma_start3A_29, %dma_start3A_30] : memref<2x128x128xf32, #tpu.memory_space<vmem>> -> memref<1x128x128xf32, #tpu.memory_space<vmem>>
    %dma_start3A_32 = tpu.memref_squeeze %dma_start3A_31 : memref<1x128x128xf32, #tpu.memory_space<vmem>> -> memref<128x128xf32, #tpu.memory_space<vmem>>
    %dma_start3A_33 = arith.constant 0 : i32
    %dma_start3A_34 = tpu.memref_slice %arg9[%add3A_27, %dma_start3A_33] : memref<10240x128xf32, #tpu.memory_space<vmem_shared>> -> memref<128x128xf32, #tpu.memory_space<vmem_shared>>
    %dma_start3A_35 = arith.constant 0 : i32
    %dma_start3A_36 = tpu.memref_slice %arg9[%add3A_27, %dma_start3A_35] : memref<10240x128xf32, #tpu.memory_space<vmem_shared>> -> memref<128x128xf32, #tpu.memory_space<vmem_shared>>
    %dma_start3A_37 = arith.constant 0 : i32
    %dma_start3A_38 = arith.constant 0 : i32
    %dma_start3A_39 = tpu.memref_slice %arg8[%dma_start3A_28, %dma_start3A_37, %dma_start3A_38] : memref<2x128x128xf32, #tpu.memory_space<vmem>> -> memref<1x128x128xf32, #tpu.memory_space<vmem>>
    %dma_start3A_40 = tpu.memref_squeeze %dma_start3A_39 : memref<1x128x128xf32, #tpu.memory_space<vmem>> -> memref<128x128xf32, #tpu.memory_space<vmem>>
    tpu.enqueue_dma source(%dma_start3A_40 : memref<128x128xf32, #tpu.memory_space<vmem>>) target(%dma_start3A_36 : memref<128x128xf32, #tpu.memory_space<vmem_shared>>) target_semaphore(%arg10 : memref<!tpu.dma_semaphore, #tpu.memory_space<semaphore_mem>>)
    %add3A_41 = arith.constant 256 : i32
    %add3A_42 = arith.addi %mul3A_11, %add3A_41 : i32
    %dma_start3A_43 = arith.constant 0 : i32
    %dma_start3A_44 = arith.constant 0 : i32
    %dma_start3A_45 = arith.constant 0 : i32
    %dma_start3A_46 = tpu.memref_slice %arg8[%dma_start3A_43, %dma_start3A_44, %dma_start3A_45] : memref<2x128x128xf32, #tpu.memory_space<vmem>> -> memref<1x128x128xf32, #tpu.memory_space<vmem>>
    %dma_start3A_47 = tpu.memref_squeeze %dma_start3A_46 : memref<1x128x128xf32, #tpu.memory_space<vmem>> -> memref<128x128xf32, #tpu.memory_space<vmem>>
    %dma_start3A_48 = arith.constant 0 : i32
    %dma_start3A_49 = tpu.memref_slice %arg9[%add3A_42, %dma_start3A_48] : memref<10240x128xf32, #tpu.memory_space<vmem_shared>> -> memref<128x128xf32, #tpu.memory_space<vmem_shared>>
    %dma_start3A_50 = arith.constant 0 : i32
    %dma_start3A_51 = tpu.memref_slice %arg9[%add3A_42, %dma_start3A_50] : memref<10240x128xf32, #tpu.memory_space<vmem_shared>> -> memref<128x128xf32, #tpu.memory_space<vmem_shared>>
    %dma_start3A_52 = arith.constant 0 : i32
    %dma_start3A_53 = arith.constant 0 : i32
    %dma_start3A_54 = tpu.memref_slice %arg8[%dma_start3A_43, %dma_start3A_52, %dma_start3A_53] : memref<2x128x128xf32, #tpu.memory_space<vmem>> -> memref<1x128x128xf32, #tpu.memory_space<vmem>>
    %dma_start3A_55 = tpu.memref_squeeze %dma_start3A_54 : memref<1x128x128xf32, #tpu.memory_space<vmem>> -> memref<128x128xf32, #tpu.memory_space<vmem>>
    tpu.enqueue_dma source(%dma_start3A_55 : memref<128x128xf32, #tpu.memory_space<vmem>>) target(%dma_start3A_51 : memref<128x128xf32, #tpu.memory_space<vmem_shared>>) target_semaphore(%arg10 : memref<!tpu.dma_semaphore, #tpu.memory_space<semaphore_mem>>)
    %add3A_56 = arith.constant 384 : i32
    %add3A_57 = arith.addi %mul3A_11, %add3A_56 : i32
    %dma_start3A_58 = arith.constant 0 : i32
    %dma_start3A_59 = arith.constant 0 : i32
    %dma_start3A_60 = arith.constant 0 : i32
    %dma_start3A_61 = tpu.memref_slice %arg8[%dma_start3A_58, %dma_start3A_59, %dma_start3A_60] : memref<2x128x128xf32, #tpu.memory_space<vmem>> -> memref<1x128x128xf32, #tpu.memory_space<vmem>>
    %dma_start3A_62 = tpu.memref_squeeze %dma_start3A_61 : memref<1x128x128xf32, #tpu.memory_space<vmem>> -> memref<128x128xf32, #tpu.memory_space<vmem>>
    %dma_start3A_63 = arith.constant 0 : i32
    %dma_start3A_64 = tpu.memref_slice %arg9[%add3A_57, %dma_start3A_63] : memref<10240x128xf32, #tpu.memory_space<vmem_shared>> -> memref<128x128xf32, #tpu.memory_space<vmem_shared>>
    %dma_start3A_65 = arith.constant 0 : i32
    %dma_start3A_66 = tpu.memref_slice %arg9[%add3A_57, %dma_start3A_65] : memref<10240x128xf32, #tpu.memory_space<vmem_shared>> -> memref<128x128xf32, #tpu.memory_space<vmem_shared>>
    %dma_start3A_67 = arith.constant 0 : i32
    %dma_start3A_68 = arith.constant 0 : i32
    %dma_start3A_69 = tpu.memref_slice %arg8[%dma_start3A_58, %dma_start3A_67, %dma_start3A_68] : memref<2x128x128xf32, #tpu.memory_space<vmem>> -> memref<1x128x128xf32, #tpu.memory_space<vmem>>
    %dma_start3A_70 = tpu.memref_squeeze %dma_start3A_69 : memref<1x128x128xf32, #tpu.memory_space<vmem>> -> memref<128x128xf32, #tpu.memory_space<vmem>>
    tpu.enqueue_dma source(%dma_start3A_70 : memref<128x128xf32, #tpu.memory_space<vmem>>) target(%dma_start3A_66 : memref<128x128xf32, #tpu.memory_space<vmem_shared>>) target_semaphore(%arg10 : memref<!tpu.dma_semaphore, #tpu.memory_space<semaphore_mem>>)
    %add3A_71 = arith.constant 512 : i32
    %add3A_72 = arith.addi %mul3A_11, %add3A_71 : i32
    %dma_start3A_73 = arith.constant 0 : i32
    %dma_start3A_74 = arith.constant 0 : i32
    %dma_start3A_75 = arith.constant 0 : i32
    %dma_start3A_76 = tpu.memref_slice %arg8[%dma_start3A_73, %dma_start3A_74, %dma_start3A_75] : memref<2x128x128xf32, #tpu.memory_space<vmem>> -> memref<1x128x128xf32, #tpu.memory_space<vmem>>
    %dma_start3A_77 = tpu.memref_squeeze %dma_start3A_76 : memref<1x128x128xf32, #tpu.memory_space<vmem>> -> memref<128x128xf32, #tpu.memory_space<vmem>>
    %dma_start3A_78 = arith.constant 0 : i32
    %dma_start3A_79 = tpu.memref_slice %arg9[%add3A_72, %dma_start3A_78] : memref<10240x128xf32, #tpu.memory_space<vmem_shared>> -> memref<128x128xf32, #tpu.memory_space<vmem_shared>>
    %dma_start3A_80 = arith.constant 0 : i32
    %dma_start3A_81 = tpu.memref_slice %arg9[%add3A_72, %dma_start3A_80] : memref<10240x128xf32, #tpu.memory_space<vmem_shared>> -> memref<128x128xf32, #tpu.memory_space<vmem_shared>>
    %dma_start3A_82 = arith.constant 0 : i32
    %dma_start3A_83 = arith.constant 0 : i32
    %dma_start3A_84 = tpu.memref_slice %arg8[%dma_start3A_73, %dma_start3A_82, %dma_start3A_83] : memref<2x128x128xf32, #tpu.memory_space<vmem>> -> memref<1x128x128xf32, #tpu.memory_space<vmem>>
    %dma_start3A_85 = tpu.memref_squeeze %dma_start3A_84 : memref<1x128x128xf32, #tpu.memory_space<vmem>> -> memref<128x128xf32, #tpu.memory_space<vmem>>
    tpu.enqueue_dma source(%dma_start3A_85 : memref<128x128xf32, #tpu.memory_space<vmem>>) target(%dma_start3A_81 : memref<128x128xf32, #tpu.memory_space<vmem_shared>>) target_semaphore(%arg10 : memref<!tpu.dma_semaphore, #tpu.memory_space<semaphore_mem>>)
    %dma_wait3A = arith.constant 0 : i32
    %dma_wait3A_86 = arith.constant 0 : i32
    %dma_wait3A_87 = arith.constant 0 : i32
    %dma_wait3A_88 = tpu.memref_slice %arg8[%dma_wait3A, %dma_wait3A_86, %dma_wait3A_87] : memref<2x128x128xf32, #tpu.memory_space<vmem>> -> memref<1x128x128xf32, #tpu.memory_space<vmem>>
    %dma_wait3A_89 = tpu.memref_squeeze %dma_wait3A_88 : memref<1x128x128xf32, #tpu.memory_space<vmem>> -> memref<128x128xf32, #tpu.memory_space<vmem>>
    %dma_wait3A_90 = arith.constant 0 : i32
    %dma_wait3A_91 = tpu.memref_slice %arg9[%mul3A_11, %dma_wait3A_90] : memref<10240x128xf32, #tpu.memory_space<vmem_shared>> -> memref<128x128xf32, #tpu.memory_space<vmem_shared>>
    %dma_wait3A_92 = arith.constant 0 : i32
    %dma_wait3A_93 = tpu.memref_slice %arg9[%mul3A_11, %dma_wait3A_92] : memref<10240x128xf32, #tpu.memory_space<vmem_shared>> -> memref<128x128xf32, #tpu.memory_space<vmem_shared>>
    %dma_wait3A_94 = arith.constant 0 : i32
    %dma_wait3A_95 = arith.constant 0 : i32
    %dma_wait3A_96 = tpu.memref_slice %arg8[%dma_wait3A, %dma_wait3A_94, %dma_wait3A_95] : memref<2x128x128xf32, #tpu.memory_space<vmem>> -> memref<1x128x128xf32, #tpu.memory_space<vmem>>
    %dma_wait3A_97 = tpu.memref_squeeze %dma_wait3A_96 : memref<1x128x128xf32, #tpu.memory_space<vmem>> -> memref<128x128xf32, #tpu.memory_space<vmem>>
    tpu.wait_dma2 semaphore(%arg10 : memref<!tpu.dma_semaphore, #tpu.memory_space<semaphore_mem>>) src(%dma_wait3A_97 : memref<128x128xf32, #tpu.memory_space<vmem>>) dst(%dma_wait3A_93 : memref<128x128xf32, #tpu.memory_space<vmem_shared>>)
    %dma_wait3A_98 = arith.constant 0 : i32
    %dma_wait3A_99 = arith.constant 0 : i32
    %dma_wait3A_100 = arith.constant 0 : i32
    %dma_wait3A_101 = tpu.memref_slice %arg8[%dma_wait3A_98, %dma_wait3A_99, %dma_wait3A_100] : memref<2x128x128xf32, #tpu.memory_space<vmem>> -> memref<1x128x128xf32, #tpu.memory_space<vmem>>
    %dma_wait3A_102 = tpu.memref_squeeze %dma_wait3A_101 : memref<1x128x128xf32, #tpu.memory_space<vmem>> -> memref<128x128xf32, #tpu.memory_space<vmem>>
    %dma_wait3A_103 = arith.constant 0 : i32
    %dma_wait3A_104 = tpu.memref_slice %arg9[%mul3A_11, %dma_wait3A_103] : memref<10240x128xf32, #tpu.memory_space<vmem_shared>> -> memref<128x128xf32, #tpu.memory_space<vmem_shared>>
    %dma_wait3A_105 = arith.constant 0 : i32
    %dma_wait3A_106 = tpu.memref_slice %arg9[%mul3A_11, %dma_wait3A_105] : memref<10240x128xf32, #tpu.memory_space<vmem_shared>> -> memref<128x128xf32, #tpu.memory_space<vmem_shared>>
    %dma_wait3A_107 = arith.constant 0 : i32
    %dma_wait3A_108 = arith.constant 0 : i32
    %dma_wait3A_109 = tpu.memref_slice %arg8[%dma_wait3A_98, %dma_wait3A_107, %dma_wait3A_108] : memref<2x128x128xf32, #tpu.memory_space<vmem>> -> memref<1x128x128xf32, #tpu.memory_space<vmem>>
    %dma_wait3A_110 = tpu.memref_squeeze %dma_wait3A_109 : memref<1x128x128xf32, #tpu.memory_space<vmem>> -> memref<128x128xf32, #tpu.memory_space<vmem>>
    tpu.wait_dma2 semaphore(%arg10 : memref<!tpu.dma_semaphore, #tpu.memory_space<semaphore_mem>>) src(%dma_wait3A_110 : memref<128x128xf32, #tpu.memory_space<vmem>>) dst(%dma_wait3A_106 : memref<128x128xf32, #tpu.memory_space<vmem_shared>>)
    %dma_wait3A_111 = arith.constant 0 : i32
    %dma_wait3A_112 = arith.constant 0 : i32
    %dma_wait3A_113 = arith.constant 0 : i32
    %dma_wait3A_114 = tpu.memref_slice %arg8[%dma_wait3A_111, %dma_wait3A_112, %dma_wait3A_113] : memref<2x128x128xf32, #tpu.memory_space<vmem>> -> memref<1x128x128xf32, #tpu.memory_space<vmem>>
    %dma_wait3A_115 = tpu.memref_squeeze %dma_wait3A_114 : memref<1x128x128xf32, #tpu.memory_space<vmem>> -> memref<128x128xf32, #tpu.memory_space<vmem>>
    %dma_wait3A_116 = arith.constant 0 : i32
    %dma_wait3A_117 = tpu.memref_slice %arg9[%mul3A_11, %dma_wait3A_116] : memref<10240x128xf32, #tpu.memory_space<vmem_shared>> -> memref<128x128xf32, #tpu.memory_space<vmem_shared>>
    %dma_wait3A_118 = arith.constant 0 : i32
    %dma_wait3A_119 = tpu.memref_slice %arg9[%mul3A_11, %dma_wait3A_118] : memref<10240x128xf32, #tpu.memory_space<vmem_shared>> -> memref<128x128xf32, #tpu.memory_space<vmem_shared>>
    %dma_wait3A_120 = arith.constant 0 : i32
    %dma_wait3A_121 = arith.constant 0 : i32
    %dma_wait3A_122 = tpu.memref_slice %arg8[%dma_wait3A_111, %dma_wait3A_120, %dma_wait3A_121] : memref<2x128x128xf32, #tpu.memory_space<vmem>> -> memref<1x128x128xf32, #tpu.memory_space<vmem>>
    %dma_wait3A_123 = tpu.memref_squeeze %dma_wait3A_122 : memref<1x128x128xf32, #tpu.memory_space<vmem>> -> memref<128x128xf32, #tpu.memory_space<vmem>>
    tpu.wait_dma2 semaphore(%arg10 : memref<!tpu.dma_semaphore, #tpu.memory_space<semaphore_mem>>) src(%dma_wait3A_123 : memref<128x128xf32, #tpu.memory_space<vmem>>) dst(%dma_wait3A_119 : memref<128x128xf32, #tpu.memory_space<vmem_shared>>)
    %dma_wait3A_124 = arith.constant 0 : i32
    %dma_wait3A_125 = arith.constant 0 : i32
    %dma_wait3A_126 = arith.constant 0 : i32
    %dma_wait3A_127 = tpu.memref_slice %arg8[%dma_wait3A_124, %dma_wait3A_125, %dma_wait3A_126] : memref<2x128x128xf32, #tpu.memory_space<vmem>> -> memref<1x128x128xf32, #tpu.memory_space<vmem>>
    %dma_wait3A_128 = tpu.memref_squeeze %dma_wait3A_127 : memref<1x128x128xf32, #tpu.memory_space<vmem>> -> memref<128x128xf32, #tpu.memory_space<vmem>>
    %dma_wait3A_129 = arith.constant 0 : i32
    %dma_wait3A_130 = tpu.memref_slice %arg9[%mul3A_11, %dma_wait3A_129] : memref<10240x128xf32, #tpu.memory_space<vmem_shared>> -> memref<128x128xf32, #tpu.memory_space<vmem_shared>>
    %dma_wait3A_131 = arith.constant 0 : i32
    %dma_wait3A_132 = tpu.memref_slice %arg9[%mul3A_11, %dma_wait3A_131] : memref<10240x128xf32, #tpu.memory_space<vmem_shared>> -> memref<128x128xf32, #tpu.memory_space<vmem_shared>>
    %dma_wait3A_133 = arith.constant 0 : i32
    %dma_wait3A_134 = arith.constant 0 : i32
    %dma_wait3A_135 = tpu.memref_slice %arg8[%dma_wait3A_124, %dma_wait3A_133, %dma_wait3A_134] : memref<2x128x128xf32, #tpu.memory_space<vmem>> -> memref<1x128x128xf32, #tpu.memory_space<vmem>>
    %dma_wait3A_136 = tpu.memref_squeeze %dma_wait3A_135 : memref<1x128x128xf32, #tpu.memory_space<vmem>> -> memref<128x128xf32, #tpu.memory_space<vmem>>
    tpu.wait_dma2 semaphore(%arg10 : memref<!tpu.dma_semaphore, #tpu.memory_space<semaphore_mem>>) src(%dma_wait3A_136 : memref<128x128xf32, #tpu.memory_space<vmem>>) dst(%dma_wait3A_132 : memref<128x128xf32, #tpu.memory_space<vmem_shared>>)
    %dma_wait3A_137 = arith.constant 0 : i32
    %dma_wait3A_138 = arith.constant 0 : i32
    %dma_wait3A_139 = arith.constant 0 : i32
    %dma_wait3A_140 = tpu.memref_slice %arg8[%dma_wait3A_137, %dma_wait3A_138, %dma_wait3A_139] : memref<2x128x128xf32, #tpu.memory_space<vmem>> -> memref<1x128x128xf32, #tpu.memory_space<vmem>>
    %dma_wait3A_141 = tpu.memref_squeeze %dma_wait3A_140 : memref<1x128x128xf32, #tpu.memory_space<vmem>> -> memref<128x128xf32, #tpu.memory_space<vmem>>
    %dma_wait3A_142 = arith.constant 0 : i32
    %dma_wait3A_143 = tpu.memref_slice %arg9[%mul3A_11, %dma_wait3A_142] : memref<10240x128xf32, #tpu.memory_space<vmem_shared>> -> memref<128x128xf32, #tpu.memory_space<vmem_shared>>
    %dma_wait3A_144 = arith.constant 0 : i32
    %dma_wait3A_145 = tpu.memref_slice %arg9[%mul3A_11, %dma_wait3A_144] : memref<10240x128xf32, #tpu.memory_space<vmem_shared>> -> memref<128x128xf32, #tpu.memory_space<vmem_shared>>
    %dma_wait3A_146 = arith.constant 0 : i32
    %dma_wait3A_147 = arith.constant 0 : i32
    %dma_wait3A_148 = tpu.memref_slice %arg8[%dma_wait3A_137, %dma_wait3A_146, %dma_wait3A_147] : memref<2x128x128xf32, #tpu.memory_space<vmem>> -> memref<1x128x128xf32, #tpu.memory_space<vmem>>
    %dma_wait3A_149 = tpu.memref_squeeze %dma_wait3A_148 : memref<1x128x128xf32, #tpu.memory_space<vmem>> -> memref<128x128xf32, #tpu.memory_space<vmem>>
    tpu.wait_dma2 semaphore(%arg10 : memref<!tpu.dma_semaphore, #tpu.memory_space<semaphore_mem>>) src(%dma_wait3A_149 : memref<128x128xf32, #tpu.memory_space<vmem>>) dst(%dma_wait3A_145 : memref<128x128xf32, #tpu.memory_space<vmem_shared>>)
    %barrier3A = arith.constant 0 : index
    tpu.barrier barrier_id(%barrier3A)
    %add3A_150 = arith.constant 0 : i32
    %add3A_151 = arith.addi %mul3A_2, %add3A_150 : i32
    "tpu.region"() ({
      %run_scoped3A = tpu.sem_alloc : memref<!tpu.dma_semaphore, #tpu.memory_space<semaphore_mem>>
      %dma_start3A_197 = arith.constant 0 : i32
      %dma_start3A_198 = tpu.memref_slice %arg3[%add3A_151, %dma_start3A_197] : memref<2560x128xi32, #tpu.memory_space<hbm>> -> memref<40x128xi32, #tpu.memory_space<hbm>>
      %dma_start3A_199 = arith.constant 0 : i32
      %dma_start3A_200 = tpu.memref_slice %arg3[%add3A_151, %dma_start3A_199] : memref<2560x128xi32, #tpu.memory_space<hbm>> -> memref<40x128xi32, #tpu.memory_space<hbm>>
      tpu.enqueue_dma source(%dma_start3A_200 : memref<40x128xi32, #tpu.memory_space<hbm>>) target(%arg6 : memref<40x128xi32, #tpu.memory_space<vmem>>) target_semaphore(%run_scoped3A : memref<!tpu.dma_semaphore, #tpu.memory_space<semaphore_mem>>)
      %dma_wait3A_201 = arith.constant 0 : i32
      %dma_wait3A_202 = tpu.memref_slice %arg3[%add3A_151, %dma_wait3A_201] : memref<2560x128xi32, #tpu.memory_space<hbm>> -> memref<40x128xi32, #tpu.memory_space<hbm>>
      %dma_wait3A_203 = arith.constant 0 : i32
      %dma_wait3A_204 = tpu.memref_slice %arg3[%add3A_151, %dma_wait3A_203] : memref<2560x128xi32, #tpu.memory_space<hbm>> -> memref<40x128xi32, #tpu.memory_space<hbm>>
      tpu.wait_dma2 semaphore(%run_scoped3A : memref<!tpu.dma_semaphore, #tpu.memory_space<semaphore_mem>>) src(%dma_wait3A_204 : memref<40x128xi32, #tpu.memory_space<hbm>>) dst(%arg6 : memref<40x128xi32, #tpu.memory_space<vmem>>)
      tpu.yield
    }) : () -> ()
    %add3A_152 = arith.constant 0 : i32
    %add3A_153 = arith.addi %mul3A_2, %add3A_152 : i32
    "tpu.region"() ({
      %run_scoped3A = tpu.sem_alloc : memref<!tpu.dma_semaphore, #tpu.memory_space<semaphore_mem>>
      %dma_start3A_197 = arith.constant 0 : i32
      %dma_start3A_198 = tpu.memref_slice %arg4[%add3A_153, %dma_start3A_197] : memref<2560x128xi32, #tpu.memory_space<hbm>> -> memref<40x128xi32, #tpu.memory_space<hbm>>
      %dma_start3A_199 = arith.constant 0 : i32
      %dma_start3A_200 = tpu.memref_slice %arg4[%add3A_153, %dma_start3A_199] : memref<2560x128xi32, #tpu.memory_space<hbm>> -> memref<40x128xi32, #tpu.memory_space<hbm>>
      tpu.enqueue_dma source(%dma_start3A_200 : memref<40x128xi32, #tpu.memory_space<hbm>>) target(%arg7 : memref<40x128xi32, #tpu.memory_space<vmem>>) target_semaphore(%run_scoped3A : memref<!tpu.dma_semaphore, #tpu.memory_space<semaphore_mem>>)
      %dma_wait3A_201 = arith.constant 0 : i32
      %dma_wait3A_202 = tpu.memref_slice %arg4[%add3A_153, %dma_wait3A_201] : memref<2560x128xi32, #tpu.memory_space<hbm>> -> memref<40x128xi32, #tpu.memory_space<hbm>>
      %dma_wait3A_203 = arith.constant 0 : i32
      %dma_wait3A_204 = tpu.memref_slice %arg4[%add3A_153, %dma_wait3A_203] : memref<2560x128xi32, #tpu.memory_space<hbm>> -> memref<40x128xi32, #tpu.memory_space<hbm>>
      tpu.wait_dma2 semaphore(%run_scoped3A : memref<!tpu.dma_semaphore, #tpu.memory_space<semaphore_mem>>) src(%dma_wait3A_204 : memref<40x128xi32, #tpu.memory_space<hbm>>) dst(%arg7 : memref<40x128xi32, #tpu.memory_space<vmem>>)
      tpu.yield
    }) : () -> ()
    %dma_start3A_154 = arith.constant 0 : i32
    %dma_start3A_155 = arith.constant 0 : i32
    %dma_start3A_156 = arith.constant 0 : i32
    %dma_start3A_157 = arith.constant 0 : i32
    %dma_start3A_158 = tpu.memref_slice %arg8[%dma_start3A_155, %dma_start3A_156, %dma_start3A_157] : memref<2x128x128xf32, #tpu.memory_space<vmem>> -> memref<1x128x128xf32, #tpu.memory_space<vmem>>
    %dma_start3A_159 = tpu.memref_squeeze %dma_start3A_158 : memref<1x128x128xf32, #tpu.memory_space<vmem>> -> memref<128x128xf32, #tpu.memory_space<vmem>>
    %dma_start3A_160 = arith.constant 0 : i32
    %dma_start3A_161 = tpu.memref_slice %arg6[%dma_start3A_154, %dma_start3A_160] : memref<40x128xi32, #tpu.memory_space<vmem>> -> memref<1x128xi32, #tpu.memory_space<vmem>>
    %dma_start3A_162 = tpu.memref_squeeze %dma_start3A_161 : memref<1x128xi32, #tpu.memory_space<vmem>> -> memref<128xi32, #tpu.memory_space<vmem>>
    %dma_start3A_163 = arith.constant 0 : i32
    %dma_start3A_164 = arith.constant 0 : i32
    %dma_start3A_165 = tpu.memref_slice %arg2[%dma_start3A_163, %dma_start3A_164] : memref<10240x128xf32, #tpu.memory_space<hbm>> -> memref<10240x128xf32, #tpu.memory_space<hbm>>
    tpu.enqueue_indirect_dma source(%dma_start3A_165 : memref<10240x128xf32, #tpu.memory_space<hbm>>) target(%dma_start3A_159 : memref<128x128xf32, #tpu.memory_space<vmem>>) offsets(%dma_start3A_162 : memref<128xi32, #tpu.memory_space<vmem>>) semaphore(%arg10 : memref<!tpu.dma_semaphore, #tpu.memory_space<semaphore_mem>>)
    %scan3A_166 = arith.constant 0 : i32
    %scan3A_167 = arith.constant 0 : i32
    %scan3A_168 = arith.constant 20 : i32
    %scan3A_169 = arith.addi %scan3A_167, %scan3A_168 : i32
    %scan3A_170 = arith.constant 1 : i32
    %scan3A_171 = scf.for %scan3A_197 = %scan3A_167 to %scan3A_169 step %scan3A_170 iter_args(%scan3A_198 = %scan3A_166) -> (i32)  : i32 {
      %mul3A_199 = arith.constant 2 : i32
      %mul3A_200 = arith.muli %mul3A_199, %scan3A_197 : i32
      %add3A_201 = arith.constant 1 : i32
      %add3A_202 = arith.addi %mul3A_200, %add3A_201 : i32
      %dma_wait3A_203 = arith.constant 0 : i32
      %dma_wait3A_204 = arith.constant 0 : i32
      %dma_wait3A_205 = arith.constant 0 : i32
      %dma_wait3A_206 = tpu.memref_slice %arg8[%dma_wait3A_203, %dma_wait3A_204, %dma_wait3A_205] : memref<2x128x128xf32, #tpu.memory_space<vmem>> -> memref<1x128x128xf32, #tpu.memory_space<vmem>>
      %dma_wait3A_207 = tpu.memref_squeeze %dma_wait3A_206 : memref<1x128x128xf32, #tpu.memory_space<vmem>> -> memref<128x128xf32, #tpu.memory_space<vmem>>
      %dma_wait3A_208 = arith.constant 0 : i32
      %dma_wait3A_209 = tpu.memref_slice %arg6[%mul3A_200, %dma_wait3A_208] : memref<40x128xi32, #tpu.memory_space<vmem>> -> memref<1x128xi32, #tpu.memory_space<vmem>>
      %dma_wait3A_210 = tpu.memref_squeeze %dma_wait3A_209 : memref<1x128xi32, #tpu.memory_space<vmem>> -> memref<128xi32, #tpu.memory_space<vmem>>
      %dma_wait3A_211 = arith.constant 0 : i32
      %dma_wait3A_212 = arith.constant 0 : i32
      %dma_wait3A_213 = tpu.memref_slice %arg2[%dma_wait3A_211, %dma_wait3A_212] : memref<10240x128xf32, #tpu.memory_space<hbm>> -> memref<10240x128xf32, #tpu.memory_space<hbm>>
      tpu.wait_indirect_dma semaphore(%arg10 : memref<!tpu.dma_semaphore, #tpu.memory_space<semaphore_mem>>) src(%dma_wait3A_213 : memref<10240x128xf32, #tpu.memory_space<hbm>>) dst(%dma_wait3A_207 : memref<128x128xf32, #tpu.memory_space<vmem>>)
      %dma_start3A_214 = arith.constant 1 : i32
      %dma_start3A_215 = arith.constant 0 : i32
      %dma_start3A_216 = arith.constant 0 : i32
      %dma_start3A_217 = tpu.memref_slice %arg8[%dma_start3A_214, %dma_start3A_215, %dma_start3A_216] : memref<2x128x128xf32, #tpu.memory_space<vmem>> -> memref<1x128x128xf32, #tpu.memory_space<vmem>>
      %dma_start3A_218 = tpu.memref_squeeze %dma_start3A_217 : memref<1x128x128xf32, #tpu.memory_space<vmem>> -> memref<128x128xf32, #tpu.memory_space<vmem>>
      %dma_start3A_219 = arith.constant 0 : i32
      %dma_start3A_220 = tpu.memref_slice %arg6[%add3A_202, %dma_start3A_219] : memref<40x128xi32, #tpu.memory_space<vmem>> -> memref<1x128xi32, #tpu.memory_space<vmem>>
      %dma_start3A_221 = tpu.memref_squeeze %dma_start3A_220 : memref<1x128xi32, #tpu.memory_space<vmem>> -> memref<128xi32, #tpu.memory_space<vmem>>
      %dma_start3A_222 = arith.constant 0 : i32
      %dma_start3A_223 = arith.constant 0 : i32
      %dma_start3A_224 = tpu.memref_slice %arg2[%dma_start3A_222, %dma_start3A_223] : memref<10240x128xf32, #tpu.memory_space<hbm>> -> memref<10240x128xf32, #tpu.memory_space<hbm>>
      tpu.enqueue_indirect_dma source(%dma_start3A_224 : memref<10240x128xf32, #tpu.memory_space<hbm>>) target(%dma_start3A_218 : memref<128x128xf32, #tpu.memory_space<vmem>>) offsets(%dma_start3A_221 : memref<128xi32, #tpu.memory_space<vmem>>) semaphore(%arg11 : memref<!tpu.dma_semaphore, #tpu.memory_space<semaphore_mem>>)
      %run_scoped3A = arith.constant 0 : i32
      "tpu.region"() ({
        %run_scoped3A_240 = tpu.sem_alloc : memref<!tpu.dma_semaphore, #tpu.memory_space<semaphore_mem>>
        %dma_start3A_241 = arith.constant 0 : i32
        %dma_start3A_242 = arith.constant 0 : i32
        %dma_start3A_243 = tpu.memref_slice %arg8[%run_scoped3A, %dma_start3A_241, %dma_start3A_242] : memref<2x128x128xf32, #tpu.memory_space<vmem>> -> memref<1x128x128xf32, #tpu.memory_space<vmem>>
        %dma_start3A_244 = tpu.memref_squeeze %dma_start3A_243 : memref<1x128x128xf32, #tpu.memory_space<vmem>> -> memref<128x128xf32, #tpu.memory_space<vmem>>
        %dma_start3A_245 = arith.constant 0 : i32
        %dma_start3A_246 = tpu.memref_slice %arg7[%mul3A_200, %dma_start3A_245] : memref<40x128xi32, #tpu.memory_space<vmem>> -> memref<1x128xi32, #tpu.memory_space<vmem>>
        %dma_start3A_247 = tpu.memref_squeeze %dma_start3A_246 : memref<1x128xi32, #tpu.memory_space<vmem>> -> memref<128xi32, #tpu.memory_space<vmem>>
        %dma_start3A_248 = arith.constant 0 : i32
        %dma_start3A_249 = arith.constant 0 : i32
        %dma_start3A_250 = tpu.memref_slice %arg9[%dma_start3A_248, %dma_start3A_249] : memref<10240x128xf32, #tpu.memory_space<vmem_shared>> -> memref<10240x128xf32, #tpu.memory_space<vmem_shared>>
        tpu.enqueue_indirect_dma source(%dma_start3A_244 : memref<128x128xf32, #tpu.memory_space<vmem>>) target(%dma_start3A_250 : memref<10240x128xf32, #tpu.memory_space<vmem_shared>>) offsets(%dma_start3A_247 : memref<128xi32, #tpu.memory_space<vmem>>) semaphore(%run_scoped3A_240 : memref<!tpu.dma_semaphore, #tpu.memory_space<semaphore_mem>>) {add = true}
        %dma_wait3A_251 = arith.constant 0 : i32
        %dma_wait3A_252 = arith.constant 0 : i32
        %dma_wait3A_253 = tpu.memref_slice %arg8[%run_scoped3A, %dma_wait3A_251, %dma_wait3A_252] : memref<2x128x128xf32, #tpu.memory_space<vmem>> -> memref<1x128x128xf32, #tpu.memory_space<vmem>>
        %dma_wait3A_254 = tpu.memref_squeeze %dma_wait3A_253 : memref<1x128x128xf32, #tpu.memory_space<vmem>> -> memref<128x128xf32, #tpu.memory_space<vmem>>
        %dma_wait3A_255 = arith.constant 0 : i32
        %dma_wait3A_256 = tpu.memref_slice %arg7[%mul3A_200, %dma_wait3A_255] : memref<40x128xi32, #tpu.memory_space<vmem>> -> memref<1x128xi32, #tpu.memory_space<vmem>>
        %dma_wait3A_257 = tpu.memref_squeeze %dma_wait3A_256 : memref<1x128xi32, #tpu.memory_space<vmem>> -> memref<128xi32, #tpu.memory_space<vmem>>
        %dma_wait3A_258 = arith.constant 0 : i32
        %dma_wait3A_259 = arith.constant 0 : i32
        %dma_wait3A_260 = tpu.memref_slice %arg9[%dma_wait3A_258, %dma_wait3A_259] : memref<10240x128xf32, #tpu.memory_space<vmem_shared>> -> memref<10240x128xf32, #tpu.memory_space<vmem_shared>>
        tpu.wait_indirect_dma semaphore(%run_scoped3A_240 : memref<!tpu.dma_semaphore, #tpu.memory_space<semaphore_mem>>) src(%dma_wait3A_254 : memref<128x128xf32, #tpu.memory_space<vmem>>) dst(%dma_wait3A_260 : memref<10240x128xf32, #tpu.memory_space<vmem_shared>>)
        tpu.yield
      }) : () -> ()
      %dma_wait3A_225 = arith.constant 1 : i32
      %dma_wait3A_226 = arith.constant 0 : i32
      %dma_wait3A_227 = arith.constant 0 : i32
      %dma_wait3A_228 = tpu.memref_slice %arg8[%dma_wait3A_225, %dma_wait3A_226, %dma_wait3A_227] : memref<2x128x128xf32, #tpu.memory_space<vmem>> -> memref<1x128x128xf32, #tpu.memory_space<vmem>>
      %dma_wait3A_229 = tpu.memref_squeeze %dma_wait3A_228 : memref<1x128x128xf32, #tpu.memory_space<vmem>> -> memref<128x128xf32, #tpu.memory_space<vmem>>
      %dma_wait3A_230 = arith.constant 0 : i32
      %dma_wait3A_231 = tpu.memref_slice %arg6[%add3A_202, %dma_wait3A_230] : memref<40x128xi32, #tpu.memory_space<vmem>> -> memref<1x128xi32, #tpu.memory_space<vmem>>
      %dma_wait3A_232 = tpu.memref_squeeze %dma_wait3A_231 : memref<1x128xi32, #tpu.memory_space<vmem>> -> memref<128xi32, #tpu.memory_space<vmem>>
      %dma_wait3A_233 = arith.constant 0 : i32
      %dma_wait3A_234 = arith.constant 0 : i32
      %dma_wait3A_235 = tpu.memref_slice %arg2[%dma_wait3A_233, %dma_wait3A_234] : memref<10240x128xf32, #tpu.memory_space<hbm>> -> memref<10240x128xf32, #tpu.memory_space<hbm>>
      tpu.wait_indirect_dma semaphore(%arg11 : memref<!tpu.dma_semaphore, #tpu.memory_space<semaphore_mem>>) src(%dma_wait3A_235 : memref<10240x128xf32, #tpu.memory_space<hbm>>) dst(%dma_wait3A_229 : memref<128x128xf32, #tpu.memory_space<vmem>>)
      %lt3A = arith.constant 19 : i32
      %lt3A_236 = arith.cmpi slt, %scan3A_197, %lt3A : i32
      %convert_element_type3A = arith.extui %lt3A_236 : i1 to i32
      %cond3A = arith.constant 0 : i32
      %cond3A_237 = arith.cmpi ne, %convert_element_type3A, %cond3A : i32
      scf.if %cond3A_237 {
        %add3A_240 = arith.constant 2 : i32
        %add3A_241 = arith.addi %mul3A_200, %add3A_240 : i32
        %dma_start3A_242 = arith.constant 0 : i32
        %dma_start3A_243 = arith.constant 0 : i32
        %dma_start3A_244 = arith.constant 0 : i32
        %dma_start3A_245 = tpu.memref_slice %arg8[%dma_start3A_242, %dma_start3A_243, %dma_start3A_244] : memref<2x128x128xf32, #tpu.memory_space<vmem>> -> memref<1x128x128xf32, #tpu.memory_space<vmem>>
        %dma_start3A_246 = tpu.memref_squeeze %dma_start3A_245 : memref<1x128x128xf32, #tpu.memory_space<vmem>> -> memref<128x128xf32, #tpu.memory_space<vmem>>
        %dma_start3A_247 = arith.constant 0 : i32
        %dma_start3A_248 = tpu.memref_slice %arg6[%add3A_241, %dma_start3A_247] : memref<40x128xi32, #tpu.memory_space<vmem>> -> memref<1x128xi32, #tpu.memory_space<vmem>>
        %dma_start3A_249 = tpu.memref_squeeze %dma_start3A_248 : memref<1x128xi32, #tpu.memory_space<vmem>> -> memref<128xi32, #tpu.memory_space<vmem>>
        %dma_start3A_250 = arith.constant 0 : i32
        %dma_start3A_251 = arith.constant 0 : i32
        %dma_start3A_252 = tpu.memref_slice %arg2[%dma_start3A_250, %dma_start3A_251] : memref<10240x128xf32, #tpu.memory_space<hbm>> -> memref<10240x128xf32, #tpu.memory_space<hbm>>
        tpu.enqueue_indirect_dma source(%dma_start3A_252 : memref<10240x128xf32, #tpu.memory_space<hbm>>) target(%dma_start3A_246 : memref<128x128xf32, #tpu.memory_space<vmem>>) offsets(%dma_start3A_249 : memref<128xi32, #tpu.memory_space<vmem>>) semaphore(%arg10 : memref<!tpu.dma_semaphore, #tpu.memory_space<semaphore_mem>>)
      } else {
      }
      %run_scoped3A_238 = arith.constant 1 : i32
      "tpu.region"() ({
        %run_scoped3A_240 = tpu.sem_alloc : memref<!tpu.dma_semaphore, #tpu.memory_space<semaphore_mem>>
        %dma_start3A_241 = arith.constant 0 : i32
        %dma_start3A_242 = arith.constant 0 : i32
        %dma_start3A_243 = tpu.memref_slice %arg8[%run_scoped3A_238, %dma_start3A_241, %dma_start3A_242] : memref<2x128x128xf32, #tpu.memory_space<vmem>> -> memref<1x128x128xf32, #tpu.memory_space<vmem>>
        %dma_start3A_244 = tpu.memref_squeeze %dma_start3A_243 : memref<1x128x128xf32, #tpu.memory_space<vmem>> -> memref<128x128xf32, #tpu.memory_space<vmem>>
        %dma_start3A_245 = arith.constant 0 : i32
        %dma_start3A_246 = tpu.memref_slice %arg7[%add3A_202, %dma_start3A_245] : memref<40x128xi32, #tpu.memory_space<vmem>> -> memref<1x128xi32, #tpu.memory_space<vmem>>
        %dma_start3A_247 = tpu.memref_squeeze %dma_start3A_246 : memref<1x128xi32, #tpu.memory_space<vmem>> -> memref<128xi32, #tpu.memory_space<vmem>>
        %dma_start3A_248 = arith.constant 0 : i32
        %dma_start3A_249 = arith.constant 0 : i32
        %dma_start3A_250 = tpu.memref_slice %arg9[%dma_start3A_248, %dma_start3A_249] : memref<10240x128xf32, #tpu.memory_space<vmem_shared>> -> memref<10240x128xf32, #tpu.memory_space<vmem_shared>>
        tpu.enqueue_indirect_dma source(%dma_start3A_244 : memref<128x128xf32, #tpu.memory_space<vmem>>) target(%dma_start3A_250 : memref<10240x128xf32, #tpu.memory_space<vmem_shared>>) offsets(%dma_start3A_247 : memref<128xi32, #tpu.memory_space<vmem>>) semaphore(%run_scoped3A_240 : memref<!tpu.dma_semaphore, #tpu.memory_space<semaphore_mem>>) {add = true}
        %dma_wait3A_251 = arith.constant 0 : i32
        %dma_wait3A_252 = arith.constant 0 : i32
        %dma_wait3A_253 = tpu.memref_slice %arg8[%run_scoped3A_238, %dma_wait3A_251, %dma_wait3A_252] : memref<2x128x128xf32, #tpu.memory_space<vmem>> -> memref<1x128x128xf32, #tpu.memory_space<vmem>>
        %dma_wait3A_254 = tpu.memref_squeeze %dma_wait3A_253 : memref<1x128x128xf32, #tpu.memory_space<vmem>> -> memref<128x128xf32, #tpu.memory_space<vmem>>
        %dma_wait3A_255 = arith.constant 0 : i32
        %dma_wait3A_256 = tpu.memref_slice %arg7[%add3A_202, %dma_wait3A_255] : memref<40x128xi32, #tpu.memory_space<vmem>> -> memref<1x128xi32, #tpu.memory_space<vmem>>
        %dma_wait3A_257 = tpu.memref_squeeze %dma_wait3A_256 : memref<1x128xi32, #tpu.memory_space<vmem>> -> memref<128xi32, #tpu.memory_space<vmem>>
        %dma_wait3A_258 = arith.constant 0 : i32
        %dma_wait3A_259 = arith.constant 0 : i32
        %dma_wait3A_260 = tpu.memref_slice %arg9[%dma_wait3A_258, %dma_wait3A_259] : memref<10240x128xf32, #tpu.memory_space<vmem_shared>> -> memref<10240x128xf32, #tpu.memory_space<vmem_shared>>
        tpu.wait_indirect_dma semaphore(%run_scoped3A_240 : memref<!tpu.dma_semaphore, #tpu.memory_space<semaphore_mem>>) src(%dma_wait3A_254 : memref<128x128xf32, #tpu.memory_space<vmem>>) dst(%dma_wait3A_260 : memref<10240x128xf32, #tpu.memory_space<vmem_shared>>)
        tpu.yield
      }) : () -> ()
      %scan3A_239 = arith.constant 0 : i32
      scf.yield %scan3A_239 : i32
    }
    %scan3A_172 = arith.constant 20 : i32
    %add3A_173 = arith.constant 40 : i32
    %add3A_174 = arith.addi %mul3A_2, %add3A_173 : i32
    "tpu.region"() ({
      %run_scoped3A = tpu.sem_alloc : memref<!tpu.dma_semaphore, #tpu.memory_space<semaphore_mem>>
      %dma_start3A_197 = arith.constant 0 : i32
      %dma_start3A_198 = tpu.memref_slice %arg3[%add3A_174, %dma_start3A_197] : memref<2560x128xi32, #tpu.memory_space<hbm>> -> memref<40x128xi32, #tpu.memory_space<hbm>>
      %dma_start3A_199 = arith.constant 0 : i32
      %dma_start3A_200 = tpu.memref_slice %arg3[%add3A_174, %dma_start3A_199] : memref<2560x128xi32, #tpu.memory_space<hbm>> -> memref<40x128xi32, #tpu.memory_space<hbm>>
      tpu.enqueue_dma source(%dma_start3A_200 : memref<40x128xi32, #tpu.memory_space<hbm>>) target(%arg6 : memref<40x128xi32, #tpu.memory_space<vmem>>) target_semaphore(%run_scoped3A : memref<!tpu.dma_semaphore, #tpu.memory_space<semaphore_mem>>)
      %dma_wait3A_201 = arith.constant 0 : i32
      %dma_wait3A_202 = tpu.memref_slice %arg3[%add3A_174, %dma_wait3A_201] : memref<2560x128xi32, #tpu.memory_space<hbm>> -> memref<40x128xi32, #tpu.memory_space<hbm>>
      %dma_wait3A_203 = arith.constant 0 : i32
      %dma_wait3A_204 = tpu.memref_slice %arg3[%add3A_174, %dma_wait3A_203] : memref<2560x128xi32, #tpu.memory_space<hbm>> -> memref<40x128xi32, #tpu.memory_space<hbm>>
      tpu.wait_dma2 semaphore(%run_scoped3A : memref<!tpu.dma_semaphore, #tpu.memory_space<semaphore_mem>>) src(%dma_wait3A_204 : memref<40x128xi32, #tpu.memory_space<hbm>>) dst(%arg6 : memref<40x128xi32, #tpu.memory_space<vmem>>)
      tpu.yield
    }) : () -> ()
    %add3A_175 = arith.constant 40 : i32
    %add3A_176 = arith.addi %mul3A_2, %add3A_175 : i32
    "tpu.region"() ({
      %run_scoped3A = tpu.sem_alloc : memref<!tpu.dma_semaphore, #tpu.memory_space<semaphore_mem>>
      %dma_start3A_197 = arith.constant 0 : i32
      %dma_start3A_198 = tpu.memref_slice %arg4[%add3A_176, %dma_start3A_197] : memref<2560x128xi32, #tpu.memory_space<hbm>> -> memref<40x128xi32, #tpu.memory_space<hbm>>
      %dma_start3A_199 = arith.constant 0 : i32
      %dma_start3A_200 = tpu.memref_slice %arg4[%add3A_176, %dma_start3A_199] : memref<2560x128xi32, #tpu.memory_space<hbm>> -> memref<40x128xi32, #tpu.memory_space<hbm>>
      tpu.enqueue_dma source(%dma_start3A_200 : memref<40x128xi32, #tpu.memory_space<hbm>>) target(%arg7 : memref<40x128xi32, #tpu.memory_space<vmem>>) target_semaphore(%run_scoped3A : memref<!tpu.dma_semaphore, #tpu.memory_space<semaphore_mem>>)
      %dma_wait3A_201 = arith.constant 0 : i32
      %dma_wait3A_202 = tpu.memref_slice %arg4[%add3A_176, %dma_wait3A_201] : memref<2560x128xi32, #tpu.memory_space<hbm>> -> memref<40x128xi32, #tpu.memory_space<hbm>>
      %dma_wait3A_203 = arith.constant 0 : i32
      %dma_wait3A_204 = tpu.memref_slice %arg4[%add3A_176, %dma_wait3A_203] : memref<2560x128xi32, #tpu.memory_space<hbm>> -> memref<40x128xi32, #tpu.memory_space<hbm>>
      tpu.wait_dma2 semaphore(%run_scoped3A : memref<!tpu.dma_semaphore, #tpu.memory_space<semaphore_mem>>) src(%dma_wait3A_204 : memref<40x128xi32, #tpu.memory_space<hbm>>) dst(%arg7 : memref<40x128xi32, #tpu.memory_space<vmem>>)
      tpu.yield
    }) : () -> ()
    %dma_start3A_177 = arith.constant 0 : i32
    %dma_start3A_178 = arith.constant 0 : i32
    %dma_start3A_179 = arith.constant 0 : i32
    %dma_start3A_180 = arith.constant 0 : i32
    %dma_start3A_181 = tpu.memref_slice %arg8[%dma_start3A_178, %dma_start3A_179, %dma_start3A_180] : memref<2x128x128xf32, #tpu.memory_space<vmem>> -> memref<1x128x128xf32, #tpu.memory_space<vmem>>
    %dma_start3A_182 = tpu.memref_squeeze %dma_start3A_181 : memref<1x128x128xf32, #tpu.memory_space<vmem>> -> memref<128x128xf32, #tpu.memory_space<vmem>>
    %dma_start3A_183 = arith.constant 0 : i32
    %dma_start3A_184 = tpu.memref_slice %arg6[%dma_start3A_177, %dma_start3A_183] : memref<40x128xi32, #tpu.memory_space<vmem>> -> memref<1x128xi32, #tpu.memory_space<vmem>>
    %dma_start3A_185 = tpu.memref_squeeze %dma_start3A_184 : memref<1x128xi32, #tpu.memory_space<vmem>> -> memref<128xi32, #tpu.memory_space<vmem>>
    %dma_start3A_186 = arith.constant 0 : i32
    %dma_start3A_187 = arith.constant 0 : i32
    %dma_start3A_188 = tpu.memref_slice %arg2[%dma_start3A_186, %dma_start3A_187] : memref<10240x128xf32, #tpu.memory_space<hbm>> -> memref<10240x128xf32, #tpu.memory_space<hbm>>
    tpu.enqueue_indirect_dma source(%dma_start3A_188 : memref<10240x128xf32, #tpu.memory_space<hbm>>) target(%dma_start3A_182 : memref<128x128xf32, #tpu.memory_space<vmem>>) offsets(%dma_start3A_185 : memref<128xi32, #tpu.memory_space<vmem>>) semaphore(%arg10 : memref<!tpu.dma_semaphore, #tpu.memory_space<semaphore_mem>>)
    %scan3A_189 = arith.constant 0 : i32
    %scan3A_190 = arith.constant 0 : i32
    %scan3A_191 = arith.constant 20 : i32
    %scan3A_192 = arith.addi %scan3A_190, %scan3A_191 : i32
    %scan3A_193 = arith.constant 1 : i32
    %scan3A_194 = scf.for %scan3A_197 = %scan3A_190 to %scan3A_192 step %scan3A_193 iter_args(%scan3A_198 = %scan3A_189) -> (i32)  : i32 {
      %mul3A_199 = arith.constant 2 : i32
      %mul3A_200 = arith.muli %mul3A_199, %scan3A_197 : i32
      %add3A_201 = arith.constant 1 : i32
      %add3A_202 = arith.addi %mul3A_200, %add3A_201 : i32
      %dma_wait3A_203 = arith.constant 0 : i32
      %dma_wait3A_204 = arith.constant 0 : i32
      %dma_wait3A_205 = arith.constant 0 : i32
      %dma_wait3A_206 = tpu.memref_slice %arg8[%dma_wait3A_203, %dma_wait3A_204, %dma_wait3A_205] : memref<2x128x128xf32, #tpu.memory_space<vmem>> -> memref<1x128x128xf32, #tpu.memory_space<vmem>>
      %dma_wait3A_207 = tpu.memref_squeeze %dma_wait3A_206 : memref<1x128x128xf32, #tpu.memory_space<vmem>> -> memref<128x128xf32, #tpu.memory_space<vmem>>
      %dma_wait3A_208 = arith.constant 0 : i32
      %dma_wait3A_209 = tpu.memref_slice %arg6[%mul3A_200, %dma_wait3A_208] : memref<40x128xi32, #tpu.memory_space<vmem>> -> memref<1x128xi32, #tpu.memory_space<vmem>>
      %dma_wait3A_210 = tpu.memref_squeeze %dma_wait3A_209 : memref<1x128xi32, #tpu.memory_space<vmem>> -> memref<128xi32, #tpu.memory_space<vmem>>
      %dma_wait3A_211 = arith.constant 0 : i32
      %dma_wait3A_212 = arith.constant 0 : i32
      %dma_wait3A_213 = tpu.memref_slice %arg2[%dma_wait3A_211, %dma_wait3A_212] : memref<10240x128xf32, #tpu.memory_space<hbm>> -> memref<10240x128xf32, #tpu.memory_space<hbm>>
      tpu.wait_indirect_dma semaphore(%arg10 : memref<!tpu.dma_semaphore, #tpu.memory_space<semaphore_mem>>) src(%dma_wait3A_213 : memref<10240x128xf32, #tpu.memory_space<hbm>>) dst(%dma_wait3A_207 : memref<128x128xf32, #tpu.memory_space<vmem>>)
      %dma_start3A_214 = arith.constant 1 : i32
      %dma_start3A_215 = arith.constant 0 : i32
      %dma_start3A_216 = arith.constant 0 : i32
      %dma_start3A_217 = tpu.memref_slice %arg8[%dma_start3A_214, %dma_start3A_215, %dma_start3A_216] : memref<2x128x128xf32, #tpu.memory_space<vmem>> -> memref<1x128x128xf32, #tpu.memory_space<vmem>>
      %dma_start3A_218 = tpu.memref_squeeze %dma_start3A_217 : memref<1x128x128xf32, #tpu.memory_space<vmem>> -> memref<128x128xf32, #tpu.memory_space<vmem>>
      %dma_start3A_219 = arith.constant 0 : i32
      %dma_start3A_220 = tpu.memref_slice %arg6[%add3A_202, %dma_start3A_219] : memref<40x128xi32, #tpu.memory_space<vmem>> -> memref<1x128xi32, #tpu.memory_space<vmem>>
      %dma_start3A_221 = tpu.memref_squeeze %dma_start3A_220 : memref<1x128xi32, #tpu.memory_space<vmem>> -> memref<128xi32, #tpu.memory_space<vmem>>
      %dma_start3A_222 = arith.constant 0 : i32
      %dma_start3A_223 = arith.constant 0 : i32
      %dma_start3A_224 = tpu.memref_slice %arg2[%dma_start3A_222, %dma_start3A_223] : memref<10240x128xf32, #tpu.memory_space<hbm>> -> memref<10240x128xf32, #tpu.memory_space<hbm>>
      tpu.enqueue_indirect_dma source(%dma_start3A_224 : memref<10240x128xf32, #tpu.memory_space<hbm>>) target(%dma_start3A_218 : memref<128x128xf32, #tpu.memory_space<vmem>>) offsets(%dma_start3A_221 : memref<128xi32, #tpu.memory_space<vmem>>) semaphore(%arg11 : memref<!tpu.dma_semaphore, #tpu.memory_space<semaphore_mem>>)
      %run_scoped3A = arith.constant 0 : i32
      "tpu.region"() ({
        %run_scoped3A_240 = tpu.sem_alloc : memref<!tpu.dma_semaphore, #tpu.memory_space<semaphore_mem>>
        %dma_start3A_241 = arith.constant 0 : i32
        %dma_start3A_242 = arith.constant 0 : i32
        %dma_start3A_243 = tpu.memref_slice %arg8[%run_scoped3A, %dma_start3A_241, %dma_start3A_242] : memref<2x128x128xf32, #tpu.memory_space<vmem>> -> memref<1x128x128xf32, #tpu.memory_space<vmem>>
        %dma_start3A_244 = tpu.memref_squeeze %dma_start3A_243 : memref<1x128x128xf32, #tpu.memory_space<vmem>> -> memref<128x128xf32, #tpu.memory_space<vmem>>
        %dma_start3A_245 = arith.constant 0 : i32
        %dma_start3A_246 = tpu.memref_slice %arg7[%mul3A_200, %dma_start3A_245] : memref<40x128xi32, #tpu.memory_space<vmem>> -> memref<1x128xi32, #tpu.memory_space<vmem>>
        %dma_start3A_247 = tpu.memref_squeeze %dma_start3A_246 : memref<1x128xi32, #tpu.memory_space<vmem>> -> memref<128xi32, #tpu.memory_space<vmem>>
        %dma_start3A_248 = arith.constant 0 : i32
        %dma_start3A_249 = arith.constant 0 : i32
        %dma_start3A_250 = tpu.memref_slice %arg9[%dma_start3A_248, %dma_start3A_249] : memref<10240x128xf32, #tpu.memory_space<vmem_shared>> -> memref<10240x128xf32, #tpu.memory_space<vmem_shared>>
        tpu.enqueue_indirect_dma source(%dma_start3A_244 : memref<128x128xf32, #tpu.memory_space<vmem>>) target(%dma_start3A_250 : memref<10240x128xf32, #tpu.memory_space<vmem_shared>>) offsets(%dma_start3A_247 : memref<128xi32, #tpu.memory_space<vmem>>) semaphore(%run_scoped3A_240 : memref<!tpu.dma_semaphore, #tpu.memory_space<semaphore_mem>>) {add = true}
        %dma_wait3A_251 = arith.constant 0 : i32
        %dma_wait3A_252 = arith.constant 0 : i32
        %dma_wait3A_253 = tpu.memref_slice %arg8[%run_scoped3A, %dma_wait3A_251, %dma_wait3A_252] : memref<2x128x128xf32, #tpu.memory_space<vmem>> -> memref<1x128x128xf32, #tpu.memory_space<vmem>>
        %dma_wait3A_254 = tpu.memref_squeeze %dma_wait3A_253 : memref<1x128x128xf32, #tpu.memory_space<vmem>> -> memref<128x128xf32, #tpu.memory_space<vmem>>
        %dma_wait3A_255 = arith.constant 0 : i32
        %dma_wait3A_256 = tpu.memref_slice %arg7[%mul3A_200, %dma_wait3A_255] : memref<40x128xi32, #tpu.memory_space<vmem>> -> memref<1x128xi32, #tpu.memory_space<vmem>>
        %dma_wait3A_257 = tpu.memref_squeeze %dma_wait3A_256 : memref<1x128xi32, #tpu.memory_space<vmem>> -> memref<128xi32, #tpu.memory_space<vmem>>
        %dma_wait3A_258 = arith.constant 0 : i32
        %dma_wait3A_259 = arith.constant 0 : i32
        %dma_wait3A_260 = tpu.memref_slice %arg9[%dma_wait3A_258, %dma_wait3A_259] : memref<10240x128xf32, #tpu.memory_space<vmem_shared>> -> memref<10240x128xf32, #tpu.memory_space<vmem_shared>>
        tpu.wait_indirect_dma semaphore(%run_scoped3A_240 : memref<!tpu.dma_semaphore, #tpu.memory_space<semaphore_mem>>) src(%dma_wait3A_254 : memref<128x128xf32, #tpu.memory_space<vmem>>) dst(%dma_wait3A_260 : memref<10240x128xf32, #tpu.memory_space<vmem_shared>>)
        tpu.yield
      }) : () -> ()
      %dma_wait3A_225 = arith.constant 1 : i32
      %dma_wait3A_226 = arith.constant 0 : i32
      %dma_wait3A_227 = arith.constant 0 : i32
      %dma_wait3A_228 = tpu.memref_slice %arg8[%dma_wait3A_225, %dma_wait3A_226, %dma_wait3A_227] : memref<2x128x128xf32, #tpu.memory_space<vmem>> -> memref<1x128x128xf32, #tpu.memory_space<vmem>>
      %dma_wait3A_229 = tpu.memref_squeeze %dma_wait3A_228 : memref<1x128x128xf32, #tpu.memory_space<vmem>> -> memref<128x128xf32, #tpu.memory_space<vmem>>
      %dma_wait3A_230 = arith.constant 0 : i32
      %dma_wait3A_231 = tpu.memref_slice %arg6[%add3A_202, %dma_wait3A_230] : memref<40x128xi32, #tpu.memory_space<vmem>> -> memref<1x128xi32, #tpu.memory_space<vmem>>
      %dma_wait3A_232 = tpu.memref_squeeze %dma_wait3A_231 : memref<1x128xi32, #tpu.memory_space<vmem>> -> memref<128xi32, #tpu.memory_space<vmem>>
      %dma_wait3A_233 = arith.constant 0 : i32
      %dma_wait3A_234 = arith.constant 0 : i32
      %dma_wait3A_235 = tpu.memref_slice %arg2[%dma_wait3A_233, %dma_wait3A_234] : memref<10240x128xf32, #tpu.memory_space<hbm>> -> memref<10240x128xf32, #tpu.memory_space<hbm>>
      tpu.wait_indirect_dma semaphore(%arg11 : memref<!tpu.dma_semaphore, #tpu.memory_space<semaphore_mem>>) src(%dma_wait3A_235 : memref<10240x128xf32, #tpu.memory_space<hbm>>) dst(%dma_wait3A_229 : memref<128x128xf32, #tpu.memory_space<vmem>>)
      %lt3A = arith.constant 19 : i32
      %lt3A_236 = arith.cmpi slt, %scan3A_197, %lt3A : i32
      %convert_element_type3A = arith.extui %lt3A_236 : i1 to i32
      %cond3A = arith.constant 0 : i32
      %cond3A_237 = arith.cmpi ne, %convert_element_type3A, %cond3A : i32
      scf.if %cond3A_237 {
        %add3A_240 = arith.constant 2 : i32
        %add3A_241 = arith.addi %mul3A_200, %add3A_240 : i32
        %dma_start3A_242 = arith.constant 0 : i32
        %dma_start3A_243 = arith.constant 0 : i32
        %dma_start3A_244 = arith.constant 0 : i32
        %dma_start3A_245 = tpu.memref_slice %arg8[%dma_start3A_242, %dma_start3A_243, %dma_start3A_244] : memref<2x128x128xf32, #tpu.memory_space<vmem>> -> memref<1x128x128xf32, #tpu.memory_space<vmem>>
        %dma_start3A_246 = tpu.memref_squeeze %dma_start3A_245 : memref<1x128x128xf32, #tpu.memory_space<vmem>> -> memref<128x128xf32, #tpu.memory_space<vmem>>
        %dma_start3A_247 = arith.constant 0 : i32
        %dma_start3A_248 = tpu.memref_slice %arg6[%add3A_241, %dma_start3A_247] : memref<40x128xi32, #tpu.memory_space<vmem>> -> memref<1x128xi32, #tpu.memory_space<vmem>>
        %dma_start3A_249 = tpu.memref_squeeze %dma_start3A_248 : memref<1x128xi32, #tpu.memory_space<vmem>> -> memref<128xi32, #tpu.memory_space<vmem>>
        %dma_start3A_250 = arith.constant 0 : i32
        %dma_start3A_251 = arith.constant 0 : i32
        %dma_start3A_252 = tpu.memref_slice %arg2[%dma_start3A_250, %dma_start3A_251] : memref<10240x128xf32, #tpu.memory_space<hbm>> -> memref<10240x128xf32, #tpu.memory_space<hbm>>
        tpu.enqueue_indirect_dma source(%dma_start3A_252 : memref<10240x128xf32, #tpu.memory_space<hbm>>) target(%dma_start3A_246 : memref<128x128xf32, #tpu.memory_space<vmem>>) offsets(%dma_start3A_249 : memref<128xi32, #tpu.memory_space<vmem>>) semaphore(%arg10 : memref<!tpu.dma_semaphore, #tpu.memory_space<semaphore_mem>>)
      } else {
      }
      %run_scoped3A_238 = arith.constant 1 : i32
      "tpu.region"() ({
        %run_scoped3A_240 = tpu.sem_alloc : memref<!tpu.dma_semaphore, #tpu.memory_space<semaphore_mem>>
        %dma_start3A_241 = arith.constant 0 : i32
        %dma_start3A_242 = arith.constant 0 : i32
        %dma_start3A_243 = tpu.memref_slice %arg8[%run_scoped3A_238, %dma_start3A_241, %dma_start3A_242] : memref<2x128x128xf32, #tpu.memory_space<vmem>> -> memref<1x128x128xf32, #tpu.memory_space<vmem>>
        %dma_start3A_244 = tpu.memref_squeeze %dma_start3A_243 : memref<1x128x128xf32, #tpu.memory_space<vmem>> -> memref<128x128xf32, #tpu.memory_space<vmem>>
        %dma_start3A_245 = arith.constant 0 : i32
        %dma_start3A_246 = tpu.memref_slice %arg7[%add3A_202, %dma_start3A_245] : memref<40x128xi32, #tpu.memory_space<vmem>> -> memref<1x128xi32, #tpu.memory_space<vmem>>
        %dma_start3A_247 = tpu.memref_squeeze %dma_start3A_246 : memref<1x128xi32, #tpu.memory_space<vmem>> -> memref<128xi32, #tpu.memory_space<vmem>>
        %dma_start3A_248 = arith.constant 0 : i32
        %dma_start3A_249 = arith.constant 0 : i32
        %dma_start3A_250 = tpu.memref_slice %arg9[%dma_start3A_248, %dma_start3A_249] : memref<10240x128xf32, #tpu.memory_space<vmem_shared>> -> memref<10240x128xf32, #tpu.memory_space<vmem_shared>>
        tpu.enqueue_indirect_dma source(%dma_start3A_244 : memref<128x128xf32, #tpu.memory_space<vmem>>) target(%dma_start3A_250 : memref<10240x128xf32, #tpu.memory_space<vmem_shared>>) offsets(%dma_start3A_247 : memref<128xi32, #tpu.memory_space<vmem>>) semaphore(%run_scoped3A_240 : memref<!tpu.dma_semaphore, #tpu.memory_space<semaphore_mem>>) {add = true}
        %dma_wait3A_251 = arith.constant 0 : i32
        %dma_wait3A_252 = arith.constant 0 : i32
        %dma_wait3A_253 = tpu.memref_slice %arg8[%run_scoped3A_238, %dma_wait3A_251, %dma_wait3A_252] : memref<2x128x128xf32, #tpu.memory_space<vmem>> -> memref<1x128x128xf32, #tpu.memory_space<vmem>>
        %dma_wait3A_254 = tpu.memref_squeeze %dma_wait3A_253 : memref<1x128x128xf32, #tpu.memory_space<vmem>> -> memref<128x128xf32, #tpu.memory_space<vmem>>
        %dma_wait3A_255 = arith.constant 0 : i32
        %dma_wait3A_256 = tpu.memref_slice %arg7[%add3A_202, %dma_wait3A_255] : memref<40x128xi32, #tpu.memory_space<vmem>> -> memref<1x128xi32, #tpu.memory_space<vmem>>
        %dma_wait3A_257 = tpu.memref_squeeze %dma_wait3A_256 : memref<1x128xi32, #tpu.memory_space<vmem>> -> memref<128xi32, #tpu.memory_space<vmem>>
        %dma_wait3A_258 = arith.constant 0 : i32
        %dma_wait3A_259 = arith.constant 0 : i32
        %dma_wait3A_260 = tpu.memref_slice %arg9[%dma_wait3A_258, %dma_wait3A_259] : memref<10240x128xf32, #tpu.memory_space<vmem_shared>> -> memref<10240x128xf32, #tpu.memory_space<vmem_shared>>
        tpu.wait_indirect_dma semaphore(%run_scoped3A_240 : memref<!tpu.dma_semaphore, #tpu.memory_space<semaphore_mem>>) src(%dma_wait3A_254 : memref<128x128xf32, #tpu.memory_space<vmem>>) dst(%dma_wait3A_260 : memref<10240x128xf32, #tpu.memory_space<vmem_shared>>)
        tpu.yield
      }) : () -> ()
      %scan3A_239 = arith.constant 0 : i32
      scf.yield %scan3A_239 : i32
    }
    %scan3A_195 = arith.constant 20 : i32
    %barrier3A_196 = arith.constant 0 : index
    tpu.barrier barrier_id(%barrier3A_196)
    "tpu.region"() ({
      %run_scoped3A = tpu.sem_alloc : memref<!tpu.dma_semaphore, #tpu.memory_space<semaphore_mem>>
      %dma_start3A_197 = arith.constant 0 : i32
      %dma_start3A_198 = tpu.memref_slice %arg5[%arg0, %mul3A_11, %dma_start3A_197] : memref<2x10240x128xf32, #tpu.memory_space<hbm>> -> memref<1x640x128xf32, #tpu.memory_space<hbm>>
      %dma_start3A_199 = tpu.memref_squeeze %dma_start3A_198 : memref<1x640x128xf32, #tpu.memory_space<hbm>> -> memref<640x128xf32, #tpu.memory_space<hbm>>
      %dma_start3A_200 = arith.constant 0 : i32
      %dma_start3A_201 = tpu.memref_slice %arg9[%mul3A_11, %dma_start3A_200] : memref<10240x128xf32, #tpu.memory_space<vmem_shared>> -> memref<640x128xf32, #tpu.memory_space<vmem_shared>>
      tpu.enqueue_dma source(%dma_start3A_201 : memref<640x128xf32, #tpu.memory_space<vmem_shared>>) target(%dma_start3A_199 : memref<640x128xf32, #tpu.memory_space<hbm>>) target_semaphore(%run_scoped3A : memref<!tpu.dma_semaphore, #tpu.memory_space<semaphore_mem>>)
      %dma_wait3A_202 = arith.constant 0 : i32
      %dma_wait3A_203 = tpu.memref_slice %arg5[%arg0, %mul3A_11, %dma_wait3A_202] : memref<2x10240x128xf32, #tpu.memory_space<hbm>> -> memref<1x640x128xf32, #tpu.memory_space<hbm>>
      %dma_wait3A_204 = tpu.memref_squeeze %dma_wait3A_203 : memref<1x640x128xf32, #tpu.memory_space<hbm>> -> memref<640x128xf32, #tpu.memory_space<hbm>>
      %dma_wait3A_205 = arith.constant 0 : i32
      %dma_wait3A_206 = tpu.memref_slice %arg9[%mul3A_11, %dma_wait3A_205] : memref<10240x128xf32, #tpu.memory_space<vmem_shared>> -> memref<640x128xf32, #tpu.memory_space<vmem_shared>>
      tpu.wait_dma2 semaphore(%run_scoped3A : memref<!tpu.dma_semaphore, #tpu.memory_space<semaphore_mem>>) src(%dma_wait3A_206 : memref<640x128xf32, #tpu.memory_space<vmem_shared>>) dst(%dma_wait3A_204 : memref<640x128xf32, #tpu.memory_space<hbm>>)
      tpu.yield
    }) : () -> ()
    return
  }
}

#map = affine_map<(d0, d1) -> (0, 0)>
#map1 = affine_map<(d0, d1) -> (0, 0, 0)>
module attributes {stable_mosaic.version = 14 : i64} {
  func.func @_sc_message(%arg0: i32, %arg1: i32, %arg2: memref<10240x128xf32, #tpu.memory_space<hbm>>, %arg3: memref<2560x128xi32, #tpu.memory_space<hbm>>, %arg4: memref<2560x128xi32, #tpu.memory_space<hbm>>, %arg5: memref<2x10240x128xf32, #tpu.memory_space<hbm>>, %arg6: memref<40x128xi32, #tpu.memory_space<vmem>>, %arg7: memref<40x128xi32, #tpu.memory_space<vmem>>, %arg8: memref<2x128x128xf32, #tpu.memory_space<vmem>>, %arg9: memref<10240x128xf32, #tpu.memory_space<vmem_shared>>, %arg10: memref<!tpu.dma_semaphore, #tpu.memory_space<semaphore_mem>>, %arg11: memref<!tpu.dma_semaphore, #tpu.memory_space<semaphore_mem>>) attributes {dimension_semantics = [#tpu.dimension_semantics<core_parallel>, #tpu.dimension_semantics<subcore_parallel>], iteration_bounds = array<i64: 2, 16>, scalar_prefetch = 0 : i64, scratch_operands = 6 : i64, tpu.core_type = #tpu.core_type<sc_vector_subcore>, window_params = [{transform_indices = #map}, {transform_indices = #map}, {transform_indices = #map}, {transform_indices = #map1}]} {
    %mul3A = arith.constant 2 : i32
    %mul3A_0 = arith.muli %arg1, %mul3A : i32
    %add3A = arith.addi %mul3A_0, %arg0 : i32
    %mul3A_1 = arith.constant 80 : i32
    %mul3A_2 = arith.muli %add3A, %mul3A_1 : i32
    %scan3A = arith.constant 0 : i32
    %scan3A_3 = arith.constant 0 : i32
    %scan3A_4 = arith.constant 0 : i32
    %scan3A_5 = arith.constant 128 : i32
    %scan3A_6 = arith.addi %scan3A_4, %scan3A_5 : i32
    %scan3A_7 = arith.constant 1 : i32
    %scan3A_8 = scf.for %scan3A_197 = %scan3A_4 to %scan3A_6 step %scan3A_7 iter_args(%scan3A_198 = %scan3A_3) -> (i32)  : i32 {
      %broadcast_in_dim3A = arith.constant 0.000000e+00 : f32
      %broadcast_in_dim3A_199 = vector.broadcast %broadcast_in_dim3A : f32 to vector<16xf32>
      %swap3A = arith.constant 0 : i32
      %swap3A_200 = arith.constant 0 : i32
      %swap3A_201 = tpu.memref_slice %arg8[%scan3A, %swap3A, %swap3A_200] : memref<2x128x128xf32, #tpu.memory_space<vmem>> -> memref<1x128x128xf32, #tpu.memory_space<vmem>>
      %swap3A_202 = tpu.memref_squeeze %swap3A_201 : memref<1x128x128xf32, #tpu.memory_space<vmem>> -> memref<128x128xf32, #tpu.memory_space<vmem>>
      %swap3A_203 = arith.index_cast %scan3A_197 : i32 to index
      %swap3A_204 = arith.constant 0 : index
      %swap3A_205 = tpu.vector_load %swap3A_202[%swap3A_203, %swap3A_204] {strides = array<i32>} : memref<128x128xf32, #tpu.memory_space<vmem>>, vector<1x16xf32>,
      %swap3A_206 = vector.shape_cast %swap3A_205 : vector<1x16xf32> to vector<16xf32>
      %swap3A_207 = vector.shape_cast %broadcast_in_dim3A_199 : vector<16xf32> to vector<1x16xf32>
      tpu.vector_store %swap3A_202[%swap3A_203, %swap3A_204], %swap3A_207 {strides = array<i32>} : memref<128x128xf32, #tpu.memory_space<vmem>>, vector<1x16xf32>,
      %broadcast_in_dim3A_208 = arith.constant 0.000000e+00 : f32
      %broadcast_in_dim3A_209 = vector.broadcast %broadcast_in_dim3A_208 : f32 to vector<16xf32>
      %swap3A_210 = arith.constant 0 : i32
      %swap3A_211 = arith.constant 0 : i32
      %swap3A_212 = tpu.memref_slice %arg8[%scan3A, %swap3A_210, %swap3A_211] : memref<2x128x128xf32, #tpu.memory_space<vmem>> -> memref<1x128x128xf32, #tpu.memory_space<vmem>>
      %swap3A_213 = tpu.memref_squeeze %swap3A_212 : memref<1x128x128xf32, #tpu.memory_space<vmem>> -> memref<128x128xf32, #tpu.memory_space<vmem>>
      %swap3A_214 = arith.index_cast %scan3A_197 : i32 to index
      %swap3A_215 = arith.constant 16 : index
      %swap3A_216 = tpu.vector_load %swap3A_213[%swap3A_214, %swap3A_215] {strides = array<i32>} : memref<128x128xf32, #tpu.memory_space<vmem>>, vector<1x16xf32>,
      %swap3A_217 = vector.shape_cast %swap3A_216 : vector<1x16xf32> to vector<16xf32>
      %swap3A_218 = vector.shape_cast %broadcast_in_dim3A_209 : vector<16xf32> to vector<1x16xf32>
      tpu.vector_store %swap3A_213[%swap3A_214, %swap3A_215], %swap3A_218 {strides = array<i32>} : memref<128x128xf32, #tpu.memory_space<vmem>>, vector<1x16xf32>,
      %broadcast_in_dim3A_219 = arith.constant 0.000000e+00 : f32
      %broadcast_in_dim3A_220 = vector.broadcast %broadcast_in_dim3A_219 : f32 to vector<16xf32>
      %swap3A_221 = arith.constant 0 : i32
      %swap3A_222 = arith.constant 0 : i32
      %swap3A_223 = tpu.memref_slice %arg8[%scan3A, %swap3A_221, %swap3A_222] : memref<2x128x128xf32, #tpu.memory_space<vmem>> -> memref<1x128x128xf32, #tpu.memory_space<vmem>>
      %swap3A_224 = tpu.memref_squeeze %swap3A_223 : memref<1x128x128xf32, #tpu.memory_space<vmem>> -> memref<128x128xf32, #tpu.memory_space<vmem>>
      %swap3A_225 = arith.index_cast %scan3A_197 : i32 to index
      %swap3A_226 = arith.constant 32 : index
      %swap3A_227 = tpu.vector_load %swap3A_224[%swap3A_225, %swap3A_226] {strides = array<i32>} : memref<128x128xf32, #tpu.memory_space<vmem>>, vector<1x16xf32>,
      %swap3A_228 = vector.shape_cast %swap3A_227 : vector<1x16xf32> to vector<16xf32>
      %swap3A_229 = vector.shape_cast %broadcast_in_dim3A_220 : vector<16xf32> to vector<1x16xf32>
      tpu.vector_store %swap3A_224[%swap3A_225, %swap3A_226], %swap3A_229 {strides = array<i32>} : memref<128x128xf32, #tpu.memory_space<vmem>>, vector<1x16xf32>,
      %broadcast_in_dim3A_230 = arith.constant 0.000000e+00 : f32
      %broadcast_in_dim3A_231 = vector.broadcast %broadcast_in_dim3A_230 : f32 to vector<16xf32>
      %swap3A_232 = arith.constant 0 : i32
      %swap3A_233 = arith.constant 0 : i32
      %swap3A_234 = tpu.memref_slice %arg8[%scan3A, %swap3A_232, %swap3A_233] : memref<2x128x128xf32, #tpu.memory_space<vmem>> -> memref<1x128x128xf32, #tpu.memory_space<vmem>>
      %swap3A_235 = tpu.memref_squeeze %swap3A_234 : memref<1x128x128xf32, #tpu.memory_space<vmem>> -> memref<128x128xf32, #tpu.memory_space<vmem>>
      %swap3A_236 = arith.index_cast %scan3A_197 : i32 to index
      %swap3A_237 = arith.constant 48 : index
      %swap3A_238 = tpu.vector_load %swap3A_235[%swap3A_236, %swap3A_237] {strides = array<i32>} : memref<128x128xf32, #tpu.memory_space<vmem>>, vector<1x16xf32>,
      %swap3A_239 = vector.shape_cast %swap3A_238 : vector<1x16xf32> to vector<16xf32>
      %swap3A_240 = vector.shape_cast %broadcast_in_dim3A_231 : vector<16xf32> to vector<1x16xf32>
      tpu.vector_store %swap3A_235[%swap3A_236, %swap3A_237], %swap3A_240 {strides = array<i32>} : memref<128x128xf32, #tpu.memory_space<vmem>>, vector<1x16xf32>,
      %broadcast_in_dim3A_241 = arith.constant 0.000000e+00 : f32
      %broadcast_in_dim3A_242 = vector.broadcast %broadcast_in_dim3A_241 : f32 to vector<16xf32>
      %swap3A_243 = arith.constant 0 : i32
      %swap3A_244 = arith.constant 0 : i32
      %swap3A_245 = tpu.memref_slice %arg8[%scan3A, %swap3A_243, %swap3A_244] : memref<2x128x128xf32, #tpu.memory_space<vmem>> -> memref<1x128x128xf32, #tpu.memory_space<vmem>>
      %swap3A_246 = tpu.memref_squeeze %swap3A_245 : memref<1x128x128xf32, #tpu.memory_space<vmem>> -> memref<128x128xf32, #tpu.memory_space<vmem>>
      %swap3A_247 = arith.index_cast %scan3A_197 : i32 to index
      %swap3A_248 = arith.constant 64 : index
      %swap3A_249 = tpu.vector_load %swap3A_246[%swap3A_247, %swap3A_248] {strides = array<i32>} : memref<128x128xf32, #tpu.memory_space<vmem>>, vector<1x16xf32>,
      %swap3A_250 = vector.shape_cast %swap3A_249 : vector<1x16xf32> to vector<16xf32>
      %swap3A_251 = vector.shape_cast %broadcast_in_dim3A_242 : vector<16xf32> to vector<1x16xf32>
      tpu.vector_store %swap3A_246[%swap3A_247, %swap3A_248], %swap3A_251 {strides = array<i32>} : memref<128x128xf32, #tpu.memory_space<vmem>>, vector<1x16xf32>,
      %broadcast_in_dim3A_252 = arith.constant 0.000000e+00 : f32
      %broadcast_in_dim3A_253 = vector.broadcast %broadcast_in_dim3A_252 : f32 to vector<16xf32>
      %swap3A_254 = arith.constant 0 : i32
      %swap3A_255 = arith.constant 0 : i32
      %swap3A_256 = tpu.memref_slice %arg8[%scan3A, %swap3A_254, %swap3A_255] : memref<2x128x128xf32, #tpu.memory_space<vmem>> -> memref<1x128x128xf32, #tpu.memory_space<vmem>>
      %swap3A_257 = tpu.memref_squeeze %swap3A_256 : memref<1x128x128xf32, #tpu.memory_space<vmem>> -> memref<128x128xf32, #tpu.memory_space<vmem>>
      %swap3A_258 = arith.index_cast %scan3A_197 : i32 to index
      %swap3A_259 = arith.constant 80 : index
      %swap3A_260 = tpu.vector_load %swap3A_257[%swap3A_258, %swap3A_259] {strides = array<i32>} : memref<128x128xf32, #tpu.memory_space<vmem>>, vector<1x16xf32>,
      %swap3A_261 = vector.shape_cast %swap3A_260 : vector<1x16xf32> to vector<16xf32>
      %swap3A_262 = vector.shape_cast %broadcast_in_dim3A_253 : vector<16xf32> to vector<1x16xf32>
      tpu.vector_store %swap3A_257[%swap3A_258, %swap3A_259], %swap3A_262 {strides = array<i32>} : memref<128x128xf32, #tpu.memory_space<vmem>>, vector<1x16xf32>,
      %broadcast_in_dim3A_263 = arith.constant 0.000000e+00 : f32
      %broadcast_in_dim3A_264 = vector.broadcast %broadcast_in_dim3A_263 : f32 to vector<16xf32>
      %swap3A_265 = arith.constant 0 : i32
      %swap3A_266 = arith.constant 0 : i32
      %swap3A_267 = tpu.memref_slice %arg8[%scan3A, %swap3A_265, %swap3A_266] : memref<2x128x128xf32, #tpu.memory_space<vmem>> -> memref<1x128x128xf32, #tpu.memory_space<vmem>>
      %swap3A_268 = tpu.memref_squeeze %swap3A_267 : memref<1x128x128xf32, #tpu.memory_space<vmem>> -> memref<128x128xf32, #tpu.memory_space<vmem>>
      %swap3A_269 = arith.index_cast %scan3A_197 : i32 to index
      %swap3A_270 = arith.constant 96 : index
      %swap3A_271 = tpu.vector_load %swap3A_268[%swap3A_269, %swap3A_270] {strides = array<i32>} : memref<128x128xf32, #tpu.memory_space<vmem>>, vector<1x16xf32>,
      %swap3A_272 = vector.shape_cast %swap3A_271 : vector<1x16xf32> to vector<16xf32>
      %swap3A_273 = vector.shape_cast %broadcast_in_dim3A_264 : vector<16xf32> to vector<1x16xf32>
      tpu.vector_store %swap3A_268[%swap3A_269, %swap3A_270], %swap3A_273 {strides = array<i32>} : memref<128x128xf32, #tpu.memory_space<vmem>>, vector<1x16xf32>,
      %broadcast_in_dim3A_274 = arith.constant 0.000000e+00 : f32
      %broadcast_in_dim3A_275 = vector.broadcast %broadcast_in_dim3A_274 : f32 to vector<16xf32>
      %swap3A_276 = arith.constant 0 : i32
      %swap3A_277 = arith.constant 0 : i32
      %swap3A_278 = tpu.memref_slice %arg8[%scan3A, %swap3A_276, %swap3A_277] : memref<2x128x128xf32, #tpu.memory_space<vmem>> -> memref<1x128x128xf32, #tpu.memory_space<vmem>>
      %swap3A_279 = tpu.memref_squeeze %swap3A_278 : memref<1x128x128xf32, #tpu.memory_space<vmem>> -> memref<128x128xf32, #tpu.memory_space<vmem>>
      %swap3A_280 = arith.index_cast %scan3A_197 : i32 to index
      %swap3A_281 = arith.constant 112 : index
      %swap3A_282 = tpu.vector_load %swap3A_279[%swap3A_280, %swap3A_281] {strides = array<i32>} : memref<128x128xf32, #tpu.memory_space<vmem>>, vector<1x16xf32>,
      %swap3A_283 = vector.shape_cast %swap3A_282 : vector<1x16xf32> to vector<16xf32>
      %swap3A_284 = vector.shape_cast %broadcast_in_dim3A_275 : vector<16xf32> to vector<1x16xf32>
      tpu.vector_store %swap3A_279[%swap3A_280, %swap3A_281], %swap3A_284 {strides = array<i32>} : memref<128x128xf32, #tpu.memory_space<vmem>>, vector<1x16xf32>,
      %scan3A_285 = arith.constant 0 : i32
      scf.yield %scan3A_285 : i32
    }
    %scan3A_9 = arith.constant 128 : i32
    %mul3A_10 = arith.constant 640 : i32
    %mul3A_11 = arith.muli %arg1, %mul3A_10 : i32
    %add3A_12 = arith.constant 0 : i32
    %add3A_13 = arith.addi %mul3A_11, %add3A_12 : i32
    %dma_start3A = arith.constant 0 : i32
    %dma_start3A_14 = arith.constant 0 : i32
    %dma_start3A_15 = arith.constant 0 : i32
    %dma_start3A_16 = tpu.memref_slice %arg8[%dma_start3A, %dma_start3A_14, %dma_start3A_15] : memref<2x128x128xf32, #tpu.memory_space<vmem>> -> memref<1x128x128xf32, #tpu.memory_space<vmem>>
    %dma_start3A_17 = tpu.memref_squeeze %dma_start3A_16 : memref<1x128x128xf32, #tpu.memory_space<vmem>> -> memref<128x128xf32, #tpu.memory_space<vmem>>
    %dma_start3A_18 = arith.constant 0 : i32
    %dma_start3A_19 = tpu.memref_slice %arg9[%add3A_13, %dma_start3A_18] : memref<10240x128xf32, #tpu.memory_space<vmem_shared>> -> memref<128x128xf32, #tpu.memory_space<vmem_shared>>
    %dma_start3A_20 = arith.constant 0 : i32
    %dma_start3A_21 = tpu.memref_slice %arg9[%add3A_13, %dma_start3A_20] : memref<10240x128xf32, #tpu.memory_space<vmem_shared>> -> memref<128x128xf32, #tpu.memory_space<vmem_shared>>
    %dma_start3A_22 = arith.constant 0 : i32
    %dma_start3A_23 = arith.constant 0 : i32
    %dma_start3A_24 = tpu.memref_slice %arg8[%dma_start3A, %dma_start3A_22, %dma_start3A_23] : memref<2x128x128xf32, #tpu.memory_space<vmem>> -> memref<1x128x128xf32, #tpu.memory_space<vmem>>
    %dma_start3A_25 = tpu.memref_squeeze %dma_start3A_24 : memref<1x128x128xf32, #tpu.memory_space<vmem>> -> memref<128x128xf32, #tpu.memory_space<vmem>>
    tpu.enqueue_dma source(%dma_start3A_25 : memref<128x128xf32, #tpu.memory_space<vmem>>) target(%dma_start3A_21 : memref<128x128xf32, #tpu.memory_space<vmem_shared>>) target_semaphore(%arg10 : memref<!tpu.dma_semaphore, #tpu.memory_space<semaphore_mem>>)
    %add3A_26 = arith.constant 128 : i32
    %add3A_27 = arith.addi %mul3A_11, %add3A_26 : i32
    %dma_start3A_28 = arith.constant 0 : i32
    %dma_start3A_29 = arith.constant 0 : i32
    %dma_start3A_30 = arith.constant 0 : i32
    %dma_start3A_31 = tpu.memref_slice %arg8[%dma_start3A_28, %dma_start3A_29, %dma_start3A_30] : memref<2x128x128xf32, #tpu.memory_space<vmem>> -> memref<1x128x128xf32, #tpu.memory_space<vmem>>
    %dma_start3A_32 = tpu.memref_squeeze %dma_start3A_31 : memref<1x128x128xf32, #tpu.memory_space<vmem>> -> memref<128x128xf32, #tpu.memory_space<vmem>>
    %dma_start3A_33 = arith.constant 0 : i32
    %dma_start3A_34 = tpu.memref_slice %arg9[%add3A_27, %dma_start3A_33] : memref<10240x128xf32, #tpu.memory_space<vmem_shared>> -> memref<128x128xf32, #tpu.memory_space<vmem_shared>>
    %dma_start3A_35 = arith.constant 0 : i32
    %dma_start3A_36 = tpu.memref_slice %arg9[%add3A_27, %dma_start3A_35] : memref<10240x128xf32, #tpu.memory_space<vmem_shared>> -> memref<128x128xf32, #tpu.memory_space<vmem_shared>>
    %dma_start3A_37 = arith.constant 0 : i32
    %dma_start3A_38 = arith.constant 0 : i32
    %dma_start3A_39 = tpu.memref_slice %arg8[%dma_start3A_28, %dma_start3A_37, %dma_start3A_38] : memref<2x128x128xf32, #tpu.memory_space<vmem>> -> memref<1x128x128xf32, #tpu.memory_space<vmem>>
    %dma_start3A_40 = tpu.memref_squeeze %dma_start3A_39 : memref<1x128x128xf32, #tpu.memory_space<vmem>> -> memref<128x128xf32, #tpu.memory_space<vmem>>
    tpu.enqueue_dma source(%dma_start3A_40 : memref<128x128xf32, #tpu.memory_space<vmem>>) target(%dma_start3A_36 : memref<128x128xf32, #tpu.memory_space<vmem_shared>>) target_semaphore(%arg10 : memref<!tpu.dma_semaphore, #tpu.memory_space<semaphore_mem>>)
    %add3A_41 = arith.constant 256 : i32
    %add3A_42 = arith.addi %mul3A_11, %add3A_41 : i32
    %dma_start3A_43 = arith.constant 0 : i32
    %dma_start3A_44 = arith.constant 0 : i32
    %dma_start3A_45 = arith.constant 0 : i32
    %dma_start3A_46 = tpu.memref_slice %arg8[%dma_start3A_43, %dma_start3A_44, %dma_start3A_45] : memref<2x128x128xf32, #tpu.memory_space<vmem>> -> memref<1x128x128xf32, #tpu.memory_space<vmem>>
    %dma_start3A_47 = tpu.memref_squeeze %dma_start3A_46 : memref<1x128x128xf32, #tpu.memory_space<vmem>> -> memref<128x128xf32, #tpu.memory_space<vmem>>
    %dma_start3A_48 = arith.constant 0 : i32
    %dma_start3A_49 = tpu.memref_slice %arg9[%add3A_42, %dma_start3A_48] : memref<10240x128xf32, #tpu.memory_space<vmem_shared>> -> memref<128x128xf32, #tpu.memory_space<vmem_shared>>
    %dma_start3A_50 = arith.constant 0 : i32
    %dma_start3A_51 = tpu.memref_slice %arg9[%add3A_42, %dma_start3A_50] : memref<10240x128xf32, #tpu.memory_space<vmem_shared>> -> memref<128x128xf32, #tpu.memory_space<vmem_shared>>
    %dma_start3A_52 = arith.constant 0 : i32
    %dma_start3A_53 = arith.constant 0 : i32
    %dma_start3A_54 = tpu.memref_slice %arg8[%dma_start3A_43, %dma_start3A_52, %dma_start3A_53] : memref<2x128x128xf32, #tpu.memory_space<vmem>> -> memref<1x128x128xf32, #tpu.memory_space<vmem>>
    %dma_start3A_55 = tpu.memref_squeeze %dma_start3A_54 : memref<1x128x128xf32, #tpu.memory_space<vmem>> -> memref<128x128xf32, #tpu.memory_space<vmem>>
    tpu.enqueue_dma source(%dma_start3A_55 : memref<128x128xf32, #tpu.memory_space<vmem>>) target(%dma_start3A_51 : memref<128x128xf32, #tpu.memory_space<vmem_shared>>) target_semaphore(%arg10 : memref<!tpu.dma_semaphore, #tpu.memory_space<semaphore_mem>>)
    %add3A_56 = arith.constant 384 : i32
    %add3A_57 = arith.addi %mul3A_11, %add3A_56 : i32
    %dma_start3A_58 = arith.constant 0 : i32
    %dma_start3A_59 = arith.constant 0 : i32
    %dma_start3A_60 = arith.constant 0 : i32
    %dma_start3A_61 = tpu.memref_slice %arg8[%dma_start3A_58, %dma_start3A_59, %dma_start3A_60] : memref<2x128x128xf32, #tpu.memory_space<vmem>> -> memref<1x128x128xf32, #tpu.memory_space<vmem>>
    %dma_start3A_62 = tpu.memref_squeeze %dma_start3A_61 : memref<1x128x128xf32, #tpu.memory_space<vmem>> -> memref<128x128xf32, #tpu.memory_space<vmem>>
    %dma_start3A_63 = arith.constant 0 : i32
    %dma_start3A_64 = tpu.memref_slice %arg9[%add3A_57, %dma_start3A_63] : memref<10240x128xf32, #tpu.memory_space<vmem_shared>> -> memref<128x128xf32, #tpu.memory_space<vmem_shared>>
    %dma_start3A_65 = arith.constant 0 : i32
    %dma_start3A_66 = tpu.memref_slice %arg9[%add3A_57, %dma_start3A_65] : memref<10240x128xf32, #tpu.memory_space<vmem_shared>> -> memref<128x128xf32, #tpu.memory_space<vmem_shared>>
    %dma_start3A_67 = arith.constant 0 : i32
    %dma_start3A_68 = arith.constant 0 : i32
    %dma_start3A_69 = tpu.memref_slice %arg8[%dma_start3A_58, %dma_start3A_67, %dma_start3A_68] : memref<2x128x128xf32, #tpu.memory_space<vmem>> -> memref<1x128x128xf32, #tpu.memory_space<vmem>>
    %dma_start3A_70 = tpu.memref_squeeze %dma_start3A_69 : memref<1x128x128xf32, #tpu.memory_space<vmem>> -> memref<128x128xf32, #tpu.memory_space<vmem>>
    tpu.enqueue_dma source(%dma_start3A_70 : memref<128x128xf32, #tpu.memory_space<vmem>>) target(%dma_start3A_66 : memref<128x128xf32, #tpu.memory_space<vmem_shared>>) target_semaphore(%arg10 : memref<!tpu.dma_semaphore, #tpu.memory_space<semaphore_mem>>)
    %add3A_71 = arith.constant 512 : i32
    %add3A_72 = arith.addi %mul3A_11, %add3A_71 : i32
    %dma_start3A_73 = arith.constant 0 : i32
    %dma_start3A_74 = arith.constant 0 : i32
    %dma_start3A_75 = arith.constant 0 : i32
    %dma_start3A_76 = tpu.memref_slice %arg8[%dma_start3A_73, %dma_start3A_74, %dma_start3A_75] : memref<2x128x128xf32, #tpu.memory_space<vmem>> -> memref<1x128x128xf32, #tpu.memory_space<vmem>>
    %dma_start3A_77 = tpu.memref_squeeze %dma_start3A_76 : memref<1x128x128xf32, #tpu.memory_space<vmem>> -> memref<128x128xf32, #tpu.memory_space<vmem>>
    %dma_start3A_78 = arith.constant 0 : i32
    %dma_start3A_79 = tpu.memref_slice %arg9[%add3A_72, %dma_start3A_78] : memref<10240x128xf32, #tpu.memory_space<vmem_shared>> -> memref<128x128xf32, #tpu.memory_space<vmem_shared>>
    %dma_start3A_80 = arith.constant 0 : i32
    %dma_start3A_81 = tpu.memref_slice %arg9[%add3A_72, %dma_start3A_80] : memref<10240x128xf32, #tpu.memory_space<vmem_shared>> -> memref<128x128xf32, #tpu.memory_space<vmem_shared>>
    %dma_start3A_82 = arith.constant 0 : i32
    %dma_start3A_83 = arith.constant 0 : i32
    %dma_start3A_84 = tpu.memref_slice %arg8[%dma_start3A_73, %dma_start3A_82, %dma_start3A_83] : memref<2x128x128xf32, #tpu.memory_space<vmem>> -> memref<1x128x128xf32, #tpu.memory_space<vmem>>
    %dma_start3A_85 = tpu.memref_squeeze %dma_start3A_84 : memref<1x128x128xf32, #tpu.memory_space<vmem>> -> memref<128x128xf32, #tpu.memory_space<vmem>>
    tpu.enqueue_dma source(%dma_start3A_85 : memref<128x128xf32, #tpu.memory_space<vmem>>) target(%dma_start3A_81 : memref<128x128xf32, #tpu.memory_space<vmem_shared>>) target_semaphore(%arg10 : memref<!tpu.dma_semaphore, #tpu.memory_space<semaphore_mem>>)
    %dma_wait3A = arith.constant 0 : i32
    %dma_wait3A_86 = arith.constant 0 : i32
    %dma_wait3A_87 = arith.constant 0 : i32
    %dma_wait3A_88 = tpu.memref_slice %arg8[%dma_wait3A, %dma_wait3A_86, %dma_wait3A_87] : memref<2x128x128xf32, #tpu.memory_space<vmem>> -> memref<1x128x128xf32, #tpu.memory_space<vmem>>
    %dma_wait3A_89 = tpu.memref_squeeze %dma_wait3A_88 : memref<1x128x128xf32, #tpu.memory_space<vmem>> -> memref<128x128xf32, #tpu.memory_space<vmem>>
    %dma_wait3A_90 = arith.constant 0 : i32
    %dma_wait3A_91 = tpu.memref_slice %arg9[%mul3A_11, %dma_wait3A_90] : memref<10240x128xf32, #tpu.memory_space<vmem_shared>> -> memref<128x128xf32, #tpu.memory_space<vmem_shared>>
    %dma_wait3A_92 = arith.constant 0 : i32
    %dma_wait3A_93 = tpu.memref_slice %arg9[%mul3A_11, %dma_wait3A_92] : memref<10240x128xf32, #tpu.memory_space<vmem_shared>> -> memref<128x128xf32, #tpu.memory_space<vmem_shared>>
    %dma_wait3A_94 = arith.constant 0 : i32
    %dma_wait3A_95 = arith.constant 0 : i32
    %dma_wait3A_96 = tpu.memref_slice %arg8[%dma_wait3A, %dma_wait3A_94, %dma_wait3A_95] : memref<2x128x128xf32, #tpu.memory_space<vmem>> -> memref<1x128x128xf32, #tpu.memory_space<vmem>>
    %dma_wait3A_97 = tpu.memref_squeeze %dma_wait3A_96 : memref<1x128x128xf32, #tpu.memory_space<vmem>> -> memref<128x128xf32, #tpu.memory_space<vmem>>
    tpu.wait_dma2 semaphore(%arg10 : memref<!tpu.dma_semaphore, #tpu.memory_space<semaphore_mem>>) src(%dma_wait3A_97 : memref<128x128xf32, #tpu.memory_space<vmem>>) dst(%dma_wait3A_93 : memref<128x128xf32, #tpu.memory_space<vmem_shared>>)
    %dma_wait3A_98 = arith.constant 0 : i32
    %dma_wait3A_99 = arith.constant 0 : i32
    %dma_wait3A_100 = arith.constant 0 : i32
    %dma_wait3A_101 = tpu.memref_slice %arg8[%dma_wait3A_98, %dma_wait3A_99, %dma_wait3A_100] : memref<2x128x128xf32, #tpu.memory_space<vmem>> -> memref<1x128x128xf32, #tpu.memory_space<vmem>>
    %dma_wait3A_102 = tpu.memref_squeeze %dma_wait3A_101 : memref<1x128x128xf32, #tpu.memory_space<vmem>> -> memref<128x128xf32, #tpu.memory_space<vmem>>
    %dma_wait3A_103 = arith.constant 0 : i32
    %dma_wait3A_104 = tpu.memref_slice %arg9[%mul3A_11, %dma_wait3A_103] : memref<10240x128xf32, #tpu.memory_space<vmem_shared>> -> memref<128x128xf32, #tpu.memory_space<vmem_shared>>
    %dma_wait3A_105 = arith.constant 0 : i32
    %dma_wait3A_106 = tpu.memref_slice %arg9[%mul3A_11, %dma_wait3A_105] : memref<10240x128xf32, #tpu.memory_space<vmem_shared>> -> memref<128x128xf32, #tpu.memory_space<vmem_shared>>
    %dma_wait3A_107 = arith.constant 0 : i32
    %dma_wait3A_108 = arith.constant 0 : i32
    %dma_wait3A_109 = tpu.memref_slice %arg8[%dma_wait3A_98, %dma_wait3A_107, %dma_wait3A_108] : memref<2x128x128xf32, #tpu.memory_space<vmem>> -> memref<1x128x128xf32, #tpu.memory_space<vmem>>
    %dma_wait3A_110 = tpu.memref_squeeze %dma_wait3A_109 : memref<1x128x128xf32, #tpu.memory_space<vmem>> -> memref<128x128xf32, #tpu.memory_space<vmem>>
    tpu.wait_dma2 semaphore(%arg10 : memref<!tpu.dma_semaphore, #tpu.memory_space<semaphore_mem>>) src(%dma_wait3A_110 : memref<128x128xf32, #tpu.memory_space<vmem>>) dst(%dma_wait3A_106 : memref<128x128xf32, #tpu.memory_space<vmem_shared>>)
    %dma_wait3A_111 = arith.constant 0 : i32
    %dma_wait3A_112 = arith.constant 0 : i32
    %dma_wait3A_113 = arith.constant 0 : i32
    %dma_wait3A_114 = tpu.memref_slice %arg8[%dma_wait3A_111, %dma_wait3A_112, %dma_wait3A_113] : memref<2x128x128xf32, #tpu.memory_space<vmem>> -> memref<1x128x128xf32, #tpu.memory_space<vmem>>
    %dma_wait3A_115 = tpu.memref_squeeze %dma_wait3A_114 : memref<1x128x128xf32, #tpu.memory_space<vmem>> -> memref<128x128xf32, #tpu.memory_space<vmem>>
    %dma_wait3A_116 = arith.constant 0 : i32
    %dma_wait3A_117 = tpu.memref_slice %arg9[%mul3A_11, %dma_wait3A_116] : memref<10240x128xf32, #tpu.memory_space<vmem_shared>> -> memref<128x128xf32, #tpu.memory_space<vmem_shared>>
    %dma_wait3A_118 = arith.constant 0 : i32
    %dma_wait3A_119 = tpu.memref_slice %arg9[%mul3A_11, %dma_wait3A_118] : memref<10240x128xf32, #tpu.memory_space<vmem_shared>> -> memref<128x128xf32, #tpu.memory_space<vmem_shared>>
    %dma_wait3A_120 = arith.constant 0 : i32
    %dma_wait3A_121 = arith.constant 0 : i32
    %dma_wait3A_122 = tpu.memref_slice %arg8[%dma_wait3A_111, %dma_wait3A_120, %dma_wait3A_121] : memref<2x128x128xf32, #tpu.memory_space<vmem>> -> memref<1x128x128xf32, #tpu.memory_space<vmem>>
    %dma_wait3A_123 = tpu.memref_squeeze %dma_wait3A_122 : memref<1x128x128xf32, #tpu.memory_space<vmem>> -> memref<128x128xf32, #tpu.memory_space<vmem>>
    tpu.wait_dma2 semaphore(%arg10 : memref<!tpu.dma_semaphore, #tpu.memory_space<semaphore_mem>>) src(%dma_wait3A_123 : memref<128x128xf32, #tpu.memory_space<vmem>>) dst(%dma_wait3A_119 : memref<128x128xf32, #tpu.memory_space<vmem_shared>>)
    %dma_wait3A_124 = arith.constant 0 : i32
    %dma_wait3A_125 = arith.constant 0 : i32
    %dma_wait3A_126 = arith.constant 0 : i32
    %dma_wait3A_127 = tpu.memref_slice %arg8[%dma_wait3A_124, %dma_wait3A_125, %dma_wait3A_126] : memref<2x128x128xf32, #tpu.memory_space<vmem>> -> memref<1x128x128xf32, #tpu.memory_space<vmem>>
    %dma_wait3A_128 = tpu.memref_squeeze %dma_wait3A_127 : memref<1x128x128xf32, #tpu.memory_space<vmem>> -> memref<128x128xf32, #tpu.memory_space<vmem>>
    %dma_wait3A_129 = arith.constant 0 : i32
    %dma_wait3A_130 = tpu.memref_slice %arg9[%mul3A_11, %dma_wait3A_129] : memref<10240x128xf32, #tpu.memory_space<vmem_shared>> -> memref<128x128xf32, #tpu.memory_space<vmem_shared>>
    %dma_wait3A_131 = arith.constant 0 : i32
    %dma_wait3A_132 = tpu.memref_slice %arg9[%mul3A_11, %dma_wait3A_131] : memref<10240x128xf32, #tpu.memory_space<vmem_shared>> -> memref<128x128xf32, #tpu.memory_space<vmem_shared>>
    %dma_wait3A_133 = arith.constant 0 : i32
    %dma_wait3A_134 = arith.constant 0 : i32
    %dma_wait3A_135 = tpu.memref_slice %arg8[%dma_wait3A_124, %dma_wait3A_133, %dma_wait3A_134] : memref<2x128x128xf32, #tpu.memory_space<vmem>> -> memref<1x128x128xf32, #tpu.memory_space<vmem>>
    %dma_wait3A_136 = tpu.memref_squeeze %dma_wait3A_135 : memref<1x128x128xf32, #tpu.memory_space<vmem>> -> memref<128x128xf32, #tpu.memory_space<vmem>>
    tpu.wait_dma2 semaphore(%arg10 : memref<!tpu.dma_semaphore, #tpu.memory_space<semaphore_mem>>) src(%dma_wait3A_136 : memref<128x128xf32, #tpu.memory_space<vmem>>) dst(%dma_wait3A_132 : memref<128x128xf32, #tpu.memory_space<vmem_shared>>)
    %dma_wait3A_137 = arith.constant 0 : i32
    %dma_wait3A_138 = arith.constant 0 : i32
    %dma_wait3A_139 = arith.constant 0 : i32
    %dma_wait3A_140 = tpu.memref_slice %arg8[%dma_wait3A_137, %dma_wait3A_138, %dma_wait3A_139] : memref<2x128x128xf32, #tpu.memory_space<vmem>> -> memref<1x128x128xf32, #tpu.memory_space<vmem>>
    %dma_wait3A_141 = tpu.memref_squeeze %dma_wait3A_140 : memref<1x128x128xf32, #tpu.memory_space<vmem>> -> memref<128x128xf32, #tpu.memory_space<vmem>>
    %dma_wait3A_142 = arith.constant 0 : i32
    %dma_wait3A_143 = tpu.memref_slice %arg9[%mul3A_11, %dma_wait3A_142] : memref<10240x128xf32, #tpu.memory_space<vmem_shared>> -> memref<128x128xf32, #tpu.memory_space<vmem_shared>>
    %dma_wait3A_144 = arith.constant 0 : i32
    %dma_wait3A_145 = tpu.memref_slice %arg9[%mul3A_11, %dma_wait3A_144] : memref<10240x128xf32, #tpu.memory_space<vmem_shared>> -> memref<128x128xf32, #tpu.memory_space<vmem_shared>>
    %dma_wait3A_146 = arith.constant 0 : i32
    %dma_wait3A_147 = arith.constant 0 : i32
    %dma_wait3A_148 = tpu.memref_slice %arg8[%dma_wait3A_137, %dma_wait3A_146, %dma_wait3A_147] : memref<2x128x128xf32, #tpu.memory_space<vmem>> -> memref<1x128x128xf32, #tpu.memory_space<vmem>>
    %dma_wait3A_149 = tpu.memref_squeeze %dma_wait3A_148 : memref<1x128x128xf32, #tpu.memory_space<vmem>> -> memref<128x128xf32, #tpu.memory_space<vmem>>
    tpu.wait_dma2 semaphore(%arg10 : memref<!tpu.dma_semaphore, #tpu.memory_space<semaphore_mem>>) src(%dma_wait3A_149 : memref<128x128xf32, #tpu.memory_space<vmem>>) dst(%dma_wait3A_145 : memref<128x128xf32, #tpu.memory_space<vmem_shared>>)
    %barrier3A = arith.constant 0 : index
    tpu.barrier barrier_id(%barrier3A)
    %add3A_150 = arith.constant 0 : i32
    %add3A_151 = arith.addi %mul3A_2, %add3A_150 : i32
    "tpu.region"() ({
      %run_scoped3A = tpu.sem_alloc : memref<!tpu.dma_semaphore, #tpu.memory_space<semaphore_mem>>
      %dma_start3A_197 = arith.constant 0 : i32
      %dma_start3A_198 = tpu.memref_slice %arg3[%add3A_151, %dma_start3A_197] : memref<2560x128xi32, #tpu.memory_space<hbm>> -> memref<40x128xi32, #tpu.memory_space<hbm>>
      %dma_start3A_199 = arith.constant 0 : i32
      %dma_start3A_200 = tpu.memref_slice %arg3[%add3A_151, %dma_start3A_199] : memref<2560x128xi32, #tpu.memory_space<hbm>> -> memref<40x128xi32, #tpu.memory_space<hbm>>
      tpu.enqueue_dma source(%dma_start3A_200 : memref<40x128xi32, #tpu.memory_space<hbm>>) target(%arg6 : memref<40x128xi32, #tpu.memory_space<vmem>>) target_semaphore(%run_scoped3A : memref<!tpu.dma_semaphore, #tpu.memory_space<semaphore_mem>>)
      %dma_wait3A_201 = arith.constant 0 : i32
      %dma_wait3A_202 = tpu.memref_slice %arg3[%add3A_151, %dma_wait3A_201] : memref<2560x128xi32, #tpu.memory_space<hbm>> -> memref<40x128xi32, #tpu.memory_space<hbm>>
      %dma_wait3A_203 = arith.constant 0 : i32
      %dma_wait3A_204 = tpu.memref_slice %arg3[%add3A_151, %dma_wait3A_203] : memref<2560x128xi32, #tpu.memory_space<hbm>> -> memref<40x128xi32, #tpu.memory_space<hbm>>
      tpu.wait_dma2 semaphore(%run_scoped3A : memref<!tpu.dma_semaphore, #tpu.memory_space<semaphore_mem>>) src(%dma_wait3A_204 : memref<40x128xi32, #tpu.memory_space<hbm>>) dst(%arg6 : memref<40x128xi32, #tpu.memory_space<vmem>>)
      tpu.yield
    }) : () -> ()
    %add3A_152 = arith.constant 0 : i32
    %add3A_153 = arith.addi %mul3A_2, %add3A_152 : i32
    "tpu.region"() ({
      %run_scoped3A = tpu.sem_alloc : memref<!tpu.dma_semaphore, #tpu.memory_space<semaphore_mem>>
      %dma_start3A_197 = arith.constant 0 : i32
      %dma_start3A_198 = tpu.memref_slice %arg4[%add3A_153, %dma_start3A_197] : memref<2560x128xi32, #tpu.memory_space<hbm>> -> memref<40x128xi32, #tpu.memory_space<hbm>>
      %dma_start3A_199 = arith.constant 0 : i32
      %dma_start3A_200 = tpu.memref_slice %arg4[%add3A_153, %dma_start3A_199] : memref<2560x128xi32, #tpu.memory_space<hbm>> -> memref<40x128xi32, #tpu.memory_space<hbm>>
      tpu.enqueue_dma source(%dma_start3A_200 : memref<40x128xi32, #tpu.memory_space<hbm>>) target(%arg7 : memref<40x128xi32, #tpu.memory_space<vmem>>) target_semaphore(%run_scoped3A : memref<!tpu.dma_semaphore, #tpu.memory_space<semaphore_mem>>)
      %dma_wait3A_201 = arith.constant 0 : i32
      %dma_wait3A_202 = tpu.memref_slice %arg4[%add3A_153, %dma_wait3A_201] : memref<2560x128xi32, #tpu.memory_space<hbm>> -> memref<40x128xi32, #tpu.memory_space<hbm>>
      %dma_wait3A_203 = arith.constant 0 : i32
      %dma_wait3A_204 = tpu.memref_slice %arg4[%add3A_153, %dma_wait3A_203] : memref<2560x128xi32, #tpu.memory_space<hbm>> -> memref<40x128xi32, #tpu.memory_space<hbm>>
      tpu.wait_dma2 semaphore(%run_scoped3A : memref<!tpu.dma_semaphore, #tpu.memory_space<semaphore_mem>>) src(%dma_wait3A_204 : memref<40x128xi32, #tpu.memory_space<hbm>>) dst(%arg7 : memref<40x128xi32, #tpu.memory_space<vmem>>)
      tpu.yield
    }) : () -> ()
    %dma_start3A_154 = arith.constant 0 : i32
    %dma_start3A_155 = arith.constant 0 : i32
    %dma_start3A_156 = arith.constant 0 : i32
    %dma_start3A_157 = arith.constant 0 : i32
    %dma_start3A_158 = tpu.memref_slice %arg8[%dma_start3A_155, %dma_start3A_156, %dma_start3A_157] : memref<2x128x128xf32, #tpu.memory_space<vmem>> -> memref<1x128x128xf32, #tpu.memory_space<vmem>>
    %dma_start3A_159 = tpu.memref_squeeze %dma_start3A_158 : memref<1x128x128xf32, #tpu.memory_space<vmem>> -> memref<128x128xf32, #tpu.memory_space<vmem>>
    %dma_start3A_160 = arith.constant 0 : i32
    %dma_start3A_161 = tpu.memref_slice %arg6[%dma_start3A_154, %dma_start3A_160] : memref<40x128xi32, #tpu.memory_space<vmem>> -> memref<1x128xi32, #tpu.memory_space<vmem>>
    %dma_start3A_162 = tpu.memref_squeeze %dma_start3A_161 : memref<1x128xi32, #tpu.memory_space<vmem>> -> memref<128xi32, #tpu.memory_space<vmem>>
    %dma_start3A_163 = arith.constant 0 : i32
    %dma_start3A_164 = arith.constant 0 : i32
    %dma_start3A_165 = tpu.memref_slice %arg2[%dma_start3A_163, %dma_start3A_164] : memref<10240x128xf32, #tpu.memory_space<hbm>> -> memref<10240x128xf32, #tpu.memory_space<hbm>>
    tpu.enqueue_indirect_dma source(%dma_start3A_165 : memref<10240x128xf32, #tpu.memory_space<hbm>>) target(%dma_start3A_159 : memref<128x128xf32, #tpu.memory_space<vmem>>) offsets(%dma_start3A_162 : memref<128xi32, #tpu.memory_space<vmem>>) semaphore(%arg10 : memref<!tpu.dma_semaphore, #tpu.memory_space<semaphore_mem>>)
    %scan3A_166 = arith.constant 0 : i32
    %scan3A_167 = arith.constant 0 : i32
    %scan3A_168 = arith.constant 20 : i32
    %scan3A_169 = arith.addi %scan3A_167, %scan3A_168 : i32
    %scan3A_170 = arith.constant 1 : i32
    %scan3A_171 = scf.for %scan3A_197 = %scan3A_167 to %scan3A_169 step %scan3A_170 iter_args(%scan3A_198 = %scan3A_166) -> (i32)  : i32 {
      %mul3A_199 = arith.constant 2 : i32
      %mul3A_200 = arith.muli %mul3A_199, %scan3A_197 : i32
      %add3A_201 = arith.constant 1 : i32
      %add3A_202 = arith.addi %mul3A_200, %add3A_201 : i32
      %dma_wait3A_203 = arith.constant 0 : i32
      %dma_wait3A_204 = arith.constant 0 : i32
      %dma_wait3A_205 = arith.constant 0 : i32
      %dma_wait3A_206 = tpu.memref_slice %arg8[%dma_wait3A_203, %dma_wait3A_204, %dma_wait3A_205] : memref<2x128x128xf32, #tpu.memory_space<vmem>> -> memref<1x128x128xf32, #tpu.memory_space<vmem>>
      %dma_wait3A_207 = tpu.memref_squeeze %dma_wait3A_206 : memref<1x128x128xf32, #tpu.memory_space<vmem>> -> memref<128x128xf32, #tpu.memory_space<vmem>>
      %dma_wait3A_208 = arith.constant 0 : i32
      %dma_wait3A_209 = tpu.memref_slice %arg6[%mul3A_200, %dma_wait3A_208] : memref<40x128xi32, #tpu.memory_space<vmem>> -> memref<1x128xi32, #tpu.memory_space<vmem>>
      %dma_wait3A_210 = tpu.memref_squeeze %dma_wait3A_209 : memref<1x128xi32, #tpu.memory_space<vmem>> -> memref<128xi32, #tpu.memory_space<vmem>>
      %dma_wait3A_211 = arith.constant 0 : i32
      %dma_wait3A_212 = arith.constant 0 : i32
      %dma_wait3A_213 = tpu.memref_slice %arg2[%dma_wait3A_211, %dma_wait3A_212] : memref<10240x128xf32, #tpu.memory_space<hbm>> -> memref<10240x128xf32, #tpu.memory_space<hbm>>
      tpu.wait_indirect_dma semaphore(%arg10 : memref<!tpu.dma_semaphore, #tpu.memory_space<semaphore_mem>>) src(%dma_wait3A_213 : memref<10240x128xf32, #tpu.memory_space<hbm>>) dst(%dma_wait3A_207 : memref<128x128xf32, #tpu.memory_space<vmem>>)
      %dma_start3A_214 = arith.constant 1 : i32
      %dma_start3A_215 = arith.constant 0 : i32
      %dma_start3A_216 = arith.constant 0 : i32
      %dma_start3A_217 = tpu.memref_slice %arg8[%dma_start3A_214, %dma_start3A_215, %dma_start3A_216] : memref<2x128x128xf32, #tpu.memory_space<vmem>> -> memref<1x128x128xf32, #tpu.memory_space<vmem>>
      %dma_start3A_218 = tpu.memref_squeeze %dma_start3A_217 : memref<1x128x128xf32, #tpu.memory_space<vmem>> -> memref<128x128xf32, #tpu.memory_space<vmem>>
      %dma_start3A_219 = arith.constant 0 : i32
      %dma_start3A_220 = tpu.memref_slice %arg6[%add3A_202, %dma_start3A_219] : memref<40x128xi32, #tpu.memory_space<vmem>> -> memref<1x128xi32, #tpu.memory_space<vmem>>
      %dma_start3A_221 = tpu.memref_squeeze %dma_start3A_220 : memref<1x128xi32, #tpu.memory_space<vmem>> -> memref<128xi32, #tpu.memory_space<vmem>>
      %dma_start3A_222 = arith.constant 0 : i32
      %dma_start3A_223 = arith.constant 0 : i32
      %dma_start3A_224 = tpu.memref_slice %arg2[%dma_start3A_222, %dma_start3A_223] : memref<10240x128xf32, #tpu.memory_space<hbm>> -> memref<10240x128xf32, #tpu.memory_space<hbm>>
      tpu.enqueue_indirect_dma source(%dma_start3A_224 : memref<10240x128xf32, #tpu.memory_space<hbm>>) target(%dma_start3A_218 : memref<128x128xf32, #tpu.memory_space<vmem>>) offsets(%dma_start3A_221 : memref<128xi32, #tpu.memory_space<vmem>>) semaphore(%arg11 : memref<!tpu.dma_semaphore, #tpu.memory_space<semaphore_mem>>)
      %run_scoped3A = arith.constant 0 : i32
      "tpu.region"() ({
        %run_scoped3A_240 = tpu.sem_alloc : memref<!tpu.dma_semaphore, #tpu.memory_space<semaphore_mem>>
        %dma_start3A_241 = arith.constant 0 : i32
        %dma_start3A_242 = arith.constant 0 : i32
        %dma_start3A_243 = tpu.memref_slice %arg8[%run_scoped3A, %dma_start3A_241, %dma_start3A_242] : memref<2x128x128xf32, #tpu.memory_space<vmem>> -> memref<1x128x128xf32, #tpu.memory_space<vmem>>
        %dma_start3A_244 = tpu.memref_squeeze %dma_start3A_243 : memref<1x128x128xf32, #tpu.memory_space<vmem>> -> memref<128x128xf32, #tpu.memory_space<vmem>>
        %dma_start3A_245 = arith.constant 0 : i32
        %dma_start3A_246 = tpu.memref_slice %arg7[%mul3A_200, %dma_start3A_245] : memref<40x128xi32, #tpu.memory_space<vmem>> -> memref<1x128xi32, #tpu.memory_space<vmem>>
        %dma_start3A_247 = tpu.memref_squeeze %dma_start3A_246 : memref<1x128xi32, #tpu.memory_space<vmem>> -> memref<128xi32, #tpu.memory_space<vmem>>
        %dma_start3A_248 = arith.constant 0 : i32
        %dma_start3A_249 = arith.constant 0 : i32
        %dma_start3A_250 = tpu.memref_slice %arg9[%dma_start3A_248, %dma_start3A_249] : memref<10240x128xf32, #tpu.memory_space<vmem_shared>> -> memref<10240x128xf32, #tpu.memory_space<vmem_shared>>
        tpu.enqueue_indirect_dma source(%dma_start3A_244 : memref<128x128xf32, #tpu.memory_space<vmem>>) target(%dma_start3A_250 : memref<10240x128xf32, #tpu.memory_space<vmem_shared>>) offsets(%dma_start3A_247 : memref<128xi32, #tpu.memory_space<vmem>>) semaphore(%run_scoped3A_240 : memref<!tpu.dma_semaphore, #tpu.memory_space<semaphore_mem>>) {add = true}
        %dma_wait3A_251 = arith.constant 0 : i32
        %dma_wait3A_252 = arith.constant 0 : i32
        %dma_wait3A_253 = tpu.memref_slice %arg8[%run_scoped3A, %dma_wait3A_251, %dma_wait3A_252] : memref<2x128x128xf32, #tpu.memory_space<vmem>> -> memref<1x128x128xf32, #tpu.memory_space<vmem>>
        %dma_wait3A_254 = tpu.memref_squeeze %dma_wait3A_253 : memref<1x128x128xf32, #tpu.memory_space<vmem>> -> memref<128x128xf32, #tpu.memory_space<vmem>>
        %dma_wait3A_255 = arith.constant 0 : i32
        %dma_wait3A_256 = tpu.memref_slice %arg7[%mul3A_200, %dma_wait3A_255] : memref<40x128xi32, #tpu.memory_space<vmem>> -> memref<1x128xi32, #tpu.memory_space<vmem>>
        %dma_wait3A_257 = tpu.memref_squeeze %dma_wait3A_256 : memref<1x128xi32, #tpu.memory_space<vmem>> -> memref<128xi32, #tpu.memory_space<vmem>>
        %dma_wait3A_258 = arith.constant 0 : i32
        %dma_wait3A_259 = arith.constant 0 : i32
        %dma_wait3A_260 = tpu.memref_slice %arg9[%dma_wait3A_258, %dma_wait3A_259] : memref<10240x128xf32, #tpu.memory_space<vmem_shared>> -> memref<10240x128xf32, #tpu.memory_space<vmem_shared>>
        tpu.wait_indirect_dma semaphore(%run_scoped3A_240 : memref<!tpu.dma_semaphore, #tpu.memory_space<semaphore_mem>>) src(%dma_wait3A_254 : memref<128x128xf32, #tpu.memory_space<vmem>>) dst(%dma_wait3A_260 : memref<10240x128xf32, #tpu.memory_space<vmem_shared>>)
        tpu.yield
      }) : () -> ()
      %dma_wait3A_225 = arith.constant 1 : i32
      %dma_wait3A_226 = arith.constant 0 : i32
      %dma_wait3A_227 = arith.constant 0 : i32
      %dma_wait3A_228 = tpu.memref_slice %arg8[%dma_wait3A_225, %dma_wait3A_226, %dma_wait3A_227] : memref<2x128x128xf32, #tpu.memory_space<vmem>> -> memref<1x128x128xf32, #tpu.memory_space<vmem>>
      %dma_wait3A_229 = tpu.memref_squeeze %dma_wait3A_228 : memref<1x128x128xf32, #tpu.memory_space<vmem>> -> memref<128x128xf32, #tpu.memory_space<vmem>>
      %dma_wait3A_230 = arith.constant 0 : i32
      %dma_wait3A_231 = tpu.memref_slice %arg6[%add3A_202, %dma_wait3A_230] : memref<40x128xi32, #tpu.memory_space<vmem>> -> memref<1x128xi32, #tpu.memory_space<vmem>>
      %dma_wait3A_232 = tpu.memref_squeeze %dma_wait3A_231 : memref<1x128xi32, #tpu.memory_space<vmem>> -> memref<128xi32, #tpu.memory_space<vmem>>
      %dma_wait3A_233 = arith.constant 0 : i32
      %dma_wait3A_234 = arith.constant 0 : i32
      %dma_wait3A_235 = tpu.memref_slice %arg2[%dma_wait3A_233, %dma_wait3A_234] : memref<10240x128xf32, #tpu.memory_space<hbm>> -> memref<10240x128xf32, #tpu.memory_space<hbm>>
      tpu.wait_indirect_dma semaphore(%arg11 : memref<!tpu.dma_semaphore, #tpu.memory_space<semaphore_mem>>) src(%dma_wait3A_235 : memref<10240x128xf32, #tpu.memory_space<hbm>>) dst(%dma_wait3A_229 : memref<128x128xf32, #tpu.memory_space<vmem>>)
      %lt3A = arith.constant 19 : i32
      %lt3A_236 = arith.cmpi slt, %scan3A_197, %lt3A : i32
      %convert_element_type3A = arith.extui %lt3A_236 : i1 to i32
      %cond3A = arith.constant 0 : i32
      %cond3A_237 = arith.cmpi ne, %convert_element_type3A, %cond3A : i32
      scf.if %cond3A_237 {
        %add3A_240 = arith.constant 2 : i32
        %add3A_241 = arith.addi %mul3A_200, %add3A_240 : i32
        %dma_start3A_242 = arith.constant 0 : i32
        %dma_start3A_243 = arith.constant 0 : i32
        %dma_start3A_244 = arith.constant 0 : i32
        %dma_start3A_245 = tpu.memref_slice %arg8[%dma_start3A_242, %dma_start3A_243, %dma_start3A_244] : memref<2x128x128xf32, #tpu.memory_space<vmem>> -> memref<1x128x128xf32, #tpu.memory_space<vmem>>
        %dma_start3A_246 = tpu.memref_squeeze %dma_start3A_245 : memref<1x128x128xf32, #tpu.memory_space<vmem>> -> memref<128x128xf32, #tpu.memory_space<vmem>>
        %dma_start3A_247 = arith.constant 0 : i32
        %dma_start3A_248 = tpu.memref_slice %arg6[%add3A_241, %dma_start3A_247] : memref<40x128xi32, #tpu.memory_space<vmem>> -> memref<1x128xi32, #tpu.memory_space<vmem>>
        %dma_start3A_249 = tpu.memref_squeeze %dma_start3A_248 : memref<1x128xi32, #tpu.memory_space<vmem>> -> memref<128xi32, #tpu.memory_space<vmem>>
        %dma_start3A_250 = arith.constant 0 : i32
        %dma_start3A_251 = arith.constant 0 : i32
        %dma_start3A_252 = tpu.memref_slice %arg2[%dma_start3A_250, %dma_start3A_251] : memref<10240x128xf32, #tpu.memory_space<hbm>> -> memref<10240x128xf32, #tpu.memory_space<hbm>>
        tpu.enqueue_indirect_dma source(%dma_start3A_252 : memref<10240x128xf32, #tpu.memory_space<hbm>>) target(%dma_start3A_246 : memref<128x128xf32, #tpu.memory_space<vmem>>) offsets(%dma_start3A_249 : memref<128xi32, #tpu.memory_space<vmem>>) semaphore(%arg10 : memref<!tpu.dma_semaphore, #tpu.memory_space<semaphore_mem>>)
      } else {
      }
      %run_scoped3A_238 = arith.constant 1 : i32
      "tpu.region"() ({
        %run_scoped3A_240 = tpu.sem_alloc : memref<!tpu.dma_semaphore, #tpu.memory_space<semaphore_mem>>
        %dma_start3A_241 = arith.constant 0 : i32
        %dma_start3A_242 = arith.constant 0 : i32
        %dma_start3A_243 = tpu.memref_slice %arg8[%run_scoped3A_238, %dma_start3A_241, %dma_start3A_242] : memref<2x128x128xf32, #tpu.memory_space<vmem>> -> memref<1x128x128xf32, #tpu.memory_space<vmem>>
        %dma_start3A_244 = tpu.memref_squeeze %dma_start3A_243 : memref<1x128x128xf32, #tpu.memory_space<vmem>> -> memref<128x128xf32, #tpu.memory_space<vmem>>
        %dma_start3A_245 = arith.constant 0 : i32
        %dma_start3A_246 = tpu.memref_slice %arg7[%add3A_202, %dma_start3A_245] : memref<40x128xi32, #tpu.memory_space<vmem>> -> memref<1x128xi32, #tpu.memory_space<vmem>>
        %dma_start3A_247 = tpu.memref_squeeze %dma_start3A_246 : memref<1x128xi32, #tpu.memory_space<vmem>> -> memref<128xi32, #tpu.memory_space<vmem>>
        %dma_start3A_248 = arith.constant 0 : i32
        %dma_start3A_249 = arith.constant 0 : i32
        %dma_start3A_250 = tpu.memref_slice %arg9[%dma_start3A_248, %dma_start3A_249] : memref<10240x128xf32, #tpu.memory_space<vmem_shared>> -> memref<10240x128xf32, #tpu.memory_space<vmem_shared>>
        tpu.enqueue_indirect_dma source(%dma_start3A_244 : memref<128x128xf32, #tpu.memory_space<vmem>>) target(%dma_start3A_250 : memref<10240x128xf32, #tpu.memory_space<vmem_shared>>) offsets(%dma_start3A_247 : memref<128xi32, #tpu.memory_space<vmem>>) semaphore(%run_scoped3A_240 : memref<!tpu.dma_semaphore, #tpu.memory_space<semaphore_mem>>) {add = true}
        %dma_wait3A_251 = arith.constant 0 : i32
        %dma_wait3A_252 = arith.constant 0 : i32
        %dma_wait3A_253 = tpu.memref_slice %arg8[%run_scoped3A_238, %dma_wait3A_251, %dma_wait3A_252] : memref<2x128x128xf32, #tpu.memory_space<vmem>> -> memref<1x128x128xf32, #tpu.memory_space<vmem>>
        %dma_wait3A_254 = tpu.memref_squeeze %dma_wait3A_253 : memref<1x128x128xf32, #tpu.memory_space<vmem>> -> memref<128x128xf32, #tpu.memory_space<vmem>>
        %dma_wait3A_255 = arith.constant 0 : i32
        %dma_wait3A_256 = tpu.memref_slice %arg7[%add3A_202, %dma_wait3A_255] : memref<40x128xi32, #tpu.memory_space<vmem>> -> memref<1x128xi32, #tpu.memory_space<vmem>>
        %dma_wait3A_257 = tpu.memref_squeeze %dma_wait3A_256 : memref<1x128xi32, #tpu.memory_space<vmem>> -> memref<128xi32, #tpu.memory_space<vmem>>
        %dma_wait3A_258 = arith.constant 0 : i32
        %dma_wait3A_259 = arith.constant 0 : i32
        %dma_wait3A_260 = tpu.memref_slice %arg9[%dma_wait3A_258, %dma_wait3A_259] : memref<10240x128xf32, #tpu.memory_space<vmem_shared>> -> memref<10240x128xf32, #tpu.memory_space<vmem_shared>>
        tpu.wait_indirect_dma semaphore(%run_scoped3A_240 : memref<!tpu.dma_semaphore, #tpu.memory_space<semaphore_mem>>) src(%dma_wait3A_254 : memref<128x128xf32, #tpu.memory_space<vmem>>) dst(%dma_wait3A_260 : memref<10240x128xf32, #tpu.memory_space<vmem_shared>>)
        tpu.yield
      }) : () -> ()
      %scan3A_239 = arith.constant 0 : i32
      scf.yield %scan3A_239 : i32
    }
    %scan3A_172 = arith.constant 20 : i32
    %add3A_173 = arith.constant 40 : i32
    %add3A_174 = arith.addi %mul3A_2, %add3A_173 : i32
    "tpu.region"() ({
      %run_scoped3A = tpu.sem_alloc : memref<!tpu.dma_semaphore, #tpu.memory_space<semaphore_mem>>
      %dma_start3A_197 = arith.constant 0 : i32
      %dma_start3A_198 = tpu.memref_slice %arg3[%add3A_174, %dma_start3A_197] : memref<2560x128xi32, #tpu.memory_space<hbm>> -> memref<40x128xi32, #tpu.memory_space<hbm>>
      %dma_start3A_199 = arith.constant 0 : i32
      %dma_start3A_200 = tpu.memref_slice %arg3[%add3A_174, %dma_start3A_199] : memref<2560x128xi32, #tpu.memory_space<hbm>> -> memref<40x128xi32, #tpu.memory_space<hbm>>
      tpu.enqueue_dma source(%dma_start3A_200 : memref<40x128xi32, #tpu.memory_space<hbm>>) target(%arg6 : memref<40x128xi32, #tpu.memory_space<vmem>>) target_semaphore(%run_scoped3A : memref<!tpu.dma_semaphore, #tpu.memory_space<semaphore_mem>>)
      %dma_wait3A_201 = arith.constant 0 : i32
      %dma_wait3A_202 = tpu.memref_slice %arg3[%add3A_174, %dma_wait3A_201] : memref<2560x128xi32, #tpu.memory_space<hbm>> -> memref<40x128xi32, #tpu.memory_space<hbm>>
      %dma_wait3A_203 = arith.constant 0 : i32
      %dma_wait3A_204 = tpu.memref_slice %arg3[%add3A_174, %dma_wait3A_203] : memref<2560x128xi32, #tpu.memory_space<hbm>> -> memref<40x128xi32, #tpu.memory_space<hbm>>
      tpu.wait_dma2 semaphore(%run_scoped3A : memref<!tpu.dma_semaphore, #tpu.memory_space<semaphore_mem>>) src(%dma_wait3A_204 : memref<40x128xi32, #tpu.memory_space<hbm>>) dst(%arg6 : memref<40x128xi32, #tpu.memory_space<vmem>>)
      tpu.yield
    }) : () -> ()
    %add3A_175 = arith.constant 40 : i32
    %add3A_176 = arith.addi %mul3A_2, %add3A_175 : i32
    "tpu.region"() ({
      %run_scoped3A = tpu.sem_alloc : memref<!tpu.dma_semaphore, #tpu.memory_space<semaphore_mem>>
      %dma_start3A_197 = arith.constant 0 : i32
      %dma_start3A_198 = tpu.memref_slice %arg4[%add3A_176, %dma_start3A_197] : memref<2560x128xi32, #tpu.memory_space<hbm>> -> memref<40x128xi32, #tpu.memory_space<hbm>>
      %dma_start3A_199 = arith.constant 0 : i32
      %dma_start3A_200 = tpu.memref_slice %arg4[%add3A_176, %dma_start3A_199] : memref<2560x128xi32, #tpu.memory_space<hbm>> -> memref<40x128xi32, #tpu.memory_space<hbm>>
      tpu.enqueue_dma source(%dma_start3A_200 : memref<40x128xi32, #tpu.memory_space<hbm>>) target(%arg7 : memref<40x128xi32, #tpu.memory_space<vmem>>) target_semaphore(%run_scoped3A : memref<!tpu.dma_semaphore, #tpu.memory_space<semaphore_mem>>)
      %dma_wait3A_201 = arith.constant 0 : i32
      %dma_wait3A_202 = tpu.memref_slice %arg4[%add3A_176, %dma_wait3A_201] : memref<2560x128xi32, #tpu.memory_space<hbm>> -> memref<40x128xi32, #tpu.memory_space<hbm>>
      %dma_wait3A_203 = arith.constant 0 : i32
      %dma_wait3A_204 = tpu.memref_slice %arg4[%add3A_176, %dma_wait3A_203] : memref<2560x128xi32, #tpu.memory_space<hbm>> -> memref<40x128xi32, #tpu.memory_space<hbm>>
      tpu.wait_dma2 semaphore(%run_scoped3A : memref<!tpu.dma_semaphore, #tpu.memory_space<semaphore_mem>>) src(%dma_wait3A_204 : memref<40x128xi32, #tpu.memory_space<hbm>>) dst(%arg7 : memref<40x128xi32, #tpu.memory_space<vmem>>)
      tpu.yield
    }) : () -> ()
    %dma_start3A_177 = arith.constant 0 : i32
    %dma_start3A_178 = arith.constant 0 : i32
    %dma_start3A_179 = arith.constant 0 : i32
    %dma_start3A_180 = arith.constant 0 : i32
    %dma_start3A_181 = tpu.memref_slice %arg8[%dma_start3A_178, %dma_start3A_179, %dma_start3A_180] : memref<2x128x128xf32, #tpu.memory_space<vmem>> -> memref<1x128x128xf32, #tpu.memory_space<vmem>>
    %dma_start3A_182 = tpu.memref_squeeze %dma_start3A_181 : memref<1x128x128xf32, #tpu.memory_space<vmem>> -> memref<128x128xf32, #tpu.memory_space<vmem>>
    %dma_start3A_183 = arith.constant 0 : i32
    %dma_start3A_184 = tpu.memref_slice %arg6[%dma_start3A_177, %dma_start3A_183] : memref<40x128xi32, #tpu.memory_space<vmem>> -> memref<1x128xi32, #tpu.memory_space<vmem>>
    %dma_start3A_185 = tpu.memref_squeeze %dma_start3A_184 : memref<1x128xi32, #tpu.memory_space<vmem>> -> memref<128xi32, #tpu.memory_space<vmem>>
    %dma_start3A_186 = arith.constant 0 : i32
    %dma_start3A_187 = arith.constant 0 : i32
    %dma_start3A_188 = tpu.memref_slice %arg2[%dma_start3A_186, %dma_start3A_187] : memref<10240x128xf32, #tpu.memory_space<hbm>> -> memref<10240x128xf32, #tpu.memory_space<hbm>>
    tpu.enqueue_indirect_dma source(%dma_start3A_188 : memref<10240x128xf32, #tpu.memory_space<hbm>>) target(%dma_start3A_182 : memref<128x128xf32, #tpu.memory_space<vmem>>) offsets(%dma_start3A_185 : memref<128xi32, #tpu.memory_space<vmem>>) semaphore(%arg10 : memref<!tpu.dma_semaphore, #tpu.memory_space<semaphore_mem>>)
    %scan3A_189 = arith.constant 0 : i32
    %scan3A_190 = arith.constant 0 : i32
    %scan3A_191 = arith.constant 20 : i32
    %scan3A_192 = arith.addi %scan3A_190, %scan3A_191 : i32
    %scan3A_193 = arith.constant 1 : i32
    %scan3A_194 = scf.for %scan3A_197 = %scan3A_190 to %scan3A_192 step %scan3A_193 iter_args(%scan3A_198 = %scan3A_189) -> (i32)  : i32 {
      %mul3A_199 = arith.constant 2 : i32
      %mul3A_200 = arith.muli %mul3A_199, %scan3A_197 : i32
      %add3A_201 = arith.constant 1 : i32
      %add3A_202 = arith.addi %mul3A_200, %add3A_201 : i32
      %dma_wait3A_203 = arith.constant 0 : i32
      %dma_wait3A_204 = arith.constant 0 : i32
      %dma_wait3A_205 = arith.constant 0 : i32
      %dma_wait3A_206 = tpu.memref_slice %arg8[%dma_wait3A_203, %dma_wait3A_204, %dma_wait3A_205] : memref<2x128x128xf32, #tpu.memory_space<vmem>> -> memref<1x128x128xf32, #tpu.memory_space<vmem>>
      %dma_wait3A_207 = tpu.memref_squeeze %dma_wait3A_206 : memref<1x128x128xf32, #tpu.memory_space<vmem>> -> memref<128x128xf32, #tpu.memory_space<vmem>>
      %dma_wait3A_208 = arith.constant 0 : i32
      %dma_wait3A_209 = tpu.memref_slice %arg6[%mul3A_200, %dma_wait3A_208] : memref<40x128xi32, #tpu.memory_space<vmem>> -> memref<1x128xi32, #tpu.memory_space<vmem>>
      %dma_wait3A_210 = tpu.memref_squeeze %dma_wait3A_209 : memref<1x128xi32, #tpu.memory_space<vmem>> -> memref<128xi32, #tpu.memory_space<vmem>>
      %dma_wait3A_211 = arith.constant 0 : i32
      %dma_wait3A_212 = arith.constant 0 : i32
      %dma_wait3A_213 = tpu.memref_slice %arg2[%dma_wait3A_211, %dma_wait3A_212] : memref<10240x128xf32, #tpu.memory_space<hbm>> -> memref<10240x128xf32, #tpu.memory_space<hbm>>
      tpu.wait_indirect_dma semaphore(%arg10 : memref<!tpu.dma_semaphore, #tpu.memory_space<semaphore_mem>>) src(%dma_wait3A_213 : memref<10240x128xf32, #tpu.memory_space<hbm>>) dst(%dma_wait3A_207 : memref<128x128xf32, #tpu.memory_space<vmem>>)
      %dma_start3A_214 = arith.constant 1 : i32
      %dma_start3A_215 = arith.constant 0 : i32
      %dma_start3A_216 = arith.constant 0 : i32
      %dma_start3A_217 = tpu.memref_slice %arg8[%dma_start3A_214, %dma_start3A_215, %dma_start3A_216] : memref<2x128x128xf32, #tpu.memory_space<vmem>> -> memref<1x128x128xf32, #tpu.memory_space<vmem>>
      %dma_start3A_218 = tpu.memref_squeeze %dma_start3A_217 : memref<1x128x128xf32, #tpu.memory_space<vmem>> -> memref<128x128xf32, #tpu.memory_space<vmem>>
      %dma_start3A_219 = arith.constant 0 : i32
      %dma_start3A_220 = tpu.memref_slice %arg6[%add3A_202, %dma_start3A_219] : memref<40x128xi32, #tpu.memory_space<vmem>> -> memref<1x128xi32, #tpu.memory_space<vmem>>
      %dma_start3A_221 = tpu.memref_squeeze %dma_start3A_220 : memref<1x128xi32, #tpu.memory_space<vmem>> -> memref<128xi32, #tpu.memory_space<vmem>>
      %dma_start3A_222 = arith.constant 0 : i32
      %dma_start3A_223 = arith.constant 0 : i32
      %dma_start3A_224 = tpu.memref_slice %arg2[%dma_start3A_222, %dma_start3A_223] : memref<10240x128xf32, #tpu.memory_space<hbm>> -> memref<10240x128xf32, #tpu.memory_space<hbm>>
      tpu.enqueue_indirect_dma source(%dma_start3A_224 : memref<10240x128xf32, #tpu.memory_space<hbm>>) target(%dma_start3A_218 : memref<128x128xf32, #tpu.memory_space<vmem>>) offsets(%dma_start3A_221 : memref<128xi32, #tpu.memory_space<vmem>>) semaphore(%arg11 : memref<!tpu.dma_semaphore, #tpu.memory_space<semaphore_mem>>)
      %run_scoped3A = arith.constant 0 : i32
      "tpu.region"() ({
        %run_scoped3A_240 = tpu.sem_alloc : memref<!tpu.dma_semaphore, #tpu.memory_space<semaphore_mem>>
        %dma_start3A_241 = arith.constant 0 : i32
        %dma_start3A_242 = arith.constant 0 : i32
        %dma_start3A_243 = tpu.memref_slice %arg8[%run_scoped3A, %dma_start3A_241, %dma_start3A_242] : memref<2x128x128xf32, #tpu.memory_space<vmem>> -> memref<1x128x128xf32, #tpu.memory_space<vmem>>
        %dma_start3A_244 = tpu.memref_squeeze %dma_start3A_243 : memref<1x128x128xf32, #tpu.memory_space<vmem>> -> memref<128x128xf32, #tpu.memory_space<vmem>>
        %dma_start3A_245 = arith.constant 0 : i32
        %dma_start3A_246 = tpu.memref_slice %arg7[%mul3A_200, %dma_start3A_245] : memref<40x128xi32, #tpu.memory_space<vmem>> -> memref<1x128xi32, #tpu.memory_space<vmem>>
        %dma_start3A_247 = tpu.memref_squeeze %dma_start3A_246 : memref<1x128xi32, #tpu.memory_space<vmem>> -> memref<128xi32, #tpu.memory_space<vmem>>
        %dma_start3A_248 = arith.constant 0 : i32
        %dma_start3A_249 = arith.constant 0 : i32
        %dma_start3A_250 = tpu.memref_slice %arg9[%dma_start3A_248, %dma_start3A_249] : memref<10240x128xf32, #tpu.memory_space<vmem_shared>> -> memref<10240x128xf32, #tpu.memory_space<vmem_shared>>
        tpu.enqueue_indirect_dma source(%dma_start3A_244 : memref<128x128xf32, #tpu.memory_space<vmem>>) target(%dma_start3A_250 : memref<10240x128xf32, #tpu.memory_space<vmem_shared>>) offsets(%dma_start3A_247 : memref<128xi32, #tpu.memory_space<vmem>>) semaphore(%run_scoped3A_240 : memref<!tpu.dma_semaphore, #tpu.memory_space<semaphore_mem>>) {add = true}
        %dma_wait3A_251 = arith.constant 0 : i32
        %dma_wait3A_252 = arith.constant 0 : i32
        %dma_wait3A_253 = tpu.memref_slice %arg8[%run_scoped3A, %dma_wait3A_251, %dma_wait3A_252] : memref<2x128x128xf32, #tpu.memory_space<vmem>> -> memref<1x128x128xf32, #tpu.memory_space<vmem>>
        %dma_wait3A_254 = tpu.memref_squeeze %dma_wait3A_253 : memref<1x128x128xf32, #tpu.memory_space<vmem>> -> memref<128x128xf32, #tpu.memory_space<vmem>>
        %dma_wait3A_255 = arith.constant 0 : i32
        %dma_wait3A_256 = tpu.memref_slice %arg7[%mul3A_200, %dma_wait3A_255] : memref<40x128xi32, #tpu.memory_space<vmem>> -> memref<1x128xi32, #tpu.memory_space<vmem>>
        %dma_wait3A_257 = tpu.memref_squeeze %dma_wait3A_256 : memref<1x128xi32, #tpu.memory_space<vmem>> -> memref<128xi32, #tpu.memory_space<vmem>>
        %dma_wait3A_258 = arith.constant 0 : i32
        %dma_wait3A_259 = arith.constant 0 : i32
        %dma_wait3A_260 = tpu.memref_slice %arg9[%dma_wait3A_258, %dma_wait3A_259] : memref<10240x128xf32, #tpu.memory_space<vmem_shared>> -> memref<10240x128xf32, #tpu.memory_space<vmem_shared>>
        tpu.wait_indirect_dma semaphore(%run_scoped3A_240 : memref<!tpu.dma_semaphore, #tpu.memory_space<semaphore_mem>>) src(%dma_wait3A_254 : memref<128x128xf32, #tpu.memory_space<vmem>>) dst(%dma_wait3A_260 : memref<10240x128xf32, #tpu.memory_space<vmem_shared>>)
        tpu.yield
      }) : () -> ()
      %dma_wait3A_225 = arith.constant 1 : i32
      %dma_wait3A_226 = arith.constant 0 : i32
      %dma_wait3A_227 = arith.constant 0 : i32
      %dma_wait3A_228 = tpu.memref_slice %arg8[%dma_wait3A_225, %dma_wait3A_226, %dma_wait3A_227] : memref<2x128x128xf32, #tpu.memory_space<vmem>> -> memref<1x128x128xf32, #tpu.memory_space<vmem>>
      %dma_wait3A_229 = tpu.memref_squeeze %dma_wait3A_228 : memref<1x128x128xf32, #tpu.memory_space<vmem>> -> memref<128x128xf32, #tpu.memory_space<vmem>>
      %dma_wait3A_230 = arith.constant 0 : i32
      %dma_wait3A_231 = tpu.memref_slice %arg6[%add3A_202, %dma_wait3A_230] : memref<40x128xi32, #tpu.memory_space<vmem>> -> memref<1x128xi32, #tpu.memory_space<vmem>>
      %dma_wait3A_232 = tpu.memref_squeeze %dma_wait3A_231 : memref<1x128xi32, #tpu.memory_space<vmem>> -> memref<128xi32, #tpu.memory_space<vmem>>
      %dma_wait3A_233 = arith.constant 0 : i32
      %dma_wait3A_234 = arith.constant 0 : i32
      %dma_wait3A_235 = tpu.memref_slice %arg2[%dma_wait3A_233, %dma_wait3A_234] : memref<10240x128xf32, #tpu.memory_space<hbm>> -> memref<10240x128xf32, #tpu.memory_space<hbm>>
      tpu.wait_indirect_dma semaphore(%arg11 : memref<!tpu.dma_semaphore, #tpu.memory_space<semaphore_mem>>) src(%dma_wait3A_235 : memref<10240x128xf32, #tpu.memory_space<hbm>>) dst(%dma_wait3A_229 : memref<128x128xf32, #tpu.memory_space<vmem>>)
      %lt3A = arith.constant 19 : i32
      %lt3A_236 = arith.cmpi slt, %scan3A_197, %lt3A : i32
      %convert_element_type3A = arith.extui %lt3A_236 : i1 to i32
      %cond3A = arith.constant 0 : i32
      %cond3A_237 = arith.cmpi ne, %convert_element_type3A, %cond3A : i32
      scf.if %cond3A_237 {
        %add3A_240 = arith.constant 2 : i32
        %add3A_241 = arith.addi %mul3A_200, %add3A_240 : i32
        %dma_start3A_242 = arith.constant 0 : i32
        %dma_start3A_243 = arith.constant 0 : i32
        %dma_start3A_244 = arith.constant 0 : i32
        %dma_start3A_245 = tpu.memref_slice %arg8[%dma_start3A_242, %dma_start3A_243, %dma_start3A_244] : memref<2x128x128xf32, #tpu.memory_space<vmem>> -> memref<1x128x128xf32, #tpu.memory_space<vmem>>
        %dma_start3A_246 = tpu.memref_squeeze %dma_start3A_245 : memref<1x128x128xf32, #tpu.memory_space<vmem>> -> memref<128x128xf32, #tpu.memory_space<vmem>>
        %dma_start3A_247 = arith.constant 0 : i32
        %dma_start3A_248 = tpu.memref_slice %arg6[%add3A_241, %dma_start3A_247] : memref<40x128xi32, #tpu.memory_space<vmem>> -> memref<1x128xi32, #tpu.memory_space<vmem>>
        %dma_start3A_249 = tpu.memref_squeeze %dma_start3A_248 : memref<1x128xi32, #tpu.memory_space<vmem>> -> memref<128xi32, #tpu.memory_space<vmem>>
        %dma_start3A_250 = arith.constant 0 : i32
        %dma_start3A_251 = arith.constant 0 : i32
        %dma_start3A_252 = tpu.memref_slice %arg2[%dma_start3A_250, %dma_start3A_251] : memref<10240x128xf32, #tpu.memory_space<hbm>> -> memref<10240x128xf32, #tpu.memory_space<hbm>>
        tpu.enqueue_indirect_dma source(%dma_start3A_252 : memref<10240x128xf32, #tpu.memory_space<hbm>>) target(%dma_start3A_246 : memref<128x128xf32, #tpu.memory_space<vmem>>) offsets(%dma_start3A_249 : memref<128xi32, #tpu.memory_space<vmem>>) semaphore(%arg10 : memref<!tpu.dma_semaphore, #tpu.memory_space<semaphore_mem>>)
      } else {
      }
      %run_scoped3A_238 = arith.constant 1 : i32
      "tpu.region"() ({
        %run_scoped3A_240 = tpu.sem_alloc : memref<!tpu.dma_semaphore, #tpu.memory_space<semaphore_mem>>
        %dma_start3A_241 = arith.constant 0 : i32
        %dma_start3A_242 = arith.constant 0 : i32
        %dma_start3A_243 = tpu.memref_slice %arg8[%run_scoped3A_238, %dma_start3A_241, %dma_start3A_242] : memref<2x128x128xf32, #tpu.memory_space<vmem>> -> memref<1x128x128xf32, #tpu.memory_space<vmem>>
        %dma_start3A_244 = tpu.memref_squeeze %dma_start3A_243 : memref<1x128x128xf32, #tpu.memory_space<vmem>> -> memref<128x128xf32, #tpu.memory_space<vmem>>
        %dma_start3A_245 = arith.constant 0 : i32
        %dma_start3A_246 = tpu.memref_slice %arg7[%add3A_202, %dma_start3A_245] : memref<40x128xi32, #tpu.memory_space<vmem>> -> memref<1x128xi32, #tpu.memory_space<vmem>>
        %dma_start3A_247 = tpu.memref_squeeze %dma_start3A_246 : memref<1x128xi32, #tpu.memory_space<vmem>> -> memref<128xi32, #tpu.memory_space<vmem>>
        %dma_start3A_248 = arith.constant 0 : i32
        %dma_start3A_249 = arith.constant 0 : i32
        %dma_start3A_250 = tpu.memref_slice %arg9[%dma_start3A_248, %dma_start3A_249] : memref<10240x128xf32, #tpu.memory_space<vmem_shared>> -> memref<10240x128xf32, #tpu.memory_space<vmem_shared>>
        tpu.enqueue_indirect_dma source(%dma_start3A_244 : memref<128x128xf32, #tpu.memory_space<vmem>>) target(%dma_start3A_250 : memref<10240x128xf32, #tpu.memory_space<vmem_shared>>) offsets(%dma_start3A_247 : memref<128xi32, #tpu.memory_space<vmem>>) semaphore(%run_scoped3A_240 : memref<!tpu.dma_semaphore, #tpu.memory_space<semaphore_mem>>) {add = true}
        %dma_wait3A_251 = arith.constant 0 : i32
        %dma_wait3A_252 = arith.constant 0 : i32
        %dma_wait3A_253 = tpu.memref_slice %arg8[%run_scoped3A_238, %dma_wait3A_251, %dma_wait3A_252] : memref<2x128x128xf32, #tpu.memory_space<vmem>> -> memref<1x128x128xf32, #tpu.memory_space<vmem>>
        %dma_wait3A_254 = tpu.memref_squeeze %dma_wait3A_253 : memref<1x128x128xf32, #tpu.memory_space<vmem>> -> memref<128x128xf32, #tpu.memory_space<vmem>>
        %dma_wait3A_255 = arith.constant 0 : i32
        %dma_wait3A_256 = tpu.memref_slice %arg7[%add3A_202, %dma_wait3A_255] : memref<40x128xi32, #tpu.memory_space<vmem>> -> memref<1x128xi32, #tpu.memory_space<vmem>>
        %dma_wait3A_257 = tpu.memref_squeeze %dma_wait3A_256 : memref<1x128xi32, #tpu.memory_space<vmem>> -> memref<128xi32, #tpu.memory_space<vmem>>
        %dma_wait3A_258 = arith.constant 0 : i32
        %dma_wait3A_259 = arith.constant 0 : i32
        %dma_wait3A_260 = tpu.memref_slice %arg9[%dma_wait3A_258, %dma_wait3A_259] : memref<10240x128xf32, #tpu.memory_space<vmem_shared>> -> memref<10240x128xf32, #tpu.memory_space<vmem_shared>>
        tpu.wait_indirect_dma semaphore(%run_scoped3A_240 : memref<!tpu.dma_semaphore, #tpu.memory_space<semaphore_mem>>) src(%dma_wait3A_254 : memref<128x128xf32, #tpu.memory_space<vmem>>) dst(%dma_wait3A_260 : memref<10240x128xf32, #tpu.memory_space<vmem_shared>>)
        tpu.yield
      }) : () -> ()
      %scan3A_239 = arith.constant 0 : i32
      scf.yield %scan3A_239 : i32
    }
    %scan3A_195 = arith.constant 20 : i32
    %barrier3A_196 = arith.constant 0 : index
    tpu.barrier barrier_id(%barrier3A_196)
    "tpu.region"() ({
      %run_scoped3A = tpu.sem_alloc : memref<!tpu.dma_semaphore, #tpu.memory_space<semaphore_mem>>
      %dma_start3A_197 = arith.constant 0 : i32
      %dma_start3A_198 = tpu.memref_slice %arg5[%arg0, %mul3A_11, %dma_start3A_197] : memref<2x10240x128xf32, #tpu.memory_space<hbm>> -> memref<1x640x128xf32, #tpu.memory_space<hbm>>
      %dma_start3A_199 = tpu.memref_squeeze %dma_start3A_198 : memref<1x640x128xf32, #tpu.memory_space<hbm>> -> memref<640x128xf32, #tpu.memory_space<hbm>>
      %dma_start3A_200 = arith.constant 0 : i32
      %dma_start3A_201 = tpu.memref_slice %arg9[%mul3A_11, %dma_start3A_200] : memref<10240x128xf32, #tpu.memory_space<vmem_shared>> -> memref<640x128xf32, #tpu.memory_space<vmem_shared>>
      tpu.enqueue_dma source(%dma_start3A_201 : memref<640x128xf32, #tpu.memory_space<vmem_shared>>) target(%dma_start3A_199 : memref<640x128xf32, #tpu.memory_space<hbm>>) target_semaphore(%run_scoped3A : memref<!tpu.dma_semaphore, #tpu.memory_space<semaphore_mem>>)
      %dma_wait3A_202 = arith.constant 0 : i32
      %dma_wait3A_203 = tpu.memref_slice %arg5[%arg0, %mul3A_11, %dma_wait3A_202] : memref<2x10240x128xf32, #tpu.memory_space<hbm>> -> memref<1x640x128xf32, #tpu.memory_space<hbm>>
      %dma_wait3A_204 = tpu.memref_squeeze %dma_wait3A_203 : memref<1x640x128xf32, #tpu.memory_space<hbm>> -> memref<640x128xf32, #tpu.memory_space<hbm>>
      %dma_wait3A_205 = arith.constant 0 : i32
      %dma_wait3A_206 = tpu.memref_slice %arg9[%mul3A_11, %dma_wait3A_205] : memref<10240x128xf32, #tpu.memory_space<vmem_shared>> -> memref<640x128xf32, #tpu.memory_space<vmem_shared>>
      tpu.wait_dma2 semaphore(%run_scoped3A : memref<!tpu.dma_semaphore, #tpu.memory_space<semaphore_mem>>) src(%dma_wait3A_206 : memref<640x128xf32, #tpu.memory_space<vmem_shared>>) dst(%dma_wait3A_204 : memref<640x128xf32, #tpu.memory_space<hbm>>)
      tpu.yield
    }) : () -> ()
    return
  }
}

module attributes {stable_mosaic.version = 14 : i64} {
  func.func @_tc_layer1_body(%arg0: i32, %arg1: memref<2048x128xf32, #tpu.memory_space<vmem>>, %arg2: memref<128x128xf32, #tpu.memory_space<vmem>>, %arg3: memref<2048x128xf32, #tpu.memory_space<vmem>>, %arg4: memref<2048x128xf32, #tpu.memory_space<vmem>>, %arg5: memref<2048x128xf32, #tpu.memory_space<vmem>>) attributes {dimension_semantics = [#tpu.dimension_semantics<arbitrary>], iteration_bounds = array<i64: 5>, scalar_prefetch = 0 : i64, scratch_operands = 0 : i64, tpu.core_type = #tpu.core_type<tc>, window_params = [{transform_indices = @transform_0, window_bounds = array<i64: 2048, 128>}, {pipeline_mode = #tpu.pipeline_mode<synchronous>, transform_indices = @transform_1, window_bounds = array<i64: 128, 128>}, {transform_indices = @transform_2, window_bounds = array<i64: 2048, 128>}, {transform_indices = @transform_3, window_bounds = array<i64: 2048, 128>}, {transform_indices = @transform_4, window_bounds = array<i64: 2048, 128>}]} {
    %get3A = arith.constant 0 : index
    %get3A_0 = arith.constant 0 : index
    %get3A_1 = vector.load %arg3[%get3A, %get3A_0] : memref<2048x128xf32, #tpu.memory_space<vmem>>, vector<2048x1xf32>
    %get3A_2 = arith.constant 0 : index
    %get3A_3 = arith.constant 0 : index
    %get3A_4 = vector.load %arg4[%get3A_2, %get3A_3] : memref<2048x128xf32, #tpu.memory_space<vmem>>, vector<2048x1xf32>
    %add3A = arith.addf %get3A_1, %get3A_4 : vector<2048x1xf32>
    %add3A_5 = arith.constant 1.000000e+00 : f32
    %add3A_6 = vector.broadcast %add3A_5 : f32 to vector<2048x1xf32>
    %add3A_7 = arith.addf %add3A, %add3A_6 : vector<2048x1xf32>
    %rsqrt3A = math.rsqrt %add3A_7 : vector<2048x1xf32>
    %get3A_8 = arith.constant 0 : index
    %get3A_9 = arith.constant 0 : index
    %get3A_10 = vector.load %arg1[%get3A_8, %get3A_9] : memref<2048x128xf32, #tpu.memory_space<vmem>>, vector<2048x128xf32>
    %get3A_11 = arith.constant 0 : index
    %get3A_12 = arith.constant 0 : index
    %get3A_13 = vector.load %arg2[%get3A_11, %get3A_12] : memref<128x128xf32, #tpu.memory_space<vmem>>, vector<128x128xf32>
    %dot_general3A = arith.constant dense<0.000000e+00> : vector<2048x128xf32>
    %dot_general3A_14 = tpu.matmul %get3A_10, %get3A_13, %dot_general3A {dimension_numbers = #tpu.dot_dimension_numbers<[1], [0], [0], [1], [0, 0, 1, 1], [], []>, transpose_lhs_hint = false} : vector<2048x128xf32>, vector<128x128xf32>, vector<2048x128xf32> -> vector<2048x128xf32>
    %mul3A = vector.broadcast %rsqrt3A : vector<2048x1xf32> to vector<2048x128xf32>
    %mul3A_15 = arith.mulf %mul3A, %dot_general3A_14 : vector<2048x128xf32>
    %swap3A = arith.constant 0 : index
    %swap3A_16 = arith.constant 0 : index
    %swap3A_17 = vector.load %arg5[%swap3A, %swap3A_16] : memref<2048x128xf32, #tpu.memory_space<vmem>>, vector<2048x128xf32>
    tpu.vector_store %arg5[%swap3A, %swap3A_16], %mul3A_15 {strides = array<i32>} : memref<2048x128xf32, #tpu.memory_space<vmem>>, vector<2048x128xf32>,
    return
  }
  func.func @transform_0(%arg0: i32) -> (i32, i32) {
    %c0_i32 = arith.constant 0 : i32
    %c0_i32_0 = arith.constant 0 : i32
    return %arg0, %c0_i32 : i32, i32
  }
  func.func @transform_1(%arg0: i32) -> (i32, i32) {
    %c0_i32 = arith.constant 0 : i32
    %c0_i32_0 = arith.constant 0 : i32
    %c0_i32_1 = arith.constant 0 : i32
    return %c0_i32, %c0_i32_0 : i32, i32
  }
  func.func @transform_2(%arg0: i32) -> (i32, i32) {
    %c0_i32 = arith.constant 0 : i32
    %c0_i32_0 = arith.constant 0 : i32
    return %arg0, %c0_i32 : i32, i32
  }
  func.func @transform_3(%arg0: i32) -> (i32, i32) {
    %c0_i32 = arith.constant 0 : i32
    %c0_i32_0 = arith.constant 0 : i32
    return %arg0, %c0_i32 : i32, i32
  }
  func.func @transform_4(%arg0: i32) -> (i32, i32) {
    %c0_i32 = arith.constant 0 : i32
    %c0_i32_0 = arith.constant 0 : i32
    return %arg0, %c0_i32 : i32, i32
  }
}

module attributes {stable_mosaic.version = 14 : i64} {
  func.func @_tc_layer_body(%arg0: i32, %arg1: memref<2048x128xf32, #tpu.memory_space<vmem>>, %arg2: memref<2048x128xf32, #tpu.memory_space<vmem>>, %arg3: memref<2048x128xf32, #tpu.memory_space<vmem>>, %arg4: memref<2048x128xf32, #tpu.memory_space<vmem>>, %arg5: memref<2048x128xf32, #tpu.memory_space<vmem>>, %arg6: memref<1x128xf32, #tpu.memory_space<vmem>>, %arg7: memref<128x128xf32, #tpu.memory_space<vmem>>, %arg8: memref<2048x128xf32, #tpu.memory_space<vmem>>) attributes {dimension_semantics = [#tpu.dimension_semantics<arbitrary>], iteration_bounds = array<i64: 5>, scalar_prefetch = 0 : i64, scratch_operands = 0 : i64, tpu.core_type = #tpu.core_type<tc>, window_params = [{transform_indices = @transform_0, window_bounds = array<i64: 2048, 128>}, {transform_indices = @transform_1, window_bounds = array<i64: 2048, 128>}, {transform_indices = @transform_2, window_bounds = array<i64: 2048, 128>}, {transform_indices = @transform_3, window_bounds = array<i64: 2048, 128>}, {transform_indices = @transform_4, window_bounds = array<i64: 2048, 128>}, {pipeline_mode = #tpu.pipeline_mode<synchronous>, transform_indices = @transform_5, window_bounds = array<i64: 1, 128>}, {pipeline_mode = #tpu.pipeline_mode<synchronous>, transform_indices = @transform_6, window_bounds = array<i64: 128, 128>}, {transform_indices = @transform_7, window_bounds = array<i64: 2048, 128>}]} {
    %get3A = arith.constant 0 : index
    %get3A_0 = arith.constant 0 : index
    %get3A_1 = vector.load %arg4[%get3A, %get3A_0] : memref<2048x128xf32, #tpu.memory_space<vmem>>, vector<2048x1xf32>
    %get3A_2 = arith.constant 0 : index
    %get3A_3 = arith.constant 0 : index
    %get3A_4 = vector.load %arg5[%get3A_2, %get3A_3] : memref<2048x128xf32, #tpu.memory_space<vmem>>, vector<2048x1xf32>
    %add3A = arith.addf %get3A_1, %get3A_4 : vector<2048x1xf32>
    %add3A_5 = arith.constant 1.000000e+00 : f32
    %add3A_6 = vector.broadcast %add3A_5 : f32 to vector<2048x1xf32>
    %add3A_7 = arith.addf %add3A, %add3A_6 : vector<2048x1xf32>
    %rsqrt3A = math.rsqrt %add3A_7 : vector<2048x1xf32>
    %get3A_8 = arith.constant 0 : index
    %get3A_9 = arith.constant 0 : index
    %get3A_10 = vector.load %arg1[%get3A_8, %get3A_9] : memref<2048x128xf32, #tpu.memory_space<vmem>>, vector<2048x128xf32>
    %get3A_11 = arith.constant 0 : index
    %get3A_12 = arith.constant 0 : index
    %get3A_13 = vector.load %arg2[%get3A_11, %get3A_12] : memref<2048x128xf32, #tpu.memory_space<vmem>>, vector<2048x128xf32>
    %add3A_14 = arith.addf %get3A_10, %get3A_13 : vector<2048x128xf32>
    %get3A_15 = arith.constant 0 : index
    %get3A_16 = arith.constant 0 : index
    %get3A_17 = vector.load %arg3[%get3A_15, %get3A_16] : memref<2048x128xf32, #tpu.memory_space<vmem>>, vector<2048x128xf32>
    %add3A_18 = arith.addf %add3A_14, %get3A_17 : vector<2048x128xf32>
    %mul3A = vector.broadcast %rsqrt3A : vector<2048x1xf32> to vector<2048x128xf32>
    %mul3A_19 = arith.mulf %mul3A, %add3A_18 : vector<2048x128xf32>
    %get3A_20 = arith.constant 0 : index
    %get3A_21 = arith.constant 0 : index
    %get3A_22 = vector.load %arg6[%get3A_20, %get3A_21] : memref<1x128xf32, #tpu.memory_space<vmem>>, vector<1x128xf32>
    %add3A_23 = vector.broadcast %get3A_22 : vector<1x128xf32> to vector<2048x128xf32>
    %add3A_24 = arith.addf %mul3A_19, %add3A_23 : vector<2048x128xf32>
    %max3A = arith.constant 0.000000e+00 : f32
    %max3A_25 = vector.broadcast %max3A : f32 to vector<2048x128xf32>
    %max3A_26 = arith.maximumf %add3A_24, %max3A_25 : vector<2048x128xf32>
    %get3A_27 = arith.constant 0 : index
    %get3A_28 = arith.constant 0 : index
    %get3A_29 = vector.load %arg7[%get3A_27, %get3A_28] : memref<128x128xf32, #tpu.memory_space<vmem>>, vector<128x128xf32>
    %dot_general3A = arith.constant dense<0.000000e+00> : vector<2048x128xf32>
    %dot_general3A_30 = tpu.matmul %max3A_26, %get3A_29, %dot_general3A {dimension_numbers = #tpu.dot_dimension_numbers<[1], [0], [0], [1], [0, 0, 1, 1], [], []>, transpose_lhs_hint = false} : vector<2048x128xf32>, vector<128x128xf32>, vector<2048x128xf32> -> vector<2048x128xf32>
    %mul3A_31 = vector.broadcast %rsqrt3A : vector<2048x1xf32> to vector<2048x128xf32>
    %mul3A_32 = arith.mulf %mul3A_31, %dot_general3A_30 : vector<2048x128xf32>
    %swap3A = arith.constant 0 : index
    %swap3A_33 = arith.constant 0 : index
    %swap3A_34 = vector.load %arg8[%swap3A, %swap3A_33] : memref<2048x128xf32, #tpu.memory_space<vmem>>, vector<2048x128xf32>
    tpu.vector_store %arg8[%swap3A, %swap3A_33], %mul3A_32 {strides = array<i32>} : memref<2048x128xf32, #tpu.memory_space<vmem>>, vector<2048x128xf32>,
    return
  }
  func.func @transform_0(%arg0: i32) -> (i32, i32) {
    %c0_i32 = arith.constant 0 : i32
    %c0_i32_0 = arith.constant 0 : i32
    return %arg0, %c0_i32 : i32, i32
  }
  func.func @transform_1(%arg0: i32) -> (i32, i32) {
    %c0_i32 = arith.constant 0 : i32
    %c0_i32_0 = arith.constant 0 : i32
    return %arg0, %c0_i32 : i32, i32
  }
  func.func @transform_2(%arg0: i32) -> (i32, i32) {
    %c0_i32 = arith.constant 0 : i32
    %c0_i32_0 = arith.constant 0 : i32
    return %arg0, %c0_i32 : i32, i32
  }
  func.func @transform_3(%arg0: i32) -> (i32, i32) {
    %c0_i32 = arith.constant 0 : i32
    %c0_i32_0 = arith.constant 0 : i32
    return %arg0, %c0_i32 : i32, i32
  }
  func.func @transform_4(%arg0: i32) -> (i32, i32) {
    %c0_i32 = arith.constant 0 : i32
    %c0_i32_0 = arith.constant 0 : i32
    return %arg0, %c0_i32 : i32, i32
  }
  func.func @transform_5(%arg0: i32) -> (i32, i32) {
    %c0_i32 = arith.constant 0 : i32
    %c0_i32_0 = arith.constant 0 : i32
    %c0_i32_1 = arith.constant 0 : i32
    return %c0_i32, %c0_i32_0 : i32, i32
  }
  func.func @transform_6(%arg0: i32) -> (i32, i32) {
    %c0_i32 = arith.constant 0 : i32
    %c0_i32_0 = arith.constant 0 : i32
    %c0_i32_1 = arith.constant 0 : i32
    return %c0_i32, %c0_i32_0 : i32, i32
  }
  func.func @transform_7(%arg0: i32) -> (i32, i32) {
    %c0_i32 = arith.constant 0 : i32
    %c0_i32_0 = arith.constant 0 : i32
    return %arg0, %c0_i32 : i32, i32
  }
}

module attributes {stable_mosaic.version = 14 : i64} {
  func.func @_tc_final_body(%arg0: i32, %arg1: memref<2048x128xf32, #tpu.memory_space<vmem>>, %arg2: memref<2048x128xf32, #tpu.memory_space<vmem>>, %arg3: memref<2048x128xf32, #tpu.memory_space<vmem>>, %arg4: memref<2048x128xf32, #tpu.memory_space<vmem>>, %arg5: memref<2048x128xf32, #tpu.memory_space<vmem>>, %arg6: memref<1x128xf32, #tpu.memory_space<vmem>>, %arg7: memref<1x2048xi32, #tpu.memory_space<vmem>>, %arg8: memref<128x10xf32, #tpu.memory_space<vmem>>, %arg9: memref<1x10xf32, #tpu.memory_space<vmem>>, %arg10: memref<128x10xf32, #tpu.memory_space<vmem>>, %arg11: memref<128x128xf32, #tpu.memory_space<vmem>>, %arg12: memref<128x1xf32, #tpu.memory_space<vmem>>) attributes {dimension_semantics = [#tpu.dimension_semantics<arbitrary>], iteration_bounds = array<i64: 5>, scalar_prefetch = 0 : i64, scratch_operands = 2 : i64, tpu.core_type = #tpu.core_type<tc>, window_params = [{transform_indices = @transform_0, window_bounds = array<i64: 2048, 128>}, {transform_indices = @transform_1, window_bounds = array<i64: 2048, 128>}, {transform_indices = @transform_2, window_bounds = array<i64: 2048, 128>}, {transform_indices = @transform_3, window_bounds = array<i64: 2048, 128>}, {transform_indices = @transform_4, window_bounds = array<i64: 2048, 128>}, {pipeline_mode = #tpu.pipeline_mode<synchronous>, transform_indices = @transform_5, window_bounds = array<i64: 1, 128>}, {transform_indices = @transform_6, window_bounds = array<i64: 1, 2048>}, {pipeline_mode = #tpu.pipeline_mode<synchronous>, transform_indices = @transform_7, window_bounds = array<i64: 128, 10>}, {pipeline_mode = #tpu.pipeline_mode<synchronous>, transform_indices = @transform_8, window_bounds = array<i64: 1, 10>}, {pipeline_mode = #tpu.pipeline_mode<synchronous>, transform_indices = @transform_9, window_bounds = array<i64: 128, 10>}]} {
    %get3A = arith.constant 0 : index
    %get3A_0 = arith.constant 0 : index
    %get3A_1 = vector.load %arg4[%get3A, %get3A_0] : memref<2048x128xf32, #tpu.memory_space<vmem>>, vector<2048x1xf32>
    %get3A_2 = arith.constant 0 : index
    %get3A_3 = arith.constant 0 : index
    %get3A_4 = vector.load %arg5[%get3A_2, %get3A_3] : memref<2048x128xf32, #tpu.memory_space<vmem>>, vector<2048x1xf32>
    %add3A = arith.addf %get3A_1, %get3A_4 : vector<2048x1xf32>
    %add3A_5 = arith.constant 1.000000e+00 : f32
    %add3A_6 = vector.broadcast %add3A_5 : f32 to vector<2048x1xf32>
    %add3A_7 = arith.addf %add3A, %add3A_6 : vector<2048x1xf32>
    %rsqrt3A = math.rsqrt %add3A_7 : vector<2048x1xf32>
    %get3A_8 = arith.constant 0 : index
    %get3A_9 = arith.constant 0 : index
    %get3A_10 = vector.load %arg1[%get3A_8, %get3A_9] : memref<2048x128xf32, #tpu.memory_space<vmem>>, vector<2048x128xf32>
    %get3A_11 = arith.constant 0 : index
    %get3A_12 = arith.constant 0 : index
    %get3A_13 = vector.load %arg2[%get3A_11, %get3A_12] : memref<2048x128xf32, #tpu.memory_space<vmem>>, vector<2048x128xf32>
    %add3A_14 = arith.addf %get3A_10, %get3A_13 : vector<2048x128xf32>
    %get3A_15 = arith.constant 0 : index
    %get3A_16 = arith.constant 0 : index
    %get3A_17 = vector.load %arg3[%get3A_15, %get3A_16] : memref<2048x128xf32, #tpu.memory_space<vmem>>, vector<2048x128xf32>
    %add3A_18 = arith.addf %add3A_14, %get3A_17 : vector<2048x128xf32>
    %mul3A = vector.broadcast %rsqrt3A : vector<2048x1xf32> to vector<2048x128xf32>
    %mul3A_19 = arith.mulf %mul3A, %add3A_18 : vector<2048x128xf32>
    %get3A_20 = arith.constant 0 : index
    %get3A_21 = arith.constant 0 : index
    %get3A_22 = vector.load %arg6[%get3A_20, %get3A_21] : memref<1x128xf32, #tpu.memory_space<vmem>>, vector<1x128xf32>
    %add3A_23 = vector.broadcast %get3A_22 : vector<1x128xf32> to vector<2048x128xf32>
    %add3A_24 = arith.addf %mul3A_19, %add3A_23 : vector<2048x128xf32>
    %get3A_25 = arith.constant 0 : index
    %get3A_26 = arith.constant 0 : index
    %get3A_27 = vector.load %arg7[%get3A_25, %get3A_26] : memref<1x2048xi32, #tpu.memory_space<vmem>>, vector<1x2048xi32>
    %get3A_28 = vector.shape_cast %get3A_27 : vector<1x2048xi32> to vector<2048xi32>
    %iota3A = tpu.iota {dimensions = array<i32: 0>} : vector<128x2048xi32>
    %broadcast_in_dim3A = vector.shape_cast %get3A_28 : vector<2048xi32> to vector<1x2048xi32>
    %eq3A = vector.broadcast %broadcast_in_dim3A : vector<1x2048xi32> to vector<128x2048xi32>
    %eq3A_29 = arith.cmpi eq, %iota3A, %eq3A : vector<128x2048xi32>
    %convert_element_type3A = arith.extui %eq3A_29 : vector<128x2048xi1> to vector<128x2048xi32>
    %convert_element_type3A_30 = arith.sitofp %convert_element_type3A : vector<128x2048xi32> to vector<128x2048xf32>
    %eq3A_31 = arith.constant 0 : i32
    %eq3A_32 = arith.cmpi eq, %arg0, %eq3A_31 : i32
    %convert_element_type3A_33 = arith.extui %eq3A_32 : i1 to i32
    %cond3A = arith.constant 0 : i32
    %cond3A_34 = arith.cmpi ne, %convert_element_type3A_33, %cond3A : i32
    scf.if %cond3A_34 {
      %broadcast_in_dim3A_56 = arith.constant 0.000000e+00 : f32
      %broadcast_in_dim3A_57 = vector.broadcast %broadcast_in_dim3A_56 : f32 to vector<128x128xf32>
      %swap3A_58 = arith.constant 0 : index
      %swap3A_59 = arith.constant 0 : index
      %swap3A_60 = vector.load %arg11[%swap3A_58, %swap3A_59] : memref<128x128xf32, #tpu.memory_space<vmem>>, vector<128x128xf32>
      tpu.vector_store %arg11[%swap3A_58, %swap3A_59], %broadcast_in_dim3A_57 {strides = array<i32>} : memref<128x128xf32, #tpu.memory_space<vmem>>, vector<128x128xf32>,
      %broadcast_in_dim3A_61 = arith.constant 0.000000e+00 : f32
      %broadcast_in_dim3A_62 = vector.broadcast %broadcast_in_dim3A_61 : f32 to vector<128x1xf32>
      %swap3A_63 = arith.constant 0 : index
      %swap3A_64 = arith.constant 0 : index
      %swap3A_65 = vector.load %arg12[%swap3A_63, %swap3A_64] : memref<128x1xf32, #tpu.memory_space<vmem>>, vector<128x1xf32>
      tpu.vector_store %arg12[%swap3A_63, %swap3A_64], %broadcast_in_dim3A_62 {strides = array<i32>} : memref<128x1xf32, #tpu.memory_space<vmem>>, vector<128x1xf32>,
    } else {
    }
    %get3A_35 = arith.constant 0 : index
    %get3A_36 = arith.constant 0 : index
    %get3A_37 = vector.load %arg11[%get3A_35, %get3A_36] : memref<128x128xf32, #tpu.memory_space<vmem>>, vector<128x128xf32>
    %dot_general3A = arith.constant dense<0.000000e+00> : vector<128x128xf32>
    %dot_general3A_38 = tpu.matmul %convert_element_type3A_30, %add3A_24, %dot_general3A {dimension_numbers = #tpu.dot_dimension_numbers<[1], [0], [0], [1], [0, 0, 1, 1], [], []>, transpose_lhs_hint = false} : vector<128x2048xf32>, vector<2048x128xf32>, vector<128x128xf32> -> vector<128x128xf32>
    %add3A_39 = arith.addf %get3A_37, %dot_general3A_38 : vector<128x128xf32>
    %swap3A = arith.constant 0 : index
    %swap3A_40 = arith.constant 0 : index
    %swap3A_41 = vector.load %arg11[%swap3A, %swap3A_40] : memref<128x128xf32, #tpu.memory_space<vmem>>, vector<128x128xf32>
    tpu.vector_store %arg11[%swap3A, %swap3A_40], %add3A_39 {strides = array<i32>} : memref<128x128xf32, #tpu.memory_space<vmem>>, vector<128x128xf32>,
    %get3A_42 = arith.constant 0 : index
    %get3A_43 = arith.constant 0 : index
    %get3A_44 = vector.load %arg12[%get3A_42, %get3A_43] : memref<128x1xf32, #tpu.memory_space<vmem>>, vector<128x1xf32>
    %reduce_sum3A = arith.constant dense<0.000000e+00> : vector<128xf32>
    %reduce_sum3A_45 = vector.multi_reduction <add>, %convert_element_type3A_30, %reduce_sum3A [1] : vector<128x2048xf32> to vector<128xf32>
    %broadcast_in_dim3A_46 = vector.shape_cast %reduce_sum3A_45 : vector<128xf32> to vector<128x1xf32>
    %add3A_47 = arith.addf %get3A_44, %broadcast_in_dim3A_46 : vector<128x1xf32>
    %swap3A_48 = arith.constant 0 : index
    %swap3A_49 = arith.constant 0 : index
    %swap3A_50 = vector.load %arg12[%swap3A_48, %swap3A_49] : memref<128x1xf32, #tpu.memory_space<vmem>>, vector<128x1xf32>
    tpu.vector_store %arg12[%swap3A_48, %swap3A_49], %add3A_47 {strides = array<i32>} : memref<128x1xf32, #tpu.memory_space<vmem>>, vector<128x1xf32>,
    %eq3A_51 = arith.constant 4 : i32
    %eq3A_52 = arith.cmpi eq, %arg0, %eq3A_51 : i32
    %convert_element_type3A_53 = arith.extui %eq3A_52 : i1 to i32
    %cond3A_54 = arith.constant 0 : i32
    %cond3A_55 = arith.cmpi ne, %convert_element_type3A_53, %cond3A_54 : i32
    scf.if %cond3A_55 {
      %get3A_56 = arith.constant 0 : index
      %get3A_57 = arith.constant 0 : index
      %get3A_58 = vector.load %arg11[%get3A_56, %get3A_57] : memref<128x128xf32, #tpu.memory_space<vmem>>, vector<128x128xf32>
      %get3A_59 = arith.constant 0 : index
      %get3A_60 = arith.constant 0 : index
      %get3A_61 = vector.load %arg12[%get3A_59, %get3A_60] : memref<128x1xf32, #tpu.memory_space<vmem>>, vector<128x1xf32>
      %max3A = arith.constant 1.000000e+00 : f32
      %max3A_62 = vector.broadcast %max3A : f32 to vector<128x1xf32>
      %max3A_63 = arith.maximumf %get3A_61, %max3A_62 : vector<128x1xf32>
      %div3A = vector.broadcast %max3A_63 : vector<128x1xf32> to vector<128x128xf32>
      %div3A_64 = arith.divf %get3A_58, %div3A : vector<128x128xf32>
      %get3A_65 = arith.constant 0 : index
      %get3A_66 = arith.constant 0 : index
      %get3A_67 = vector.load %arg8[%get3A_65, %get3A_66] : memref<128x10xf32, #tpu.memory_space<vmem>>, vector<128x10xf32>
      %dot_general3A_68 = arith.constant dense<0.000000e+00> : vector<128x10xf32>
      %dot_general3A_69 = tpu.matmul %div3A_64, %get3A_67, %dot_general3A_68 {dimension_numbers = #tpu.dot_dimension_numbers<[1], [0], [0], [1], [0, 0, 1, 1], [], []>, transpose_lhs_hint = false} : vector<128x128xf32>, vector<128x10xf32>, vector<128x10xf32> -> vector<128x10xf32>
      %get3A_70 = arith.constant 0 : index
      %get3A_71 = arith.constant 0 : index
      %get3A_72 = vector.load %arg9[%get3A_70, %get3A_71] : memref<1x10xf32, #tpu.memory_space<vmem>>, vector<1x10xf32>
      %add3A_73 = vector.broadcast %get3A_72 : vector<1x10xf32> to vector<128x10xf32>
      %add3A_74 = arith.addf %dot_general3A_69, %add3A_73 : vector<128x10xf32>
      %swap3A_75 = arith.constant 0 : index
      %swap3A_76 = arith.constant 0 : index
      %swap3A_77 = vector.load %arg10[%swap3A_75, %swap3A_76] : memref<128x10xf32, #tpu.memory_space<vmem>>, vector<128x10xf32>
      tpu.vector_store %arg10[%swap3A_75, %swap3A_76], %add3A_74 {strides = array<i32>} : memref<128x10xf32, #tpu.memory_space<vmem>>, vector<128x10xf32>,
    } else {
    }
    return
  }
  func.func @transform_0(%arg0: i32) -> (i32, i32) {
    %c0_i32 = arith.constant 0 : i32
    %c0_i32_0 = arith.constant 0 : i32
    return %arg0, %c0_i32 : i32, i32
  }
  func.func @transform_1(%arg0: i32) -> (i32, i32) {
    %c0_i32 = arith.constant 0 : i32
    %c0_i32_0 = arith.constant 0 : i32
    return %arg0, %c0_i32 : i32, i32
  }
  func.func @transform_2(%arg0: i32) -> (i32, i32) {
    %c0_i32 = arith.constant 0 : i32
    %c0_i32_0 = arith.constant 0 : i32
    return %arg0, %c0_i32 : i32, i32
  }
  func.func @transform_3(%arg0: i32) -> (i32, i32) {
    %c0_i32 = arith.constant 0 : i32
    %c0_i32_0 = arith.constant 0 : i32
    return %arg0, %c0_i32 : i32, i32
  }
  func.func @transform_4(%arg0: i32) -> (i32, i32) {
    %c0_i32 = arith.constant 0 : i32
    %c0_i32_0 = arith.constant 0 : i32
    return %arg0, %c0_i32 : i32, i32
  }
  func.func @transform_5(%arg0: i32) -> (i32, i32) {
    %c0_i32 = arith.constant 0 : i32
    %c0_i32_0 = arith.constant 0 : i32
    %c0_i32_1 = arith.constant 0 : i32
    return %c0_i32, %c0_i32_0 : i32, i32
  }
  func.func @transform_6(%arg0: i32) -> (i32, i32) {
    %c0_i32 = arith.constant 0 : i32
    %c0_i32_0 = arith.constant 0 : i32
    return %c0_i32, %arg0 : i32, i32
  }
  func.func @transform_7(%arg0: i32) -> (i32, i32) {
    %c0_i32 = arith.constant 0 : i32
    %c0_i32_0 = arith.constant 0 : i32
    %c0_i32_1 = arith.constant 0 : i32
    return %c0_i32, %c0_i32_0 : i32, i32
  }
  func.func @transform_8(%arg0: i32) -> (i32, i32) {
    %c0_i32 = arith.constant 0 : i32
    %c0_i32_0 = arith.constant 0 : i32
    %c0_i32_1 = arith.constant 0 : i32
    return %c0_i32, %c0_i32_0 : i32, i32
  }
  func.func @transform_9(%arg0: i32) -> (i32, i32) {
    %c0_i32 = arith.constant 0 : i32
    %c0_i32_0 = arith.constant 0 : i32
    %c0_i32_1 = arith.constant 0 : i32
    return %c0_i32, %c0_i32_0 : i32, i32
  }
}

</mosaic_0001>

<sc_bundles>
// kernel: kernel.10.cloned.1.call-start
scs
__scs_entry_jumppad:
0x0: {  	(pc) =	sbr.rel $0x88, $3  }
0x1: {  	(tag) =	ssettag $0x0;
	lr =	simm.s32 $0x1  }
0x2: {  	[smem:$0x3F96] =	sst lr;
	_ =	strace $0xD0000000  }
0x3: {  	_ = 	snop  }
0x4: {  	_ = 	snop  }
0x5: {  	_ = 	snop  }
0x6: {  	_ = 	snop  }
0x7: {  	_ = 	snop  }
__scs_overlays_trampoline_lowered:
0x8: {  	[smem:$0x3FA5] =	sst s0  }
0x9: {  	[smem:$0x3FA6] =	sst s1  }
0xa: {  	[smem:$0x3FA7] =	sst s2  }
0xb: {  	[smem:$0x3FA8] =	sst s3  }
0xc: {  	[smem:$0x3FA9] =	sst s4  }
0xd: {  	[smem:$0x3FAA] =	sst s5  }
0xe: {  	[smem:$0x3FAB] =	sst s6  }
0xf: {  	[smem:$0x3FAC] =	sst s7  }
0x10: {  	[smem:$0x3FAD] =	sst s8  }
0x11: {  	[smem:$0x3FAE] =	sst s9;
	s0 =	simm.s32 @!p0 $0x0  }
0x12: {  	s1 =	sld [smem:$0x3F94];
	s0 =	simm.s32 @p0 $0x1  }
0x13: {  	[smem:$0x3FAF] =	sst s0;
	s0 =	simm.s32 @!p1 $0x0  }
0x14: {  	s2 =	sld [smem:$0x3F93];
	s0 =	simm.s32 @p1 $0x1  }
0x15: {  	[smem:$0x3FB0] =	sst s0;
	s0 =	simm.s32 @!p2 $0x0  }
0x16: {  	s3 =	sld [smem:$0x3FDB];
	s0 =	simm.s32 @p2 $0x1  }
0x17: {  	s4 =	simm.s32 $0x1BF5;
	[smem:$0x3FB2] =	sst s0  }
0x18: {  	s0 =	sld [smem:$0x3F95];
	_ =	swait.ge [sflag:s4], $0x0  }
0x19: {  	s7 =	sld [smem:$0x3F96]  }
0x1a: {  	s8 =	sadd.s32 $0xFFFFE003, lr  }
0x1b: {  	s9 =	sadd.s32 $0xFFFFFEF7, lr;
	s5 =	simm.s32 $0xFFFFFFFF;
	p2 =	slt.u32 s8, $0xFFFFF086  }
0x1c: {  	p1 =	slt.u32 s9, $0xF7A;
	s5 =	simm.s32 @!p2 $0x0  }
0x1d: {  	s5 =	simm.s32 @p1 $0x1;
	p0 =	seq.s32 s7, s2  }
0x1e: {  	s7 =	smul.u32 @!p0 $0xF7A, s2;
	p2 =	seq.s32 @!p0 s5, $0x0  }
0x1f: {  	s9 =	smul.u32 $0xF7A, s1;
	s8 =	simm.s32 @!p0 $0x1BF5;
	p2 =	por !p2, p0  }
0x20: {  	[sflag:s8] =	ssyncset.s32 @!p0 $0xFFFFF086;
	s6 =	sadd.s32 @!p0 s3, s7;
	s7 =	simm.s32 @!p0 $0x108  }
0x21: {  	s3 =	sadd.s32 s3, s9;
	s6 =	sadd.s32 @!p0 $0x88, s6;
	s7 =	simm.s32 @p2 $0x1082  }
0x22: {  	[simem:s7], [sflag:s8] =	dma.local @!p0 [hbm:s6], $0xF7A  }
0x23: {  	s9 =	sor.u32 $0xD0000000, s2;
	s6 =	simm.s32 $0x108;
	_ =	swait.ge @!p0 [sflag:s8], $0x0  }
0x24: {  	s3 =	sadd.s32 $0x88, s3;
	s6 =	simm.s32 @!p1 $0x1082;
	[sflag:s4] =	ssyncset.s32 $0xFFFFF086  }
0x25: {  	[simem:s6], [sflag:s4] =	dma.local [hbm:s3], $0xF7A  }
0x26: {  	[smem:$0x3F96] =	sst s1;
	(tag) =	ssettag s2;
	_ =	strace s9  }
0x27: {  	s1 =	sld [smem:$0x3FA6]  }
0x28: {  	s2 =	sld [smem:$0x3FA7]  }
0x29: {  	s4 =	sld [smem:$0x3FA9]  }
0x2a: {  	p0 =	seq.s32 s5, $0x0;
	s5 =	sld [smem:$0x3FAA]  }
0x2b: {  	s6 =	sld [smem:$0x3FAB]  }
0x2c: {  	s7 =	sld [smem:$0x3FAC]  }
0x2d: {  	s3 =	simm.s32 $0x108;
	s8 =	sld [smem:$0x3FAD]  }
0x2e: {  	s3 =	simm.s32 @!p0 $0x1082;
	s9 =	sld [smem:$0x3FAE]  }
0x2f: {  	lr =	sadd.s32 s0, s3;
	s0 =	sld [smem:$0x3FA5]  }
0x30: {  	s3 =	sld [smem:$0x3FA8]  }
0x31: {  	[smem:$0x3FB1] =	sst s10  }
0x32: {  	s10 =	sld [smem:$0x3FAF];
	_ =	sdelay $0x3  }
0x33: {  	p0 =	seq.s32 s10, $0x1;
	s10 =	sld [smem:$0x3FB1];
	_ =	sdelay $0x3  }
0x34: {  	[smem:$0x3FB1] =	sst s10  }
0x35: {  	s10 =	sld [smem:$0x3FB0];
	_ =	sdelay $0x3  }
0x36: {  	p1 =	seq.s32 s10, $0x1;
	s10 =	sld [smem:$0x3FB1];
	_ =	sdelay $0x3  }
0x37: {  	[smem:$0x3FB1] =	sst s10  }
0x38: {  	s10 =	sld [smem:$0x3FB2]  }
0x39: {  	_ = 	snop;
	(pc) =	sbr.ind lr, $3  }
0x3a: {  	_ = 	snop  }
0x3b: {  	_ = 	snop  }
0x3c: {  	p2 =	seq.s32 s10, $0x1;
	s10 =	sld [smem:$0x3FB1]  }
0x3d: {  	_ =	shalt  }
0x3e: {  	_ =	shalt  }
0x3f: {  	_ =	shalt  }
0x40: {  	_ =	shalt  }
0x41: {  	_ =	shalt  }
0x42: {  	_ =	shalt  }
0x43: {  	_ =	shalt  }
0x44: {  	_ =	shalt  }
0x45: {  	_ =	shalt  }
0x46: {  	_ =	shalt  }
0x47: {  	_ =	shalt  }
0x48: {  	_ =	shalt  }
0x49: {  	_ =	shalt  }
0x4a: {  	_ =	shalt  }
0x4b: {  	_ =	shalt  }
0x4c: {  	_ =	shalt  }
0x4d: {  	_ =	shalt  }
0x4e: {  	_ =	shalt  }
0x4f: {  	_ =	shalt  }
0x50: {  	_ =	shalt  }
0x51: {  	_ =	shalt  }
0x52: {  	_ =	shalt  }
0x53: {  	_ =	shalt  }
0x54: {  	_ =	shalt  }
0x55: {  	_ =	shalt  }
0x56: {  	_ =	shalt  }
0x57: {  	_ =	shalt  }
0x58: {  	_ =	shalt  }
0x59: {  	_ =	shalt  }
0x5a: {  	_ =	shalt  }
0x5b: {  	_ =	shalt  }
0x5c: {  	_ =	shalt  }
0x5d: {  	_ =	shalt  }
0x5e: {  	_ =	shalt  }
0x5f: {  	_ =	shalt  }
0x60: {  	_ =	shalt  }
0x61: {  	_ =	shalt  }
0x62: {  	_ =	shalt  }
0x63: {  	_ =	shalt  }
0x64: {  	_ =	shalt  }
0x65: {  	_ =	shalt  }
0x66: {  	_ =	shalt  }
0x67: {  	_ =	shalt  }
0x68: {  	_ =	shalt  }
0x69: {  	_ =	shalt  }
0x6a: {  	_ =	shalt  }
0x6b: {  	_ =	shalt  }
0x6c: {  	_ =	shalt  }
0x6d: {  	_ =	shalt  }
0x6e: {  	_ =	shalt  }
0x6f: {  	_ =	shalt  }
0x70: {  	_ =	shalt  }
0x71: {  	_ =	shalt  }
0x72: {  	_ =	shalt  }
0x73: {  	_ =	shalt  }
0x74: {  	_ =	shalt  }
0x75: {  	_ =	shalt  }
0x76: {  	_ =	shalt  }
0x77: {  	_ =	shalt  }
0x78: {  	_ =	shalt  }
0x79: {  	_ =	shalt  }
0x7a: {  	_ =	shalt  }
0x7b: {  	_ =	shalt  }
0x7c: {  	_ =	shalt  }
0x7d: {  	_ =	shalt  }
0x7e: {  	_ =	shalt  }
0x7f: {  	_ =	shalt  }
0x80: {  	_ =	shalt  }
0x81: {  	_ =	shalt  }
0x82: {  	_ =	shalt  }
0x83: {  	_ =	shalt  }
0x84: {  	_ =	shalt  }
0x85: {  	_ =	shalt  }
0x86: {  	_ =	shalt  }
0x87: {  	_ =	shalt  }
.Lfunc_end0:
.L_simem_size_0:
called_computation_lowered:
.L_overlay_start_0:
0x88: {  	s2 =	sld [smem:$0x3FD9]  }
0x89: {  	s3 =	sld [smem:$0x3FFE];
	_ =	sdelay $0x1  }
0x8a: {  	s1 =	srdreg.scid  }
0x8b: {  	s0 =	sand.u32 $0x1, s1  }
0x8c: {  	s16 =	sshll.u32 s0, $0xA;
	s2 =	sadd.s32 s3, s2  }
0x8d: {  	s2 =	sadd.s32 s2, s16  }
0x8e: {  	[smem:$0x3FBD] =	sst s2  }
0x8f: {  	_ = 	snop  }
0x90: {  	(tm) =	ssettm $0x1  }
0x91: {  	s17 =	sld [smem:$0x3FFB];
	_ =	sdelay $0x3  }
0x92: {  	_ =	strace s17  }
0x93: {  	s2 =	sld [smem:$0x3FFC];
	_ =	sdelay $0x3  }
0x94: {  	_ =	strace s2  }
0x95: {  	s2 =	sld [smem:$0x3FFD];
	_ =	sdelay $0x3  }
0x96: {  	_ =	strace s2  }
0x97: {  	_ =	strace $0x8FFFFFFF  }
0x98: {  	s18 =	sld [smem:$0x3FDB];
	_ =	sdelay $0x1  }
0x99: {  	s19 =	simm.s32 $_scs_section_size  }
0x9a: {  	s4 =	simm.s32 $_size__tile_overlayer_lowered;
	s5 =	simm.s32 $_tile_overlayer_lowered  }
0x9b: {  	s22 =	simm.s32 $0x1BFF;
	s21 =	sshll.u32 s5, $0x1;
	s2 =	sadd.s32 s19, s18  }
0x9c: {  	s6 =	simm.s32 $0x0;
	s20 =	sshll.u32 s4, $0x1;
	s4 =	sadd.s32 s21, s2  }
0x9d: {  	[timem:s6], [sflag:s22] =	dma.local [hbm:s4], s20  }
0x9e: {  	_ =	swait.ge [sflag:s22], s20  }
0x9f: {  	s3 =	ssub.s32 $0x0, s20;
	[sflag:s22] =	ssyncset.done $0x0  }
0xa0: {  	[sflag:s22] =	ssyncadd.s32 s3;
	_ =	sdelay $0x1  }
0xa1: {  	s23 =	simm.s32 $0x1B8B  }
0xa2: {  	_ =	swait.ge [sflag:s23], $0x1  }
0xa3: {  	[sflag:s23] =	ssyncset.done $0x0  }
0xa4: {  	s25 =	simm.s32 $0x1B8E;
	s24 =	sld [smem:$0x3FFE];
	[sflag:s23] =	ssyncadd.s32 $0xFFFFFFFF  }
0xa5: {  	s26 =	simm.s32 $execute0_lowered;
	[smem:$0x3FD2] =	sst s25  }
0xa6: {  	s4 =	sshll.u32 s26, $0x1;
	_ =	strace $0x80000046;
	[dreg:$0x1] =	wrdreg $0xFFFFFFFF  }
0xa7: {  	s28 =	simm.s32 $_size_execute0_lowered;
	s2 =	sadd.s32 s2, s4;
	[dreg:$0x0] =	wrdreg $0x0  }
0xa8: {  	s4 =	sshll.u32 s28, $0x1;
	[dreg:$0x2] =	wrdreg s2  }
0xa9: {  	[dreg:$0x3] =	wrdreg s4  }
0xaa: {  	[dreg:$0x4] =	wrdreg $0xC0  }
0xab: {  	_ =	task [dreg:s6], $0x5FFFF  }
0xac: {  	[dreg:$0x1] =	wrdreg $0xFFFFFFFF  }
0xad: {  	[dreg:$0x0] =	wrdreg $0x60  }
0xae: {  	[dreg:$0x2] =	wrdreg s24  }
0xaf: {  	[dreg:$0x3] =	wrdreg $0x68000  }
0xb0: {  	[dreg:$0x4] =	wrdreg $0x9  }
0xb1: {  	_ =	task.clear_ibuf [dreg:s6], $0x5FFFF;
	_ =	strace $0x90000046  }
0xb2: {  	s29 =	simm.s32 $0x9;
	_ =	strace $0x80000048  }
0xb3: {  	_ =	swait.ge [sflag:s29], $0x1  }
0xb4: {  	[sflag:s29] =	ssyncadd.s32 $0xFFFFFFFF  }
0xb5: {  	_ =	strace $0x90000048  }
0xb6: {  	_ =	sfence  }
0xb7: {  	s30 =	sld [smem:$0x0];
	_ =	sdelay $0x2  }
0xb8: {  	s31 =	sshll.u32 s1, $0xD;
	s1 =	sshrl.u32 s1, $0x2  }
0xb9: {  	s3 =	sand.u32 $0x4000, s31;
	s1 =	sadd.s32 s1, s30  }
0xba: {  	s0 =	sor.u32 s3, s0;
	s1 =	sshll.u32 s1, $0x11  }
0xbb: {  	s0 =	sor.u32 s1, s0  }
0xbc: {  	s0 =	sadd.s32 $0x8F2B, s0  }
0xbd: {  	[sflag:s0] =	ssyncadd.remote.s32 $0x1  }
0xbe: {  	_ =	sfence.sel $0xFFFF  }
0xbf: {  	[dreg:$0x0] =	wrdreg $0xFFFFFFFF;
	(pc) =	sbr.abs _section_cstart, $3  }
0xc0: {  	[dreg:$0x1] =	wrdreg $0xFFFFFFFF  }
0xc1: {  	_ =	task.clear_ibuf [dreg:s6], $0x2FFFF;
	_ =	strace $0x9FFFFFFF  }
0xc2: {  	(tm) =	ssettm $0x7FFFFFFF  }
0xc3: {  	_ =	shalt  }
tec
execute0_lowered:
.L_overlay_start_1:
0x0: {  	(tag) =	ssettag $0x1  }
0x1: {  	s1 =	srdreg.scid;
	s5 =	rddreg [dreg:$0x0]  }
0x2: {  	s0 =	stileid.u32;
	s2 =	rddreg [dreg:$0x1];
	s3 =	simm.s32 $0x0  }
0x3: {  	s13 =	simm.s32 $0x2;
	s14 =	simm.s32 $0x1;
	s15 =	simm.s32 $0x80  }
0x4: {  	s4 =	sand.u32 $0x1, s1;
	s26 =	sshll.u32 s0, $0x1;
	s8 =	smul.u32 $0x14000, s0  }
0x5: {  	[smem:$0x7FF] =	sst s3;
	s9 =	smul.u32 $0x50000, s0;
	s16 =	sshll.u32 s0, $0x6  }
0x6: {  	s1 =	sor.u32 s4, s26;
	s7 =	smul.u32 $0x140000, s4;
	s29 =	ssub.s32 $0x2, s4  }
0x7: {  	s16 =	sor.u32 $0x1C02, s16;
	s6 =	smul.u32 $0x500, s1;
	s1 =	rddreg [dreg:$0x2]  }
0x8: {  	_ =	strace $0x80000047;
	s30 =	sshrl.u32 s9, $0x2;
	s31 =	sshrl.u32 s29, $0x1  }
0x9: {  	s28 =	sadd.s32 s8, s7;
	s4 =	sadd.s32 s30, s2;
	s12 =	ssub.s32 s29, s31  }
0xa: {  	s10 =	sadd.s32 s6, s5;
	s6 =	sshrl.u32 s28, $0x3;
	s7 =	sadd.s32 $0xC000, s4  }
0xb: {  	s8 =	sadd.s32 $0x10000, s4;
	s17 =	sshrl.u32 s4, $0x3;
	s11 =	sadd.s32 s6, s5  }
0xc: {  	s5 =	sadd.s32 $0x4000, s4;
	s6 =	sadd.s32 $0x8000, s4;
	s9 =	sadd.s32 $0x5600, s10  }
0xd: {  	v0 =	vimm.f32 $0.0e+00;
	v1 =	vimm.f32 $1.000000000e+00;
	s10 =	sadd.s32 $0x19600, s11;
	s11 =	smax.u32 s12, $0x1;
	s12 =	simm.s32 $0x2800  }
.LBB2_1:
0xe: {  	s18 =	simm.s32 $0x0;
	s19 =	simm.s32 $0x200  }
.LBB2_2:
0xf: {  	p0 =	sne.s32 s19, $0xFE00;
	[tilespmem:s18+$0x2870] =	vst v0  }
0x10: {  	[tilespmem:s18+$0x2800] =	vst v0  }
0x11: {  	[tilespmem:s18+$0x2810] =	vst v0  }
.Ltmp0:
0x12: {  	[tilespmem:s18+$0x2820] =	vst v0;
	(pc) =	sbr.rel @p0 .LBB2_2-.Ltmp0, $4  }
0x13: {  	[tilespmem:s18+$0x2830] =	vst v0  }
0x14: {  	[tilespmem:s18+$0x2840] =	vst v0  }
0x15: {  	[tilespmem:s18+$0x2850] =	vst v0  }
0x16: {  	[tilespmem:s18+$0x2860] =	vst v0;
	s18 =	sshra.s32 s19, $0x2;
	s19 =	sadd.s32 $0x200, s19  }
0x17: {  	[tilespmem:s18+$0x2870] =	vst v0  }
0x18: {  	[tilespmem:s18+$0x2800] =	vst v0  }
0x19: {  	[tilespmem:s18+$0x2810] =	vst v0  }
0x1a: {  	[tilespmem:s18+$0x2820] =	vst v0  }
0x1b: {  	[tilespmem:s18+$0x2830] =	vst v0  }
0x1c: {  	[tilespmem:s18+$0x2840] =	vst v0  }
0x1d: {  	[tilespmem:s18+$0x2850] =	vst v0  }
0x1e: {  	[tilespmem:s18+$0x2860] =	vst v0  }
0x1f: {  	[spmem:s4] =	stream.linear.scatter [tilespmem:s12], [sflag:$0x1], $0x4000, $0x38;
	[tilespmem:$0x1A800] =	vst v63  }
0x20: {  	_ = 	snop  }
0x21: {  	[spmem:s5] =	stream.linear.scatter [tilespmem:s12], [sflag:$0x1], $0x4000, $0x38;
	[tilespmem:$0x1A800] =	vst v63  }
0x22: {  	_ = 	snop  }
0x23: {  	[spmem:s6] =	stream.linear.scatter [tilespmem:s12], [sflag:$0x1], $0x4000, $0x38;
	[tilespmem:$0x1A800] =	vst v63  }
0x24: {  	_ = 	snop  }
0x25: {  	[spmem:s7] =	stream.linear.scatter [tilespmem:s12], [sflag:$0x1], $0x4000, $0x38;
	[tilespmem:$0x1A800] =	vst v63  }
0x26: {  	_ = 	snop  }
0x27: {  	[spmem:s8] =	stream.linear.scatter [tilespmem:s12], [sflag:$0x1], $0x4000, $0x38;
	[tilespmem:$0x1A800] =	vst v63  }
0x28: {  	s31 =	simm.s32 $0x0  }
0x29: {  	[tilespmem:s31], [sflag:$0x2] =	stream.linear.gather [hbm4b:s9+s31], $0x2800, $0x38;
	[tilespmem:$0x1A800] =	vst v63  }
0x2a: {  	_ =	swait.ge [sflag:s13], $0x2800  }
0x2b: {  	[sflag:s13] =	ssyncset.done $0x0  }
0x2c: {  	[sflag:s13] =	ssyncadd.s32 $0xFFFFD800  }
0x2d: {  	_ =	swait.ge [sflag:s14], $0x4000  }
0x2e: {  	[sflag:s14] =	ssyncset.done $0x0  }
0x2f: {  	[sflag:s14] =	ssyncadd.s32 $0xFFFFC000  }
0x30: {  	_ =	swait.ge [sflag:s14], $0x4000  }
0x31: {  	[sflag:s14] =	ssyncset.done $0x0  }
0x32: {  	[sflag:s14] =	ssyncadd.s32 $0xFFFFC000  }
0x33: {  	_ =	swait.ge [sflag:s14], $0x4000  }
0x34: {  	[sflag:s14] =	ssyncset.done $0x0  }
0x35: {  	[sflag:s14] =	ssyncadd.s32 $0xFFFFC000  }
0x36: {  	_ =	swait.ge [sflag:s14], $0x4000  }
0x37: {  	[sflag:s14] =	ssyncset.done $0x0  }
0x38: {  	[sflag:s14] =	ssyncadd.s32 $0xFFFFC000  }
0x39: {  	_ =	swait.ge [sflag:s14], $0x4000  }
0x3a: {  	[sflag:s14] =	ssyncset.done $0x0  }
0x3b: {  	s18 =	simm.s32 $0x0;
	s19 =	simm.s32 $0x200;
	[sflag:s14] =	ssyncadd.s32 $0xFFFFC000  }
.LBB2_4:
0x3c: {  	p0 =	sne.s32 s19, $0xFE00;
	[tilespmem:s18+$0x2870] =	vst v1  }
0x3d: {  	[tilespmem:s18+$0x2800] =	vst v1  }
0x3e: {  	[tilespmem:s18+$0x2810] =	vst v1  }
.Ltmp1:
0x3f: {  	[tilespmem:s18+$0x2820] =	vst v1;
	(pc) =	sbr.rel @p0 .LBB2_4-.Ltmp1, $4  }
0x40: {  	[tilespmem:s18+$0x2830] =	vst v1  }
0x41: {  	[tilespmem:s18+$0x2840] =	vst v1  }
0x42: {  	[tilespmem:s18+$0x2850] =	vst v1  }
0x43: {  	[tilespmem:s18+$0x2860] =	vst v1;
	s18 =	sshra.s32 s19, $0x2;
	s19 =	sadd.s32 $0x200, s19  }
0x44: {  	[tilespmem:s18+$0x2870] =	vst v1  }
0x45: {  	[tilespmem:s18+$0x2800] =	vst v1  }
0x46: {  	[tilespmem:s18+$0x2810] =	vst v1  }
0x47: {  	[tilespmem:s18+$0x2820] =	vst v1  }
0x48: {  	[tilespmem:s18+$0x2830] =	vst v1  }
0x49: {  	[tilespmem:s18+$0x2840] =	vst v1  }
0x4a: {  	[tilespmem:s18+$0x2850] =	vst v1  }
0x4b: {  	[tilespmem:s18+$0x2860] =	vst v1;
	p0 =	por $0x1, $0x1  }
0x4c: {  	s18 =	simm.s32 $0x0;
	[bflag:$0x0] =	sbarrier.arrive $0xFFFF;
	s20 =	simm.s32 @!p0 $0x1  }
0x4d: {  	[spmem:s2] =	stream.indirect.scatter.add.f32 [tilespmem:s12], [sflag:$0x1], $0x80, s18, s15, $0xb8;
	[tilespmem:$0x1A800] =	vst v63  }
0x4e: {  	_ =	swait.ge @!p0 [sflag:s20], $0x4000  }
0x4f: {  	s19 =	simm.s32 $0x1;
	[sflag:s20] =	ssyncset.done @!p0 $0x0  }
.LBB2_6:
0x50: {  	[sflag:s20] =	ssyncadd.s32 @!p0 $0xFFFFC000  }
0x51: {  	s18 =	sadd.s32 $0x80, s18;
	s20 =	smov.u32 s19;
	s19 =	sadd.s32 $0x1, s19  }
0x52: {  	p1 =	sne.s32 s19, $0x50  }
0x53: {  	[spmem:s2] =	stream.indirect.scatter.add.f32 [tilespmem:s12], [sflag:$0x1], $0x80, s18, s15, $0xb8;
	[tilespmem:$0x1A800] =	vst v63  }
.Ltmp2:
0x54: {  	_ = 	snop;
	(pc) =	sbr.rel @p1 .LBB2_6-.Ltmp2, $4  }
0x55: {  	p0 =	slt.u32 s20, $0x8  }
0x56: {  	s20 =	simm.s32 @!p0 $0x1  }
0x57: {  	_ =	swait.ge @!p0 [sflag:s20], $0x4000  }
0x58: {  	[sflag:s20] =	ssyncset.done @!p0 $0x0  }
0x59: {  	[sflag:s20] =	ssyncadd.s32 @!p0 $0xFFFFC000  }
0x5a: {  	_ =	swait.ge [sflag:s14], $0x4000  }
0x5b: {  	[sflag:s14] =	ssyncset.done $0x0  }
0x5c: {  	[sflag:s14] =	ssyncadd.s32 $0xFFFFC000  }
0x5d: {  	_ =	swait.ge [sflag:s14], $0x4000  }
0x5e: {  	[sflag:s14] =	ssyncset.done $0x0  }
0x5f: {  	[sflag:s14] =	ssyncadd.s32 $0xFFFFC000  }
0x60: {  	_ =	swait.ge [sflag:s14], $0x4000  }
0x61: {  	[sflag:s14] =	ssyncset.done $0x0  }
0x62: {  	[sflag:s14] =	ssyncadd.s32 $0xFFFFC000  }
0x63: {  	_ =	swait.ge [sflag:s14], $0x4000  }
0x64: {  	[sflag:s14] =	ssyncset.done $0x0  }
0x65: {  	[sflag:s14] =	ssyncadd.s32 $0xFFFFC000  }
0x66: {  	_ =	swait.ge [sflag:s14], $0x4000  }
0x67: {  	[sflag:s14] =	ssyncset.done $0x0  }
0x68: {  	[sflag:s14] =	ssyncadd.s32 $0xFFFFC000  }
0x69: {  	_ =	swait.ge [sflag:s14], $0x4000  }
0x6a: {  	[sflag:s14] =	ssyncset.done $0x0  }
0x6b: {  	[sflag:s14] =	ssyncadd.s32 $0xFFFFC000  }
0x6c: {  	_ =	swait.ge [sflag:s14], $0x4000  }
0x6d: {  	[sflag:s14] =	ssyncset.done $0x0  }
0x6e: {  	[sflag:s14] =	ssyncadd.s32 $0xFFFFC000  }
0x6f: {  	_ =	swait.ge [sflag:s14], $0x4000  }
0x70: {  	s3 =	sadd.s32 $0x1, s3;
	[sflag:s14] =	ssyncset.done $0x0  }
0x71: {  	p0 =	sne.s32 s3, s11;
	[sflag:s14] =	ssyncadd.s32 $0xFFFFC000  }
.Ltmp3:
0x72: {  	[bflag:$0x0] =	sbarrier.arrive $0xFFFF;
	(pc) =	sbr.rel @p0 .LBB2_1-.Ltmp3, $4  }
0x73: {  	[hbm:s10], [sflag:s16] =	dma.local [spmem:s17], $0x2800  }
0x74: {  	_ =	swait.ge [sflag:s13], $0x2800  }
0x75: {  	[sflag:s13] =	ssyncset.done $0x0  }
0x76: {  	[sflag:s13] =	ssyncadd.s32 $0xFFFFD800  }
0x77: {  	_ =	sfence.sel $0x180000  }
0x78: {  	[bflag:$0x0] =	sbarrier.arrive $0xFFFF  }
0x79: {  	p0 =	sne.s32 s0, $0x0;
	_ =	strace $0x90000047  }
0x7a: {  	s0 =	sadd.s32 @!p0 $0x100000, s1;
	[bflag:$0x2] =	sbarrier.arrive $0xFFFF  }
0x7b: {  	[sflag:s0] =	ssyncadd.tile.s32 @!p0 $0x1;
	_ =	shalt  }
.Lfunc_end2:
_tile_overlayer_lowered:
.L_overlay_start_2:
0x7c: {  	(tag) =	ssettag $0x2  }
0x7d: {  	s0 =	rddreg [dreg:$0x0];
	s2 =	stileid.u32  }
0x7e: {  	s1 =	rddreg [dreg:$0x1];
	p0 =	sne.s32 s2, $0x0  }
0x7f: {  	s3 =	rddreg [dreg:$0x2];
	[bflag:$0x3] =	sbarrier.arrive $0xFFFF;
	s2 =	simm.s32 @!p0 $0x1C02  }
0x80: {  	[timem:s3], [sflag:s2] =	dma.local @!p0 [hbm:s0], s1  }
0x81: {  	s0 =	simm.s32 @!p0 $0x2  }
0x82: {  	_ =	swait.ge @!p0 [sflag:s0], s1  }
0x83: {  	s1 =	ssub.s32 @!p0 $0x0, s1;
	[sflag:s0] =	ssyncset.done @!p0 $0x0  }
0x84: {  	[sflag:s0] =	ssyncadd.s32 @!p0 s1  }
0x85: {  	[bflag:$0x3] =	sbarrier.arrive $0xFFFF  }
0x86: {  	_ =	shalt  }

// kernel: kernel.13.cloned.1.call-start
scs
__scs_entry_jumppad:
0x0: {  	(pc) =	sbr.rel $0x88, $3  }
0x1: {  	(tag) =	ssettag $0x0;
	lr =	simm.s32 $0x1  }
0x2: {  	[smem:$0x3F96] =	sst lr;
	_ =	strace $0xD0000000  }
0x3: {  	_ = 	snop  }
0x4: {  	_ = 	snop  }
0x5: {  	_ = 	snop  }
0x6: {  	_ = 	snop  }
0x7: {  	_ = 	snop  }
__scs_overlays_trampoline_lowered:
0x8: {  	[smem:$0x3FA5] =	sst s0  }
0x9: {  	[smem:$0x3FA6] =	sst s1  }
0xa: {  	[smem:$0x3FA7] =	sst s2  }
0xb: {  	[smem:$0x3FA8] =	sst s3  }
0xc: {  	[smem:$0x3FA9] =	sst s4  }
0xd: {  	[smem:$0x3FAA] =	sst s5  }
0xe: {  	[smem:$0x3FAB] =	sst s6  }
0xf: {  	[smem:$0x3FAC] =	sst s7  }
0x10: {  	[smem:$0x3FAD] =	sst s8  }
0x11: {  	[smem:$0x3FAE] =	sst s9;
	s0 =	simm.s32 @!p0 $0x0  }
0x12: {  	s1 =	sld [smem:$0x3F94];
	s0 =	simm.s32 @p0 $0x1  }
0x13: {  	[smem:$0x3FAF] =	sst s0;
	s0 =	simm.s32 @!p1 $0x0  }
0x14: {  	s2 =	sld [smem:$0x3F93];
	s0 =	simm.s32 @p1 $0x1  }
0x15: {  	[smem:$0x3FB0] =	sst s0;
	s0 =	simm.s32 @!p2 $0x0  }
0x16: {  	s3 =	sld [smem:$0x3FDB];
	s0 =	simm.s32 @p2 $0x1  }
0x17: {  	s4 =	simm.s32 $0x1BF5;
	[smem:$0x3FB2] =	sst s0  }
0x18: {  	s0 =	sld [smem:$0x3F95];
	_ =	swait.ge [sflag:s4], $0x0  }
0x19: {  	s7 =	sld [smem:$0x3F96]  }
0x1a: {  	s8 =	sadd.s32 $0xFFFFE003, lr  }
0x1b: {  	s9 =	sadd.s32 $0xFFFFFEF7, lr;
	s5 =	simm.s32 $0xFFFFFFFF;
	p2 =	slt.u32 s8, $0xFFFFF086  }
0x1c: {  	p1 =	slt.u32 s9, $0xF7A;
	s5 =	simm.s32 @!p2 $0x0  }
0x1d: {  	s5 =	simm.s32 @p1 $0x1;
	p0 =	seq.s32 s7, s2  }
0x1e: {  	s7 =	smul.u32 @!p0 $0xF7A, s2;
	p2 =	seq.s32 @!p0 s5, $0x0  }
0x1f: {  	s9 =	smul.u32 $0xF7A, s1;
	s8 =	simm.s32 @!p0 $0x1BF5;
	p2 =	por !p2, p0  }
0x20: {  	[sflag:s8] =	ssyncset.s32 @!p0 $0xFFFFF086;
	s6 =	sadd.s32 @!p0 s3, s7;
	s7 =	simm.s32 @!p0 $0x108  }
0x21: {  	s3 =	sadd.s32 s3, s9;
	s6 =	sadd.s32 @!p0 $0x88, s6;
	s7 =	simm.s32 @p2 $0x1082  }
0x22: {  	[simem:s7], [sflag:s8] =	dma.local @!p0 [hbm:s6], $0xF7A  }
0x23: {  	s9 =	sor.u32 $0xD0000000, s2;
	s6 =	simm.s32 $0x108;
	_ =	swait.ge @!p0 [sflag:s8], $0x0  }
0x24: {  	s3 =	sadd.s32 $0x88, s3;
	s6 =	simm.s32 @!p1 $0x1082;
	[sflag:s4] =	ssyncset.s32 $0xFFFFF086  }
0x25: {  	[simem:s6], [sflag:s4] =	dma.local [hbm:s3], $0xF7A  }
0x26: {  	[smem:$0x3F96] =	sst s1;
	(tag) =	ssettag s2;
	_ =	strace s9  }
0x27: {  	s1 =	sld [smem:$0x3FA6]  }
0x28: {  	s2 =	sld [smem:$0x3FA7]  }
0x29: {  	s4 =	sld [smem:$0x3FA9]  }
0x2a: {  	p0 =	seq.s32 s5, $0x0;
	s5 =	sld [smem:$0x3FAA]  }
0x2b: {  	s6 =	sld [smem:$0x3FAB]  }
0x2c: {  	s7 =	sld [smem:$0x3FAC]  }
0x2d: {  	s3 =	simm.s32 $0x108;
	s8 =	sld [smem:$0x3FAD]  }
0x2e: {  	s3 =	simm.s32 @!p0 $0x1082;
	s9 =	sld [smem:$0x3FAE]  }
0x2f: {  	lr =	sadd.s32 s0, s3;
	s0 =	sld [smem:$0x3FA5]  }
0x30: {  	s3 =	sld [smem:$0x3FA8]  }
0x31: {  	[smem:$0x3FB1] =	sst s10  }
0x32: {  	s10 =	sld [smem:$0x3FAF];
	_ =	sdelay $0x3  }
0x33: {  	p0 =	seq.s32 s10, $0x1;
	s10 =	sld [smem:$0x3FB1];
	_ =	sdelay $0x3  }
0x34: {  	[smem:$0x3FB1] =	sst s10  }
0x35: {  	s10 =	sld [smem:$0x3FB0];
	_ =	sdelay $0x3  }
0x36: {  	p1 =	seq.s32 s10, $0x1;
	s10 =	sld [smem:$0x3FB1];
	_ =	sdelay $0x3  }
0x37: {  	[smem:$0x3FB1] =	sst s10  }
0x38: {  	s10 =	sld [smem:$0x3FB2]  }
0x39: {  	_ = 	snop;
	(pc) =	sbr.ind lr, $3  }
0x3a: {  	_ = 	snop  }
0x3b: {  	_ = 	snop  }
0x3c: {  	p2 =	seq.s32 s10, $0x1;
	s10 =	sld [smem:$0x3FB1]  }
0x3d: {  	_ =	shalt  }
0x3e: {  	_ =	shalt  }
0x3f: {  	_ =	shalt  }
0x40: {  	_ =	shalt  }
0x41: {  	_ =	shalt  }
0x42: {  	_ =	shalt  }
0x43: {  	_ =	shalt  }
0x44: {  	_ =	shalt  }
0x45: {  	_ =	shalt  }
0x46: {  	_ =	shalt  }
0x47: {  	_ =	shalt  }
0x48: {  	_ =	shalt  }
0x49: {  	_ =	shalt  }
0x4a: {  	_ =	shalt  }
0x4b: {  	_ =	shalt  }
0x4c: {  	_ =	shalt  }
0x4d: {  	_ =	shalt  }
0x4e: {  	_ =	shalt  }
0x4f: {  	_ =	shalt  }
0x50: {  	_ =	shalt  }
0x51: {  	_ =	shalt  }
0x52: {  	_ =	shalt  }
0x53: {  	_ =	shalt  }
0x54: {  	_ =	shalt  }
0x55: {  	_ =	shalt  }
0x56: {  	_ =	shalt  }
0x57: {  	_ =	shalt  }
0x58: {  	_ =	shalt  }
0x59: {  	_ =	shalt  }
0x5a: {  	_ =	shalt  }
0x5b: {  	_ =	shalt  }
0x5c: {  	_ =	shalt  }
0x5d: {  	_ =	shalt  }
0x5e: {  	_ =	shalt  }
0x5f: {  	_ =	shalt  }
0x60: {  	_ =	shalt  }
0x61: {  	_ =	shalt  }
0x62: {  	_ =	shalt  }
0x63: {  	_ =	shalt  }
0x64: {  	_ =	shalt  }
0x65: {  	_ =	shalt  }
0x66: {  	_ =	shalt  }
0x67: {  	_ =	shalt  }
0x68: {  	_ =	shalt  }
0x69: {  	_ =	shalt  }
0x6a: {  	_ =	shalt  }
0x6b: {  	_ =	shalt  }
0x6c: {  	_ =	shalt  }
0x6d: {  	_ =	shalt  }
0x6e: {  	_ =	shalt  }
0x6f: {  	_ =	shalt  }
0x70: {  	_ =	shalt  }
0x71: {  	_ =	shalt  }
0x72: {  	_ =	shalt  }
0x73: {  	_ =	shalt  }
0x74: {  	_ =	shalt  }
0x75: {  	_ =	shalt  }
0x76: {  	_ =	shalt  }
0x77: {  	_ =	shalt  }
0x78: {  	_ =	shalt  }
0x79: {  	_ =	shalt  }
0x7a: {  	_ =	shalt  }
0x7b: {  	_ =	shalt  }
0x7c: {  	_ =	shalt  }
0x7d: {  	_ =	shalt  }
0x7e: {  	_ =	shalt  }
0x7f: {  	_ =	shalt  }
0x80: {  	_ =	shalt  }
0x81: {  	_ =	shalt  }
0x82: {  	_ =	shalt  }
0x83: {  	_ =	shalt  }
0x84: {  	_ =	shalt  }
0x85: {  	_ =	shalt  }
0x86: {  	_ =	shalt  }
0x87: {  	_ =	shalt  }
.Lfunc_end0:
.L_simem_size_0:
called_computation.1_lowered:
.L_overlay_start_0:
0x88: {  	s2 =	sld [smem:$0x3FD9]  }
0x89: {  	s3 =	sld [smem:$0x3FFE];
	_ =	sdelay $0x1  }
0x8a: {  	s1 =	srdreg.scid  }
0x8b: {  	s0 =	sand.u32 $0x1, s1  }
0x8c: {  	s16 =	sshll.u32 s0, $0xA;
	s2 =	sadd.s32 s3, s2  }
0x8d: {  	s2 =	sadd.s32 s2, s16  }
0x8e: {  	[smem:$0x3FBD] =	sst s2  }
0x8f: {  	_ = 	snop  }
0x90: {  	(tm) =	ssettm $0x1  }
0x91: {  	s17 =	sld [smem:$0x3FFB];
	_ =	sdelay $0x3  }
0x92: {  	_ =	strace s17  }
0x93: {  	s2 =	sld [smem:$0x3FFC];
	_ =	sdelay $0x3  }
0x94: {  	_ =	strace s2  }
0x95: {  	s2 =	sld [smem:$0x3FFD];
	_ =	sdelay $0x3  }
0x96: {  	_ =	strace s2  }
0x97: {  	_ =	strace $0x8FFFFFFF  }
0x98: {  	s18 =	sld [smem:$0x3FDB];
	_ =	sdelay $0x1  }
0x99: {  	s19 =	simm.s32 $_scs_section_size  }
0x9a: {  	s4 =	simm.s32 $_size__tile_overlayer_lowered;
	s5 =	simm.s32 $_tile_overlayer_lowered  }
0x9b: {  	s22 =	simm.s32 $0x1BFF;
	s21 =	sshll.u32 s5, $0x1;
	s2 =	sadd.s32 s19, s18  }
0x9c: {  	s6 =	simm.s32 $0x0;
	s20 =	sshll.u32 s4, $0x1;
	s4 =	sadd.s32 s21, s2  }
0x9d: {  	[timem:s6], [sflag:s22] =	dma.local [hbm:s4], s20  }
0x9e: {  	_ =	swait.ge [sflag:s22], s20  }
0x9f: {  	s3 =	ssub.s32 $0x0, s20;
	[sflag:s22] =	ssyncset.done $0x0  }
0xa0: {  	[sflag:s22] =	ssyncadd.s32 s3;
	_ =	sdelay $0x1  }
0xa1: {  	s23 =	simm.s32 $0x1B8B  }
0xa2: {  	_ =	swait.ge [sflag:s23], $0x1  }
0xa3: {  	[sflag:s23] =	ssyncset.done $0x0  }
0xa4: {  	s25 =	simm.s32 $0x1B8E;
	s24 =	sld [smem:$0x3FFE];
	[sflag:s23] =	ssyncadd.s32 $0xFFFFFFFF  }
0xa5: {  	s26 =	simm.s32 $execute0_lowered;
	[smem:$0x3FD2] =	sst s25  }
0xa6: {  	s4 =	sshll.u32 s26, $0x1;
	_ =	strace $0x80000049;
	[dreg:$0x1] =	wrdreg $0xFFFFFFFF  }
0xa7: {  	s28 =	simm.s32 $_size_execute0_lowered;
	s2 =	sadd.s32 s2, s4;
	[dreg:$0x0] =	wrdreg $0x0  }
0xa8: {  	s4 =	sshll.u32 s28, $0x1;
	[dreg:$0x2] =	wrdreg s2  }
0xa9: {  	[dreg:$0x3] =	wrdreg s4  }
0xaa: {  	[dreg:$0x4] =	wrdreg $0xC0  }
0xab: {  	_ =	task [dreg:s6], $0x5FFFF  }
0xac: {  	[dreg:$0x1] =	wrdreg $0xFFFFFFFF  }
0xad: {  	[dreg:$0x0] =	wrdreg $0x60  }
0xae: {  	[dreg:$0x2] =	wrdreg s24  }
0xaf: {  	[dreg:$0x3] =	wrdreg $0xA8000  }
0xb0: {  	[dreg:$0x4] =	wrdreg $0x9  }
0xb1: {  	_ =	task.clear_ibuf [dreg:s6], $0x5FFFF;
	_ =	strace $0x90000049  }
0xb2: {  	s29 =	simm.s32 $0x9;
	_ =	strace $0x8000004B  }
0xb3: {  	_ =	swait.ge [sflag:s29], $0x1  }
0xb4: {  	[sflag:s29] =	ssyncadd.s32 $0xFFFFFFFF  }
0xb5: {  	_ =	strace $0x9000004B  }
0xb6: {  	_ =	sfence  }
0xb7: {  	s30 =	sld [smem:$0x0];
	_ =	sdelay $0x2  }
0xb8: {  	s31 =	sshll.u32 s1, $0xD;
	s1 =	sshrl.u32 s1, $0x2  }
0xb9: {  	s3 =	sand.u32 $0x4000, s31;
	s1 =	sadd.s32 s1, s30  }
0xba: {  	s0 =	sor.u32 s3, s0;
	s1 =	sshll.u32 s1, $0x11  }
0xbb: {  	s0 =	sor.u32 s1, s0  }
0xbc: {  	s0 =	sadd.s32 $0x8F2B, s0  }
0xbd: {  	[sflag:s0] =	ssyncadd.remote.s32 $0x1  }
0xbe: {  	_ =	sfence.sel $0xFFFF  }
0xbf: {  	[dreg:$0x0] =	wrdreg $0xFFFFFFFF;
	(pc) =	sbr.abs _section_cstart, $3  }
0xc0: {  	[dreg:$0x1] =	wrdreg $0xFFFFFFFF  }
0xc1: {  	_ =	task.clear_ibuf [dreg:s6], $0x2FFFF;
	_ =	strace $0x9FFFFFFF  }
0xc2: {  	(tm) =	ssettm $0x7FFFFFFF  }
0xc3: {  	_ =	shalt  }
tec
execute0_lowered:
.L_overlay_start_1:
0x0: {  	(tag) =	ssettag $0x1  }
0x1: {  	s5 =	rddreg [dreg:$0x0];
	s0 =	srdreg.scid  }
0x2: {  	s2 =	rddreg [dreg:$0x1];
	s1 =	stileid.u32  }
0x3: {  	s3 =	simm.s32 $0x0;
	s17 =	simm.s32 $0x1;
	s18 =	simm.s32 $0x3  }
0x4: {  	s19 =	simm.s32 $0x1400;
	s20 =	simm.s32 $0x80;
	s21 =	simm.s32 $0x6800  }
0x5: {  	s22 =	simm.s32 $0x2;
	s23 =	simm.s32 $0x1380;
	s24 =	simm.s32 $0x2700  }
0x6: {  	s25 =	simm.s32 $0x2780;
	s6 =	sand.u32 $0x1, s0;
	s0 =	rddreg [dreg:$0x2]  }
0x7: {  	s8 =	smul.u32 $0x14000, s1;
	[smem:$0x7FF] =	sst s3;
	s4 =	sadd.s32 $0x69600, s5  }
0x8: {  	s12 =	sadd.s32 $0xF600, s5;
	s26 =	smul.u32 $0x50000, s1;
	s28 =	sshll.u32 s1, $0x1  }
0x9: {  	s13 =	sadd.s32 $0x5600, s5;
	s7 =	smul.u32 $0x140000, s6;
	s9 =	sor.u32 s6, s28  }
0xa: {  	_ =	strace $0x8000004A;
	s29 =	ssub.s32 $0x2, s6;
	s10 =	smul.u32 $0x2800, s9  }
0xb: {  	s31 =	sshrl.u32 s29, $0x1;
	s11 =	smul.u32 $0x500, s9;
	s7 =	sadd.s32 s8, s7  }
0xc: {  	s30 =	sshrl.u32 s26, $0x2;
	s15 =	ssub.s32 s29, s31;
	s7 =	sshrl.u32 s7, $0x3  }
0xd: {  	s16 =	sshrl.u32 s10, $0x3;
	s10 =	sadd.s32 s12, s11;
	s11 =	sadd.s32 s13, s11  }
0xe: {  	s15 =	smax.u32 s15, $0x1;
	s14 =	sadd.s32 s7, s5;
	s5 =	sadd.s32 s30, s2  }
0xf: {  	s16 =	sadd.s32 $0x280, s16;
	s6 =	sadd.s32 $0x4000, s5;
	s7 =	sadd.s32 $0x8000, s5  }
0x10: {  	s8 =	sadd.s32 $0xC000, s5;
	s9 =	sadd.s32 $0x10000, s5;
	s12 =	sadd.s32 s12, s16  }
0x11: {  	v0 =	vimm.f32 $0.0e+00;
	s13 =	sadd.s32 s13, s16;
	s14 =	sadd.s32 $0x91600, s14;
	s16 =	simm.s32 $0x2800  }
.LBB2_1:
0x12: {  	s26 =	simm.s32 $0x0;
	s28 =	simm.s32 $0x200  }
.LBB2_2:
0x13: {  	p0 =	sne.s32 s28, $0xFE00;
	[tilespmem:s26+$0x2870] =	vst v0  }
0x14: {  	[tilespmem:s26+$0x2800] =	vst v0  }
0x15: {  	[tilespmem:s26+$0x2810] =	vst v0  }
.Ltmp0:
0x16: {  	[tilespmem:s26+$0x2820] =	vst v0;
	(pc) =	sbr.rel @p0 .LBB2_2-.Ltmp0, $4  }
0x17: {  	[tilespmem:s26+$0x2830] =	vst v0  }
0x18: {  	[tilespmem:s26+$0x2840] =	vst v0  }
0x19: {  	[tilespmem:s26+$0x2850] =	vst v0  }
0x1a: {  	[tilespmem:s26+$0x2860] =	vst v0;
	s26 =	sshra.s32 s28, $0x2;
	s28 =	sadd.s32 $0x200, s28  }
0x1b: {  	[tilespmem:s26+$0x2870] =	vst v0  }
0x1c: {  	[tilespmem:s26+$0x2800] =	vst v0  }
0x1d: {  	[tilespmem:s26+$0x2810] =	vst v0  }
0x1e: {  	[tilespmem:s26+$0x2820] =	vst v0  }
0x1f: {  	[tilespmem:s26+$0x2830] =	vst v0  }
0x20: {  	[tilespmem:s26+$0x2840] =	vst v0  }
0x21: {  	[tilespmem:s26+$0x2850] =	vst v0  }
0x22: {  	[tilespmem:s26+$0x2860] =	vst v0  }
0x23: {  	[spmem:s5] =	stream.linear.scatter [tilespmem:s16], [sflag:$0x1], $0x4000, $0x38;
	[tilespmem:$0x1E800] =	vst v63  }
0x24: {  	_ = 	snop  }
0x25: {  	[spmem:s6] =	stream.linear.scatter [tilespmem:s16], [sflag:$0x1], $0x4000, $0x38;
	[tilespmem:$0x1E800] =	vst v63  }
0x26: {  	_ = 	snop  }
0x27: {  	[spmem:s7] =	stream.linear.scatter [tilespmem:s16], [sflag:$0x1], $0x4000, $0x38;
	[tilespmem:$0x1E800] =	vst v63  }
0x28: {  	_ = 	snop  }
0x29: {  	[spmem:s8] =	stream.linear.scatter [tilespmem:s16], [sflag:$0x1], $0x4000, $0x38;
	[tilespmem:$0x1E800] =	vst v63  }
0x2a: {  	_ = 	snop  }
0x2b: {  	[spmem:s9] =	stream.linear.scatter [tilespmem:s16], [sflag:$0x1], $0x4000, $0x38;
	[tilespmem:$0x1E800] =	vst v63  }
0x2c: {  	_ =	swait.ge [sflag:s17], $0x4000  }
0x2d: {  	[sflag:s17] =	ssyncset.done $0x0  }
0x2e: {  	[sflag:s17] =	ssyncadd.s32 $0xFFFFC000  }
0x2f: {  	_ =	swait.ge [sflag:s17], $0x4000  }
0x30: {  	[sflag:s17] =	ssyncset.done $0x0  }
0x31: {  	[sflag:s17] =	ssyncadd.s32 $0xFFFFC000  }
0x32: {  	_ =	swait.ge [sflag:s17], $0x4000  }
0x33: {  	[sflag:s17] =	ssyncset.done $0x0  }
0x34: {  	[sflag:s17] =	ssyncadd.s32 $0xFFFFC000  }
0x35: {  	_ =	swait.ge [sflag:s17], $0x4000  }
0x36: {  	[sflag:s17] =	ssyncset.done $0x0  }
0x37: {  	[sflag:s17] =	ssyncadd.s32 $0xFFFFC000  }
0x38: {  	_ =	swait.ge [sflag:s17], $0x4000  }
0x39: {  	[sflag:s17] =	ssyncset.done $0x0  }
0x3a: {  	[sflag:s17] =	ssyncadd.s32 $0xFFFFC000  }
0x3b: {  	s31 =	simm.s32 $0x0;
	[bflag:$0x0] =	sbarrier.arrive $0xFFFF  }
0x3c: {  	[tilespmem:s31], [sflag:$0x3] =	stream.linear.gather [hbm4b:s10+s31], $0x1400, $0x38;
	[tilespmem:$0x1E800] =	vst v63  }
0x3d: {  	_ =	swait.ge [sflag:s18], $0x1400  }
0x3e: {  	[sflag:s18] =	ssyncset.done $0x0  }
0x3f: {  	[sflag:s18] =	ssyncadd.s32 $0xFFFFEC00  }
0x40: {  	[tilespmem:s19], [sflag:$0x3] =	stream.linear.gather [hbm4b:s11+s31], $0x1400, $0x38;
	[tilespmem:$0x1E800] =	vst v63  }
0x41: {  	_ =	swait.ge [sflag:s18], $0x1400  }
0x42: {  	[sflag:s18] =	ssyncset.done $0x0  }
0x43: {  	[sflag:s18] =	ssyncadd.s32 $0xFFFFEC00  }
0x44: {  	[tilespmem:s16], [sflag:$0x1] =	stream.indirect.gather [hbm4b:s4+s20], $0x80, s31, s20, $0xb8;
	[tilespmem:$0x1E800] =	vst v63  }
0x45: {  	_ =	swait.ge [sflag:s17], $0x4000  }
0x46: {  	[sflag:s17] =	ssyncset.done $0x0  }
0x47: {  	s28 =	simm.s32 $0x80;
	[sflag:s17] =	ssyncadd.s32 $0xFFFFC000  }
0x48: {  	[tilespmem:s21], [sflag:$0x2] =	stream.indirect.gather [hbm4b:s4+s20], $0x80, s28, s20, $0xb8;
	[tilespmem:$0x1E800] =	vst v63  }
0x49: {  	s29 =	simm.s32 $0x1400  }
0x4a: {  	[spmem:s2] =	stream.indirect.scatter.add.f32 [tilespmem:s16], [sflag:$0x3], $0x80, s29, s20, $0xb8;
	[tilespmem:$0x1E800] =	vst v63  }
0x4b: {  	_ =	swait.ge [sflag:s18], $0x4000  }
0x4c: {  	[sflag:s18] =	ssyncset.done $0x0  }
0x4d: {  	[sflag:s18] =	ssyncadd.s32 $0xFFFFC000  }
0x4e: {  	_ =	swait.ge [sflag:s22], $0x4000  }
0x4f: {  	[sflag:s22] =	ssyncset.done $0x0  }
0x50: {  	s30 =	simm.s32 $0x100;
	[sflag:s22] =	ssyncadd.s32 $0xFFFFC000  }
0x51: {  	[tilespmem:s16], [sflag:$0x1] =	stream.indirect.gather [hbm4b:s4+s20], $0x80, s30, s20, $0xb8;
	[tilespmem:$0x1E800] =	vst v63  }
0x52: {  	s31 =	simm.s32 $0x1480  }
0x53: {  	[spmem:s2] =	stream.indirect.scatter.add.f32 [tilespmem:s21], [sflag:$0x3], $0x80, s31, s20, $0xb8;
	[tilespmem:$0x1E800] =	vst v63  }
0x54: {  	_ =	swait.ge [sflag:s18], $0x4000  }
0x55: {  	s26 =	simm.s32 $0x400;
	[sflag:s18] =	ssyncset.done $0x0  }
.LBB2_4:
0x56: {  	p0 =	sne.s32 s26, $0x4800  }
0x57: {  	[sflag:s18] =	ssyncadd.s32 $0xFFFFC000;
	s28 =	smov.u32 s26;
	s26 =	sadd.s32 $0x400, s26  }
0x58: {  	_ = 	snop  }
0x59: {  	_ =	swait.ge [sflag:s17], $0x4000  }
0x5a: {  	s28 =	sshra.s32 s28, $0x2;
	[sflag:s17] =	ssyncset.done $0x0  }
0x5b: {  	s29 =	sadd.s32 $0x80, s28;
	[sflag:s17] =	ssyncadd.s32 $0xFFFFC000  }
0x5c: {  	[tilespmem:s21], [sflag:$0x2] =	stream.indirect.gather [hbm4b:s4+s20], $0x80, s29, s20, $0xb8;
	[tilespmem:$0x1E800] =	vst v63  }
0x5d: {  	s29 =	sadd.s32 $0x1400, s28  }
0x5e: {  	[spmem:s2] =	stream.indirect.scatter.add.f32 [tilespmem:s16], [sflag:$0x3], $0x80, s29, s20, $0xb8;
	[tilespmem:$0x1E800] =	vst v63  }
0x5f: {  	_ =	swait.ge [sflag:s18], $0x4000  }
0x60: {  	[sflag:s18] =	ssyncset.done $0x0  }
0x61: {  	[sflag:s18] =	ssyncadd.s32 $0xFFFFC000  }
0x62: {  	_ =	swait.ge [sflag:s22], $0x4000  }
0x63: {  	[sflag:s22] =	ssyncset.done $0x0  }
0x64: {  	s29 =	sadd.s32 $0x100, s28;
	[sflag:s22] =	ssyncadd.s32 $0xFFFFC000  }
0x65: {  	[tilespmem:s16], [sflag:$0x1] =	stream.indirect.gather [hbm4b:s4+s20], $0x80, s29, s20, $0xb8;
	[tilespmem:$0x1E800] =	vst v63  }
.Ltmp1:
0x66: {  	_ = 	snop;
	(pc) =	sbr.rel @p0 .LBB2_4-.Ltmp1, $4  }
0x67: {  	s28 =	sadd.s32 $0x1480, s28  }
0x68: {  	[spmem:s2] =	stream.indirect.scatter.add.f32 [tilespmem:s21], [sflag:$0x3], $0x80, s28, s20, $0xb8;
	[tilespmem:$0x1E800] =	vst v63  }
0x69: {  	_ =	swait.ge [sflag:s18], $0x4000  }
0x6a: {  	[sflag:s18] =	ssyncset.done $0x0  }
0x6b: {  	[sflag:s18] =	ssyncadd.s32 $0xFFFFC000  }
0x6c: {  	_ =	swait.ge [sflag:s17], $0x4000  }
0x6d: {  	[sflag:s17] =	ssyncset.done $0x0  }
0x6e: {  	[sflag:s17] =	ssyncadd.s32 $0xFFFFC000  }
0x6f: {  	[tilespmem:s21], [sflag:$0x2] =	stream.indirect.gather [hbm4b:s4+s20], $0x80, s23, s20, $0xb8;
	[tilespmem:$0x1E800] =	vst v63  }
0x70: {  	_ = 	snop  }
0x71: {  	[spmem:s2] =	stream.indirect.scatter.add.f32 [tilespmem:s16], [sflag:$0x3], $0x80, s24, s20, $0xb8;
	[tilespmem:$0x1E800] =	vst v63  }
0x72: {  	_ =	swait.ge [sflag:s18], $0x4000  }
0x73: {  	[sflag:s18] =	ssyncset.done $0x0  }
0x74: {  	[sflag:s18] =	ssyncadd.s32 $0xFFFFC000  }
0x75: {  	_ =	swait.ge [sflag:s22], $0x4000  }
0x76: {  	[sflag:s22] =	ssyncset.done $0x0  }
0x77: {  	[sflag:s22] =	ssyncadd.s32 $0xFFFFC000  }
0x78: {  	[spmem:s2] =	stream.indirect.scatter.add.f32 [tilespmem:s21], [sflag:$0x3], $0x80, s25, s20, $0xb8;
	[tilespmem:$0x1E800] =	vst v63  }
0x79: {  	_ =	swait.ge [sflag:s18], $0x4000  }
0x7a: {  	[sflag:s18] =	ssyncset.done $0x0  }
0x7b: {  	s26 =	simm.s32 $0x0;
	[sflag:s18] =	ssyncadd.s32 $0xFFFFC000  }
0x7c: {  	[tilespmem:s26], [sflag:$0x3] =	stream.linear.gather [hbm4b:s12+s26], $0x1400, $0x38;
	[tilespmem:$0x1E800] =	vst v63  }
0x7d: {  	_ =	swait.ge [sflag:s18], $0x1400  }
0x7e: {  	[sflag:s18] =	ssyncset.done $0x0  }
0x7f: {  	[sflag:s18] =	ssyncadd.s32 $0xFFFFEC00  }
0x80: {  	[tilespmem:s19], [sflag:$0x3] =	stream.linear.gather [hbm4b:s13+s26], $0x1400, $0x38;
	[tilespmem:$0x1E800] =	vst v63  }
0x81: {  	_ =	swait.ge [sflag:s18], $0x1400  }
0x82: {  	[sflag:s18] =	ssyncset.done $0x0  }
0x83: {  	[sflag:s18] =	ssyncadd.s32 $0xFFFFEC00  }
0x84: {  	[tilespmem:s16], [sflag:$0x1] =	stream.indirect.gather [hbm4b:s4+s20], $0x80, s26, s20, $0xb8;
	[tilespmem:$0x1E800] =	vst v63  }
0x85: {  	_ =	swait.ge [sflag:s17], $0x4000  }
0x86: {  	[sflag:s17] =	ssyncset.done $0x0  }
0x87: {  	s28 =	simm.s32 $0x80;
	[sflag:s17] =	ssyncadd.s32 $0xFFFFC000  }
0x88: {  	[tilespmem:s21], [sflag:$0x2] =	stream.indirect.gather [hbm4b:s4+s20], $0x80, s28, s20, $0xb8;
	[tilespmem:$0x1E800] =	vst v63  }
0x89: {  	s29 =	simm.s32 $0x1400  }
0x8a: {  	[spmem:s2] =	stream.indirect.scatter.add.f32 [tilespmem:s16], [sflag:$0x3], $0x80, s29, s20, $0xb8;
	[tilespmem:$0x1E800] =	vst v63  }
0x8b: {  	_ =	swait.ge [sflag:s18], $0x4000  }
0x8c: {  	[sflag:s18] =	ssyncset.done $0x0  }
0x8d: {  	[sflag:s18] =	ssyncadd.s32 $0xFFFFC000  }
0x8e: {  	_ =	swait.ge [sflag:s22], $0x4000  }
0x8f: {  	[sflag:s22] =	ssyncset.done $0x0  }
0x90: {  	s30 =	simm.s32 $0x100;
	[sflag:s22] =	ssyncadd.s32 $0xFFFFC000  }
0x91: {  	[tilespmem:s16], [sflag:$0x1] =	stream.indirect.gather [hbm4b:s4+s20], $0x80, s30, s20, $0xb8;
	[tilespmem:$0x1E800] =	vst v63  }
0x92: {  	s31 =	simm.s32 $0x1480  }
0x93: {  	[spmem:s2] =	stream.indirect.scatter.add.f32 [tilespmem:s21], [sflag:$0x3], $0x80, s31, s20, $0xb8;
	[tilespmem:$0x1E800] =	vst v63  }
0x94: {  	_ =	swait.ge [sflag:s18], $0x4000  }
0x95: {  	s26 =	simm.s32 $0x400;
	[sflag:s18] =	ssyncset.done $0x0  }
.LBB2_6:
0x96: {  	p0 =	sne.s32 s26, $0x4800  }
0x97: {  	[sflag:s18] =	ssyncadd.s32 $0xFFFFC000;
	s28 =	smov.u32 s26;
	s26 =	sadd.s32 $0x400, s26  }
0x98: {  	_ = 	snop  }
0x99: {  	_ =	swait.ge [sflag:s17], $0x4000  }
0x9a: {  	s28 =	sshra.s32 s28, $0x2;
	[sflag:s17] =	ssyncset.done $0x0  }
0x9b: {  	s29 =	sadd.s32 $0x80, s28;
	[sflag:s17] =	ssyncadd.s32 $0xFFFFC000  }
0x9c: {  	[tilespmem:s21], [sflag:$0x2] =	stream.indirect.gather [hbm4b:s4+s20], $0x80, s29, s20, $0xb8;
	[tilespmem:$0x1E800] =	vst v63  }
0x9d: {  	s29 =	sadd.s32 $0x1400, s28  }
0x9e: {  	[spmem:s2] =	stream.indirect.scatter.add.f32 [tilespmem:s16], [sflag:$0x3], $0x80, s29, s20, $0xb8;
	[tilespmem:$0x1E800] =	vst v63  }
0x9f: {  	_ =	swait.ge [sflag:s18], $0x4000  }
0xa0: {  	[sflag:s18] =	ssyncset.done $0x0  }
0xa1: {  	[sflag:s18] =	ssyncadd.s32 $0xFFFFC000  }
0xa2: {  	_ =	swait.ge [sflag:s22], $0x4000  }
0xa3: {  	[sflag:s22] =	ssyncset.done $0x0  }
0xa4: {  	s29 =	sadd.s32 $0x100, s28;
	[sflag:s22] =	ssyncadd.s32 $0xFFFFC000  }
0xa5: {  	[tilespmem:s16], [sflag:$0x1] =	stream.indirect.gather [hbm4b:s4+s20], $0x80, s29, s20, $0xb8;
	[tilespmem:$0x1E800] =	vst v63  }
.Ltmp2:
0xa6: {  	_ = 	snop;
	(pc) =	sbr.rel @p0 .LBB2_6-.Ltmp2, $4  }
0xa7: {  	s28 =	sadd.s32 $0x1480, s28  }
0xa8: {  	[spmem:s2] =	stream.indirect.scatter.add.f32 [tilespmem:s21], [sflag:$0x3], $0x80, s28, s20, $0xb8;
	[tilespmem:$0x1E800] =	vst v63  }
0xa9: {  	_ =	swait.ge [sflag:s18], $0x4000  }
0xaa: {  	[sflag:s18] =	ssyncset.done $0x0  }
0xab: {  	[sflag:s18] =	ssyncadd.s32 $0xFFFFC000  }
0xac: {  	_ =	swait.ge [sflag:s17], $0x4000  }
0xad: {  	[sflag:s17] =	ssyncset.done $0x0  }
0xae: {  	[sflag:s17] =	ssyncadd.s32 $0xFFFFC000  }
0xaf: {  	[tilespmem:s21], [sflag:$0x2] =	stream.indirect.gather [hbm4b:s4+s20], $0x80, s23, s20, $0xb8;
	[tilespmem:$0x1E800] =	vst v63  }
0xb0: {  	_ = 	snop  }
0xb1: {  	[spmem:s2] =	stream.indirect.scatter.add.f32 [tilespmem:s16], [sflag:$0x3], $0x80, s24, s20, $0xb8;
	[tilespmem:$0x1E800] =	vst v63  }
0xb2: {  	_ =	swait.ge [sflag:s18], $0x4000  }
0xb3: {  	[sflag:s18] =	ssyncset.done $0x0  }
0xb4: {  	[sflag:s18] =	ssyncadd.s32 $0xFFFFC000  }
0xb5: {  	_ =	swait.ge [sflag:s22], $0x4000  }
0xb6: {  	[sflag:s22] =	ssyncset.done $0x0  }
0xb7: {  	[sflag:s22] =	ssyncadd.s32 $0xFFFFC000  }
0xb8: {  	[spmem:s2] =	stream.indirect.scatter.add.f32 [tilespmem:s21], [sflag:$0x3], $0x80, s25, s20, $0xb8;
	[tilespmem:$0x1E800] =	vst v63  }
0xb9: {  	_ =	swait.ge [sflag:s18], $0x4000  }
0xba: {  	s26 =	sshll.u32 s1, $0x6;
	s3 =	sadd.s32 $0x1, s3;
	[sflag:s18] =	ssyncset.done $0x0  }
0xbb: {  	s28 =	sshrl.u32 s5, $0x3;
	p0 =	sne.s32 s3, s15;
	[sflag:s18] =	ssyncadd.s32 $0xFFFFC000  }
.Ltmp3:
0xbc: {  	s26 =	sor.u32 $0x1C03, s26;
	[bflag:$0x0] =	sbarrier.arrive $0xFFFF;
	(pc) =	sbr.rel @p0 .LBB2_1-.Ltmp3, $4  }
0xbd: {  	[hbm:s14], [sflag:s26] =	dma.local [spmem:s28], $0x2800  }
0xbe: {  	_ =	swait.ge [sflag:s18], $0x2800  }
0xbf: {  	[sflag:s18] =	ssyncset.done $0x0  }
0xc0: {  	[sflag:s18] =	ssyncadd.s32 $0xFFFFD800  }
0xc1: {  	_ =	sfence.sel $0x180000  }
0xc2: {  	[bflag:$0x0] =	sbarrier.arrive $0xFFFF  }
0xc3: {  	p0 =	sne.s32 s1, $0x0;
	_ =	strace $0x9000004A  }
0xc4: {  	s0 =	sadd.s32 @!p0 $0x100000, s0;
	[bflag:$0x2] =	sbarrier.arrive $0xFFFF  }
0xc5: {  	[sflag:s0] =	ssyncadd.tile.s32 @!p0 $0x1;
	_ =	shalt  }
.Lfunc_end2:
_tile_overlayer_lowered:
.L_overlay_start_2:
0xc6: {  	(tag) =	ssettag $0x2  }
0xc7: {  	s0 =	rddreg [dreg:$0x0];
	s2 =	stileid.u32  }
0xc8: {  	s1 =	rddreg [dreg:$0x1];
	p0 =	sne.s32 s2, $0x0  }
0xc9: {  	s3 =	rddreg [dreg:$0x2];
	[bflag:$0x3] =	sbarrier.arrive $0xFFFF;
	s2 =	simm.s32 @!p0 $0x1C03  }
0xca: {  	[timem:s3], [sflag:s2] =	dma.local @!p0 [hbm:s0], s1  }
0xcb: {  	s0 =	simm.s32 @!p0 $0x3  }
0xcc: {  	_ =	swait.ge @!p0 [sflag:s0], s1  }
0xcd: {  	s1 =	ssub.s32 @!p0 $0x0, s1;
	[sflag:s0] =	ssyncset.done @!p0 $0x0  }
0xce: {  	[sflag:s0] =	ssyncadd.s32 @!p0 s1  }
0xcf: {  	[bflag:$0x3] =	sbarrier.arrive $0xFFFF  }
0xd0: {  	_ =	shalt  }

// kernel: kernel.16.cloned.1.call-start
scs
__scs_entry_jumppad:
0x0: {  	(pc) =	sbr.rel $0x88, $3  }
0x1: {  	(tag) =	ssettag $0x0;
	lr =	simm.s32 $0x1  }
0x2: {  	[smem:$0x3F96] =	sst lr;
	_ =	strace $0xD0000000  }
0x3: {  	_ = 	snop  }
0x4: {  	_ = 	snop  }
0x5: {  	_ = 	snop  }
0x6: {  	_ = 	snop  }
0x7: {  	_ = 	snop  }
__scs_overlays_trampoline_lowered:
0x8: {  	[smem:$0x3FA5] =	sst s0  }
0x9: {  	[smem:$0x3FA6] =	sst s1  }
0xa: {  	[smem:$0x3FA7] =	sst s2  }
0xb: {  	[smem:$0x3FA8] =	sst s3  }
0xc: {  	[smem:$0x3FA9] =	sst s4  }
0xd: {  	[smem:$0x3FAA] =	sst s5  }
0xe: {  	[smem:$0x3FAB] =	sst s6  }
0xf: {  	[smem:$0x3FAC] =	sst s7  }
0x10: {  	[smem:$0x3FAD] =	sst s8  }
0x11: {  	[smem:$0x3FAE] =	sst s9;
	s0 =	simm.s32 @!p0 $0x0  }
0x12: {  	s1 =	sld [smem:$0x3F94];
	s0 =	simm.s32 @p0 $0x1  }
0x13: {  	[smem:$0x3FAF] =	sst s0;
	s0 =	simm.s32 @!p1 $0x0  }
0x14: {  	s2 =	sld [smem:$0x3F93];
	s0 =	simm.s32 @p1 $0x1  }
0x15: {  	[smem:$0x3FB0] =	sst s0;
	s0 =	simm.s32 @!p2 $0x0  }
0x16: {  	s3 =	sld [smem:$0x3FDB];
	s0 =	simm.s32 @p2 $0x1  }
0x17: {  	s4 =	simm.s32 $0x1BF5;
	[smem:$0x3FB2] =	sst s0  }
0x18: {  	s0 =	sld [smem:$0x3F95];
	_ =	swait.ge [sflag:s4], $0x0  }
0x19: {  	s7 =	sld [smem:$0x3F96]  }
0x1a: {  	s8 =	sadd.s32 $0xFFFFE003, lr  }
0x1b: {  	s9 =	sadd.s32 $0xFFFFFEF7, lr;
	s5 =	simm.s32 $0xFFFFFFFF;
	p2 =	slt.u32 s8, $0xFFFFF086  }
0x1c: {  	p1 =	slt.u32 s9, $0xF7A;
	s5 =	simm.s32 @!p2 $0x0  }
0x1d: {  	s5 =	simm.s32 @p1 $0x1;
	p0 =	seq.s32 s7, s2  }
0x1e: {  	s7 =	smul.u32 @!p0 $0xF7A, s2;
	p2 =	seq.s32 @!p0 s5, $0x0  }
0x1f: {  	s9 =	smul.u32 $0xF7A, s1;
	s8 =	simm.s32 @!p0 $0x1BF5;
	p2 =	por !p2, p0  }
0x20: {  	[sflag:s8] =	ssyncset.s32 @!p0 $0xFFFFF086;
	s6 =	sadd.s32 @!p0 s3, s7;
	s7 =	simm.s32 @!p0 $0x108  }
0x21: {  	s3 =	sadd.s32 s3, s9;
	s6 =	sadd.s32 @!p0 $0x88, s6;
	s7 =	simm.s32 @p2 $0x1082  }
0x22: {  	[simem:s7], [sflag:s8] =	dma.local @!p0 [hbm:s6], $0xF7A  }
0x23: {  	s9 =	sor.u32 $0xD0000000, s2;
	s6 =	simm.s32 $0x108;
	_ =	swait.ge @!p0 [sflag:s8], $0x0  }
0x24: {  	s3 =	sadd.s32 $0x88, s3;
	s6 =	simm.s32 @!p1 $0x1082;
	[sflag:s4] =	ssyncset.s32 $0xFFFFF086  }
0x25: {  	[simem:s6], [sflag:s4] =	dma.local [hbm:s3], $0xF7A  }
0x26: {  	[smem:$0x3F96] =	sst s1;
	(tag) =	ssettag s2;
	_ =	strace s9  }
0x27: {  	s1 =	sld [smem:$0x3FA6]  }
0x28: {  	s2 =	sld [smem:$0x3FA7]  }
0x29: {  	s4 =	sld [smem:$0x3FA9]  }
0x2a: {  	p0 =	seq.s32 s5, $0x0;
	s5 =	sld [smem:$0x3FAA]  }
0x2b: {  	s6 =	sld [smem:$0x3FAB]  }
0x2c: {  	s7 =	sld [smem:$0x3FAC]  }
0x2d: {  	s3 =	simm.s32 $0x108;
	s8 =	sld [smem:$0x3FAD]  }
0x2e: {  	s3 =	simm.s32 @!p0 $0x1082;
	s9 =	sld [smem:$0x3FAE]  }
0x2f: {  	lr =	sadd.s32 s0, s3;
	s0 =	sld [smem:$0x3FA5]  }
0x30: {  	s3 =	sld [smem:$0x3FA8]  }
0x31: {  	[smem:$0x3FB1] =	sst s10  }
0x32: {  	s10 =	sld [smem:$0x3FAF];
	_ =	sdelay $0x3  }
0x33: {  	p0 =	seq.s32 s10, $0x1;
	s10 =	sld [smem:$0x3FB1];
	_ =	sdelay $0x3  }
0x34: {  	[smem:$0x3FB1] =	sst s10  }
0x35: {  	s10 =	sld [smem:$0x3FB0];
	_ =	sdelay $0x3  }
0x36: {  	p1 =	seq.s32 s10, $0x1;
	s10 =	sld [smem:$0x3FB1];
	_ =	sdelay $0x3  }
0x37: {  	[smem:$0x3FB1] =	sst s10  }
0x38: {  	s10 =	sld [smem:$0x3FB2]  }
0x39: {  	_ = 	snop;
	(pc) =	sbr.ind lr, $3  }
0x3a: {  	_ = 	snop  }
0x3b: {  	_ = 	snop  }
0x3c: {  	p2 =	seq.s32 s10, $0x1;
	s10 =	sld [smem:$0x3FB1]  }
0x3d: {  	_ =	shalt  }
0x3e: {  	_ =	shalt  }
0x3f: {  	_ =	shalt  }
0x40: {  	_ =	shalt  }
0x41: {  	_ =	shalt  }
0x42: {  	_ =	shalt  }
0x43: {  	_ =	shalt  }
0x44: {  	_ =	shalt  }
0x45: {  	_ =	shalt  }
0x46: {  	_ =	shalt  }
0x47: {  	_ =	shalt  }
0x48: {  	_ =	shalt  }
0x49: {  	_ =	shalt  }
0x4a: {  	_ =	shalt  }
0x4b: {  	_ =	shalt  }
0x4c: {  	_ =	shalt  }
0x4d: {  	_ =	shalt  }
0x4e: {  	_ =	shalt  }
0x4f: {  	_ =	shalt  }
0x50: {  	_ =	shalt  }
0x51: {  	_ =	shalt  }
0x52: {  	_ =	shalt  }
0x53: {  	_ =	shalt  }
0x54: {  	_ =	shalt  }
0x55: {  	_ =	shalt  }
0x56: {  	_ =	shalt  }
0x57: {  	_ =	shalt  }
0x58: {  	_ =	shalt  }
0x59: {  	_ =	shalt  }
0x5a: {  	_ =	shalt  }
0x5b: {  	_ =	shalt  }
0x5c: {  	_ =	shalt  }
0x5d: {  	_ =	shalt  }
0x5e: {  	_ =	shalt  }
0x5f: {  	_ =	shalt  }
0x60: {  	_ =	shalt  }
0x61: {  	_ =	shalt  }
0x62: {  	_ =	shalt  }
0x63: {  	_ =	shalt  }
0x64: {  	_ =	shalt  }
0x65: {  	_ =	shalt  }
0x66: {  	_ =	shalt  }
0x67: {  	_ =	shalt  }
0x68: {  	_ =	shalt  }
0x69: {  	_ =	shalt  }
0x6a: {  	_ =	shalt  }
0x6b: {  	_ =	shalt  }
0x6c: {  	_ =	shalt  }
0x6d: {  	_ =	shalt  }
0x6e: {  	_ =	shalt  }
0x6f: {  	_ =	shalt  }
0x70: {  	_ =	shalt  }
0x71: {  	_ =	shalt  }
0x72: {  	_ =	shalt  }
0x73: {  	_ =	shalt  }
0x74: {  	_ =	shalt  }
0x75: {  	_ =	shalt  }
0x76: {  	_ =	shalt  }
0x77: {  	_ =	shalt  }
0x78: {  	_ =	shalt  }
0x79: {  	_ =	shalt  }
0x7a: {  	_ =	shalt  }
0x7b: {  	_ =	shalt  }
0x7c: {  	_ =	shalt  }
0x7d: {  	_ =	shalt  }
0x7e: {  	_ =	shalt  }
0x7f: {  	_ =	shalt  }
0x80: {  	_ =	shalt  }
0x81: {  	_ =	shalt  }
0x82: {  	_ =	shalt  }
0x83: {  	_ =	shalt  }
0x84: {  	_ =	shalt  }
0x85: {  	_ =	shalt  }
0x86: {  	_ =	shalt  }
0x87: {  	_ =	shalt  }
.Lfunc_end0:
.L_simem_size_0:
called_computation.2_lowered:
.L_overlay_start_0:
0x88: {  	s2 =	sld [smem:$0x3FD9]  }
0x89: {  	s3 =	sld [smem:$0x3FFE];
	_ =	sdelay $0x1  }
0x8a: {  	s1 =	srdreg.scid  }
0x8b: {  	s0 =	sand.u32 $0x1, s1  }
0x8c: {  	s16 =	sshll.u32 s0, $0xA;
	s2 =	sadd.s32 s3, s2  }
0x8d: {  	s2 =	sadd.s32 s2, s16  }
0x8e: {  	[smem:$0x3FBD] =	sst s2  }
0x8f: {  	_ = 	snop  }
0x90: {  	(tm) =	ssettm $0x1  }
0x91: {  	s17 =	sld [smem:$0x3FFB];
	_ =	sdelay $0x3  }
0x92: {  	_ =	strace s17  }
0x93: {  	s2 =	sld [smem:$0x3FFC];
	_ =	sdelay $0x3  }
0x94: {  	_ =	strace s2  }
0x95: {  	s2 =	sld [smem:$0x3FFD];
	_ =	sdelay $0x3  }
0x96: {  	_ =	strace s2  }
0x97: {  	_ =	strace $0x8FFFFFFF  }
0x98: {  	s18 =	sld [smem:$0x3FDB];
	_ =	sdelay $0x1  }
0x99: {  	s19 =	simm.s32 $_scs_section_size  }
0x9a: {  	s4 =	simm.s32 $_size__tile_overlayer_lowered;
	s5 =	simm.s32 $_tile_overlayer_lowered  }
0x9b: {  	s22 =	simm.s32 $0x1BFF;
	s21 =	sshll.u32 s5, $0x1;
	s2 =	sadd.s32 s19, s18  }
0x9c: {  	s6 =	simm.s32 $0x0;
	s20 =	sshll.u32 s4, $0x1;
	s4 =	sadd.s32 s21, s2  }
0x9d: {  	[timem:s6], [sflag:s22] =	dma.local [hbm:s4], s20  }
0x9e: {  	_ =	swait.ge [sflag:s22], s20  }
0x9f: {  	s3 =	ssub.s32 $0x0, s20;
	[sflag:s22] =	ssyncset.done $0x0  }
0xa0: {  	[sflag:s22] =	ssyncadd.s32 s3;
	_ =	sdelay $0x1  }
0xa1: {  	s23 =	simm.s32 $0x1B8B  }
0xa2: {  	_ =	swait.ge [sflag:s23], $0x1  }
0xa3: {  	[sflag:s23] =	ssyncset.done $0x0  }
0xa4: {  	s25 =	simm.s32 $0x1B8E;
	s24 =	sld [smem:$0x3FFE];
	[sflag:s23] =	ssyncadd.s32 $0xFFFFFFFF  }
0xa5: {  	s26 =	simm.s32 $execute0_lowered;
	[smem:$0x3FD2] =	sst s25  }
0xa6: {  	s4 =	sshll.u32 s26, $0x1;
	_ =	strace $0x8000004C;
	[dreg:$0x1] =	wrdreg $0xFFFFFFFF  }
0xa7: {  	s28 =	simm.s32 $_size_execute0_lowered;
	s2 =	sadd.s32 s2, s4;
	[dreg:$0x0] =	wrdreg $0x0  }
0xa8: {  	s4 =	sshll.u32 s28, $0x1;
	[dreg:$0x2] =	wrdreg s2  }
0xa9: {  	[dreg:$0x3] =	wrdreg s4  }
0xaa: {  	[dreg:$0x4] =	wrdreg $0xC0  }
0xab: {  	_ =	task [dreg:s6], $0x5FFFF  }
0xac: {  	[dreg:$0x1] =	wrdreg $0xFFFFFFFF  }
0xad: {  	[dreg:$0x0] =	wrdreg $0x60  }
0xae: {  	[dreg:$0x2] =	wrdreg s24  }
0xaf: {  	[dreg:$0x3] =	wrdreg $0xA8000  }
0xb0: {  	[dreg:$0x4] =	wrdreg $0x9  }
0xb1: {  	_ =	task.clear_ibuf [dreg:s6], $0x5FFFF;
	_ =	strace $0x9000004C  }
0xb2: {  	s29 =	simm.s32 $0x9;
	_ =	strace $0x8000004E  }
0xb3: {  	_ =	swait.ge [sflag:s29], $0x1  }
0xb4: {  	[sflag:s29] =	ssyncadd.s32 $0xFFFFFFFF  }
0xb5: {  	_ =	strace $0x9000004E  }
0xb6: {  	_ =	sfence  }
0xb7: {  	s30 =	sld [smem:$0x0];
	_ =	sdelay $0x2  }
0xb8: {  	s31 =	sshll.u32 s1, $0xD;
	s1 =	sshrl.u32 s1, $0x2  }
0xb9: {  	s3 =	sand.u32 $0x4000, s31;
	s1 =	sadd.s32 s1, s30  }
0xba: {  	s0 =	sor.u32 s3, s0;
	s1 =	sshll.u32 s1, $0x11  }
0xbb: {  	s0 =	sor.u32 s1, s0  }
0xbc: {  	s0 =	sadd.s32 $0x8F2B, s0  }
0xbd: {  	[sflag:s0] =	ssyncadd.remote.s32 $0x1  }
0xbe: {  	_ =	sfence.sel $0xFFFF  }
0xbf: {  	[dreg:$0x0] =	wrdreg $0xFFFFFFFF;
	(pc) =	sbr.abs _section_cstart, $3  }
0xc0: {  	[dreg:$0x1] =	wrdreg $0xFFFFFFFF  }
0xc1: {  	_ =	task.clear_ibuf [dreg:s6], $0x2FFFF;
	_ =	strace $0x9FFFFFFF  }
0xc2: {  	(tm) =	ssettm $0x7FFFFFFF  }
0xc3: {  	_ =	shalt  }
tec
execute0_lowered:
.L_overlay_start_1:
0x0: {  	(tag) =	ssettag $0x1  }
0x1: {  	s5 =	rddreg [dreg:$0x0];
	s0 =	srdreg.scid  }
0x2: {  	s2 =	rddreg [dreg:$0x1];
	s1 =	stileid.u32  }
0x3: {  	s3 =	simm.s32 $0x0;
	s17 =	simm.s32 $0x1;
	s18 =	simm.s32 $0x3  }
0x4: {  	s19 =	simm.s32 $0x1400;
	s20 =	simm.s32 $0x80;
	s21 =	simm.s32 $0x6800  }
0x5: {  	s22 =	simm.s32 $0x2;
	s23 =	simm.s32 $0x1380;
	s24 =	simm.s32 $0x2700  }
0x6: {  	s25 =	simm.s32 $0x2780;
	s6 =	sand.u32 $0x1, s0;
	s0 =	rddreg [dreg:$0x2]  }
0x7: {  	s8 =	smul.u32 $0x14000, s1;
	[smem:$0x7FF] =	sst s3;
	s4 =	sadd.s32 $0x69600, s5  }
0x8: {  	s12 =	sadd.s32 $0xF600, s5;
	s26 =	smul.u32 $0x50000, s1;
	s28 =	sshll.u32 s1, $0x1  }
0x9: {  	s13 =	sadd.s32 $0x5600, s5;
	s7 =	smul.u32 $0x140000, s6;
	s9 =	sor.u32 s6, s28  }
0xa: {  	_ =	strace $0x8000004D;
	s29 =	ssub.s32 $0x2, s6;
	s10 =	smul.u32 $0x2800, s9  }
0xb: {  	s31 =	sshrl.u32 s29, $0x1;
	s11 =	smul.u32 $0x500, s9;
	s7 =	sadd.s32 s8, s7  }
0xc: {  	s30 =	sshrl.u32 s26, $0x2;
	s15 =	ssub.s32 s29, s31;
	s7 =	sshrl.u32 s7, $0x3  }
0xd: {  	s16 =	sshrl.u32 s10, $0x3;
	s10 =	sadd.s32 s12, s11;
	s11 =	sadd.s32 s13, s11  }
0xe: {  	s15 =	smax.u32 s15, $0x1;
	s14 =	sadd.s32 s7, s5;
	s5 =	sadd.s32 s30, s2  }
0xf: {  	s16 =	sadd.s32 $0x280, s16;
	s6 =	sadd.s32 $0x4000, s5;
	s7 =	sadd.s32 $0x8000, s5  }
0x10: {  	s8 =	sadd.s32 $0xC000, s5;
	s9 =	sadd.s32 $0x10000, s5;
	s12 =	sadd.s32 s12, s16  }
0x11: {  	v0 =	vimm.f32 $0.0e+00;
	s13 =	sadd.s32 s13, s16;
	s14 =	sadd.s32 $0x91600, s14;
	s16 =	simm.s32 $0x2800  }
.LBB2_1:
0x12: {  	s26 =	simm.s32 $0x0;
	s28 =	simm.s32 $0x200  }
.LBB2_2:
0x13: {  	p0 =	sne.s32 s28, $0xFE00;
	[tilespmem:s26+$0x2870] =	vst v0  }
0x14: {  	[tilespmem:s26+$0x2800] =	vst v0  }
0x15: {  	[tilespmem:s26+$0x2810] =	vst v0  }
.Ltmp0:
0x16: {  	[tilespmem:s26+$0x2820] =	vst v0;
	(pc) =	sbr.rel @p0 .LBB2_2-.Ltmp0, $4  }
0x17: {  	[tilespmem:s26+$0x2830] =	vst v0  }
0x18: {  	[tilespmem:s26+$0x2840] =	vst v0  }
0x19: {  	[tilespmem:s26+$0x2850] =	vst v0  }
0x1a: {  	[tilespmem:s26+$0x2860] =	vst v0;
	s26 =	sshra.s32 s28, $0x2;
	s28 =	sadd.s32 $0x200, s28  }
0x1b: {  	[tilespmem:s26+$0x2870] =	vst v0  }
0x1c: {  	[tilespmem:s26+$0x2800] =	vst v0  }
0x1d: {  	[tilespmem:s26+$0x2810] =	vst v0  }
0x1e: {  	[tilespmem:s26+$0x2820] =	vst v0  }
0x1f: {  	[tilespmem:s26+$0x2830] =	vst v0  }
0x20: {  	[tilespmem:s26+$0x2840] =	vst v0  }
0x21: {  	[tilespmem:s26+$0x2850] =	vst v0  }
0x22: {  	[tilespmem:s26+$0x2860] =	vst v0  }
0x23: {  	[spmem:s5] =	stream.linear.scatter [tilespmem:s16], [sflag:$0x1], $0x4000, $0x38;
	[tilespmem:$0x1E800] =	vst v63  }
0x24: {  	_ = 	snop  }
0x25: {  	[spmem:s6] =	stream.linear.scatter [tilespmem:s16], [sflag:$0x1], $0x4000, $0x38;
	[tilespmem:$0x1E800] =	vst v63  }
0x26: {  	_ = 	snop  }
0x27: {  	[spmem:s7] =	stream.linear.scatter [tilespmem:s16], [sflag:$0x1], $0x4000, $0x38;
	[tilespmem:$0x1E800] =	vst v63  }
0x28: {  	_ = 	snop  }
0x29: {  	[spmem:s8] =	stream.linear.scatter [tilespmem:s16], [sflag:$0x1], $0x4000, $0x38;
	[tilespmem:$0x1E800] =	vst v63  }
0x2a: {  	_ = 	snop  }
0x2b: {  	[spmem:s9] =	stream.linear.scatter [tilespmem:s16], [sflag:$0x1], $0x4000, $0x38;
	[tilespmem:$0x1E800] =	vst v63  }
0x2c: {  	_ =	swait.ge [sflag:s17], $0x4000  }
0x2d: {  	[sflag:s17] =	ssyncset.done $0x0  }
0x2e: {  	[sflag:s17] =	ssyncadd.s32 $0xFFFFC000  }
0x2f: {  	_ =	swait.ge [sflag:s17], $0x4000  }
0x30: {  	[sflag:s17] =	ssyncset.done $0x0  }
0x31: {  	[sflag:s17] =	ssyncadd.s32 $0xFFFFC000  }
0x32: {  	_ =	swait.ge [sflag:s17], $0x4000  }
0x33: {  	[sflag:s17] =	ssyncset.done $0x0  }
0x34: {  	[sflag:s17] =	ssyncadd.s32 $0xFFFFC000  }
0x35: {  	_ =	swait.ge [sflag:s17], $0x4000  }
0x36: {  	[sflag:s17] =	ssyncset.done $0x0  }
0x37: {  	[sflag:s17] =	ssyncadd.s32 $0xFFFFC000  }
0x38: {  	_ =	swait.ge [sflag:s17], $0x4000  }
0x39: {  	[sflag:s17] =	ssyncset.done $0x0  }
0x3a: {  	[sflag:s17] =	ssyncadd.s32 $0xFFFFC000  }
0x3b: {  	s31 =	simm.s32 $0x0;
	[bflag:$0x0] =	sbarrier.arrive $0xFFFF  }
0x3c: {  	[tilespmem:s31], [sflag:$0x3] =	stream.linear.gather [hbm4b:s10+s31], $0x1400, $0x38;
	[tilespmem:$0x1E800] =	vst v63  }
0x3d: {  	_ =	swait.ge [sflag:s18], $0x1400  }
0x3e: {  	[sflag:s18] =	ssyncset.done $0x0  }
0x3f: {  	[sflag:s18] =	ssyncadd.s32 $0xFFFFEC00  }
0x40: {  	[tilespmem:s19], [sflag:$0x3] =	stream.linear.gather [hbm4b:s11+s31], $0x1400, $0x38;
	[tilespmem:$0x1E800] =	vst v63  }
0x41: {  	_ =	swait.ge [sflag:s18], $0x1400  }
0x42: {  	[sflag:s18] =	ssyncset.done $0x0  }
0x43: {  	[sflag:s18] =	ssyncadd.s32 $0xFFFFEC00  }
0x44: {  	[tilespmem:s16], [sflag:$0x1] =	stream.indirect.gather [hbm4b:s4+s20], $0x80, s31, s20, $0xb8;
	[tilespmem:$0x1E800] =	vst v63  }
0x45: {  	_ =	swait.ge [sflag:s17], $0x4000  }
0x46: {  	[sflag:s17] =	ssyncset.done $0x0  }
0x47: {  	s28 =	simm.s32 $0x80;
	[sflag:s17] =	ssyncadd.s32 $0xFFFFC000  }
0x48: {  	[tilespmem:s21], [sflag:$0x2] =	stream.indirect.gather [hbm4b:s4+s20], $0x80, s28, s20, $0xb8;
	[tilespmem:$0x1E800] =	vst v63  }
0x49: {  	s29 =	simm.s32 $0x1400  }
0x4a: {  	[spmem:s2] =	stream.indirect.scatter.add.f32 [tilespmem:s16], [sflag:$0x3], $0x80, s29, s20, $0xb8;
	[tilespmem:$0x1E800] =	vst v63  }
0x4b: {  	_ =	swait.ge [sflag:s18], $0x4000  }
0x4c: {  	[sflag:s18] =	ssyncset.done $0x0  }
0x4d: {  	[sflag:s18] =	ssyncadd.s32 $0xFFFFC000  }
0x4e: {  	_ =	swait.ge [sflag:s22], $0x4000  }
0x4f: {  	[sflag:s22] =	ssyncset.done $0x0  }
0x50: {  	s30 =	simm.s32 $0x100;
	[sflag:s22] =	ssyncadd.s32 $0xFFFFC000  }
0x51: {  	[tilespmem:s16], [sflag:$0x1] =	stream.indirect.gather [hbm4b:s4+s20], $0x80, s30, s20, $0xb8;
	[tilespmem:$0x1E800] =	vst v63  }
0x52: {  	s31 =	simm.s32 $0x1480  }
0x53: {  	[spmem:s2] =	stream.indirect.scatter.add.f32 [tilespmem:s21], [sflag:$0x3], $0x80, s31, s20, $0xb8;
	[tilespmem:$0x1E800] =	vst v63  }
0x54: {  	_ =	swait.ge [sflag:s18], $0x4000  }
0x55: {  	s26 =	simm.s32 $0x400;
	[sflag:s18] =	ssyncset.done $0x0  }
.LBB2_4:
0x56: {  	p0 =	sne.s32 s26, $0x4800  }
0x57: {  	[sflag:s18] =	ssyncadd.s32 $0xFFFFC000;
	s28 =	smov.u32 s26;
	s26 =	sadd.s32 $0x400, s26  }
0x58: {  	_ = 	snop  }
0x59: {  	_ =	swait.ge [sflag:s17], $0x4000  }
0x5a: {  	s28 =	sshra.s32 s28, $0x2;
	[sflag:s17] =	ssyncset.done $0x0  }
0x5b: {  	s29 =	sadd.s32 $0x80, s28;
	[sflag:s17] =	ssyncadd.s32 $0xFFFFC000  }
0x5c: {  	[tilespmem:s21], [sflag:$0x2] =	stream.indirect.gather [hbm4b:s4+s20], $0x80, s29, s20, $0xb8;
	[tilespmem:$0x1E800] =	vst v63  }
0x5d: {  	s29 =	sadd.s32 $0x1400, s28  }
0x5e: {  	[spmem:s2] =	stream.indirect.scatter.add.f32 [tilespmem:s16], [sflag:$0x3], $0x80, s29, s20, $0xb8;
	[tilespmem:$0x1E800] =	vst v63  }
0x5f: {  	_ =	swait.ge [sflag:s18], $0x4000  }
0x60: {  	[sflag:s18] =	ssyncset.done $0x0  }
0x61: {  	[sflag:s18] =	ssyncadd.s32 $0xFFFFC000  }
0x62: {  	_ =	swait.ge [sflag:s22], $0x4000  }
0x63: {  	[sflag:s22] =	ssyncset.done $0x0  }
0x64: {  	s29 =	sadd.s32 $0x100, s28;
	[sflag:s22] =	ssyncadd.s32 $0xFFFFC000  }
0x65: {  	[tilespmem:s16], [sflag:$0x1] =	stream.indirect.gather [hbm4b:s4+s20], $0x80, s29, s20, $0xb8;
	[tilespmem:$0x1E800] =	vst v63  }
.Ltmp1:
0x66: {  	_ = 	snop;
	(pc) =	sbr.rel @p0 .LBB2_4-.Ltmp1, $4  }
0x67: {  	s28 =	sadd.s32 $0x1480, s28  }
0x68: {  	[spmem:s2] =	stream.indirect.scatter.add.f32 [tilespmem:s21], [sflag:$0x3], $0x80, s28, s20, $0xb8;
	[tilespmem:$0x1E800] =	vst v63  }
0x69: {  	_ =	swait.ge [sflag:s18], $0x4000  }
0x6a: {  	[sflag:s18] =	ssyncset.done $0x0  }
0x6b: {  	[sflag:s18] =	ssyncadd.s32 $0xFFFFC000  }
0x6c: {  	_ =	swait.ge [sflag:s17], $0x4000  }
0x6d: {  	[sflag:s17] =	ssyncset.done $0x0  }
0x6e: {  	[sflag:s17] =	ssyncadd.s32 $0xFFFFC000  }
0x6f: {  	[tilespmem:s21], [sflag:$0x2] =	stream.indirect.gather [hbm4b:s4+s20], $0x80, s23, s20, $0xb8;
	[tilespmem:$0x1E800] =	vst v63  }
0x70: {  	_ = 	snop  }
0x71: {  	[spmem:s2] =	stream.indirect.scatter.add.f32 [tilespmem:s16], [sflag:$0x3], $0x80, s24, s20, $0xb8;
	[tilespmem:$0x1E800] =	vst v63  }
0x72: {  	_ =	swait.ge [sflag:s18], $0x4000  }
0x73: {  	[sflag:s18] =	ssyncset.done $0x0  }
0x74: {  	[sflag:s18] =	ssyncadd.s32 $0xFFFFC000  }
0x75: {  	_ =	swait.ge [sflag:s22], $0x4000  }
0x76: {  	[sflag:s22] =	ssyncset.done $0x0  }
0x77: {  	[sflag:s22] =	ssyncadd.s32 $0xFFFFC000  }
0x78: {  	[spmem:s2] =	stream.indirect.scatter.add.f32 [tilespmem:s21], [sflag:$0x3], $0x80, s25, s20, $0xb8;
	[tilespmem:$0x1E800] =	vst v63  }
0x79: {  	_ =	swait.ge [sflag:s18], $0x4000  }
0x7a: {  	[sflag:s18] =	ssyncset.done $0x0  }
0x7b: {  	s26 =	simm.s32 $0x0;
	[sflag:s18] =	ssyncadd.s32 $0xFFFFC000  }
0x7c: {  	[tilespmem:s26], [sflag:$0x3] =	stream.linear.gather [hbm4b:s12+s26], $0x1400, $0x38;
	[tilespmem:$0x1E800] =	vst v63  }
0x7d: {  	_ =	swait.ge [sflag:s18], $0x1400  }
0x7e: {  	[sflag:s18] =	ssyncset.done $0x0  }
0x7f: {  	[sflag:s18] =	ssyncadd.s32 $0xFFFFEC00  }
0x80: {  	[tilespmem:s19], [sflag:$0x3] =	stream.linear.gather [hbm4b:s13+s26], $0x1400, $0x38;
	[tilespmem:$0x1E800] =	vst v63  }
0x81: {  	_ =	swait.ge [sflag:s18], $0x1400  }
0x82: {  	[sflag:s18] =	ssyncset.done $0x0  }
0x83: {  	[sflag:s18] =	ssyncadd.s32 $0xFFFFEC00  }
0x84: {  	[tilespmem:s16], [sflag:$0x1] =	stream.indirect.gather [hbm4b:s4+s20], $0x80, s26, s20, $0xb8;
	[tilespmem:$0x1E800] =	vst v63  }
0x85: {  	_ =	swait.ge [sflag:s17], $0x4000  }
0x86: {  	[sflag:s17] =	ssyncset.done $0x0  }
0x87: {  	s28 =	simm.s32 $0x80;
	[sflag:s17] =	ssyncadd.s32 $0xFFFFC000  }
0x88: {  	[tilespmem:s21], [sflag:$0x2] =	stream.indirect.gather [hbm4b:s4+s20], $0x80, s28, s20, $0xb8;
	[tilespmem:$0x1E800] =	vst v63  }
0x89: {  	s29 =	simm.s32 $0x1400  }
0x8a: {  	[spmem:s2] =	stream.indirect.scatter.add.f32 [tilespmem:s16], [sflag:$0x3], $0x80, s29, s20, $0xb8;
	[tilespmem:$0x1E800] =	vst v63  }
0x8b: {  	_ =	swait.ge [sflag:s18], $0x4000  }
0x8c: {  	[sflag:s18] =	ssyncset.done $0x0  }
0x8d: {  	[sflag:s18] =	ssyncadd.s32 $0xFFFFC000  }
0x8e: {  	_ =	swait.ge [sflag:s22], $0x4000  }
0x8f: {  	[sflag:s22] =	ssyncset.done $0x0  }
0x90: {  	s30 =	simm.s32 $0x100;
	[sflag:s22] =	ssyncadd.s32 $0xFFFFC000  }
0x91: {  	[tilespmem:s16], [sflag:$0x1] =	stream.indirect.gather [hbm4b:s4+s20], $0x80, s30, s20, $0xb8;
	[tilespmem:$0x1E800] =	vst v63  }
0x92: {  	s31 =	simm.s32 $0x1480  }
0x93: {  	[spmem:s2] =	stream.indirect.scatter.add.f32 [tilespmem:s21], [sflag:$0x3], $0x80, s31, s20, $0xb8;
	[tilespmem:$0x1E800] =	vst v63  }
0x94: {  	_ =	swait.ge [sflag:s18], $0x4000  }
0x95: {  	s26 =	simm.s32 $0x400;
	[sflag:s18] =	ssyncset.done $0x0  }
.LBB2_6:
0x96: {  	p0 =	sne.s32 s26, $0x4800  }
0x97: {  	[sflag:s18] =	ssyncadd.s32 $0xFFFFC000;
	s28 =	smov.u32 s26;
	s26 =	sadd.s32 $0x400, s26  }
0x98: {  	_ = 	snop  }
0x99: {  	_ =	swait.ge [sflag:s17], $0x4000  }
0x9a: {  	s28 =	sshra.s32 s28, $0x2;
	[sflag:s17] =	ssyncset.done $0x0  }
0x9b: {  	s29 =	sadd.s32 $0x80, s28;
	[sflag:s17] =	ssyncadd.s32 $0xFFFFC000  }
0x9c: {  	[tilespmem:s21], [sflag:$0x2] =	stream.indirect.gather [hbm4b:s4+s20], $0x80, s29, s20, $0xb8;
	[tilespmem:$0x1E800] =	vst v63  }
0x9d: {  	s29 =	sadd.s32 $0x1400, s28  }
0x9e: {  	[spmem:s2] =	stream.indirect.scatter.add.f32 [tilespmem:s16], [sflag:$0x3], $0x80, s29, s20, $0xb8;
	[tilespmem:$0x1E800] =	vst v63  }
0x9f: {  	_ =	swait.ge [sflag:s18], $0x4000  }
0xa0: {  	[sflag:s18] =	ssyncset.done $0x0  }
0xa1: {  	[sflag:s18] =	ssyncadd.s32 $0xFFFFC000  }
0xa2: {  	_ =	swait.ge [sflag:s22], $0x4000  }
0xa3: {  	[sflag:s22] =	ssyncset.done $0x0  }
0xa4: {  	s29 =	sadd.s32 $0x100, s28;
	[sflag:s22] =	ssyncadd.s32 $0xFFFFC000  }
0xa5: {  	[tilespmem:s16], [sflag:$0x1] =	stream.indirect.gather [hbm4b:s4+s20], $0x80, s29, s20, $0xb8;
	[tilespmem:$0x1E800] =	vst v63  }
.Ltmp2:
0xa6: {  	_ = 	snop;
	(pc) =	sbr.rel @p0 .LBB2_6-.Ltmp2, $4  }
0xa7: {  	s28 =	sadd.s32 $0x1480, s28  }
0xa8: {  	[spmem:s2] =	stream.indirect.scatter.add.f32 [tilespmem:s21], [sflag:$0x3], $0x80, s28, s20, $0xb8;
	[tilespmem:$0x1E800] =	vst v63  }
0xa9: {  	_ =	swait.ge [sflag:s18], $0x4000  }
0xaa: {  	[sflag:s18] =	ssyncset.done $0x0  }
0xab: {  	[sflag:s18] =	ssyncadd.s32 $0xFFFFC000  }
0xac: {  	_ =	swait.ge [sflag:s17], $0x4000  }
0xad: {  	[sflag:s17] =	ssyncset.done $0x0  }
0xae: {  	[sflag:s17] =	ssyncadd.s32 $0xFFFFC000  }
0xaf: {  	[tilespmem:s21], [sflag:$0x2] =	stream.indirect.gather [hbm4b:s4+s20], $0x80, s23, s20, $0xb8;
	[tilespmem:$0x1E800] =	vst v63  }
0xb0: {  	_ = 	snop  }
0xb1: {  	[spmem:s2] =	stream.indirect.scatter.add.f32 [tilespmem:s16], [sflag:$0x3], $0x80, s24, s20, $0xb8;
	[tilespmem:$0x1E800] =	vst v63  }
0xb2: {  	_ =	swait.ge [sflag:s18], $0x4000  }
0xb3: {  	[sflag:s18] =	ssyncset.done $0x0  }
0xb4: {  	[sflag:s18] =	ssyncadd.s32 $0xFFFFC000  }
0xb5: {  	_ =	swait.ge [sflag:s22], $0x4000  }
0xb6: {  	[sflag:s22] =	ssyncset.done $0x0  }
0xb7: {  	[sflag:s22] =	ssyncadd.s32 $0xFFFFC000  }
0xb8: {  	[spmem:s2] =	stream.indirect.scatter.add.f32 [tilespmem:s21], [sflag:$0x3], $0x80, s25, s20, $0xb8;
	[tilespmem:$0x1E800] =	vst v63  }
0xb9: {  	_ =	swait.ge [sflag:s18], $0x4000  }
0xba: {  	s26 =	sshll.u32 s1, $0x6;
	s3 =	sadd.s32 $0x1, s3;
	[sflag:s18] =	ssyncset.done $0x0  }
0xbb: {  	s28 =	sshrl.u32 s5, $0x3;
	p0 =	sne.s32 s3, s15;
	[sflag:s18] =	ssyncadd.s32 $0xFFFFC000  }
.Ltmp3:
0xbc: {  	s26 =	sor.u32 $0x1C03, s26;
	[bflag:$0x0] =	sbarrier.arrive $0xFFFF;
	(pc) =	sbr.rel @p0 .LBB2_1-.Ltmp3, $4  }
0xbd: {  	[hbm:s14], [sflag:s26] =	dma.local [spmem:s28], $0x2800  }
0xbe: {  	_ =	swait.ge [sflag:s18], $0x2800  }
0xbf: {  	[sflag:s18] =	ssyncset.done $0x0  }
0xc0: {  	[sflag:s18] =	ssyncadd.s32 $0xFFFFD800  }
0xc1: {  	_ =	sfence.sel $0x180000  }
0xc2: {  	[bflag:$0x0] =	sbarrier.arrive $0xFFFF  }
0xc3: {  	p0 =	sne.s32 s1, $0x0;
	_ =	strace $0x9000004D  }
0xc4: {  	s0 =	sadd.s32 @!p0 $0x100000, s0;
	[bflag:$0x2] =	sbarrier.arrive $0xFFFF  }
0xc5: {  	[sflag:s0] =	ssyncadd.tile.s32 @!p0 $0x1;
	_ =	shalt  }
.Lfunc_end2:
_tile_overlayer_lowered:
.L_overlay_start_2:
0xc6: {  	(tag) =	ssettag $0x2  }
0xc7: {  	s0 =	rddreg [dreg:$0x0];
	s2 =	stileid.u32  }
0xc8: {  	s1 =	rddreg [dreg:$0x1];
	p0 =	sne.s32 s2, $0x0  }
0xc9: {  	s3 =	rddreg [dreg:$0x2];
	[bflag:$0x3] =	sbarrier.arrive $0xFFFF;
	s2 =	simm.s32 @!p0 $0x1C03  }
0xca: {  	[timem:s3], [sflag:s2] =	dma.local @!p0 [hbm:s0], s1  }
0xcb: {  	s0 =	simm.s32 @!p0 $0x3  }
0xcc: {  	_ =	swait.ge @!p0 [sflag:s0], s1  }
0xcd: {  	s1 =	ssub.s32 @!p0 $0x0, s1;
	[sflag:s0] =	ssyncset.done @!p0 $0x0  }
0xce: {  	[sflag:s0] =	ssyncadd.s32 @!p0 s1  }
0xcf: {  	[bflag:$0x3] =	sbarrier.arrive $0xFFFF  }
0xd0: {  	_ =	shalt  }

// kernel: kernel.19.cloned.1.call-start
scs
__scs_entry_jumppad:
0x0: {  	(pc) =	sbr.rel $0x88, $3  }
0x1: {  	(tag) =	ssettag $0x0;
	lr =	simm.s32 $0x1  }
0x2: {  	[smem:$0x3F96] =	sst lr;
	_ =	strace $0xD0000000  }
0x3: {  	_ = 	snop  }
0x4: {  	_ = 	snop  }
0x5: {  	_ = 	snop  }
0x6: {  	_ = 	snop  }
0x7: {  	_ = 	snop  }
__scs_overlays_trampoline_lowered:
0x8: {  	[smem:$0x3FA5] =	sst s0  }
0x9: {  	[smem:$0x3FA6] =	sst s1  }
0xa: {  	[smem:$0x3FA7] =	sst s2  }
0xb: {  	[smem:$0x3FA8] =	sst s3  }
0xc: {  	[smem:$0x3FA9] =	sst s4  }
0xd: {  	[smem:$0x3FAA] =	sst s5  }
0xe: {  	[smem:$0x3FAB] =	sst s6  }
0xf: {  	[smem:$0x3FAC] =	sst s7  }
0x10: {  	[smem:$0x3FAD] =	sst s8  }
0x11: {  	[smem:$0x3FAE] =	sst s9;
	s0 =	simm.s32 @!p0 $0x0  }
0x12: {  	s1 =	sld [smem:$0x3F94];
	s0 =	simm.s32 @p0 $0x1  }
0x13: {  	[smem:$0x3FAF] =	sst s0;
	s0 =	simm.s32 @!p1 $0x0  }
0x14: {  	s2 =	sld [smem:$0x3F93];
	s0 =	simm.s32 @p1 $0x1  }
0x15: {  	[smem:$0x3FB0] =	sst s0;
	s0 =	simm.s32 @!p2 $0x0  }
0x16: {  	s3 =	sld [smem:$0x3FDB];
	s0 =	simm.s32 @p2 $0x1  }
0x17: {  	s4 =	simm.s32 $0x1BF5;
	[smem:$0x3FB2] =	sst s0  }
0x18: {  	s0 =	sld [smem:$0x3F95];
	_ =	swait.ge [sflag:s4], $0x0  }
0x19: {  	s7 =	sld [smem:$0x3F96]  }
0x1a: {  	s8 =	sadd.s32 $0xFFFFE003, lr  }
0x1b: {  	s9 =	sadd.s32 $0xFFFFFEF7, lr;
	s5 =	simm.s32 $0xFFFFFFFF;
	p2 =	slt.u32 s8, $0xFFFFF086  }
0x1c: {  	p1 =	slt.u32 s9, $0xF7A;
	s5 =	simm.s32 @!p2 $0x0  }
0x1d: {  	s5 =	simm.s32 @p1 $0x1;
	p0 =	seq.s32 s7, s2  }
0x1e: {  	s7 =	smul.u32 @!p0 $0xF7A, s2;
	p2 =	seq.s32 @!p0 s5, $0x0  }
0x1f: {  	s9 =	smul.u32 $0xF7A, s1;
	s8 =	simm.s32 @!p0 $0x1BF5;
	p2 =	por !p2, p0  }
0x20: {  	[sflag:s8] =	ssyncset.s32 @!p0 $0xFFFFF086;
	s6 =	sadd.s32 @!p0 s3, s7;
	s7 =	simm.s32 @!p0 $0x108  }
0x21: {  	s3 =	sadd.s32 s3, s9;
	s6 =	sadd.s32 @!p0 $0x88, s6;
	s7 =	simm.s32 @p2 $0x1082  }
0x22: {  	[simem:s7], [sflag:s8] =	dma.local @!p0 [hbm:s6], $0xF7A  }
0x23: {  	s9 =	sor.u32 $0xD0000000, s2;
	s6 =	simm.s32 $0x108;
	_ =	swait.ge @!p0 [sflag:s8], $0x0  }
0x24: {  	s3 =	sadd.s32 $0x88, s3;
	s6 =	simm.s32 @!p1 $0x1082;
	[sflag:s4] =	ssyncset.s32 $0xFFFFF086  }
0x25: {  	[simem:s6], [sflag:s4] =	dma.local [hbm:s3], $0xF7A  }
0x26: {  	[smem:$0x3F96] =	sst s1;
	(tag) =	ssettag s2;
	_ =	strace s9  }
0x27: {  	s1 =	sld [smem:$0x3FA6]  }
0x28: {  	s2 =	sld [smem:$0x3FA7]  }
0x29: {  	s4 =	sld [smem:$0x3FA9]  }
0x2a: {  	p0 =	seq.s32 s5, $0x0;
	s5 =	sld [smem:$0x3FAA]  }
0x2b: {  	s6 =	sld [smem:$0x3FAB]  }
0x2c: {  	s7 =	sld [smem:$0x3FAC]  }
0x2d: {  	s3 =	simm.s32 $0x108;
	s8 =	sld [smem:$0x3FAD]  }
0x2e: {  	s3 =	simm.s32 @!p0 $0x1082;
	s9 =	sld [smem:$0x3FAE]  }
0x2f: {  	lr =	sadd.s32 s0, s3;
	s0 =	sld [smem:$0x3FA5]  }
0x30: {  	s3 =	sld [smem:$0x3FA8]  }
0x31: {  	[smem:$0x3FB1] =	sst s10  }
0x32: {  	s10 =	sld [smem:$0x3FAF];
	_ =	sdelay $0x3  }
0x33: {  	p0 =	seq.s32 s10, $0x1;
	s10 =	sld [smem:$0x3FB1];
	_ =	sdelay $0x3  }
0x34: {  	[smem:$0x3FB1] =	sst s10  }
0x35: {  	s10 =	sld [smem:$0x3FB0];
	_ =	sdelay $0x3  }
0x36: {  	p1 =	seq.s32 s10, $0x1;
	s10 =	sld [smem:$0x3FB1];
	_ =	sdelay $0x3  }
0x37: {  	[smem:$0x3FB1] =	sst s10  }
0x38: {  	s10 =	sld [smem:$0x3FB2]  }
0x39: {  	_ = 	snop;
	(pc) =	sbr.ind lr, $3  }
0x3a: {  	_ = 	snop  }
0x3b: {  	_ = 	snop  }
0x3c: {  	p2 =	seq.s32 s10, $0x1;
	s10 =	sld [smem:$0x3FB1]  }
0x3d: {  	_ =	shalt  }
0x3e: {  	_ =	shalt  }
0x3f: {  	_ =	shalt  }
0x40: {  	_ =	shalt  }
0x41: {  	_ =	shalt  }
0x42: {  	_ =	shalt  }
0x43: {  	_ =	shalt  }
0x44: {  	_ =	shalt  }
0x45: {  	_ =	shalt  }
0x46: {  	_ =	shalt  }
0x47: {  	_ =	shalt  }
0x48: {  	_ =	shalt  }
0x49: {  	_ =	shalt  }
0x4a: {  	_ =	shalt  }
0x4b: {  	_ =	shalt  }
0x4c: {  	_ =	shalt  }
0x4d: {  	_ =	shalt  }
0x4e: {  	_ =	shalt  }
0x4f: {  	_ =	shalt  }
0x50: {  	_ =	shalt  }
0x51: {  	_ =	shalt  }
0x52: {  	_ =	shalt  }
0x53: {  	_ =	shalt  }
0x54: {  	_ =	shalt  }
0x55: {  	_ =	shalt  }
0x56: {  	_ =	shalt  }
0x57: {  	_ =	shalt  }
0x58: {  	_ =	shalt  }
0x59: {  	_ =	shalt  }
0x5a: {  	_ =	shalt  }
0x5b: {  	_ =	shalt  }
0x5c: {  	_ =	shalt  }
0x5d: {  	_ =	shalt  }
0x5e: {  	_ =	shalt  }
0x5f: {  	_ =	shalt  }
0x60: {  	_ =	shalt  }
0x61: {  	_ =	shalt  }
0x62: {  	_ =	shalt  }
0x63: {  	_ =	shalt  }
0x64: {  	_ =	shalt  }
0x65: {  	_ =	shalt  }
0x66: {  	_ =	shalt  }
0x67: {  	_ =	shalt  }
0x68: {  	_ =	shalt  }
0x69: {  	_ =	shalt  }
0x6a: {  	_ =	shalt  }
0x6b: {  	_ =	shalt  }
0x6c: {  	_ =	shalt  }
0x6d: {  	_ =	shalt  }
0x6e: {  	_ =	shalt  }
0x6f: {  	_ =	shalt  }
0x70: {  	_ =	shalt  }
0x71: {  	_ =	shalt  }
0x72: {  	_ =	shalt  }
0x73: {  	_ =	shalt  }
0x74: {  	_ =	shalt  }
0x75: {  	_ =	shalt  }
0x76: {  	_ =	shalt  }
0x77: {  	_ =	shalt  }
0x78: {  	_ =	shalt  }
0x79: {  	_ =	shalt  }
0x7a: {  	_ =	shalt  }
0x7b: {  	_ =	shalt  }
0x7c: {  	_ =	shalt  }
0x7d: {  	_ =	shalt  }
0x7e: {  	_ =	shalt  }
0x7f: {  	_ =	shalt  }
0x80: {  	_ =	shalt  }
0x81: {  	_ =	shalt  }
0x82: {  	_ =	shalt  }
0x83: {  	_ =	shalt  }
0x84: {  	_ =	shalt  }
0x85: {  	_ =	shalt  }
0x86: {  	_ =	shalt  }
0x87: {  	_ =	shalt  }
.Lfunc_end0:
.L_simem_size_0:
called_computation.3_lowered:
.L_overlay_start_0:
0x88: {  	s2 =	sld [smem:$0x3FD9]  }
0x89: {  	s3 =	sld [smem:$0x3FFE];
	_ =	sdelay $0x1  }
0x8a: {  	s1 =	srdreg.scid  }
0x8b: {  	s0 =	sand.u32 $0x1, s1  }
0x8c: {  	s16 =	sshll.u32 s0, $0xA;
	s2 =	sadd.s32 s3, s2  }
0x8d: {  	s2 =	sadd.s32 s2, s16  }
0x8e: {  	[smem:$0x3FBD] =	sst s2  }
0x8f: {  	_ = 	snop  }
0x90: {  	(tm) =	ssettm $0x1  }
0x91: {  	s17 =	sld [smem:$0x3FFB];
	_ =	sdelay $0x3  }
0x92: {  	_ =	strace s17  }
0x93: {  	s2 =	sld [smem:$0x3FFC];
	_ =	sdelay $0x3  }
0x94: {  	_ =	strace s2  }
0x95: {  	s2 =	sld [smem:$0x3FFD];
	_ =	sdelay $0x3  }
0x96: {  	_ =	strace s2  }
0x97: {  	_ =	strace $0x8FFFFFFF  }
0x98: {  	s18 =	sld [smem:$0x3FDB];
	_ =	sdelay $0x1  }
0x99: {  	s19 =	simm.s32 $_scs_section_size  }
0x9a: {  	s4 =	simm.s32 $_size__tile_overlayer_lowered;
	s5 =	simm.s32 $_tile_overlayer_lowered  }
0x9b: {  	s22 =	simm.s32 $0x1BFF;
	s21 =	sshll.u32 s5, $0x1;
	s2 =	sadd.s32 s19, s18  }
0x9c: {  	s6 =	simm.s32 $0x0;
	s20 =	sshll.u32 s4, $0x1;
	s4 =	sadd.s32 s21, s2  }
0x9d: {  	[timem:s6], [sflag:s22] =	dma.local [hbm:s4], s20  }
0x9e: {  	_ =	swait.ge [sflag:s22], s20  }
0x9f: {  	s3 =	ssub.s32 $0x0, s20;
	[sflag:s22] =	ssyncset.done $0x0  }
0xa0: {  	[sflag:s22] =	ssyncadd.s32 s3;
	_ =	sdelay $0x1  }
0xa1: {  	s23 =	simm.s32 $0x1B8B  }
0xa2: {  	_ =	swait.ge [sflag:s23], $0x1  }
0xa3: {  	[sflag:s23] =	ssyncset.done $0x0  }
0xa4: {  	s25 =	simm.s32 $0x1B8E;
	s24 =	sld [smem:$0x3FFE];
	[sflag:s23] =	ssyncadd.s32 $0xFFFFFFFF  }
0xa5: {  	s26 =	simm.s32 $execute0_lowered;
	[smem:$0x3FD2] =	sst s25  }
0xa6: {  	s4 =	sshll.u32 s26, $0x1;
	_ =	strace $0x8000004F;
	[dreg:$0x1] =	wrdreg $0xFFFFFFFF  }
0xa7: {  	s28 =	simm.s32 $_size_execute0_lowered;
	s2 =	sadd.s32 s2, s4;
	[dreg:$0x0] =	wrdreg $0x0  }
0xa8: {  	s4 =	sshll.u32 s28, $0x1;
	[dreg:$0x2] =	wrdreg s2  }
0xa9: {  	[dreg:$0x3] =	wrdreg s4  }
0xaa: {  	[dreg:$0x4] =	wrdreg $0xC0  }
0xab: {  	_ =	task [dreg:s6], $0x5FFFF  }
0xac: {  	[dreg:$0x1] =	wrdreg $0xFFFFFFFF  }
0xad: {  	[dreg:$0x0] =	wrdreg $0x60  }
0xae: {  	[dreg:$0x2] =	wrdreg s24  }
0xaf: {  	[dreg:$0x3] =	wrdreg $0xA8000  }
0xb0: {  	[dreg:$0x4] =	wrdreg $0x9  }
0xb1: {  	_ =	task.clear_ibuf [dreg:s6], $0x5FFFF;
	_ =	strace $0x9000004F  }
0xb2: {  	s29 =	simm.s32 $0x9;
	_ =	strace $0x80000051  }
0xb3: {  	_ =	swait.ge [sflag:s29], $0x1  }
0xb4: {  	[sflag:s29] =	ssyncadd.s32 $0xFFFFFFFF  }
0xb5: {  	_ =	strace $0x90000051  }
0xb6: {  	_ =	sfence  }
0xb7: {  	s30 =	sld [smem:$0x0];
	_ =	sdelay $0x2  }
0xb8: {  	s31 =	sshll.u32 s1, $0xD;
	s1 =	sshrl.u32 s1, $0x2  }
0xb9: {  	s3 =	sand.u32 $0x4000, s31;
	s1 =	sadd.s32 s1, s30  }
0xba: {  	s0 =	sor.u32 s3, s0;
	s1 =	sshll.u32 s1, $0x11  }
0xbb: {  	s0 =	sor.u32 s1, s0  }
0xbc: {  	s0 =	sadd.s32 $0x8F2B, s0  }
0xbd: {  	[sflag:s0] =	ssyncadd.remote.s32 $0x1  }
0xbe: {  	_ =	sfence.sel $0xFFFF  }
0xbf: {  	[dreg:$0x0] =	wrdreg $0xFFFFFFFF;
	(pc) =	sbr.abs _section_cstart, $3  }
0xc0: {  	[dreg:$0x1] =	wrdreg $0xFFFFFFFF  }
0xc1: {  	_ =	task.clear_ibuf [dreg:s6], $0x2FFFF;
	_ =	strace $0x9FFFFFFF  }
0xc2: {  	(tm) =	ssettm $0x7FFFFFFF  }
0xc3: {  	_ =	shalt  }
tec
execute0_lowered:
.L_overlay_start_1:
0x0: {  	(tag) =	ssettag $0x1  }
0x1: {  	s5 =	rddreg [dreg:$0x0];
	s0 =	srdreg.scid  }
0x2: {  	s2 =	rddreg [dreg:$0x1];
	s1 =	stileid.u32  }
0x3: {  	s3 =	simm.s32 $0x0;
	s17 =	simm.s32 $0x1;
	s18 =	simm.s32 $0x3  }
0x4: {  	s19 =	simm.s32 $0x1400;
	s20 =	simm.s32 $0x80;
	s21 =	simm.s32 $0x6800  }
0x5: {  	s22 =	simm.s32 $0x2;
	s23 =	simm.s32 $0x1380;
	s24 =	simm.s32 $0x2700  }
0x6: {  	s25 =	simm.s32 $0x2780;
	s6 =	sand.u32 $0x1, s0;
	s0 =	rddreg [dreg:$0x2]  }
0x7: {  	s8 =	smul.u32 $0x14000, s1;
	[smem:$0x7FF] =	sst s3;
	s4 =	sadd.s32 $0x69600, s5  }
0x8: {  	s12 =	sadd.s32 $0xF600, s5;
	s26 =	smul.u32 $0x50000, s1;
	s28 =	sshll.u32 s1, $0x1  }
0x9: {  	s13 =	sadd.s32 $0x5600, s5;
	s7 =	smul.u32 $0x140000, s6;
	s9 =	sor.u32 s6, s28  }
0xa: {  	_ =	strace $0x80000050;
	s29 =	ssub.s32 $0x2, s6;
	s10 =	smul.u32 $0x2800, s9  }
0xb: {  	s31 =	sshrl.u32 s29, $0x1;
	s11 =	smul.u32 $0x500, s9;
	s7 =	sadd.s32 s8, s7  }
0xc: {  	s30 =	sshrl.u32 s26, $0x2;
	s15 =	ssub.s32 s29, s31;
	s7 =	sshrl.u32 s7, $0x3  }
0xd: {  	s16 =	sshrl.u32 s10, $0x3;
	s10 =	sadd.s32 s12, s11;
	s11 =	sadd.s32 s13, s11  }
0xe: {  	s15 =	smax.u32 s15, $0x1;
	s14 =	sadd.s32 s7, s5;
	s5 =	sadd.s32 s30, s2  }
0xf: {  	s16 =	sadd.s32 $0x280, s16;
	s6 =	sadd.s32 $0x4000, s5;
	s7 =	sadd.s32 $0x8000, s5  }
0x10: {  	s8 =	sadd.s32 $0xC000, s5;
	s9 =	sadd.s32 $0x10000, s5;
	s12 =	sadd.s32 s12, s16  }
0x11: {  	v0 =	vimm.f32 $0.0e+00;
	s13 =	sadd.s32 s13, s16;
	s14 =	sadd.s32 $0x91600, s14;
	s16 =	simm.s32 $0x2800  }
.LBB2_1:
0x12: {  	s26 =	simm.s32 $0x0;
	s28 =	simm.s32 $0x200  }
.LBB2_2:
0x13: {  	p0 =	sne.s32 s28, $0xFE00;
	[tilespmem:s26+$0x2870] =	vst v0  }
0x14: {  	[tilespmem:s26+$0x2800] =	vst v0  }
0x15: {  	[tilespmem:s26+$0x2810] =	vst v0  }
.Ltmp0:
0x16: {  	[tilespmem:s26+$0x2820] =	vst v0;
	(pc) =	sbr.rel @p0 .LBB2_2-.Ltmp0, $4  }
0x17: {  	[tilespmem:s26+$0x2830] =	vst v0  }
0x18: {  	[tilespmem:s26+$0x2840] =	vst v0  }
0x19: {  	[tilespmem:s26+$0x2850] =	vst v0  }
0x1a: {  	[tilespmem:s26+$0x2860] =	vst v0;
	s26 =	sshra.s32 s28, $0x2;
	s28 =	sadd.s32 $0x200, s28  }
0x1b: {  	[tilespmem:s26+$0x2870] =	vst v0  }
0x1c: {  	[tilespmem:s26+$0x2800] =	vst v0  }
0x1d: {  	[tilespmem:s26+$0x2810] =	vst v0  }
0x1e: {  	[tilespmem:s26+$0x2820] =	vst v0  }
0x1f: {  	[tilespmem:s26+$0x2830] =	vst v0  }
0x20: {  	[tilespmem:s26+$0x2840] =	vst v0  }
0x21: {  	[tilespmem:s26+$0x2850] =	vst v0  }
0x22: {  	[tilespmem:s26+$0x2860] =	vst v0  }
0x23: {  	[spmem:s5] =	stream.linear.scatter [tilespmem:s16], [sflag:$0x1], $0x4000, $0x38;
	[tilespmem:$0x1E800] =	vst v63  }
0x24: {  	_ = 	snop  }
0x25: {  	[spmem:s6] =	stream.linear.scatter [tilespmem:s16], [sflag:$0x1], $0x4000, $0x38;
	[tilespmem:$0x1E800] =	vst v63  }
0x26: {  	_ = 	snop  }
0x27: {  	[spmem:s7] =	stream.linear.scatter [tilespmem:s16], [sflag:$0x1], $0x4000, $0x38;
	[tilespmem:$0x1E800] =	vst v63  }
0x28: {  	_ = 	snop  }
0x29: {  	[spmem:s8] =	stream.linear.scatter [tilespmem:s16], [sflag:$0x1], $0x4000, $0x38;
	[tilespmem:$0x1E800] =	vst v63  }
0x2a: {  	_ = 	snop  }
0x2b: {  	[spmem:s9] =	stream.linear.scatter [tilespmem:s16], [sflag:$0x1], $0x4000, $0x38;
	[tilespmem:$0x1E800] =	vst v63  }
0x2c: {  	_ =	swait.ge [sflag:s17], $0x4000  }
0x2d: {  	[sflag:s17] =	ssyncset.done $0x0  }
0x2e: {  	[sflag:s17] =	ssyncadd.s32 $0xFFFFC000  }
0x2f: {  	_ =	swait.ge [sflag:s17], $0x4000  }
0x30: {  	[sflag:s17] =	ssyncset.done $0x0  }
0x31: {  	[sflag:s17] =	ssyncadd.s32 $0xFFFFC000  }
0x32: {  	_ =	swait.ge [sflag:s17], $0x4000  }
0x33: {  	[sflag:s17] =	ssyncset.done $0x0  }
0x34: {  	[sflag:s17] =	ssyncadd.s32 $0xFFFFC000  }
0x35: {  	_ =	swait.ge [sflag:s17], $0x4000  }
0x36: {  	[sflag:s17] =	ssyncset.done $0x0  }
0x37: {  	[sflag:s17] =	ssyncadd.s32 $0xFFFFC000  }
0x38: {  	_ =	swait.ge [sflag:s17], $0x4000  }
0x39: {  	[sflag:s17] =	ssyncset.done $0x0  }
0x3a: {  	[sflag:s17] =	ssyncadd.s32 $0xFFFFC000  }
0x3b: {  	s31 =	simm.s32 $0x0;
	[bflag:$0x0] =	sbarrier.arrive $0xFFFF  }
0x3c: {  	[tilespmem:s31], [sflag:$0x3] =	stream.linear.gather [hbm4b:s10+s31], $0x1400, $0x38;
	[tilespmem:$0x1E800] =	vst v63  }
0x3d: {  	_ =	swait.ge [sflag:s18], $0x1400  }
0x3e: {  	[sflag:s18] =	ssyncset.done $0x0  }
0x3f: {  	[sflag:s18] =	ssyncadd.s32 $0xFFFFEC00  }
0x40: {  	[tilespmem:s19], [sflag:$0x3] =	stream.linear.gather [hbm4b:s11+s31], $0x1400, $0x38;
	[tilespmem:$0x1E800] =	vst v63  }
0x41: {  	_ =	swait.ge [sflag:s18], $0x1400  }
0x42: {  	[sflag:s18] =	ssyncset.done $0x0  }
0x43: {  	[sflag:s18] =	ssyncadd.s32 $0xFFFFEC00  }
0x44: {  	[tilespmem:s16], [sflag:$0x1] =	stream.indirect.gather [hbm4b:s4+s20], $0x80, s31, s20, $0xb8;
	[tilespmem:$0x1E800] =	vst v63  }
0x45: {  	_ =	swait.ge [sflag:s17], $0x4000  }
0x46: {  	[sflag:s17] =	ssyncset.done $0x0  }
0x47: {  	s28 =	simm.s32 $0x80;
	[sflag:s17] =	ssyncadd.s32 $0xFFFFC000  }
0x48: {  	[tilespmem:s21], [sflag:$0x2] =	stream.indirect.gather [hbm4b:s4+s20], $0x80, s28, s20, $0xb8;
	[tilespmem:$0x1E800] =	vst v63  }
0x49: {  	s29 =	simm.s32 $0x1400  }
0x4a: {  	[spmem:s2] =	stream.indirect.scatter.add.f32 [tilespmem:s16], [sflag:$0x3], $0x80, s29, s20, $0xb8;
	[tilespmem:$0x1E800] =	vst v63  }
0x4b: {  	_ =	swait.ge [sflag:s18], $0x4000  }
0x4c: {  	[sflag:s18] =	ssyncset.done $0x0  }
0x4d: {  	[sflag:s18] =	ssyncadd.s32 $0xFFFFC000  }
0x4e: {  	_ =	swait.ge [sflag:s22], $0x4000  }
0x4f: {  	[sflag:s22] =	ssyncset.done $0x0  }
0x50: {  	s30 =	simm.s32 $0x100;
	[sflag:s22] =	ssyncadd.s32 $0xFFFFC000  }
0x51: {  	[tilespmem:s16], [sflag:$0x1] =	stream.indirect.gather [hbm4b:s4+s20], $0x80, s30, s20, $0xb8;
	[tilespmem:$0x1E800] =	vst v63  }
0x52: {  	s31 =	simm.s32 $0x1480  }
0x53: {  	[spmem:s2] =	stream.indirect.scatter.add.f32 [tilespmem:s21], [sflag:$0x3], $0x80, s31, s20, $0xb8;
	[tilespmem:$0x1E800] =	vst v63  }
0x54: {  	_ =	swait.ge [sflag:s18], $0x4000  }
0x55: {  	s26 =	simm.s32 $0x400;
	[sflag:s18] =	ssyncset.done $0x0  }
.LBB2_4:
0x56: {  	p0 =	sne.s32 s26, $0x4800  }
0x57: {  	[sflag:s18] =	ssyncadd.s32 $0xFFFFC000;
	s28 =	smov.u32 s26;
	s26 =	sadd.s32 $0x400, s26  }
0x58: {  	_ = 	snop  }
0x59: {  	_ =	swait.ge [sflag:s17], $0x4000  }
0x5a: {  	s28 =	sshra.s32 s28, $0x2;
	[sflag:s17] =	ssyncset.done $0x0  }
0x5b: {  	s29 =	sadd.s32 $0x80, s28;
	[sflag:s17] =	ssyncadd.s32 $0xFFFFC000  }
0x5c: {  	[tilespmem:s21], [sflag:$0x2] =	stream.indirect.gather [hbm4b:s4+s20], $0x80, s29, s20, $0xb8;
	[tilespmem:$0x1E800] =	vst v63  }
0x5d: {  	s29 =	sadd.s32 $0x1400, s28  }
0x5e: {  	[spmem:s2] =	stream.indirect.scatter.add.f32 [tilespmem:s16], [sflag:$0x3], $0x80, s29, s20, $0xb8;
	[tilespmem:$0x1E800] =	vst v63  }
0x5f: {  	_ =	swait.ge [sflag:s18], $0x4000  }
0x60: {  	[sflag:s18] =	ssyncset.done $0x0  }
0x61: {  	[sflag:s18] =	ssyncadd.s32 $0xFFFFC000  }
0x62: {  	_ =	swait.ge [sflag:s22], $0x4000  }
0x63: {  	[sflag:s22] =	ssyncset.done $0x0  }
0x64: {  	s29 =	sadd.s32 $0x100, s28;
	[sflag:s22] =	ssyncadd.s32 $0xFFFFC000  }
0x65: {  	[tilespmem:s16], [sflag:$0x1] =	stream.indirect.gather [hbm4b:s4+s20], $0x80, s29, s20, $0xb8;
	[tilespmem:$0x1E800] =	vst v63  }
.Ltmp1:
0x66: {  	_ = 	snop;
	(pc) =	sbr.rel @p0 .LBB2_4-.Ltmp1, $4  }
0x67: {  	s28 =	sadd.s32 $0x1480, s28  }
0x68: {  	[spmem:s2] =	stream.indirect.scatter.add.f32 [tilespmem:s21], [sflag:$0x3], $0x80, s28, s20, $0xb8;
	[tilespmem:$0x1E800] =	vst v63  }
0x69: {  	_ =	swait.ge [sflag:s18], $0x4000  }
0x6a: {  	[sflag:s18] =	ssyncset.done $0x0  }
0x6b: {  	[sflag:s18] =	ssyncadd.s32 $0xFFFFC000  }
0x6c: {  	_ =	swait.ge [sflag:s17], $0x4000  }
0x6d: {  	[sflag:s17] =	ssyncset.done $0x0  }
0x6e: {  	[sflag:s17] =	ssyncadd.s32 $0xFFFFC000  }
0x6f: {  	[tilespmem:s21], [sflag:$0x2] =	stream.indirect.gather [hbm4b:s4+s20], $0x80, s23, s20, $0xb8;
	[tilespmem:$0x1E800] =	vst v63  }
0x70: {  	_ = 	snop  }
0x71: {  	[spmem:s2] =	stream.indirect.scatter.add.f32 [tilespmem:s16], [sflag:$0x3], $0x80, s24, s20, $0xb8;
	[tilespmem:$0x1E800] =	vst v63  }
0x72: {  	_ =	swait.ge [sflag:s18], $0x4000  }
0x73: {  	[sflag:s18] =	ssyncset.done $0x0  }
0x74: {  	[sflag:s18] =	ssyncadd.s32 $0xFFFFC000  }
0x75: {  	_ =	swait.ge [sflag:s22], $0x4000  }
0x76: {  	[sflag:s22] =	ssyncset.done $0x0  }
0x77: {  	[sflag:s22] =	ssyncadd.s32 $0xFFFFC000  }
0x78: {  	[spmem:s2] =	stream.indirect.scatter.add.f32 [tilespmem:s21], [sflag:$0x3], $0x80, s25, s20, $0xb8;
	[tilespmem:$0x1E800] =	vst v63  }
0x79: {  	_ =	swait.ge [sflag:s18], $0x4000  }
0x7a: {  	[sflag:s18] =	ssyncset.done $0x0  }
0x7b: {  	s26 =	simm.s32 $0x0;
	[sflag:s18] =	ssyncadd.s32 $0xFFFFC000  }
0x7c: {  	[tilespmem:s26], [sflag:$0x3] =	stream.linear.gather [hbm4b:s12+s26], $0x1400, $0x38;
	[tilespmem:$0x1E800] =	vst v63  }
0x7d: {  	_ =	swait.ge [sflag:s18], $0x1400  }
0x7e: {  	[sflag:s18] =	ssyncset.done $0x0  }
0x7f: {  	[sflag:s18] =	ssyncadd.s32 $0xFFFFEC00  }
0x80: {  	[tilespmem:s19], [sflag:$0x3] =	stream.linear.gather [hbm4b:s13+s26], $0x1400, $0x38;
	[tilespmem:$0x1E800] =	vst v63  }
0x81: {  	_ =	swait.ge [sflag:s18], $0x1400  }
0x82: {  	[sflag:s18] =	ssyncset.done $0x0  }
0x83: {  	[sflag:s18] =	ssyncadd.s32 $0xFFFFEC00  }
0x84: {  	[tilespmem:s16], [sflag:$0x1] =	stream.indirect.gather [hbm4b:s4+s20], $0x80, s26, s20, $0xb8;
	[tilespmem:$0x1E800] =	vst v63  }
0x85: {  	_ =	swait.ge [sflag:s17], $0x4000  }
0x86: {  	[sflag:s17] =	ssyncset.done $0x0  }
0x87: {  	s28 =	simm.s32 $0x80;
	[sflag:s17] =	ssyncadd.s32 $0xFFFFC000  }
0x88: {  	[tilespmem:s21], [sflag:$0x2] =	stream.indirect.gather [hbm4b:s4+s20], $0x80, s28, s20, $0xb8;
	[tilespmem:$0x1E800] =	vst v63  }
0x89: {  	s29 =	simm.s32 $0x1400  }
0x8a: {  	[spmem:s2] =	stream.indirect.scatter.add.f32 [tilespmem:s16], [sflag:$0x3], $0x80, s29, s20, $0xb8;
	[tilespmem:$0x1E800] =	vst v63  }
0x8b: {  	_ =	swait.ge [sflag:s18], $0x4000  }
0x8c: {  	[sflag:s18] =	ssyncset.done $0x0  }
0x8d: {  	[sflag:s18] =	ssyncadd.s32 $0xFFFFC000  }
0x8e: {  	_ =	swait.ge [sflag:s22], $0x4000  }
0x8f: {  	[sflag:s22] =	ssyncset.done $0x0  }
0x90: {  	s30 =	simm.s32 $0x100;
	[sflag:s22] =	ssyncadd.s32 $0xFFFFC000  }
0x91: {  	[tilespmem:s16], [sflag:$0x1] =	stream.indirect.gather [hbm4b:s4+s20], $0x80, s30, s20, $0xb8;
	[tilespmem:$0x1E800] =	vst v63  }
0x92: {  	s31 =	simm.s32 $0x1480  }
0x93: {  	[spmem:s2] =	stream.indirect.scatter.add.f32 [tilespmem:s21], [sflag:$0x3], $0x80, s31, s20, $0xb8;
	[tilespmem:$0x1E800] =	vst v63  }
0x94: {  	_ =	swait.ge [sflag:s18], $0x4000  }
0x95: {  	s26 =	simm.s32 $0x400;
	[sflag:s18] =	ssyncset.done $0x0  }
.LBB2_6:
0x96: {  	p0 =	sne.s32 s26, $0x4800  }
0x97: {  	[sflag:s18] =	ssyncadd.s32 $0xFFFFC000;
	s28 =	smov.u32 s26;
	s26 =	sadd.s32 $0x400, s26  }
0x98: {  	_ = 	snop  }
0x99: {  	_ =	swait.ge [sflag:s17], $0x4000  }
0x9a: {  	s28 =	sshra.s32 s28, $0x2;
	[sflag:s17] =	ssyncset.done $0x0  }
0x9b: {  	s29 =	sadd.s32 $0x80, s28;
	[sflag:s17] =	ssyncadd.s32 $0xFFFFC000  }
0x9c: {  	[tilespmem:s21], [sflag:$0x2] =	stream.indirect.gather [hbm4b:s4+s20], $0x80, s29, s20, $0xb8;
	[tilespmem:$0x1E800] =	vst v63  }
0x9d: {  	s29 =	sadd.s32 $0x1400, s28  }
0x9e: {  	[spmem:s2] =	stream.indirect.scatter.add.f32 [tilespmem:s16], [sflag:$0x3], $0x80, s29, s20, $0xb8;
	[tilespmem:$0x1E800] =	vst v63  }
0x9f: {  	_ =	swait.ge [sflag:s18], $0x4000  }
0xa0: {  	[sflag:s18] =	ssyncset.done $0x0  }
0xa1: {  	[sflag:s18] =	ssyncadd.s32 $0xFFFFC000  }
0xa2: {  	_ =	swait.ge [sflag:s22], $0x4000  }
0xa3: {  	[sflag:s22] =	ssyncset.done $0x0  }
0xa4: {  	s29 =	sadd.s32 $0x100, s28;
	[sflag:s22] =	ssyncadd.s32 $0xFFFFC000  }
0xa5: {  	[tilespmem:s16], [sflag:$0x1] =	stream.indirect.gather [hbm4b:s4+s20], $0x80, s29, s20, $0xb8;
	[tilespmem:$0x1E800] =	vst v63  }
.Ltmp2:
0xa6: {  	_ = 	snop;
	(pc) =	sbr.rel @p0 .LBB2_6-.Ltmp2, $4  }
0xa7: {  	s28 =	sadd.s32 $0x1480, s28  }
0xa8: {  	[spmem:s2] =	stream.indirect.scatter.add.f32 [tilespmem:s21], [sflag:$0x3], $0x80, s28, s20, $0xb8;
	[tilespmem:$0x1E800] =	vst v63  }
0xa9: {  	_ =	swait.ge [sflag:s18], $0x4000  }
0xaa: {  	[sflag:s18] =	ssyncset.done $0x0  }
0xab: {  	[sflag:s18] =	ssyncadd.s32 $0xFFFFC000  }
0xac: {  	_ =	swait.ge [sflag:s17], $0x4000  }
0xad: {  	[sflag:s17] =	ssyncset.done $0x0  }
0xae: {  	[sflag:s17] =	ssyncadd.s32 $0xFFFFC000  }
0xaf: {  	[tilespmem:s21], [sflag:$0x2] =	stream.indirect.gather [hbm4b:s4+s20], $0x80, s23, s20, $0xb8;
	[tilespmem:$0x1E800] =	vst v63  }
0xb0: {  	_ = 	snop  }
0xb1: {  	[spmem:s2] =	stream.indirect.scatter.add.f32 [tilespmem:s16], [sflag:$0x3], $0x80, s24, s20, $0xb8;
	[tilespmem:$0x1E800] =	vst v63  }
0xb2: {  	_ =	swait.ge [sflag:s18], $0x4000  }
0xb3: {  	[sflag:s18] =	ssyncset.done $0x0  }
0xb4: {  	[sflag:s18] =	ssyncadd.s32 $0xFFFFC000  }
0xb5: {  	_ =	swait.ge [sflag:s22], $0x4000  }
0xb6: {  	[sflag:s22] =	ssyncset.done $0x0  }
0xb7: {  	[sflag:s22] =	ssyncadd.s32 $0xFFFFC000  }
0xb8: {  	[spmem:s2] =	stream.indirect.scatter.add.f32 [tilespmem:s21], [sflag:$0x3], $0x80, s25, s20, $0xb8;
	[tilespmem:$0x1E800] =	vst v63  }
0xb9: {  	_ =	swait.ge [sflag:s18], $0x4000  }
0xba: {  	s26 =	sshll.u32 s1, $0x6;
	s3 =	sadd.s32 $0x1, s3;
	[sflag:s18] =	ssyncset.done $0x0  }
0xbb: {  	s28 =	sshrl.u32 s5, $0x3;
	p0 =	sne.s32 s3, s15;
	[sflag:s18] =	ssyncadd.s32 $0xFFFFC000  }
.Ltmp3:
0xbc: {  	s26 =	sor.u32 $0x1C03, s26;
	[bflag:$0x0] =	sbarrier.arrive $0xFFFF;
	(pc) =	sbr.rel @p0 .LBB2_1-.Ltmp3, $4  }
0xbd: {  	[hbm:s14], [sflag:s26] =	dma.local [spmem:s28], $0x2800  }
0xbe: {  	_ =	swait.ge [sflag:s18], $0x2800  }
0xbf: {  	[sflag:s18] =	ssyncset.done $0x0  }
0xc0: {  	[sflag:s18] =	ssyncadd.s32 $0xFFFFD800  }
0xc1: {  	_ =	sfence.sel $0x180000  }
0xc2: {  	[bflag:$0x0] =	sbarrier.arrive $0xFFFF  }
0xc3: {  	p0 =	sne.s32 s1, $0x0;
	_ =	strace $0x90000050  }
0xc4: {  	s0 =	sadd.s32 @!p0 $0x100000, s0;
	[bflag:$0x2] =	sbarrier.arrive $0xFFFF  }
0xc5: {  	[sflag:s0] =	ssyncadd.tile.s32 @!p0 $0x1;
	_ =	shalt  }
.Lfunc_end2:
_tile_overlayer_lowered:
.L_overlay_start_2:
0xc6: {  	(tag) =	ssettag $0x2  }
0xc7: {  	s0 =	rddreg [dreg:$0x0];
	s2 =	stileid.u32  }
0xc8: {  	s1 =	rddreg [dreg:$0x1];
	p0 =	sne.s32 s2, $0x0  }
0xc9: {  	s3 =	rddreg [dreg:$0x2];
	[bflag:$0x3] =	sbarrier.arrive $0xFFFF;
	s2 =	simm.s32 @!p0 $0x1C03  }
0xca: {  	[timem:s3], [sflag:s2] =	dma.local @!p0 [hbm:s0], s1  }
0xcb: {  	s0 =	simm.s32 @!p0 $0x3  }
0xcc: {  	_ =	swait.ge @!p0 [sflag:s0], s1  }
0xcd: {  	s1 =	ssub.s32 @!p0 $0x0, s1;
	[sflag:s0] =	ssyncset.done @!p0 $0x0  }
0xce: {  	[sflag:s0] =	ssyncadd.s32 @!p0 s1  }
0xcf: {  	[bflag:$0x3] =	sbarrier.arrive $0xFFFF  }
0xd0: {  	_ =	shalt  }

</sc_bundles>
